<compile_context>
chip_gen: v7x
topology: tpu7x:2x2x1
jax: 0.10.2.dev20260603
libtpu: 0.0.44.dev20260713+nightly
codegen_flags: <defaults>
</compile_context>

<pallas_src>
import functools

import jax
import jax.numpy as jnp
from jax import lax
from jax.experimental import pallas as pl
from jax.experimental.pallas import tpu as pltpu
from jax.experimental.pallas import tpu_sc as plsc

N = 10000
D = 128
C = 64
E = 320000

NC = 2
NS = 16
NW = NC * NS

N_PAD = 10240
K = 128
EPT = 10240
E_PAD = EPT * NW
CHUNKS = EPT // K
ROWS_PT = N_PAD // NS
RB = ROWS_PT // K

CH0 = 80
CH1 = 80

@functools.cache
def _build_sc_kernels():
    mesh = plsc.VectorSubcoreMesh(
        core_axis_name="c", subcore_axis_name="s",
        num_cores=NC, num_subcores=NS)
    sc_deg = functools.partial(
        pl.kernel,
        out_type=jax.ShapeDtypeStruct((NC, N_PAD, 16), jnp.float32),
        mesh=mesh,
        scratch_types=[
            pltpu.VMEM((K,), jnp.int32),
            pltpu.VMEM((K,), jnp.int32),
            pltpu.VMEM((K, 16), jnp.float32),
            pltpu.VMEM((K, 16), jnp.float32),
            pltpu.VMEM_SHARED((N_PAD, 16), jnp.float32),
            pltpu.SemaphoreType.DMA,
            pltpu.SemaphoreType.DMA,
        ],
    )(_sc_deg_body)
    sc_scatter = functools.partial(
        pl.kernel,
        out_type=jax.ShapeDtypeStruct((NC, N_PAD, D), jnp.float32),
        mesh=mesh,
        scratch_types=[
            pltpu.VMEM((CH0, K), jnp.int32),
            pltpu.VMEM((K,), jnp.int32),
            pltpu.VMEM((K,), jnp.int32),
            pltpu.VMEM((K, D), jnp.float32),
            pltpu.VMEM((K, D), jnp.float32),
            pltpu.VMEM_SHARED((N_PAD, D), jnp.float32),
            pltpu.SemaphoreType.DMA,
            pltpu.SemaphoreType.DMA,
        ],
    )(_sc_scatter_body)
    return sc_deg, sc_scatter


def _sc_deg_body(dst_hbm, ones_hbm, out_hbm, didx0, didx1, ones_v, stage_v, acc, sem0, sem1):
    cid = lax.axis_index("c")
    sid = lax.axis_index("s")
    crow0 = (cid * NS + sid) * CHUNKS

    pltpu.sync_copy(ones_hbm.at[0], ones_v)
    pltpu.sync_copy(ones_hbm.at[1], stage_v)
    r0 = sid * ROWS_PT
    for b in range(RB):
        pltpu.sync_copy(stage_v, acc.at[pl.ds(r0 + b * K, K)])
    pltpu.async_copy(dst_hbm.at[crow0], didx0, sem0)
    pltpu.async_copy(dst_hbm.at[crow0 + 1], didx1, sem1)
    plsc.subcore_barrier()

    bufs = ((didx0, sem0), (didx1, sem1))

    def body(j, _):
        for b in range(2):
            didx, sem = bufs[b]
            i = 2 * j + b
            pltpu.make_async_copy(dst_hbm.at[crow0 + i], didx, sem).wait()
            pltpu.sync_copy(ones_v, acc.at[didx], add=True)

            @pl.when(i + 2 < CHUNKS)
            def _():
                pltpu.async_copy(dst_hbm.at[crow0 + i + 2], didx, sem)
        return 0

    lax.fori_loop(0, CHUNKS // 2, body, 0)
    plsc.subcore_barrier()
    for b in range(RB):
        pltpu.sync_copy(acc.at[pl.ds(r0 + b * K, K)], stage_v)
        pltpu.sync_copy(stage_v, out_hbm.at[cid, pl.ds(r0 + b * K, K), :])


def _sc_scatter_body(xp_hbm, src_hbm, dst_hbm, zrows_hbm, out_hbm,
                     sall, didx0, didx1, rows0, rows1, acc, sem0, sem1):
    cid = lax.axis_index("c")
    sid = lax.axis_index("s")
    crow0 = jnp.where(cid == 0, sid * CH0, NS * CH0 + sid * CH1)
    nch = jnp.where(cid == 0, CH0, CH1)
    tbl = xp_hbm

    pltpu.sync_copy(zrows_hbm, rows0)
    r0 = sid * ROWS_PT
    for b in range(RB):
        pltpu.sync_copy(rows0, acc.at[pl.ds(r0 + b * K, K)])
    @pl.when(cid == 0)
    def _():
        pltpu.sync_copy(src_hbm.at[pl.ds(crow0, CH0)], sall)

    @pl.when(cid == 1)
    def _():
        pltpu.sync_copy(src_hbm.at[pl.ds(crow0, CH1)], sall.at[pl.ds(0, CH1)])

    pltpu.async_copy(dst_hbm.at[crow0], didx0, sem0)
    pltpu.async_copy(tbl.at[sall.at[0]], rows0, sem0)
    pltpu.async_copy(dst_hbm.at[crow0 + 1], didx1, sem1)
    pltpu.async_copy(tbl.at[sall.at[1]], rows1, sem1)
    plsc.subcore_barrier()

    bufs = ((didx0, rows0, sem0), (didx1, rows1, sem1))

    def body(j, _):
        for b in range(2):
            didx, rows, sem = bufs[b]
            i = 2 * j + b
            pltpu.make_async_copy(dst_hbm.at[crow0 + i], didx, sem).wait()
            pltpu.make_async_copy(tbl.at[sall.at[i]], rows, sem).wait()
            pltpu.sync_copy(rows, acc.at[didx], add=True)

            @pl.when(i + 2 < nch)
            def _():
                pltpu.async_copy(dst_hbm.at[crow0 + i + 2], didx, sem)
                pltpu.async_copy(tbl.at[sall.at[i + 2]], rows, sem)
        return 0

    lax.fori_loop(0, nch // 2, body, 0)
    plsc.subcore_barrier()
    for b in range(RB):
        pltpu.sync_copy(acc.at[pl.ds(r0 + b * K, K)], rows0)
        pltpu.sync_copy(rows0, out_hbm.at[cid, pl.ds(r0 + b * K, K), :])


_BT = 1024
_GRID = N_PAD // _BT


def _k1_body(deg_ref, x_ref, dis_ref, xp0_ref):
    deg = jnp.sum(deg_ref[...], axis=(0, 2)) + 1.0
    dis = lax.rsqrt(deg)[:, None]
    dis_ref[...] = dis
    xp0_ref[...] = x_ref[...] * dis


def _mid_body(dis_ref, s_ref, xp_ref, xres_ref, w_ref, b_ref, wn_ref,
              xo_ref, xpn_ref, *, first):
    dis = dis_ref[...]
    t = (s_ref[0] + s_ref[1] + xp_ref[...]) * dis
    if first:
        h = jnp.dot(t, w_ref[...], preferred_element_type=jnp.float32)
        xo = jnp.maximum(h + b_ref[...], 0.0)
    else:
        xo = jnp.maximum(xres_ref[...] + t + b_ref[...], 0.0)
    xo_ref[...] = xo
    xpn_ref[...] = jnp.dot(xo, wn_ref[...], preferred_element_type=jnp.float32) * dis


def _k7_body(dis_ref, s_ref, xp_ref, x2_ref, b3_ref, wl_ref, bl_ref, out_ref):
    dis = dis_ref[...]
    t = (s_ref[0] + s_ref[1] + xp_ref[...]) * dis
    x3 = jnp.maximum(x2_ref[...] + t + b3_ref[...], 0.0)
    o = jnp.dot(x3, wl_ref[...], preferred_element_type=jnp.float32) + bl_ref[...]
    m = jnp.max(o, axis=1, keepdims=True)
    lse = jnp.log(jnp.sum(jnp.exp(o - m), axis=1, keepdims=True)) + m
    out_ref[...] = o - lse


def _row_spec(width):
    return pl.BlockSpec((_BT, width), lambda i: (i, 0))


def _full_spec(shape):
    nd = len(shape)
    return pl.BlockSpec(shape, lambda i: (0,) * nd)


_S_SPEC = pl.BlockSpec((NC, _BT, D), lambda i: (0, i, 0))

_k1 = pl.pallas_call(
    _k1_body,
    grid=(_GRID,),
    in_specs=[pl.BlockSpec((NC, _BT, 16), lambda i: (0, i, 0)), _row_spec(D)],
    out_specs=[_row_spec(1), _row_spec(D)],
    out_shape=[
        jax.ShapeDtypeStruct((N_PAD, 1), jnp.float32),
        jax.ShapeDtypeStruct((N_PAD, D), jnp.float32),
    ],
)

_mid_specs = dict(
    grid=(_GRID,),
    in_specs=[
        _row_spec(1), _S_SPEC, _row_spec(D), _row_spec(D),
        _full_spec((D, D)), _full_spec((1, D)), _full_spec((D, D)),
    ],
    out_specs=[_row_spec(D), _row_spec(D)],
    out_shape=[
        jax.ShapeDtypeStruct((N_PAD, D), jnp.float32),
        jax.ShapeDtypeStruct((N_PAD, D), jnp.float32),
    ],
)
_k3 = pl.pallas_call(functools.partial(_mid_body, first=True), **_mid_specs)
_k5 = pl.pallas_call(functools.partial(_mid_body, first=False), **_mid_specs)

_B7 = 400
_k7 = pl.pallas_call(
    _k7_body,
    grid=(N // _B7,),
    in_specs=[
        pl.BlockSpec((_B7, 1), lambda i: (i, 0)),
        pl.BlockSpec((NC, _B7, D), lambda i: (0, i, 0)),
        pl.BlockSpec((_B7, D), lambda i: (i, 0)),
        pl.BlockSpec((_B7, D), lambda i: (i, 0)),
        _full_spec((1, D)), _full_spec((D, C)), _full_spec((1, C)),
    ],
    out_specs=pl.BlockSpec((_B7, C), lambda i: (i, 0)),
    out_shape=jax.ShapeDtypeStruct((N, C), jnp.float32),
)


def kernel(x, edge_index, W1, b1, W2, b2, W3, b3, Wl, bl):
    src = edge_index[0]
    dst = edge_index[1]
    pad = N + jnp.arange(E_PAD - E, dtype=jnp.int32) % (N_PAD - N)
    src_p = jnp.concatenate([src, pad]).reshape(E_PAD // K, K)
    dst_p = jnp.concatenate([dst, pad]).reshape(E_PAD // K, K)
    x_p = jnp.pad(x, ((0, N_PAD - N), (0, 0)))

    _sc_deg, _sc_scatter = _build_sc_kernels()
    onesz16 = jnp.stack([jnp.ones((K, 16), jnp.float32),
                         jnp.zeros((K, 16), jnp.float32)])
    zrows = jnp.zeros((K, D), jnp.float32)
    deg16 = _sc_deg(dst_p, onesz16)
    dis, xp0 = _k1(deg16, x_p)

    s1 = _sc_scatter(xp0, src_p, dst_p, zrows)
    x1, xp1 = _k3(dis, s1, xp0, xp0, W1, b1.reshape(1, D), W2)

    s2 = _sc_scatter(xp1, src_p, dst_p, zrows)
    x2, xp2 = _k5(dis, s2, xp1, x1, W1, b2.reshape(1, D), W3)

    s3 = _sc_scatter(xp2, src_p, dst_p, zrows)
    out = _k7(dis, s3, xp2, x2, b3.reshape(1, D), Wl, bl.reshape(1, C))
    return out

# --- scband reference (transcript-rebuilt; emitter-appended) ---
"""Pipeline reference for scband-gcn-net-52261162057813 (READ-ONLY COPY).

The authoritative reference and input builder live on the scoring server;
editing this copy changes nothing except your own understanding.
"""

import jax, jax.numpy as jnp
import numpy as np

N_NODES = 10000
D_FEAT = 128
HIDDEN = 128
NUM_CLASSES = 64
N_EDGES = 320000


def _glorot(key, shape):
    fan_in, fan_out = shape[0], shape[1]
    limit = jnp.sqrt(6.0 / (fan_in + fan_out))
    return jax.random.uniform(key, shape, minval=-limit, maxval=limit, dtype=jnp.float32)


def setup_inputs(seed: int = 0) -> dict:
    key = jax.random.key(seed)
    ks = jax.random.split(key, 12)
    x = jax.random.normal(ks[0], (N_NODES, D_FEAT), dtype=jnp.float32)
    edge_index = jax.random.randint(ks[1], (2, N_EDGES), 0, N_NODES, dtype=jnp.int64 if jax.config.jax_enable_x64 else jnp.int32).astype(jnp.int32)
    # SGConv (conv1): propagate then linear
    W1 = _glorot(ks[2], (D_FEAT, HIDDEN))
    b1 = jnp.zeros((HIDDEN,), dtype=jnp.float32)
    # GCNConv layers (num_layers - 1 = 2)
    W2 = _glorot(ks[3], (HIDDEN, HIDDEN))
    b2 = jnp.zeros((HIDDEN,), dtype=jnp.float32)
    W3 = _glorot(ks[4], (HIDDEN, HIDDEN))
    b3 = jnp.zeros((HIDDEN,), dtype=jnp.float32)
    # final classifier lin1
    Wl = _glorot(ks[5], (HIDDEN, NUM_CLASSES))
    bl = jnp.zeros((NUM_CLASSES,), dtype=jnp.float32)
    return {"x": x, "edge_index": edge_index, "W1": W1, "b1": b1, "W2": W2, "b2": b2, "W3": W3, "b3": b3, "Wl": Wl, "bl": bl}


def _gcn_propagate(x, edge_index, num_nodes):
    # gcn_norm with add_self_loops=True (PyG default for GCNConv / SGConv)
    loop = jnp.arange(num_nodes, dtype=edge_index.dtype)
    src = jnp.concatenate([edge_index[0], loop])
    dst = jnp.concatenate([edge_index[1], loop])
    ew = jnp.ones(src.shape[0], dtype=x.dtype)
    deg = jnp.zeros((num_nodes,), dtype=x.dtype).at[dst].add(ew)
    deg_inv_sqrt = jnp.where(deg > 0, jax.lax.rsqrt(jnp.maximum(deg, 1e-12)), 0.0)
    norm = deg_inv_sqrt[src] * deg_inv_sqrt[dst]
    msg = x[src] * norm[:, None]
    out = jnp.zeros_like(x).at[dst].add(msg)
    return out


def reference(x, edge_index, W1, b1, W2, b2, W3, b3, Wl, bl):
    num_nodes = x.shape[0]
    # conv1: SGConv(K=1) -> propagate, then linear
    h = _gcn_propagate(x, edge_index, num_nodes)
    h = h @ W1 + b1
    x = jax.nn.relu(h)
    # dropout is identity in eval mode
    for W, b in ((W2, b2), (W3, b3)):
        # GCNConv: linear then propagate (order is mathematically equivalent; PyG does x@W first)
        hw = x @ W
        h = _gcn_propagate(hw, edge_index, num_nodes) + b
        x = jax.nn.relu(x + h)
    out = x @ Wl + bl
    return jax.nn.log_softmax(out, axis=1)

if __name__ == "__main__":
    import jax
    _d = setup_inputs()
    print(jax.jit(kernel)(*tuple(_d.values())))

</pallas_src>

<mosaic_0001>
#map = affine_map<(d0, d1) -> (0, 0)>
#map1 = affine_map<(d0, d1) -> (0, 0, 0)>
module attributes {stable_mosaic.version = 14 : i64} {
  func.func @_sc_deg_body(%arg0: i32, %arg1: i32, %arg2: memref<2560x128xi32, #tpu.memory_space<hbm>>, %arg3: memref<2x128x16xf32, #tpu.memory_space<hbm>>, %arg4: memref<2x10240x16xf32, #tpu.memory_space<hbm>>, %arg5: memref<128xi32, #tpu.memory_space<vmem>>, %arg6: memref<128xi32, #tpu.memory_space<vmem>>, %arg7: memref<128x16xf32, #tpu.memory_space<vmem>>, %arg8: memref<128x16xf32, #tpu.memory_space<vmem>>, %arg9: memref<10240x16xf32, #tpu.memory_space<vmem_shared>>, %arg10: memref<!tpu.dma_semaphore, #tpu.memory_space<semaphore_mem>>, %arg11: memref<!tpu.dma_semaphore, #tpu.memory_space<semaphore_mem>>) attributes {dimension_semantics = [#tpu.dimension_semantics<core_parallel>, #tpu.dimension_semantics<subcore_parallel>], iteration_bounds = array<i64: 2, 16>, scalar_prefetch = 0 : i64, scratch_operands = 7 : i64, tpu.core_type = #tpu.core_type<sc_vector_subcore>, window_params = [{transform_indices = #map}, {transform_indices = #map1}, {transform_indices = #map1}]} {
    %mul3A = arith.constant 16 : i32
    %mul3A_0 = arith.muli %arg0, %mul3A : i32
    %add3A = arith.addi %mul3A_0, %arg1 : i32
    %mul3A_1 = arith.constant 80 : i32
    %mul3A_2 = arith.muli %add3A, %mul3A_1 : i32
    %run_scoped3A = arith.constant 0 : i32
    "tpu.region"() ({
      %run_scoped3A_56 = tpu.sem_alloc : memref<!tpu.dma_semaphore, #tpu.memory_space<semaphore_mem>>
      %dma_start3A_57 = arith.constant 0 : i32
      %dma_start3A_58 = arith.constant 0 : i32
      %dma_start3A_59 = tpu.memref_slice %arg3[%run_scoped3A, %dma_start3A_57, %dma_start3A_58] : memref<2x128x16xf32, #tpu.memory_space<hbm>> -> memref<1x128x16xf32, #tpu.memory_space<hbm>>
      %dma_start3A_60 = tpu.memref_squeeze %dma_start3A_59 : memref<1x128x16xf32, #tpu.memory_space<hbm>> -> memref<128x16xf32, #tpu.memory_space<hbm>>
      %dma_start3A_61 = arith.constant 0 : i32
      %dma_start3A_62 = arith.constant 0 : i32
      %dma_start3A_63 = tpu.memref_slice %arg3[%run_scoped3A, %dma_start3A_61, %dma_start3A_62] : memref<2x128x16xf32, #tpu.memory_space<hbm>> -> memref<1x128x16xf32, #tpu.memory_space<hbm>>
      %dma_start3A_64 = tpu.memref_squeeze %dma_start3A_63 : memref<1x128x16xf32, #tpu.memory_space<hbm>> -> memref<128x16xf32, #tpu.memory_space<hbm>>
      tpu.enqueue_dma source(%dma_start3A_64 : memref<128x16xf32, #tpu.memory_space<hbm>>) target(%arg7 : memref<128x16xf32, #tpu.memory_space<vmem>>) target_semaphore(%run_scoped3A_56 : memref<!tpu.dma_semaphore, #tpu.memory_space<semaphore_mem>>)
      %dma_wait3A = arith.constant 0 : i32
      %dma_wait3A_65 = arith.constant 0 : i32
      %dma_wait3A_66 = tpu.memref_slice %arg3[%run_scoped3A, %dma_wait3A, %dma_wait3A_65] : memref<2x128x16xf32, #tpu.memory_space<hbm>> -> memref<1x128x16xf32, #tpu.memory_space<hbm>>
      %dma_wait3A_67 = tpu.memref_squeeze %dma_wait3A_66 : memref<1x128x16xf32, #tpu.memory_space<hbm>> -> memref<128x16xf32, #tpu.memory_space<hbm>>
      %dma_wait3A_68 = arith.constant 0 : i32
      %dma_wait3A_69 = arith.constant 0 : i32
      %dma_wait3A_70 = tpu.memref_slice %arg3[%run_scoped3A, %dma_wait3A_68, %dma_wait3A_69] : memref<2x128x16xf32, #tpu.memory_space<hbm>> -> memref<1x128x16xf32, #tpu.memory_space<hbm>>
      %dma_wait3A_71 = tpu.memref_squeeze %dma_wait3A_70 : memref<1x128x16xf32, #tpu.memory_space<hbm>> -> memref<128x16xf32, #tpu.memory_space<hbm>>
      tpu.wait_dma2 semaphore(%run_scoped3A_56 : memref<!tpu.dma_semaphore, #tpu.memory_space<semaphore_mem>>) src(%dma_wait3A_71 : memref<128x16xf32, #tpu.memory_space<hbm>>) dst(%arg7 : memref<128x16xf32, #tpu.memory_space<vmem>>)
      tpu.yield
    }) : () -> ()
    %run_scoped3A_3 = arith.constant 1 : i32
    "tpu.region"() ({
      %run_scoped3A_56 = tpu.sem_alloc : memref<!tpu.dma_semaphore, #tpu.memory_space<semaphore_mem>>
      %dma_start3A_57 = arith.constant 0 : i32
      %dma_start3A_58 = arith.constant 0 : i32
      %dma_start3A_59 = tpu.memref_slice %arg3[%run_scoped3A_3, %dma_start3A_57, %dma_start3A_58] : memref<2x128x16xf32, #tpu.memory_space<hbm>> -> memref<1x128x16xf32, #tpu.memory_space<hbm>>
      %dma_start3A_60 = tpu.memref_squeeze %dma_start3A_59 : memref<1x128x16xf32, #tpu.memory_space<hbm>> -> memref<128x16xf32, #tpu.memory_space<hbm>>
      %dma_start3A_61 = arith.constant 0 : i32
      %dma_start3A_62 = arith.constant 0 : i32
      %dma_start3A_63 = tpu.memref_slice %arg3[%run_scoped3A_3, %dma_start3A_61, %dma_start3A_62] : memref<2x128x16xf32, #tpu.memory_space<hbm>> -> memref<1x128x16xf32, #tpu.memory_space<hbm>>
      %dma_start3A_64 = tpu.memref_squeeze %dma_start3A_63 : memref<1x128x16xf32, #tpu.memory_space<hbm>> -> memref<128x16xf32, #tpu.memory_space<hbm>>
      tpu.enqueue_dma source(%dma_start3A_64 : memref<128x16xf32, #tpu.memory_space<hbm>>) target(%arg8 : memref<128x16xf32, #tpu.memory_space<vmem>>) target_semaphore(%run_scoped3A_56 : memref<!tpu.dma_semaphore, #tpu.memory_space<semaphore_mem>>)
      %dma_wait3A = arith.constant 0 : i32
      %dma_wait3A_65 = arith.constant 0 : i32
      %dma_wait3A_66 = tpu.memref_slice %arg3[%run_scoped3A_3, %dma_wait3A, %dma_wait3A_65] : memref<2x128x16xf32, #tpu.memory_space<hbm>> -> memref<1x128x16xf32, #tpu.memory_space<hbm>>
      %dma_wait3A_67 = tpu.memref_squeeze %dma_wait3A_66 : memref<1x128x16xf32, #tpu.memory_space<hbm>> -> memref<128x16xf32, #tpu.memory_space<hbm>>
      %dma_wait3A_68 = arith.constant 0 : i32
      %dma_wait3A_69 = arith.constant 0 : i32
      %dma_wait3A_70 = tpu.memref_slice %arg3[%run_scoped3A_3, %dma_wait3A_68, %dma_wait3A_69] : memref<2x128x16xf32, #tpu.memory_space<hbm>> -> memref<1x128x16xf32, #tpu.memory_space<hbm>>
      %dma_wait3A_71 = tpu.memref_squeeze %dma_wait3A_70 : memref<1x128x16xf32, #tpu.memory_space<hbm>> -> memref<128x16xf32, #tpu.memory_space<hbm>>
      tpu.wait_dma2 semaphore(%run_scoped3A_56 : memref<!tpu.dma_semaphore, #tpu.memory_space<semaphore_mem>>) src(%dma_wait3A_71 : memref<128x16xf32, #tpu.memory_space<hbm>>) dst(%arg8 : memref<128x16xf32, #tpu.memory_space<vmem>>)
      tpu.yield
    }) : () -> ()
    %mul3A_4 = arith.constant 640 : i32
    %mul3A_5 = arith.muli %arg1, %mul3A_4 : i32
    %add3A_6 = arith.constant 0 : i32
    %add3A_7 = arith.addi %mul3A_5, %add3A_6 : i32
    "tpu.region"() ({
      %run_scoped3A_56 = tpu.sem_alloc : memref<!tpu.dma_semaphore, #tpu.memory_space<semaphore_mem>>
      %dma_start3A_57 = arith.constant 0 : i32
      %dma_start3A_58 = tpu.memref_slice %arg9[%add3A_7, %dma_start3A_57] : memref<10240x16xf32, #tpu.memory_space<vmem_shared>> -> memref<128x16xf32, #tpu.memory_space<vmem_shared>>
      %dma_start3A_59 = arith.constant 0 : i32
      %dma_start3A_60 = tpu.memref_slice %arg9[%add3A_7, %dma_start3A_59] : memref<10240x16xf32, #tpu.memory_space<vmem_shared>> -> memref<128x16xf32, #tpu.memory_space<vmem_shared>>
      tpu.enqueue_dma source(%arg8 : memref<128x16xf32, #tpu.memory_space<vmem>>) target(%dma_start3A_60 : memref<128x16xf32, #tpu.memory_space<vmem_shared>>) target_semaphore(%run_scoped3A_56 : memref<!tpu.dma_semaphore, #tpu.memory_space<semaphore_mem>>)
      %dma_wait3A = arith.constant 0 : i32
      %dma_wait3A_61 = tpu.memref_slice %arg9[%add3A_7, %dma_wait3A] : memref<10240x16xf32, #tpu.memory_space<vmem_shared>> -> memref<128x16xf32, #tpu.memory_space<vmem_shared>>
      %dma_wait3A_62 = arith.constant 0 : i32
      %dma_wait3A_63 = tpu.memref_slice %arg9[%add3A_7, %dma_wait3A_62] : memref<10240x16xf32, #tpu.memory_space<vmem_shared>> -> memref<128x16xf32, #tpu.memory_space<vmem_shared>>
      tpu.wait_dma2 semaphore(%run_scoped3A_56 : memref<!tpu.dma_semaphore, #tpu.memory_space<semaphore_mem>>) src(%arg8 : memref<128x16xf32, #tpu.memory_space<vmem>>) dst(%dma_wait3A_63 : memref<128x16xf32, #tpu.memory_space<vmem_shared>>)
      tpu.yield
    }) : () -> ()
    %add3A_8 = arith.constant 128 : i32
    %add3A_9 = arith.addi %mul3A_5, %add3A_8 : i32
    "tpu.region"() ({
      %run_scoped3A_56 = tpu.sem_alloc : memref<!tpu.dma_semaphore, #tpu.memory_space<semaphore_mem>>
      %dma_start3A_57 = arith.constant 0 : i32
      %dma_start3A_58 = tpu.memref_slice %arg9[%add3A_9, %dma_start3A_57] : memref<10240x16xf32, #tpu.memory_space<vmem_shared>> -> memref<128x16xf32, #tpu.memory_space<vmem_shared>>
      %dma_start3A_59 = arith.constant 0 : i32
      %dma_start3A_60 = tpu.memref_slice %arg9[%add3A_9, %dma_start3A_59] : memref<10240x16xf32, #tpu.memory_space<vmem_shared>> -> memref<128x16xf32, #tpu.memory_space<vmem_shared>>
      tpu.enqueue_dma source(%arg8 : memref<128x16xf32, #tpu.memory_space<vmem>>) target(%dma_start3A_60 : memref<128x16xf32, #tpu.memory_space<vmem_shared>>) target_semaphore(%run_scoped3A_56 : memref<!tpu.dma_semaphore, #tpu.memory_space<semaphore_mem>>)
      %dma_wait3A = arith.constant 0 : i32
      %dma_wait3A_61 = tpu.memref_slice %arg9[%add3A_9, %dma_wait3A] : memref<10240x16xf32, #tpu.memory_space<vmem_shared>> -> memref<128x16xf32, #tpu.memory_space<vmem_shared>>
      %dma_wait3A_62 = arith.constant 0 : i32
      %dma_wait3A_63 = tpu.memref_slice %arg9[%add3A_9, %dma_wait3A_62] : memref<10240x16xf32, #tpu.memory_space<vmem_shared>> -> memref<128x16xf32, #tpu.memory_space<vmem_shared>>
      tpu.wait_dma2 semaphore(%run_scoped3A_56 : memref<!tpu.dma_semaphore, #tpu.memory_space<semaphore_mem>>) src(%arg8 : memref<128x16xf32, #tpu.memory_space<vmem>>) dst(%dma_wait3A_63 : memref<128x16xf32, #tpu.memory_space<vmem_shared>>)
      tpu.yield
    }) : () -> ()
    %add3A_10 = arith.constant 256 : i32
    %add3A_11 = arith.addi %mul3A_5, %add3A_10 : i32
    "tpu.region"() ({
      %run_scoped3A_56 = tpu.sem_alloc : memref<!tpu.dma_semaphore, #tpu.memory_space<semaphore_mem>>
      %dma_start3A_57 = arith.constant 0 : i32
      %dma_start3A_58 = tpu.memref_slice %arg9[%add3A_11, %dma_start3A_57] : memref<10240x16xf32, #tpu.memory_space<vmem_shared>> -> memref<128x16xf32, #tpu.memory_space<vmem_shared>>
      %dma_start3A_59 = arith.constant 0 : i32
      %dma_start3A_60 = tpu.memref_slice %arg9[%add3A_11, %dma_start3A_59] : memref<10240x16xf32, #tpu.memory_space<vmem_shared>> -> memref<128x16xf32, #tpu.memory_space<vmem_shared>>
      tpu.enqueue_dma source(%arg8 : memref<128x16xf32, #tpu.memory_space<vmem>>) target(%dma_start3A_60 : memref<128x16xf32, #tpu.memory_space<vmem_shared>>) target_semaphore(%run_scoped3A_56 : memref<!tpu.dma_semaphore, #tpu.memory_space<semaphore_mem>>)
      %dma_wait3A = arith.constant 0 : i32
      %dma_wait3A_61 = tpu.memref_slice %arg9[%add3A_11, %dma_wait3A] : memref<10240x16xf32, #tpu.memory_space<vmem_shared>> -> memref<128x16xf32, #tpu.memory_space<vmem_shared>>
      %dma_wait3A_62 = arith.constant 0 : i32
      %dma_wait3A_63 = tpu.memref_slice %arg9[%add3A_11, %dma_wait3A_62] : memref<10240x16xf32, #tpu.memory_space<vmem_shared>> -> memref<128x16xf32, #tpu.memory_space<vmem_shared>>
      tpu.wait_dma2 semaphore(%run_scoped3A_56 : memref<!tpu.dma_semaphore, #tpu.memory_space<semaphore_mem>>) src(%arg8 : memref<128x16xf32, #tpu.memory_space<vmem>>) dst(%dma_wait3A_63 : memref<128x16xf32, #tpu.memory_space<vmem_shared>>)
      tpu.yield
    }) : () -> ()
    %add3A_12 = arith.constant 384 : i32
    %add3A_13 = arith.addi %mul3A_5, %add3A_12 : i32
    "tpu.region"() ({
      %run_scoped3A_56 = tpu.sem_alloc : memref<!tpu.dma_semaphore, #tpu.memory_space<semaphore_mem>>
      %dma_start3A_57 = arith.constant 0 : i32
      %dma_start3A_58 = tpu.memref_slice %arg9[%add3A_13, %dma_start3A_57] : memref<10240x16xf32, #tpu.memory_space<vmem_shared>> -> memref<128x16xf32, #tpu.memory_space<vmem_shared>>
      %dma_start3A_59 = arith.constant 0 : i32
      %dma_start3A_60 = tpu.memref_slice %arg9[%add3A_13, %dma_start3A_59] : memref<10240x16xf32, #tpu.memory_space<vmem_shared>> -> memref<128x16xf32, #tpu.memory_space<vmem_shared>>
      tpu.enqueue_dma source(%arg8 : memref<128x16xf32, #tpu.memory_space<vmem>>) target(%dma_start3A_60 : memref<128x16xf32, #tpu.memory_space<vmem_shared>>) target_semaphore(%run_scoped3A_56 : memref<!tpu.dma_semaphore, #tpu.memory_space<semaphore_mem>>)
      %dma_wait3A = arith.constant 0 : i32
      %dma_wait3A_61 = tpu.memref_slice %arg9[%add3A_13, %dma_wait3A] : memref<10240x16xf32, #tpu.memory_space<vmem_shared>> -> memref<128x16xf32, #tpu.memory_space<vmem_shared>>
      %dma_wait3A_62 = arith.constant 0 : i32
      %dma_wait3A_63 = tpu.memref_slice %arg9[%add3A_13, %dma_wait3A_62] : memref<10240x16xf32, #tpu.memory_space<vmem_shared>> -> memref<128x16xf32, #tpu.memory_space<vmem_shared>>
      tpu.wait_dma2 semaphore(%run_scoped3A_56 : memref<!tpu.dma_semaphore, #tpu.memory_space<semaphore_mem>>) src(%arg8 : memref<128x16xf32, #tpu.memory_space<vmem>>) dst(%dma_wait3A_63 : memref<128x16xf32, #tpu.memory_space<vmem_shared>>)
      tpu.yield
    }) : () -> ()
    %add3A_14 = arith.constant 512 : i32
    %add3A_15 = arith.addi %mul3A_5, %add3A_14 : i32
    "tpu.region"() ({
      %run_scoped3A_56 = tpu.sem_alloc : memref<!tpu.dma_semaphore, #tpu.memory_space<semaphore_mem>>
      %dma_start3A_57 = arith.constant 0 : i32
      %dma_start3A_58 = tpu.memref_slice %arg9[%add3A_15, %dma_start3A_57] : memref<10240x16xf32, #tpu.memory_space<vmem_shared>> -> memref<128x16xf32, #tpu.memory_space<vmem_shared>>
      %dma_start3A_59 = arith.constant 0 : i32
      %dma_start3A_60 = tpu.memref_slice %arg9[%add3A_15, %dma_start3A_59] : memref<10240x16xf32, #tpu.memory_space<vmem_shared>> -> memref<128x16xf32, #tpu.memory_space<vmem_shared>>
      tpu.enqueue_dma source(%arg8 : memref<128x16xf32, #tpu.memory_space<vmem>>) target(%dma_start3A_60 : memref<128x16xf32, #tpu.memory_space<vmem_shared>>) target_semaphore(%run_scoped3A_56 : memref<!tpu.dma_semaphore, #tpu.memory_space<semaphore_mem>>)
      %dma_wait3A = arith.constant 0 : i32
      %dma_wait3A_61 = tpu.memref_slice %arg9[%add3A_15, %dma_wait3A] : memref<10240x16xf32, #tpu.memory_space<vmem_shared>> -> memref<128x16xf32, #tpu.memory_space<vmem_shared>>
      %dma_wait3A_62 = arith.constant 0 : i32
      %dma_wait3A_63 = tpu.memref_slice %arg9[%add3A_15, %dma_wait3A_62] : memref<10240x16xf32, #tpu.memory_space<vmem_shared>> -> memref<128x16xf32, #tpu.memory_space<vmem_shared>>
      tpu.wait_dma2 semaphore(%run_scoped3A_56 : memref<!tpu.dma_semaphore, #tpu.memory_space<semaphore_mem>>) src(%arg8 : memref<128x16xf32, #tpu.memory_space<vmem>>) dst(%dma_wait3A_63 : memref<128x16xf32, #tpu.memory_space<vmem_shared>>)
      tpu.yield
    }) : () -> ()
    %dma_start3A = arith.constant 0 : i32
    %dma_start3A_16 = tpu.memref_slice %arg2[%mul3A_2, %dma_start3A] : memref<2560x128xi32, #tpu.memory_space<hbm>> -> memref<1x128xi32, #tpu.memory_space<hbm>>
    %dma_start3A_17 = tpu.memref_squeeze %dma_start3A_16 : memref<1x128xi32, #tpu.memory_space<hbm>> -> memref<128xi32, #tpu.memory_space<hbm>>
    %dma_start3A_18 = arith.constant 0 : i32
    %dma_start3A_19 = tpu.memref_slice %arg2[%mul3A_2, %dma_start3A_18] : memref<2560x128xi32, #tpu.memory_space<hbm>> -> memref<1x128xi32, #tpu.memory_space<hbm>>
    %dma_start3A_20 = tpu.memref_squeeze %dma_start3A_19 : memref<1x128xi32, #tpu.memory_space<hbm>> -> memref<128xi32, #tpu.memory_space<hbm>>
    tpu.enqueue_dma source(%dma_start3A_20 : memref<128xi32, #tpu.memory_space<hbm>>) target(%arg5 : memref<128xi32, #tpu.memory_space<vmem>>) target_semaphore(%arg10 : memref<!tpu.dma_semaphore, #tpu.memory_space<semaphore_mem>>)
    %add3A_21 = arith.constant 1 : i32
    %add3A_22 = arith.addi %mul3A_2, %add3A_21 : i32
    %dma_start3A_23 = arith.constant 0 : i32
    %dma_start3A_24 = tpu.memref_slice %arg2[%add3A_22, %dma_start3A_23] : memref<2560x128xi32, #tpu.memory_space<hbm>> -> memref<1x128xi32, #tpu.memory_space<hbm>>
    %dma_start3A_25 = tpu.memref_squeeze %dma_start3A_24 : memref<1x128xi32, #tpu.memory_space<hbm>> -> memref<128xi32, #tpu.memory_space<hbm>>
    %dma_start3A_26 = arith.constant 0 : i32
    %dma_start3A_27 = tpu.memref_slice %arg2[%add3A_22, %dma_start3A_26] : memref<2560x128xi32, #tpu.memory_space<hbm>> -> memref<1x128xi32, #tpu.memory_space<hbm>>
    %dma_start3A_28 = tpu.memref_squeeze %dma_start3A_27 : memref<1x128xi32, #tpu.memory_space<hbm>> -> memref<128xi32, #tpu.memory_space<hbm>>
    tpu.enqueue_dma source(%dma_start3A_28 : memref<128xi32, #tpu.memory_space<hbm>>) target(%arg6 : memref<128xi32, #tpu.memory_space<vmem>>) target_semaphore(%arg11 : memref<!tpu.dma_semaphore, #tpu.memory_space<semaphore_mem>>)
    %barrier3A = arith.constant 0 : index
    tpu.barrier barrier_id(%barrier3A)
    %scan3A = arith.constant 0 : i32
    %scan3A_29 = arith.constant 0 : i32
    %scan3A_30 = arith.constant 40 : i32
    %scan3A_31 = arith.addi %scan3A_29, %scan3A_30 : i32
    %scan3A_32 = arith.constant 1 : i32
    %scan3A_33 = scf.for %scan3A_56 = %scan3A_29 to %scan3A_31 step %scan3A_32 iter_args(%scan3A_57 = %scan3A) -> (i32)  : i32 {
      %mul3A_58 = arith.constant 2 : i32
      %mul3A_59 = arith.muli %mul3A_58, %scan3A_56 : i32
      %add3A_60 = arith.constant 0 : i32
      %add3A_61 = arith.addi %mul3A_59, %add3A_60 : i32
      %add3A_62 = arith.addi %mul3A_2, %add3A_61 : i32
      %dma_wait3A = arith.constant 0 : i32
      %dma_wait3A_63 = tpu.memref_slice %arg2[%add3A_62, %dma_wait3A] : memref<2560x128xi32, #tpu.memory_space<hbm>> -> memref<1x128xi32, #tpu.memory_space<hbm>>
      %dma_wait3A_64 = tpu.memref_squeeze %dma_wait3A_63 : memref<1x128xi32, #tpu.memory_space<hbm>> -> memref<128xi32, #tpu.memory_space<hbm>>
      %dma_wait3A_65 = arith.constant 0 : i32
      %dma_wait3A_66 = tpu.memref_slice %arg2[%add3A_62, %dma_wait3A_65] : memref<2560x128xi32, #tpu.memory_space<hbm>> -> memref<1x128xi32, #tpu.memory_space<hbm>>
      %dma_wait3A_67 = tpu.memref_squeeze %dma_wait3A_66 : memref<1x128xi32, #tpu.memory_space<hbm>> -> memref<128xi32, #tpu.memory_space<hbm>>
      tpu.wait_dma2 semaphore(%arg10 : memref<!tpu.dma_semaphore, #tpu.memory_space<semaphore_mem>>) src(%dma_wait3A_67 : memref<128xi32, #tpu.memory_space<hbm>>) dst(%arg5 : memref<128xi32, #tpu.memory_space<vmem>>)
      "tpu.region"() ({
        %run_scoped3A_91 = tpu.sem_alloc : memref<!tpu.dma_semaphore, #tpu.memory_space<semaphore_mem>>
        %dma_start3A_92 = arith.constant 0 : i32
        %dma_start3A_93 = arith.constant 0 : i32
        %dma_start3A_94 = tpu.memref_slice %arg9[%dma_start3A_92, %dma_start3A_93] : memref<10240x16xf32, #tpu.memory_space<vmem_shared>> -> memref<10240x16xf32, #tpu.memory_space<vmem_shared>>
        tpu.enqueue_indirect_dma source(%arg7 : memref<128x16xf32, #tpu.memory_space<vmem>>) target(%dma_start3A_94 : memref<10240x16xf32, #tpu.memory_space<vmem_shared>>) offsets(%arg5 : memref<128xi32, #tpu.memory_space<vmem>>) semaphore(%run_scoped3A_91 : memref<!tpu.dma_semaphore, #tpu.memory_space<semaphore_mem>>) {add = true}
        %dma_wait3A_95 = arith.constant 0 : i32
        %dma_wait3A_96 = arith.constant 0 : i32
        %dma_wait3A_97 = tpu.memref_slice %arg9[%dma_wait3A_95, %dma_wait3A_96] : memref<10240x16xf32, #tpu.memory_space<vmem_shared>> -> memref<10240x16xf32, #tpu.memory_space<vmem_shared>>
        tpu.wait_indirect_dma semaphore(%run_scoped3A_91 : memref<!tpu.dma_semaphore, #tpu.memory_space<semaphore_mem>>) src(%arg7 : memref<128x16xf32, #tpu.memory_space<vmem>>) dst(%dma_wait3A_97 : memref<10240x16xf32, #tpu.memory_space<vmem_shared>>)
        tpu.yield
      }) : () -> ()
      %add3A_68 = arith.constant 2 : i32
      %add3A_69 = arith.addi %add3A_61, %add3A_68 : i32
      %lt3A = arith.constant 80 : i32
      %lt3A_70 = arith.cmpi slt, %add3A_69, %lt3A : i32
      %convert_element_type3A = arith.extui %lt3A_70 : i1 to i32
      %cond3A = arith.constant 0 : i32
      %cond3A_71 = arith.cmpi ne, %convert_element_type3A, %cond3A : i32
      scf.if %cond3A_71 {
        %add3A_91 = arith.addi %mul3A_2, %add3A_61 : i32
        %add3A_92 = arith.constant 2 : i32
        %add3A_93 = arith.addi %add3A_91, %add3A_92 : i32
        %dma_start3A_94 = arith.constant 0 : i32
        %dma_start3A_95 = tpu.memref_slice %arg2[%add3A_93, %dma_start3A_94] : memref<2560x128xi32, #tpu.memory_space<hbm>> -> memref<1x128xi32, #tpu.memory_space<hbm>>
        %dma_start3A_96 = tpu.memref_squeeze %dma_start3A_95 : memref<1x128xi32, #tpu.memory_space<hbm>> -> memref<128xi32, #tpu.memory_space<hbm>>
        %dma_start3A_97 = arith.constant 0 : i32
        %dma_start3A_98 = tpu.memref_slice %arg2[%add3A_93, %dma_start3A_97] : memref<2560x128xi32, #tpu.memory_space<hbm>> -> memref<1x128xi32, #tpu.memory_space<hbm>>
        %dma_start3A_99 = tpu.memref_squeeze %dma_start3A_98 : memref<1x128xi32, #tpu.memory_space<hbm>> -> memref<128xi32, #tpu.memory_space<hbm>>
        tpu.enqueue_dma source(%dma_start3A_99 : memref<128xi32, #tpu.memory_space<hbm>>) target(%arg5 : memref<128xi32, #tpu.memory_space<vmem>>) target_semaphore(%arg10 : memref<!tpu.dma_semaphore, #tpu.memory_space<semaphore_mem>>)
      } else {
      }
      %mul3A_72 = arith.constant 2 : i32
      %mul3A_73 = arith.muli %mul3A_72, %scan3A_56 : i32
      %add3A_74 = arith.constant 1 : i32
      %add3A_75 = arith.addi %mul3A_73, %add3A_74 : i32
      %add3A_76 = arith.addi %mul3A_2, %add3A_75 : i32
      %dma_wait3A_77 = arith.constant 0 : i32
      %dma_wait3A_78 = tpu.memref_slice %arg2[%add3A_76, %dma_wait3A_77] : memref<2560x128xi32, #tpu.memory_space<hbm>> -> memref<1x128xi32, #tpu.memory_space<hbm>>
      %dma_wait3A_79 = tpu.memref_squeeze %dma_wait3A_78 : memref<1x128xi32, #tpu.memory_space<hbm>> -> memref<128xi32, #tpu.memory_space<hbm>>
      %dma_wait3A_80 = arith.constant 0 : i32
      %dma_wait3A_81 = tpu.memref_slice %arg2[%add3A_76, %dma_wait3A_80] : memref<2560x128xi32, #tpu.memory_space<hbm>> -> memref<1x128xi32, #tpu.memory_space<hbm>>
      %dma_wait3A_82 = tpu.memref_squeeze %dma_wait3A_81 : memref<1x128xi32, #tpu.memory_space<hbm>> -> memref<128xi32, #tpu.memory_space<hbm>>
      tpu.wait_dma2 semaphore(%arg11 : memref<!tpu.dma_semaphore, #tpu.memory_space<semaphore_mem>>) src(%dma_wait3A_82 : memref<128xi32, #tpu.memory_space<hbm>>) dst(%arg6 : memref<128xi32, #tpu.memory_space<vmem>>)
      "tpu.region"() ({
        %run_scoped3A_91 = tpu.sem_alloc : memref<!tpu.dma_semaphore, #tpu.memory_space<semaphore_mem>>
        %dma_start3A_92 = arith.constant 0 : i32
        %dma_start3A_93 = arith.constant 0 : i32
        %dma_start3A_94 = tpu.memref_slice %arg9[%dma_start3A_92, %dma_start3A_93] : memref<10240x16xf32, #tpu.memory_space<vmem_shared>> -> memref<10240x16xf32, #tpu.memory_space<vmem_shared>>
        tpu.enqueue_indirect_dma source(%arg7 : memref<128x16xf32, #tpu.memory_space<vmem>>) target(%dma_start3A_94 : memref<10240x16xf32, #tpu.memory_space<vmem_shared>>) offsets(%arg6 : memref<128xi32, #tpu.memory_space<vmem>>) semaphore(%run_scoped3A_91 : memref<!tpu.dma_semaphore, #tpu.memory_space<semaphore_mem>>) {add = true}
        %dma_wait3A_95 = arith.constant 0 : i32
        %dma_wait3A_96 = arith.constant 0 : i32
        %dma_wait3A_97 = tpu.memref_slice %arg9[%dma_wait3A_95, %dma_wait3A_96] : memref<10240x16xf32, #tpu.memory_space<vmem_shared>> -> memref<10240x16xf32, #tpu.memory_space<vmem_shared>>
        tpu.wait_indirect_dma semaphore(%run_scoped3A_91 : memref<!tpu.dma_semaphore, #tpu.memory_space<semaphore_mem>>) src(%arg7 : memref<128x16xf32, #tpu.memory_space<vmem>>) dst(%dma_wait3A_97 : memref<10240x16xf32, #tpu.memory_space<vmem_shared>>)
        tpu.yield
      }) : () -> ()
      %add3A_83 = arith.constant 2 : i32
      %add3A_84 = arith.addi %add3A_75, %add3A_83 : i32
      %lt3A_85 = arith.constant 80 : i32
      %lt3A_86 = arith.cmpi slt, %add3A_84, %lt3A_85 : i32
      %convert_element_type3A_87 = arith.extui %lt3A_86 : i1 to i32
      %cond3A_88 = arith.constant 0 : i32
      %cond3A_89 = arith.cmpi ne, %convert_element_type3A_87, %cond3A_88 : i32
      scf.if %cond3A_89 {
        %add3A_91 = arith.addi %mul3A_2, %add3A_75 : i32
        %add3A_92 = arith.constant 2 : i32
        %add3A_93 = arith.addi %add3A_91, %add3A_92 : i32
        %dma_start3A_94 = arith.constant 0 : i32
        %dma_start3A_95 = tpu.memref_slice %arg2[%add3A_93, %dma_start3A_94] : memref<2560x128xi32, #tpu.memory_space<hbm>> -> memref<1x128xi32, #tpu.memory_space<hbm>>
        %dma_start3A_96 = tpu.memref_squeeze %dma_start3A_95 : memref<1x128xi32, #tpu.memory_space<hbm>> -> memref<128xi32, #tpu.memory_space<hbm>>
        %dma_start3A_97 = arith.constant 0 : i32
        %dma_start3A_98 = tpu.memref_slice %arg2[%add3A_93, %dma_start3A_97] : memref<2560x128xi32, #tpu.memory_space<hbm>> -> memref<1x128xi32, #tpu.memory_space<hbm>>
        %dma_start3A_99 = tpu.memref_squeeze %dma_start3A_98 : memref<1x128xi32, #tpu.memory_space<hbm>> -> memref<128xi32, #tpu.memory_space<hbm>>
        tpu.enqueue_dma source(%dma_start3A_99 : memref<128xi32, #tpu.memory_space<hbm>>) target(%arg6 : memref<128xi32, #tpu.memory_space<vmem>>) target_semaphore(%arg11 : memref<!tpu.dma_semaphore, #tpu.memory_space<semaphore_mem>>)
      } else {
      }
      %scan3A_90 = arith.constant 0 : i32
      scf.yield %scan3A_90 : i32
    }
    %scan3A_34 = arith.constant 40 : i32
    %barrier3A_35 = arith.constant 0 : index
    tpu.barrier barrier_id(%barrier3A_35)
    %add3A_36 = arith.constant 0 : i32
    %add3A_37 = arith.addi %mul3A_5, %add3A_36 : i32
    "tpu.region"() ({
      %run_scoped3A_56 = tpu.sem_alloc : memref<!tpu.dma_semaphore, #tpu.memory_space<semaphore_mem>>
      %dma_start3A_57 = arith.constant 0 : i32
      %dma_start3A_58 = tpu.memref_slice %arg9[%add3A_37, %dma_start3A_57] : memref<10240x16xf32, #tpu.memory_space<vmem_shared>> -> memref<128x16xf32, #tpu.memory_space<vmem_shared>>
      %dma_start3A_59 = arith.constant 0 : i32
      %dma_start3A_60 = tpu.memref_slice %arg9[%add3A_37, %dma_start3A_59] : memref<10240x16xf32, #tpu.memory_space<vmem_shared>> -> memref<128x16xf32, #tpu.memory_space<vmem_shared>>
      tpu.enqueue_dma source(%dma_start3A_60 : memref<128x16xf32, #tpu.memory_space<vmem_shared>>) target(%arg8 : memref<128x16xf32, #tpu.memory_space<vmem>>) target_semaphore(%run_scoped3A_56 : memref<!tpu.dma_semaphore, #tpu.memory_space<semaphore_mem>>)
      %dma_wait3A = arith.constant 0 : i32
      %dma_wait3A_61 = tpu.memref_slice %arg9[%add3A_37, %dma_wait3A] : memref<10240x16xf32, #tpu.memory_space<vmem_shared>> -> memref<128x16xf32, #tpu.memory_space<vmem_shared>>
      %dma_wait3A_62 = arith.constant 0 : i32
      %dma_wait3A_63 = tpu.memref_slice %arg9[%add3A_37, %dma_wait3A_62] : memref<10240x16xf32, #tpu.memory_space<vmem_shared>> -> memref<128x16xf32, #tpu.memory_space<vmem_shared>>
      tpu.wait_dma2 semaphore(%run_scoped3A_56 : memref<!tpu.dma_semaphore, #tpu.memory_space<semaphore_mem>>) src(%dma_wait3A_63 : memref<128x16xf32, #tpu.memory_space<vmem_shared>>) dst(%arg8 : memref<128x16xf32, #tpu.memory_space<vmem>>)
      tpu.yield
    }) : () -> ()
    %add3A_38 = arith.constant 0 : i32
    %add3A_39 = arith.addi %mul3A_5, %add3A_38 : i32
    "tpu.region"() ({
      %run_scoped3A_56 = tpu.sem_alloc : memref<!tpu.dma_semaphore, #tpu.memory_space<semaphore_mem>>
      %dma_start3A_57 = arith.constant 0 : i32
      %dma_start3A_58 = tpu.memref_slice %arg4[%arg0, %add3A_39, %dma_start3A_57] : memref<2x10240x16xf32, #tpu.memory_space<hbm>> -> memref<1x128x16xf32, #tpu.memory_space<hbm>>
      %dma_start3A_59 = tpu.memref_squeeze %dma_start3A_58 : memref<1x128x16xf32, #tpu.memory_space<hbm>> -> memref<128x16xf32, #tpu.memory_space<hbm>>
      %dma_start3A_60 = arith.constant 0 : i32
      %dma_start3A_61 = tpu.memref_slice %arg4[%arg0, %add3A_39, %dma_start3A_60] : memref<2x10240x16xf32, #tpu.memory_space<hbm>> -> memref<1x128x16xf32, #tpu.memory_space<hbm>>
      %dma_start3A_62 = tpu.memref_squeeze %dma_start3A_61 : memref<1x128x16xf32, #tpu.memory_space<hbm>> -> memref<128x16xf32, #tpu.memory_space<hbm>>
      tpu.enqueue_dma source(%arg8 : memref<128x16xf32, #tpu.memory_space<vmem>>) target(%dma_start3A_62 : memref<128x16xf32, #tpu.memory_space<hbm>>) target_semaphore(%run_scoped3A_56 : memref<!tpu.dma_semaphore, #tpu.memory_space<semaphore_mem>>)
      %dma_wait3A = arith.constant 0 : i32
      %dma_wait3A_63 = tpu.memref_slice %arg4[%arg0, %add3A_39, %dma_wait3A] : memref<2x10240x16xf32, #tpu.memory_space<hbm>> -> memref<1x128x16xf32, #tpu.memory_space<hbm>>
      %dma_wait3A_64 = tpu.memref_squeeze %dma_wait3A_63 : memref<1x128x16xf32, #tpu.memory_space<hbm>> -> memref<128x16xf32, #tpu.memory_space<hbm>>
      %dma_wait3A_65 = arith.constant 0 : i32
      %dma_wait3A_66 = tpu.memref_slice %arg4[%arg0, %add3A_39, %dma_wait3A_65] : memref<2x10240x16xf32, #tpu.memory_space<hbm>> -> memref<1x128x16xf32, #tpu.memory_space<hbm>>
      %dma_wait3A_67 = tpu.memref_squeeze %dma_wait3A_66 : memref<1x128x16xf32, #tpu.memory_space<hbm>> -> memref<128x16xf32, #tpu.memory_space<hbm>>
      tpu.wait_dma2 semaphore(%run_scoped3A_56 : memref<!tpu.dma_semaphore, #tpu.memory_space<semaphore_mem>>) src(%arg8 : memref<128x16xf32, #tpu.memory_space<vmem>>) dst(%dma_wait3A_67 : memref<128x16xf32, #tpu.memory_space<hbm>>)
      tpu.yield
    }) : () -> ()
    %add3A_40 = arith.constant 128 : i32
    %add3A_41 = arith.addi %mul3A_5, %add3A_40 : i32
    "tpu.region"() ({
      %run_scoped3A_56 = tpu.sem_alloc : memref<!tpu.dma_semaphore, #tpu.memory_space<semaphore_mem>>
      %dma_start3A_57 = arith.constant 0 : i32
      %dma_start3A_58 = tpu.memref_slice %arg9[%add3A_41, %dma_start3A_57] : memref<10240x16xf32, #tpu.memory_space<vmem_shared>> -> memref<128x16xf32, #tpu.memory_space<vmem_shared>>
      %dma_start3A_59 = arith.constant 0 : i32
      %dma_start3A_60 = tpu.memref_slice %arg9[%add3A_41, %dma_start3A_59] : memref<10240x16xf32, #tpu.memory_space<vmem_shared>> -> memref<128x16xf32, #tpu.memory_space<vmem_shared>>
      tpu.enqueue_dma source(%dma_start3A_60 : memref<128x16xf32, #tpu.memory_space<vmem_shared>>) target(%arg8 : memref<128x16xf32, #tpu.memory_space<vmem>>) target_semaphore(%run_scoped3A_56 : memref<!tpu.dma_semaphore, #tpu.memory_space<semaphore_mem>>)
      %dma_wait3A = arith.constant 0 : i32
      %dma_wait3A_61 = tpu.memref_slice %arg9[%add3A_41, %dma_wait3A] : memref<10240x16xf32, #tpu.memory_space<vmem_shared>> -> memref<128x16xf32, #tpu.memory_space<vmem_shared>>
      %dma_wait3A_62 = arith.constant 0 : i32
      %dma_wait3A_63 = tpu.memref_slice %arg9[%add3A_41, %dma_wait3A_62] : memref<10240x16xf32, #tpu.memory_space<vmem_shared>> -> memref<128x16xf32, #tpu.memory_space<vmem_shared>>
      tpu.wait_dma2 semaphore(%run_scoped3A_56 : memref<!tpu.dma_semaphore, #tpu.memory_space<semaphore_mem>>) src(%dma_wait3A_63 : memref<128x16xf32, #tpu.memory_space<vmem_shared>>) dst(%arg8 : memref<128x16xf32, #tpu.memory_space<vmem>>)
      tpu.yield
    }) : () -> ()
    %add3A_42 = arith.constant 128 : i32
    %add3A_43 = arith.addi %mul3A_5, %add3A_42 : i32
    "tpu.region"() ({
      %run_scoped3A_56 = tpu.sem_alloc : memref<!tpu.dma_semaphore, #tpu.memory_space<semaphore_mem>>
      %dma_start3A_57 = arith.constant 0 : i32
      %dma_start3A_58 = tpu.memref_slice %arg4[%arg0, %add3A_43, %dma_start3A_57] : memref<2x10240x16xf32, #tpu.memory_space<hbm>> -> memref<1x128x16xf32, #tpu.memory_space<hbm>>
      %dma_start3A_59 = tpu.memref_squeeze %dma_start3A_58 : memref<1x128x16xf32, #tpu.memory_space<hbm>> -> memref<128x16xf32, #tpu.memory_space<hbm>>
      %dma_start3A_60 = arith.constant 0 : i32
      %dma_start3A_61 = tpu.memref_slice %arg4[%arg0, %add3A_43, %dma_start3A_60] : memref<2x10240x16xf32, #tpu.memory_space<hbm>> -> memref<1x128x16xf32, #tpu.memory_space<hbm>>
      %dma_start3A_62 = tpu.memref_squeeze %dma_start3A_61 : memref<1x128x16xf32, #tpu.memory_space<hbm>> -> memref<128x16xf32, #tpu.memory_space<hbm>>
      tpu.enqueue_dma source(%arg8 : memref<128x16xf32, #tpu.memory_space<vmem>>) target(%dma_start3A_62 : memref<128x16xf32, #tpu.memory_space<hbm>>) target_semaphore(%run_scoped3A_56 : memref<!tpu.dma_semaphore, #tpu.memory_space<semaphore_mem>>)
      %dma_wait3A = arith.constant 0 : i32
      %dma_wait3A_63 = tpu.memref_slice %arg4[%arg0, %add3A_43, %dma_wait3A] : memref<2x10240x16xf32, #tpu.memory_space<hbm>> -> memref<1x128x16xf32, #tpu.memory_space<hbm>>
      %dma_wait3A_64 = tpu.memref_squeeze %dma_wait3A_63 : memref<1x128x16xf32, #tpu.memory_space<hbm>> -> memref<128x16xf32, #tpu.memory_space<hbm>>
      %dma_wait3A_65 = arith.constant 0 : i32
      %dma_wait3A_66 = tpu.memref_slice %arg4[%arg0, %add3A_43, %dma_wait3A_65] : memref<2x10240x16xf32, #tpu.memory_space<hbm>> -> memref<1x128x16xf32, #tpu.memory_space<hbm>>
      %dma_wait3A_67 = tpu.memref_squeeze %dma_wait3A_66 : memref<1x128x16xf32, #tpu.memory_space<hbm>> -> memref<128x16xf32, #tpu.memory_space<hbm>>
      tpu.wait_dma2 semaphore(%run_scoped3A_56 : memref<!tpu.dma_semaphore, #tpu.memory_space<semaphore_mem>>) src(%arg8 : memref<128x16xf32, #tpu.memory_space<vmem>>) dst(%dma_wait3A_67 : memref<128x16xf32, #tpu.memory_space<hbm>>)
      tpu.yield
    }) : () -> ()
    %add3A_44 = arith.constant 256 : i32
    %add3A_45 = arith.addi %mul3A_5, %add3A_44 : i32
    "tpu.region"() ({
      %run_scoped3A_56 = tpu.sem_alloc : memref<!tpu.dma_semaphore, #tpu.memory_space<semaphore_mem>>
      %dma_start3A_57 = arith.constant 0 : i32
      %dma_start3A_58 = tpu.memref_slice %arg9[%add3A_45, %dma_start3A_57] : memref<10240x16xf32, #tpu.memory_space<vmem_shared>> -> memref<128x16xf32, #tpu.memory_space<vmem_shared>>
      %dma_start3A_59 = arith.constant 0 : i32
      %dma_start3A_60 = tpu.memref_slice %arg9[%add3A_45, %dma_start3A_59] : memref<10240x16xf32, #tpu.memory_space<vmem_shared>> -> memref<128x16xf32, #tpu.memory_space<vmem_shared>>
      tpu.enqueue_dma source(%dma_start3A_60 : memref<128x16xf32, #tpu.memory_space<vmem_shared>>) target(%arg8 : memref<128x16xf32, #tpu.memory_space<vmem>>) target_semaphore(%run_scoped3A_56 : memref<!tpu.dma_semaphore, #tpu.memory_space<semaphore_mem>>)
      %dma_wait3A = arith.constant 0 : i32
      %dma_wait3A_61 = tpu.memref_slice %arg9[%add3A_45, %dma_wait3A] : memref<10240x16xf32, #tpu.memory_space<vmem_shared>> -> memref<128x16xf32, #tpu.memory_space<vmem_shared>>
      %dma_wait3A_62 = arith.constant 0 : i32
      %dma_wait3A_63 = tpu.memref_slice %arg9[%add3A_45, %dma_wait3A_62] : memref<10240x16xf32, #tpu.memory_space<vmem_shared>> -> memref<128x16xf32, #tpu.memory_space<vmem_shared>>
      tpu.wait_dma2 semaphore(%run_scoped3A_56 : memref<!tpu.dma_semaphore, #tpu.memory_space<semaphore_mem>>) src(%dma_wait3A_63 : memref<128x16xf32, #tpu.memory_space<vmem_shared>>) dst(%arg8 : memref<128x16xf32, #tpu.memory_space<vmem>>)
      tpu.yield
    }) : () -> ()
    %add3A_46 = arith.constant 256 : i32
    %add3A_47 = arith.addi %mul3A_5, %add3A_46 : i32
    "tpu.region"() ({
      %run_scoped3A_56 = tpu.sem_alloc : memref<!tpu.dma_semaphore, #tpu.memory_space<semaphore_mem>>
      %dma_start3A_57 = arith.constant 0 : i32
      %dma_start3A_58 = tpu.memref_slice %arg4[%arg0, %add3A_47, %dma_start3A_57] : memref<2x10240x16xf32, #tpu.memory_space<hbm>> -> memref<1x128x16xf32, #tpu.memory_space<hbm>>
      %dma_start3A_59 = tpu.memref_squeeze %dma_start3A_58 : memref<1x128x16xf32, #tpu.memory_space<hbm>> -> memref<128x16xf32, #tpu.memory_space<hbm>>
      %dma_start3A_60 = arith.constant 0 : i32
      %dma_start3A_61 = tpu.memref_slice %arg4[%arg0, %add3A_47, %dma_start3A_60] : memref<2x10240x16xf32, #tpu.memory_space<hbm>> -> memref<1x128x16xf32, #tpu.memory_space<hbm>>
      %dma_start3A_62 = tpu.memref_squeeze %dma_start3A_61 : memref<1x128x16xf32, #tpu.memory_space<hbm>> -> memref<128x16xf32, #tpu.memory_space<hbm>>
      tpu.enqueue_dma source(%arg8 : memref<128x16xf32, #tpu.memory_space<vmem>>) target(%dma_start3A_62 : memref<128x16xf32, #tpu.memory_space<hbm>>) target_semaphore(%run_scoped3A_56 : memref<!tpu.dma_semaphore, #tpu.memory_space<semaphore_mem>>)
      %dma_wait3A = arith.constant 0 : i32
      %dma_wait3A_63 = tpu.memref_slice %arg4[%arg0, %add3A_47, %dma_wait3A] : memref<2x10240x16xf32, #tpu.memory_space<hbm>> -> memref<1x128x16xf32, #tpu.memory_space<hbm>>
      %dma_wait3A_64 = tpu.memref_squeeze %dma_wait3A_63 : memref<1x128x16xf32, #tpu.memory_space<hbm>> -> memref<128x16xf32, #tpu.memory_space<hbm>>
      %dma_wait3A_65 = arith.constant 0 : i32
      %dma_wait3A_66 = tpu.memref_slice %arg4[%arg0, %add3A_47, %dma_wait3A_65] : memref<2x10240x16xf32, #tpu.memory_space<hbm>> -> memref<1x128x16xf32, #tpu.memory_space<hbm>>
      %dma_wait3A_67 = tpu.memref_squeeze %dma_wait3A_66 : memref<1x128x16xf32, #tpu.memory_space<hbm>> -> memref<128x16xf32, #tpu.memory_space<hbm>>
      tpu.wait_dma2 semaphore(%run_scoped3A_56 : memref<!tpu.dma_semaphore, #tpu.memory_space<semaphore_mem>>) src(%arg8 : memref<128x16xf32, #tpu.memory_space<vmem>>) dst(%dma_wait3A_67 : memref<128x16xf32, #tpu.memory_space<hbm>>)
      tpu.yield
    }) : () -> ()
    %add3A_48 = arith.constant 384 : i32
    %add3A_49 = arith.addi %mul3A_5, %add3A_48 : i32
    "tpu.region"() ({
      %run_scoped3A_56 = tpu.sem_alloc : memref<!tpu.dma_semaphore, #tpu.memory_space<semaphore_mem>>
      %dma_start3A_57 = arith.constant 0 : i32
      %dma_start3A_58 = tpu.memref_slice %arg9[%add3A_49, %dma_start3A_57] : memref<10240x16xf32, #tpu.memory_space<vmem_shared>> -> memref<128x16xf32, #tpu.memory_space<vmem_shared>>
      %dma_start3A_59 = arith.constant 0 : i32
      %dma_start3A_60 = tpu.memref_slice %arg9[%add3A_49, %dma_start3A_59] : memref<10240x16xf32, #tpu.memory_space<vmem_shared>> -> memref<128x16xf32, #tpu.memory_space<vmem_shared>>
      tpu.enqueue_dma source(%dma_start3A_60 : memref<128x16xf32, #tpu.memory_space<vmem_shared>>) target(%arg8 : memref<128x16xf32, #tpu.memory_space<vmem>>) target_semaphore(%run_scoped3A_56 : memref<!tpu.dma_semaphore, #tpu.memory_space<semaphore_mem>>)
      %dma_wait3A = arith.constant 0 : i32
      %dma_wait3A_61 = tpu.memref_slice %arg9[%add3A_49, %dma_wait3A] : memref<10240x16xf32, #tpu.memory_space<vmem_shared>> -> memref<128x16xf32, #tpu.memory_space<vmem_shared>>
      %dma_wait3A_62 = arith.constant 0 : i32
      %dma_wait3A_63 = tpu.memref_slice %arg9[%add3A_49, %dma_wait3A_62] : memref<10240x16xf32, #tpu.memory_space<vmem_shared>> -> memref<128x16xf32, #tpu.memory_space<vmem_shared>>
      tpu.wait_dma2 semaphore(%run_scoped3A_56 : memref<!tpu.dma_semaphore, #tpu.memory_space<semaphore_mem>>) src(%dma_wait3A_63 : memref<128x16xf32, #tpu.memory_space<vmem_shared>>) dst(%arg8 : memref<128x16xf32, #tpu.memory_space<vmem>>)
      tpu.yield
    }) : () -> ()
    %add3A_50 = arith.constant 384 : i32
    %add3A_51 = arith.addi %mul3A_5, %add3A_50 : i32
    "tpu.region"() ({
      %run_scoped3A_56 = tpu.sem_alloc : memref<!tpu.dma_semaphore, #tpu.memory_space<semaphore_mem>>
      %dma_start3A_57 = arith.constant 0 : i32
      %dma_start3A_58 = tpu.memref_slice %arg4[%arg0, %add3A_51, %dma_start3A_57] : memref<2x10240x16xf32, #tpu.memory_space<hbm>> -> memref<1x128x16xf32, #tpu.memory_space<hbm>>
      %dma_start3A_59 = tpu.memref_squeeze %dma_start3A_58 : memref<1x128x16xf32, #tpu.memory_space<hbm>> -> memref<128x16xf32, #tpu.memory_space<hbm>>
      %dma_start3A_60 = arith.constant 0 : i32
      %dma_start3A_61 = tpu.memref_slice %arg4[%arg0, %add3A_51, %dma_start3A_60] : memref<2x10240x16xf32, #tpu.memory_space<hbm>> -> memref<1x128x16xf32, #tpu.memory_space<hbm>>
      %dma_start3A_62 = tpu.memref_squeeze %dma_start3A_61 : memref<1x128x16xf32, #tpu.memory_space<hbm>> -> memref<128x16xf32, #tpu.memory_space<hbm>>
      tpu.enqueue_dma source(%arg8 : memref<128x16xf32, #tpu.memory_space<vmem>>) target(%dma_start3A_62 : memref<128x16xf32, #tpu.memory_space<hbm>>) target_semaphore(%run_scoped3A_56 : memref<!tpu.dma_semaphore, #tpu.memory_space<semaphore_mem>>)
      %dma_wait3A = arith.constant 0 : i32
      %dma_wait3A_63 = tpu.memref_slice %arg4[%arg0, %add3A_51, %dma_wait3A] : memref<2x10240x16xf32, #tpu.memory_space<hbm>> -> memref<1x128x16xf32, #tpu.memory_space<hbm>>
      %dma_wait3A_64 = tpu.memref_squeeze %dma_wait3A_63 : memref<1x128x16xf32, #tpu.memory_space<hbm>> -> memref<128x16xf32, #tpu.memory_space<hbm>>
      %dma_wait3A_65 = arith.constant 0 : i32
      %dma_wait3A_66 = tpu.memref_slice %arg4[%arg0, %add3A_51, %dma_wait3A_65] : memref<2x10240x16xf32, #tpu.memory_space<hbm>> -> memref<1x128x16xf32, #tpu.memory_space<hbm>>
      %dma_wait3A_67 = tpu.memref_squeeze %dma_wait3A_66 : memref<1x128x16xf32, #tpu.memory_space<hbm>> -> memref<128x16xf32, #tpu.memory_space<hbm>>
      tpu.wait_dma2 semaphore(%run_scoped3A_56 : memref<!tpu.dma_semaphore, #tpu.memory_space<semaphore_mem>>) src(%arg8 : memref<128x16xf32, #tpu.memory_space<vmem>>) dst(%dma_wait3A_67 : memref<128x16xf32, #tpu.memory_space<hbm>>)
      tpu.yield
    }) : () -> ()
    %add3A_52 = arith.constant 512 : i32
    %add3A_53 = arith.addi %mul3A_5, %add3A_52 : i32
    "tpu.region"() ({
      %run_scoped3A_56 = tpu.sem_alloc : memref<!tpu.dma_semaphore, #tpu.memory_space<semaphore_mem>>
      %dma_start3A_57 = arith.constant 0 : i32
      %dma_start3A_58 = tpu.memref_slice %arg9[%add3A_53, %dma_start3A_57] : memref<10240x16xf32, #tpu.memory_space<vmem_shared>> -> memref<128x16xf32, #tpu.memory_space<vmem_shared>>
      %dma_start3A_59 = arith.constant 0 : i32
      %dma_start3A_60 = tpu.memref_slice %arg9[%add3A_53, %dma_start3A_59] : memref<10240x16xf32, #tpu.memory_space<vmem_shared>> -> memref<128x16xf32, #tpu.memory_space<vmem_shared>>
      tpu.enqueue_dma source(%dma_start3A_60 : memref<128x16xf32, #tpu.memory_space<vmem_shared>>) target(%arg8 : memref<128x16xf32, #tpu.memory_space<vmem>>) target_semaphore(%run_scoped3A_56 : memref<!tpu.dma_semaphore, #tpu.memory_space<semaphore_mem>>)
      %dma_wait3A = arith.constant 0 : i32
      %dma_wait3A_61 = tpu.memref_slice %arg9[%add3A_53, %dma_wait3A] : memref<10240x16xf32, #tpu.memory_space<vmem_shared>> -> memref<128x16xf32, #tpu.memory_space<vmem_shared>>
      %dma_wait3A_62 = arith.constant 0 : i32
      %dma_wait3A_63 = tpu.memref_slice %arg9[%add3A_53, %dma_wait3A_62] : memref<10240x16xf32, #tpu.memory_space<vmem_shared>> -> memref<128x16xf32, #tpu.memory_space<vmem_shared>>
      tpu.wait_dma2 semaphore(%run_scoped3A_56 : memref<!tpu.dma_semaphore, #tpu.memory_space<semaphore_mem>>) src(%dma_wait3A_63 : memref<128x16xf32, #tpu.memory_space<vmem_shared>>) dst(%arg8 : memref<128x16xf32, #tpu.memory_space<vmem>>)
      tpu.yield
    }) : () -> ()
    %add3A_54 = arith.constant 512 : i32
    %add3A_55 = arith.addi %mul3A_5, %add3A_54 : i32
    "tpu.region"() ({
      %run_scoped3A_56 = tpu.sem_alloc : memref<!tpu.dma_semaphore, #tpu.memory_space<semaphore_mem>>
      %dma_start3A_57 = arith.constant 0 : i32
      %dma_start3A_58 = tpu.memref_slice %arg4[%arg0, %add3A_55, %dma_start3A_57] : memref<2x10240x16xf32, #tpu.memory_space<hbm>> -> memref<1x128x16xf32, #tpu.memory_space<hbm>>
      %dma_start3A_59 = tpu.memref_squeeze %dma_start3A_58 : memref<1x128x16xf32, #tpu.memory_space<hbm>> -> memref<128x16xf32, #tpu.memory_space<hbm>>
      %dma_start3A_60 = arith.constant 0 : i32
      %dma_start3A_61 = tpu.memref_slice %arg4[%arg0, %add3A_55, %dma_start3A_60] : memref<2x10240x16xf32, #tpu.memory_space<hbm>> -> memref<1x128x16xf32, #tpu.memory_space<hbm>>
      %dma_start3A_62 = tpu.memref_squeeze %dma_start3A_61 : memref<1x128x16xf32, #tpu.memory_space<hbm>> -> memref<128x16xf32, #tpu.memory_space<hbm>>
      tpu.enqueue_dma source(%arg8 : memref<128x16xf32, #tpu.memory_space<vmem>>) target(%dma_start3A_62 : memref<128x16xf32, #tpu.memory_space<hbm>>) target_semaphore(%run_scoped3A_56 : memref<!tpu.dma_semaphore, #tpu.memory_space<semaphore_mem>>)
      %dma_wait3A = arith.constant 0 : i32
      %dma_wait3A_63 = tpu.memref_slice %arg4[%arg0, %add3A_55, %dma_wait3A] : memref<2x10240x16xf32, #tpu.memory_space<hbm>> -> memref<1x128x16xf32, #tpu.memory_space<hbm>>
      %dma_wait3A_64 = tpu.memref_squeeze %dma_wait3A_63 : memref<1x128x16xf32, #tpu.memory_space<hbm>> -> memref<128x16xf32, #tpu.memory_space<hbm>>
      %dma_wait3A_65 = arith.constant 0 : i32
      %dma_wait3A_66 = tpu.memref_slice %arg4[%arg0, %add3A_55, %dma_wait3A_65] : memref<2x10240x16xf32, #tpu.memory_space<hbm>> -> memref<1x128x16xf32, #tpu.memory_space<hbm>>
      %dma_wait3A_67 = tpu.memref_squeeze %dma_wait3A_66 : memref<1x128x16xf32, #tpu.memory_space<hbm>> -> memref<128x16xf32, #tpu.memory_space<hbm>>
      tpu.wait_dma2 semaphore(%run_scoped3A_56 : memref<!tpu.dma_semaphore, #tpu.memory_space<semaphore_mem>>) src(%arg8 : memref<128x16xf32, #tpu.memory_space<vmem>>) dst(%dma_wait3A_67 : memref<128x16xf32, #tpu.memory_space<hbm>>)
      tpu.yield
    }) : () -> ()
    return
  }
}

#map = affine_map<(d0, d1) -> (0, 0)>
#map1 = affine_map<(d0, d1) -> (0, 0, 0)>
module attributes {stable_mosaic.version = 14 : i64} {
  func.func @_sc_scatter_body(%arg0: i32, %arg1: i32, %arg2: memref<10240x128xf32, #tpu.memory_space<hbm>>, %arg3: memref<2560x128xi32, #tpu.memory_space<hbm>>, %arg4: memref<2560x128xi32, #tpu.memory_space<hbm>>, %arg5: memref<128x128xf32, #tpu.memory_space<hbm>>, %arg6: memref<2x10240x128xf32, #tpu.memory_space<hbm>>, %arg7: memref<80x128xi32, #tpu.memory_space<vmem>>, %arg8: memref<128xi32, #tpu.memory_space<vmem>>, %arg9: memref<128xi32, #tpu.memory_space<vmem>>, %arg10: memref<128x128xf32, #tpu.memory_space<vmem>>, %arg11: memref<128x128xf32, #tpu.memory_space<vmem>>, %arg12: memref<10240x128xf32, #tpu.memory_space<vmem_shared>>, %arg13: memref<!tpu.dma_semaphore, #tpu.memory_space<semaphore_mem>>, %arg14: memref<!tpu.dma_semaphore, #tpu.memory_space<semaphore_mem>>) attributes {dimension_semantics = [#tpu.dimension_semantics<core_parallel>, #tpu.dimension_semantics<subcore_parallel>], iteration_bounds = array<i64: 2, 16>, scalar_prefetch = 0 : i64, scratch_operands = 8 : i64, tpu.core_type = #tpu.core_type<sc_vector_subcore>, window_params = [{transform_indices = #map}, {transform_indices = #map}, {transform_indices = #map}, {transform_indices = #map}, {transform_indices = #map1}]} {
    %eq3A = arith.constant 0 : i32
    %eq3A_0 = arith.cmpi eq, %arg0, %eq3A : i32
    %mul3A = arith.constant 80 : i32
    %mul3A_1 = arith.muli %arg1, %mul3A : i32
    %mul3A_2 = arith.constant 80 : i32
    %mul3A_3 = arith.muli %arg1, %mul3A_2 : i32
    %add3A = arith.constant 1280 : i32
    %add3A_4 = arith.addi %add3A, %mul3A_3 : i32
    %select_n3A = arith.select %eq3A_0, %mul3A_1, %add3A_4 : i32
    %eq3A_5 = arith.constant 0 : i32
    %eq3A_6 = arith.cmpi eq, %arg0, %eq3A_5 : i32
    %jit3A = arith.constant 80 : i32
    %jit3A_7 = arith.constant 80 : i32
    %select_n3A_8 = arith.select %eq3A_6, %jit3A, %jit3A_7 : i32
    "tpu.region"() ({
      %run_scoped3A = tpu.sem_alloc : memref<!tpu.dma_semaphore, #tpu.memory_space<semaphore_mem>>
      tpu.enqueue_dma source(%arg5 : memref<128x128xf32, #tpu.memory_space<hbm>>) target(%arg10 : memref<128x128xf32, #tpu.memory_space<vmem>>) target_semaphore(%run_scoped3A : memref<!tpu.dma_semaphore, #tpu.memory_space<semaphore_mem>>)
      tpu.wait_dma2 semaphore(%run_scoped3A : memref<!tpu.dma_semaphore, #tpu.memory_space<semaphore_mem>>) src(%arg5 : memref<128x128xf32, #tpu.memory_space<hbm>>) dst(%arg10 : memref<128x128xf32, #tpu.memory_space<vmem>>)
      tpu.yield
    }) : () -> ()
    %mul3A_9 = arith.constant 640 : i32
    %mul3A_10 = arith.muli %arg1, %mul3A_9 : i32
    %add3A_11 = arith.constant 0 : i32
    %add3A_12 = arith.addi %mul3A_10, %add3A_11 : i32
    "tpu.region"() ({
      %run_scoped3A = tpu.sem_alloc : memref<!tpu.dma_semaphore, #tpu.memory_space<semaphore_mem>>
      %dma_start3A_106 = arith.constant 0 : i32
      %dma_start3A_107 = tpu.memref_slice %arg12[%add3A_12, %dma_start3A_106] : memref<10240x128xf32, #tpu.memory_space<vmem_shared>> -> memref<128x128xf32, #tpu.memory_space<vmem_shared>>
      %dma_start3A_108 = arith.constant 0 : i32
      %dma_start3A_109 = tpu.memref_slice %arg12[%add3A_12, %dma_start3A_108] : memref<10240x128xf32, #tpu.memory_space<vmem_shared>> -> memref<128x128xf32, #tpu.memory_space<vmem_shared>>
      tpu.enqueue_dma source(%arg10 : memref<128x128xf32, #tpu.memory_space<vmem>>) target(%dma_start3A_109 : memref<128x128xf32, #tpu.memory_space<vmem_shared>>) target_semaphore(%run_scoped3A : memref<!tpu.dma_semaphore, #tpu.memory_space<semaphore_mem>>)
      %dma_wait3A = arith.constant 0 : i32
      %dma_wait3A_110 = tpu.memref_slice %arg12[%add3A_12, %dma_wait3A] : memref<10240x128xf32, #tpu.memory_space<vmem_shared>> -> memref<128x128xf32, #tpu.memory_space<vmem_shared>>
      %dma_wait3A_111 = arith.constant 0 : i32
      %dma_wait3A_112 = tpu.memref_slice %arg12[%add3A_12, %dma_wait3A_111] : memref<10240x128xf32, #tpu.memory_space<vmem_shared>> -> memref<128x128xf32, #tpu.memory_space<vmem_shared>>
      tpu.wait_dma2 semaphore(%run_scoped3A : memref<!tpu.dma_semaphore, #tpu.memory_space<semaphore_mem>>) src(%arg10 : memref<128x128xf32, #tpu.memory_space<vmem>>) dst(%dma_wait3A_112 : memref<128x128xf32, #tpu.memory_space<vmem_shared>>)
      tpu.yield
    }) : () -> ()
    %add3A_13 = arith.constant 128 : i32
    %add3A_14 = arith.addi %mul3A_10, %add3A_13 : i32
    "tpu.region"() ({
      %run_scoped3A = tpu.sem_alloc : memref<!tpu.dma_semaphore, #tpu.memory_space<semaphore_mem>>
      %dma_start3A_106 = arith.constant 0 : i32
      %dma_start3A_107 = tpu.memref_slice %arg12[%add3A_14, %dma_start3A_106] : memref<10240x128xf32, #tpu.memory_space<vmem_shared>> -> memref<128x128xf32, #tpu.memory_space<vmem_shared>>
      %dma_start3A_108 = arith.constant 0 : i32
      %dma_start3A_109 = tpu.memref_slice %arg12[%add3A_14, %dma_start3A_108] : memref<10240x128xf32, #tpu.memory_space<vmem_shared>> -> memref<128x128xf32, #tpu.memory_space<vmem_shared>>
      tpu.enqueue_dma source(%arg10 : memref<128x128xf32, #tpu.memory_space<vmem>>) target(%dma_start3A_109 : memref<128x128xf32, #tpu.memory_space<vmem_shared>>) target_semaphore(%run_scoped3A : memref<!tpu.dma_semaphore, #tpu.memory_space<semaphore_mem>>)
      %dma_wait3A = arith.constant 0 : i32
      %dma_wait3A_110 = tpu.memref_slice %arg12[%add3A_14, %dma_wait3A] : memref<10240x128xf32, #tpu.memory_space<vmem_shared>> -> memref<128x128xf32, #tpu.memory_space<vmem_shared>>
      %dma_wait3A_111 = arith.constant 0 : i32
      %dma_wait3A_112 = tpu.memref_slice %arg12[%add3A_14, %dma_wait3A_111] : memref<10240x128xf32, #tpu.memory_space<vmem_shared>> -> memref<128x128xf32, #tpu.memory_space<vmem_shared>>
      tpu.wait_dma2 semaphore(%run_scoped3A : memref<!tpu.dma_semaphore, #tpu.memory_space<semaphore_mem>>) src(%arg10 : memref<128x128xf32, #tpu.memory_space<vmem>>) dst(%dma_wait3A_112 : memref<128x128xf32, #tpu.memory_space<vmem_shared>>)
      tpu.yield
    }) : () -> ()
    %add3A_15 = arith.constant 256 : i32
    %add3A_16 = arith.addi %mul3A_10, %add3A_15 : i32
    "tpu.region"() ({
      %run_scoped3A = tpu.sem_alloc : memref<!tpu.dma_semaphore, #tpu.memory_space<semaphore_mem>>
      %dma_start3A_106 = arith.constant 0 : i32
      %dma_start3A_107 = tpu.memref_slice %arg12[%add3A_16, %dma_start3A_106] : memref<10240x128xf32, #tpu.memory_space<vmem_shared>> -> memref<128x128xf32, #tpu.memory_space<vmem_shared>>
      %dma_start3A_108 = arith.constant 0 : i32
      %dma_start3A_109 = tpu.memref_slice %arg12[%add3A_16, %dma_start3A_108] : memref<10240x128xf32, #tpu.memory_space<vmem_shared>> -> memref<128x128xf32, #tpu.memory_space<vmem_shared>>
      tpu.enqueue_dma source(%arg10 : memref<128x128xf32, #tpu.memory_space<vmem>>) target(%dma_start3A_109 : memref<128x128xf32, #tpu.memory_space<vmem_shared>>) target_semaphore(%run_scoped3A : memref<!tpu.dma_semaphore, #tpu.memory_space<semaphore_mem>>)
      %dma_wait3A = arith.constant 0 : i32
      %dma_wait3A_110 = tpu.memref_slice %arg12[%add3A_16, %dma_wait3A] : memref<10240x128xf32, #tpu.memory_space<vmem_shared>> -> memref<128x128xf32, #tpu.memory_space<vmem_shared>>
      %dma_wait3A_111 = arith.constant 0 : i32
      %dma_wait3A_112 = tpu.memref_slice %arg12[%add3A_16, %dma_wait3A_111] : memref<10240x128xf32, #tpu.memory_space<vmem_shared>> -> memref<128x128xf32, #tpu.memory_space<vmem_shared>>
      tpu.wait_dma2 semaphore(%run_scoped3A : memref<!tpu.dma_semaphore, #tpu.memory_space<semaphore_mem>>) src(%arg10 : memref<128x128xf32, #tpu.memory_space<vmem>>) dst(%dma_wait3A_112 : memref<128x128xf32, #tpu.memory_space<vmem_shared>>)
      tpu.yield
    }) : () -> ()
    %add3A_17 = arith.constant 384 : i32
    %add3A_18 = arith.addi %mul3A_10, %add3A_17 : i32
    "tpu.region"() ({
      %run_scoped3A = tpu.sem_alloc : memref<!tpu.dma_semaphore, #tpu.memory_space<semaphore_mem>>
      %dma_start3A_106 = arith.constant 0 : i32
      %dma_start3A_107 = tpu.memref_slice %arg12[%add3A_18, %dma_start3A_106] : memref<10240x128xf32, #tpu.memory_space<vmem_shared>> -> memref<128x128xf32, #tpu.memory_space<vmem_shared>>
      %dma_start3A_108 = arith.constant 0 : i32
      %dma_start3A_109 = tpu.memref_slice %arg12[%add3A_18, %dma_start3A_108] : memref<10240x128xf32, #tpu.memory_space<vmem_shared>> -> memref<128x128xf32, #tpu.memory_space<vmem_shared>>
      tpu.enqueue_dma source(%arg10 : memref<128x128xf32, #tpu.memory_space<vmem>>) target(%dma_start3A_109 : memref<128x128xf32, #tpu.memory_space<vmem_shared>>) target_semaphore(%run_scoped3A : memref<!tpu.dma_semaphore, #tpu.memory_space<semaphore_mem>>)
      %dma_wait3A = arith.constant 0 : i32
      %dma_wait3A_110 = tpu.memref_slice %arg12[%add3A_18, %dma_wait3A] : memref<10240x128xf32, #tpu.memory_space<vmem_shared>> -> memref<128x128xf32, #tpu.memory_space<vmem_shared>>
      %dma_wait3A_111 = arith.constant 0 : i32
      %dma_wait3A_112 = tpu.memref_slice %arg12[%add3A_18, %dma_wait3A_111] : memref<10240x128xf32, #tpu.memory_space<vmem_shared>> -> memref<128x128xf32, #tpu.memory_space<vmem_shared>>
      tpu.wait_dma2 semaphore(%run_scoped3A : memref<!tpu.dma_semaphore, #tpu.memory_space<semaphore_mem>>) src(%arg10 : memref<128x128xf32, #tpu.memory_space<vmem>>) dst(%dma_wait3A_112 : memref<128x128xf32, #tpu.memory_space<vmem_shared>>)
      tpu.yield
    }) : () -> ()
    %add3A_19 = arith.constant 512 : i32
    %add3A_20 = arith.addi %mul3A_10, %add3A_19 : i32
    "tpu.region"() ({
      %run_scoped3A = tpu.sem_alloc : memref<!tpu.dma_semaphore, #tpu.memory_space<semaphore_mem>>
      %dma_start3A_106 = arith.constant 0 : i32
      %dma_start3A_107 = tpu.memref_slice %arg12[%add3A_20, %dma_start3A_106] : memref<10240x128xf32, #tpu.memory_space<vmem_shared>> -> memref<128x128xf32, #tpu.memory_space<vmem_shared>>
      %dma_start3A_108 = arith.constant 0 : i32
      %dma_start3A_109 = tpu.memref_slice %arg12[%add3A_20, %dma_start3A_108] : memref<10240x128xf32, #tpu.memory_space<vmem_shared>> -> memref<128x128xf32, #tpu.memory_space<vmem_shared>>
      tpu.enqueue_dma source(%arg10 : memref<128x128xf32, #tpu.memory_space<vmem>>) target(%dma_start3A_109 : memref<128x128xf32, #tpu.memory_space<vmem_shared>>) target_semaphore(%run_scoped3A : memref<!tpu.dma_semaphore, #tpu.memory_space<semaphore_mem>>)
      %dma_wait3A = arith.constant 0 : i32
      %dma_wait3A_110 = tpu.memref_slice %arg12[%add3A_20, %dma_wait3A] : memref<10240x128xf32, #tpu.memory_space<vmem_shared>> -> memref<128x128xf32, #tpu.memory_space<vmem_shared>>
      %dma_wait3A_111 = arith.constant 0 : i32
      %dma_wait3A_112 = tpu.memref_slice %arg12[%add3A_20, %dma_wait3A_111] : memref<10240x128xf32, #tpu.memory_space<vmem_shared>> -> memref<128x128xf32, #tpu.memory_space<vmem_shared>>
      tpu.wait_dma2 semaphore(%run_scoped3A : memref<!tpu.dma_semaphore, #tpu.memory_space<semaphore_mem>>) src(%arg10 : memref<128x128xf32, #tpu.memory_space<vmem>>) dst(%dma_wait3A_112 : memref<128x128xf32, #tpu.memory_space<vmem_shared>>)
      tpu.yield
    }) : () -> ()
    %eq3A_21 = arith.constant 0 : i32
    %eq3A_22 = arith.cmpi eq, %arg0, %eq3A_21 : i32
    %convert_element_type3A = arith.extui %eq3A_22 : i1 to i32
    %cond3A = arith.constant 0 : i32
    %cond3A_23 = arith.cmpi ne, %convert_element_type3A, %cond3A : i32
    scf.if %cond3A_23 {
      "tpu.region"() ({
        %run_scoped3A = tpu.sem_alloc : memref<!tpu.dma_semaphore, #tpu.memory_space<semaphore_mem>>
        %dma_start3A_106 = arith.constant 0 : i32
        %dma_start3A_107 = tpu.memref_slice %arg3[%select_n3A, %dma_start3A_106] : memref<2560x128xi32, #tpu.memory_space<hbm>> -> memref<80x128xi32, #tpu.memory_space<hbm>>
        %dma_start3A_108 = arith.constant 0 : i32
        %dma_start3A_109 = tpu.memref_slice %arg3[%select_n3A, %dma_start3A_108] : memref<2560x128xi32, #tpu.memory_space<hbm>> -> memref<80x128xi32, #tpu.memory_space<hbm>>
        tpu.enqueue_dma source(%dma_start3A_109 : memref<80x128xi32, #tpu.memory_space<hbm>>) target(%arg7 : memref<80x128xi32, #tpu.memory_space<vmem>>) target_semaphore(%run_scoped3A : memref<!tpu.dma_semaphore, #tpu.memory_space<semaphore_mem>>)
        %dma_wait3A = arith.constant 0 : i32
        %dma_wait3A_110 = tpu.memref_slice %arg3[%select_n3A, %dma_wait3A] : memref<2560x128xi32, #tpu.memory_space<hbm>> -> memref<80x128xi32, #tpu.memory_space<hbm>>
        %dma_wait3A_111 = arith.constant 0 : i32
        %dma_wait3A_112 = tpu.memref_slice %arg3[%select_n3A, %dma_wait3A_111] : memref<2560x128xi32, #tpu.memory_space<hbm>> -> memref<80x128xi32, #tpu.memory_space<hbm>>
        tpu.wait_dma2 semaphore(%run_scoped3A : memref<!tpu.dma_semaphore, #tpu.memory_space<semaphore_mem>>) src(%dma_wait3A_112 : memref<80x128xi32, #tpu.memory_space<hbm>>) dst(%arg7 : memref<80x128xi32, #tpu.memory_space<vmem>>)
        tpu.yield
      }) : () -> ()
    } else {
    }
    %eq3A_24 = arith.constant 1 : i32
    %eq3A_25 = arith.cmpi eq, %arg0, %eq3A_24 : i32
    %convert_element_type3A_26 = arith.extui %eq3A_25 : i1 to i32
    %cond3A_27 = arith.constant 0 : i32
    %cond3A_28 = arith.cmpi ne, %convert_element_type3A_26, %cond3A_27 : i32
    scf.if %cond3A_28 {
      "tpu.region"() ({
        %run_scoped3A = tpu.sem_alloc : memref<!tpu.dma_semaphore, #tpu.memory_space<semaphore_mem>>
        %dma_start3A_106 = arith.constant 0 : i32
        %dma_start3A_107 = arith.constant 0 : i32
        %dma_start3A_108 = tpu.memref_slice %arg7[%dma_start3A_106, %dma_start3A_107] : memref<80x128xi32, #tpu.memory_space<vmem>> -> memref<80x128xi32, #tpu.memory_space<vmem>>
        %dma_start3A_109 = arith.constant 0 : i32
        %dma_start3A_110 = tpu.memref_slice %arg3[%select_n3A, %dma_start3A_109] : memref<2560x128xi32, #tpu.memory_space<hbm>> -> memref<80x128xi32, #tpu.memory_space<hbm>>
        %dma_start3A_111 = arith.constant 0 : i32
        %dma_start3A_112 = arith.constant 0 : i32
        %dma_start3A_113 = tpu.memref_slice %arg7[%dma_start3A_111, %dma_start3A_112] : memref<80x128xi32, #tpu.memory_space<vmem>> -> memref<80x128xi32, #tpu.memory_space<vmem>>
        %dma_start3A_114 = arith.constant 0 : i32
        %dma_start3A_115 = tpu.memref_slice %arg3[%select_n3A, %dma_start3A_114] : memref<2560x128xi32, #tpu.memory_space<hbm>> -> memref<80x128xi32, #tpu.memory_space<hbm>>
        tpu.enqueue_dma source(%dma_start3A_115 : memref<80x128xi32, #tpu.memory_space<hbm>>) target(%dma_start3A_113 : memref<80x128xi32, #tpu.memory_space<vmem>>) target_semaphore(%run_scoped3A : memref<!tpu.dma_semaphore, #tpu.memory_space<semaphore_mem>>)
        %dma_wait3A = arith.constant 0 : i32
        %dma_wait3A_116 = arith.constant 0 : i32
        %dma_wait3A_117 = tpu.memref_slice %arg7[%dma_wait3A, %dma_wait3A_116] : memref<80x128xi32, #tpu.memory_space<vmem>> -> memref<80x128xi32, #tpu.memory_space<vmem>>
        %dma_wait3A_118 = arith.constant 0 : i32
        %dma_wait3A_119 = tpu.memref_slice %arg3[%select_n3A, %dma_wait3A_118] : memref<2560x128xi32, #tpu.memory_space<hbm>> -> memref<80x128xi32, #tpu.memory_space<hbm>>
        %dma_wait3A_120 = arith.constant 0 : i32
        %dma_wait3A_121 = arith.constant 0 : i32
        %dma_wait3A_122 = tpu.memref_slice %arg7[%dma_wait3A_120, %dma_wait3A_121] : memref<80x128xi32, #tpu.memory_space<vmem>> -> memref<80x128xi32, #tpu.memory_space<vmem>>
        %dma_wait3A_123 = arith.constant 0 : i32
        %dma_wait3A_124 = tpu.memref_slice %arg3[%select_n3A, %dma_wait3A_123] : memref<2560x128xi32, #tpu.memory_space<hbm>> -> memref<80x128xi32, #tpu.memory_space<hbm>>
        tpu.wait_dma2 semaphore(%run_scoped3A : memref<!tpu.dma_semaphore, #tpu.memory_space<semaphore_mem>>) src(%dma_wait3A_124 : memref<80x128xi32, #tpu.memory_space<hbm>>) dst(%dma_wait3A_122 : memref<80x128xi32, #tpu.memory_space<vmem>>)
        tpu.yield
      }) : () -> ()
    } else {
    }
    %dma_start3A = arith.constant 0 : i32
    %dma_start3A_29 = tpu.memref_slice %arg4[%select_n3A, %dma_start3A] : memref<2560x128xi32, #tpu.memory_space<hbm>> -> memref<1x128xi32, #tpu.memory_space<hbm>>
    %dma_start3A_30 = tpu.memref_squeeze %dma_start3A_29 : memref<1x128xi32, #tpu.memory_space<hbm>> -> memref<128xi32, #tpu.memory_space<hbm>>
    %dma_start3A_31 = arith.constant 0 : i32
    %dma_start3A_32 = tpu.memref_slice %arg4[%select_n3A, %dma_start3A_31] : memref<2560x128xi32, #tpu.memory_space<hbm>> -> memref<1x128xi32, #tpu.memory_space<hbm>>
    %dma_start3A_33 = tpu.memref_squeeze %dma_start3A_32 : memref<1x128xi32, #tpu.memory_space<hbm>> -> memref<128xi32, #tpu.memory_space<hbm>>
    tpu.enqueue_dma source(%dma_start3A_33 : memref<128xi32, #tpu.memory_space<hbm>>) target(%arg8 : memref<128xi32, #tpu.memory_space<vmem>>) target_semaphore(%arg13 : memref<!tpu.dma_semaphore, #tpu.memory_space<semaphore_mem>>)
    %dma_start3A_34 = arith.constant 0 : i32
    %dma_start3A_35 = arith.constant 0 : i32
    %dma_start3A_36 = tpu.memref_slice %arg7[%dma_start3A_34, %dma_start3A_35] : memref<80x128xi32, #tpu.memory_space<vmem>> -> memref<1x128xi32, #tpu.memory_space<vmem>>
    %dma_start3A_37 = tpu.memref_squeeze %dma_start3A_36 : memref<1x128xi32, #tpu.memory_space<vmem>> -> memref<128xi32, #tpu.memory_space<vmem>>
    %dma_start3A_38 = arith.constant 0 : i32
    %dma_start3A_39 = arith.constant 0 : i32
    %dma_start3A_40 = tpu.memref_slice %arg2[%dma_start3A_38, %dma_start3A_39] : memref<10240x128xf32, #tpu.memory_space<hbm>> -> memref<10240x128xf32, #tpu.memory_space<hbm>>
    tpu.enqueue_indirect_dma source(%dma_start3A_40 : memref<10240x128xf32, #tpu.memory_space<hbm>>) target(%arg10 : memref<128x128xf32, #tpu.memory_space<vmem>>) offsets(%dma_start3A_37 : memref<128xi32, #tpu.memory_space<vmem>>) semaphore(%arg13 : memref<!tpu.dma_semaphore, #tpu.memory_space<semaphore_mem>>)
    %add3A_41 = arith.constant 1 : i32
    %add3A_42 = arith.addi %select_n3A, %add3A_41 : i32
    %dma_start3A_43 = arith.constant 0 : i32
    %dma_start3A_44 = tpu.memref_slice %arg4[%add3A_42, %dma_start3A_43] : memref<2560x128xi32, #tpu.memory_space<hbm>> -> memref<1x128xi32, #tpu.memory_space<hbm>>
    %dma_start3A_45 = tpu.memref_squeeze %dma_start3A_44 : memref<1x128xi32, #tpu.memory_space<hbm>> -> memref<128xi32, #tpu.memory_space<hbm>>
    %dma_start3A_46 = arith.constant 0 : i32
    %dma_start3A_47 = tpu.memref_slice %arg4[%add3A_42, %dma_start3A_46] : memref<2560x128xi32, #tpu.memory_space<hbm>> -> memref<1x128xi32, #tpu.memory_space<hbm>>
    %dma_start3A_48 = tpu.memref_squeeze %dma_start3A_47 : memref<1x128xi32, #tpu.memory_space<hbm>> -> memref<128xi32, #tpu.memory_space<hbm>>
    tpu.enqueue_dma source(%dma_start3A_48 : memref<128xi32, #tpu.memory_space<hbm>>) target(%arg9 : memref<128xi32, #tpu.memory_space<vmem>>) target_semaphore(%arg14 : memref<!tpu.dma_semaphore, #tpu.memory_space<semaphore_mem>>)
    %dma_start3A_49 = arith.constant 1 : i32
    %dma_start3A_50 = arith.constant 0 : i32
    %dma_start3A_51 = tpu.memref_slice %arg7[%dma_start3A_49, %dma_start3A_50] : memref<80x128xi32, #tpu.memory_space<vmem>> -> memref<1x128xi32, #tpu.memory_space<vmem>>
    %dma_start3A_52 = tpu.memref_squeeze %dma_start3A_51 : memref<1x128xi32, #tpu.memory_space<vmem>> -> memref<128xi32, #tpu.memory_space<vmem>>
    %dma_start3A_53 = arith.constant 0 : i32
    %dma_start3A_54 = arith.constant 0 : i32
    %dma_start3A_55 = tpu.memref_slice %arg2[%dma_start3A_53, %dma_start3A_54] : memref<10240x128xf32, #tpu.memory_space<hbm>> -> memref<10240x128xf32, #tpu.memory_space<hbm>>
    tpu.enqueue_indirect_dma source(%dma_start3A_55 : memref<10240x128xf32, #tpu.memory_space<hbm>>) target(%arg11 : memref<128x128xf32, #tpu.memory_space<vmem>>) offsets(%dma_start3A_52 : memref<128xi32, #tpu.memory_space<vmem>>) semaphore(%arg14 : memref<!tpu.dma_semaphore, #tpu.memory_space<semaphore_mem>>)
    %barrier3A = arith.constant 0 : index
    tpu.barrier barrier_id(%barrier3A)
    %jit3A_56 = arith.constant 2 : i32
    %div3A = arith.divsi %select_n3A_8, %jit3A_56 : i32
    %sign3A = arith.constant 0 : i32
    %sign3A_57 = arith.cmpi sgt, %select_n3A_8, %sign3A : i32
    %sign3A_58 = arith.extui %sign3A_57 : i1 to i32
    %sign3A_59 = arith.constant 0 : i32
    %sign3A_60 = arith.cmpi slt, %select_n3A_8, %sign3A_59 : i32
    %sign3A_61 = arith.extui %sign3A_60 : i1 to i32
    %sign3A_62 = arith.subi %sign3A_58, %sign3A_61 : i32
    %sign3A_63 = arith.constant 0 : i32
    %sign3A_64 = arith.cmpi sgt, %jit3A_56, %sign3A_63 : i32
    %sign3A_65 = arith.extui %sign3A_64 : i1 to i32
    %sign3A_66 = arith.constant 0 : i32
    %sign3A_67 = arith.cmpi slt, %jit3A_56, %sign3A_66 : i32
    %sign3A_68 = arith.extui %sign3A_67 : i1 to i32
    %sign3A_69 = arith.subi %sign3A_65, %sign3A_68 : i32
    %ne3A = arith.cmpi ne, %sign3A_62, %sign3A_69 : i32
    %rem3A = arith.remsi %select_n3A_8, %jit3A_56 : i32
    %ne3A_70 = arith.constant 0 : i32
    %ne3A_71 = arith.cmpi ne, %rem3A, %ne3A_70 : i32
    %and3A = arith.andi %ne3A, %ne3A_71 : i1
    %sub3A = arith.constant 1 : i32
    %sub3A_72 = arith.subi %div3A, %sub3A : i32
    %select_n3A_73 = arith.select %and3A, %sub3A_72, %div3A : i32
    %while3A = arith.constant 0 : i32
    %while3A_74 = arith.constant 0 : i32
    %while3A_75 = arith.subi %select_n3A_73, %while3A : i32
    %while3A_76 = arith.addi %while3A, %while3A_75 : i32
    %while3A_77 = arith.constant 1 : i32
    %while3A_78 = arith.divsi %while3A_75, %while3A_77 : i32
    %while3A_79 = arith.muli %while3A_78, %while3A_77 : i32
    %while3A_80 = arith.addi %while3A, %while3A_79 : i32
    %while3A_81 = arith.constant 1 : i32
    %while3A_82 = scf.for %while3A_106 = %while3A to %while3A_80 step %while3A_81 iter_args(%while3A_107 = %while3A_74) -> (i32)  : i32 {
      %mul3A_108 = arith.constant 2 : i32
      %mul3A_109 = arith.muli %mul3A_108, %while3A_106 : i32
      %add3A_110 = arith.constant 0 : i32
      %add3A_111 = arith.addi %mul3A_109, %add3A_110 : i32
      %add3A_112 = arith.addi %select_n3A, %add3A_111 : i32
      %dma_wait3A = arith.constant 0 : i32
      %dma_wait3A_113 = tpu.memref_slice %arg4[%add3A_112, %dma_wait3A] : memref<2560x128xi32, #tpu.memory_space<hbm>> -> memref<1x128xi32, #tpu.memory_space<hbm>>
      %dma_wait3A_114 = tpu.memref_squeeze %dma_wait3A_113 : memref<1x128xi32, #tpu.memory_space<hbm>> -> memref<128xi32, #tpu.memory_space<hbm>>
      %dma_wait3A_115 = arith.constant 0 : i32
      %dma_wait3A_116 = tpu.memref_slice %arg4[%add3A_112, %dma_wait3A_115] : memref<2560x128xi32, #tpu.memory_space<hbm>> -> memref<1x128xi32, #tpu.memory_space<hbm>>
      %dma_wait3A_117 = tpu.memref_squeeze %dma_wait3A_116 : memref<1x128xi32, #tpu.memory_space<hbm>> -> memref<128xi32, #tpu.memory_space<hbm>>
      tpu.wait_dma2 semaphore(%arg13 : memref<!tpu.dma_semaphore, #tpu.memory_space<semaphore_mem>>) src(%dma_wait3A_117 : memref<128xi32, #tpu.memory_space<hbm>>) dst(%arg8 : memref<128xi32, #tpu.memory_space<vmem>>)
      %dma_wait3A_118 = arith.constant 0 : i32
      %dma_wait3A_119 = tpu.memref_slice %arg7[%add3A_111, %dma_wait3A_118] : memref<80x128xi32, #tpu.memory_space<vmem>> -> memref<1x128xi32, #tpu.memory_space<vmem>>
      %dma_wait3A_120 = tpu.memref_squeeze %dma_wait3A_119 : memref<1x128xi32, #tpu.memory_space<vmem>> -> memref<128xi32, #tpu.memory_space<vmem>>
      %dma_wait3A_121 = arith.constant 0 : i32
      %dma_wait3A_122 = arith.constant 0 : i32
      %dma_wait3A_123 = tpu.memref_slice %arg2[%dma_wait3A_121, %dma_wait3A_122] : memref<10240x128xf32, #tpu.memory_space<hbm>> -> memref<10240x128xf32, #tpu.memory_space<hbm>>
      tpu.wait_indirect_dma semaphore(%arg13 : memref<!tpu.dma_semaphore, #tpu.memory_space<semaphore_mem>>) src(%dma_wait3A_123 : memref<10240x128xf32, #tpu.memory_space<hbm>>) dst(%arg10 : memref<128x128xf32, #tpu.memory_space<vmem>>)
      "tpu.region"() ({
        %run_scoped3A = tpu.sem_alloc : memref<!tpu.dma_semaphore, #tpu.memory_space<semaphore_mem>>
        %dma_start3A_153 = arith.constant 0 : i32
        %dma_start3A_154 = arith.constant 0 : i32
        %dma_start3A_155 = tpu.memref_slice %arg12[%dma_start3A_153, %dma_start3A_154] : memref<10240x128xf32, #tpu.memory_space<vmem_shared>> -> memref<10240x128xf32, #tpu.memory_space<vmem_shared>>
        tpu.enqueue_indirect_dma source(%arg10 : memref<128x128xf32, #tpu.memory_space<vmem>>) target(%dma_start3A_155 : memref<10240x128xf32, #tpu.memory_space<vmem_shared>>) offsets(%arg8 : memref<128xi32, #tpu.memory_space<vmem>>) semaphore(%run_scoped3A : memref<!tpu.dma_semaphore, #tpu.memory_space<semaphore_mem>>) {add = true}
        %dma_wait3A_156 = arith.constant 0 : i32
        %dma_wait3A_157 = arith.constant 0 : i32
        %dma_wait3A_158 = tpu.memref_slice %arg12[%dma_wait3A_156, %dma_wait3A_157] : memref<10240x128xf32, #tpu.memory_space<vmem_shared>> -> memref<10240x128xf32, #tpu.memory_space<vmem_shared>>
        tpu.wait_indirect_dma semaphore(%run_scoped3A : memref<!tpu.dma_semaphore, #tpu.memory_space<semaphore_mem>>) src(%arg10 : memref<128x128xf32, #tpu.memory_space<vmem>>) dst(%dma_wait3A_158 : memref<10240x128xf32, #tpu.memory_space<vmem_shared>>)
        tpu.yield
      }) : () -> ()
      %add3A_124 = arith.constant 2 : i32
      %add3A_125 = arith.addi %add3A_111, %add3A_124 : i32
      %lt3A = arith.cmpi slt, %add3A_125, %select_n3A_8 : i32
      %convert_element_type3A_126 = arith.extui %lt3A : i1 to i32
      %cond3A_127 = arith.constant 0 : i32
      %cond3A_128 = arith.cmpi ne, %convert_element_type3A_126, %cond3A_127 : i32
      scf.if %cond3A_128 {
        %add3A_153 = arith.addi %select_n3A, %add3A_111 : i32
        %add3A_154 = arith.constant 2 : i32
        %add3A_155 = arith.addi %add3A_153, %add3A_154 : i32
        %dma_start3A_156 = arith.constant 0 : i32
        %dma_start3A_157 = tpu.memref_slice %arg4[%add3A_155, %dma_start3A_156] : memref<2560x128xi32, #tpu.memory_space<hbm>> -> memref<1x128xi32, #tpu.memory_space<hbm>>
        %dma_start3A_158 = tpu.memref_squeeze %dma_start3A_157 : memref<1x128xi32, #tpu.memory_space<hbm>> -> memref<128xi32, #tpu.memory_space<hbm>>
        %dma_start3A_159 = arith.constant 0 : i32
        %dma_start3A_160 = tpu.memref_slice %arg4[%add3A_155, %dma_start3A_159] : memref<2560x128xi32, #tpu.memory_space<hbm>> -> memref<1x128xi32, #tpu.memory_space<hbm>>
        %dma_start3A_161 = tpu.memref_squeeze %dma_start3A_160 : memref<1x128xi32, #tpu.memory_space<hbm>> -> memref<128xi32, #tpu.memory_space<hbm>>
        tpu.enqueue_dma source(%dma_start3A_161 : memref<128xi32, #tpu.memory_space<hbm>>) target(%arg8 : memref<128xi32, #tpu.memory_space<vmem>>) target_semaphore(%arg13 : memref<!tpu.dma_semaphore, #tpu.memory_space<semaphore_mem>>)
        %add3A_162 = arith.constant 2 : i32
        %add3A_163 = arith.addi %add3A_111, %add3A_162 : i32
        %dma_start3A_164 = arith.constant 0 : i32
        %dma_start3A_165 = tpu.memref_slice %arg7[%add3A_163, %dma_start3A_164] : memref<80x128xi32, #tpu.memory_space<vmem>> -> memref<1x128xi32, #tpu.memory_space<vmem>>
        %dma_start3A_166 = tpu.memref_squeeze %dma_start3A_165 : memref<1x128xi32, #tpu.memory_space<vmem>> -> memref<128xi32, #tpu.memory_space<vmem>>
        %dma_start3A_167 = arith.constant 0 : i32
        %dma_start3A_168 = arith.constant 0 : i32
        %dma_start3A_169 = tpu.memref_slice %arg2[%dma_start3A_167, %dma_start3A_168] : memref<10240x128xf32, #tpu.memory_space<hbm>> -> memref<10240x128xf32, #tpu.memory_space<hbm>>
        tpu.enqueue_indirect_dma source(%dma_start3A_169 : memref<10240x128xf32, #tpu.memory_space<hbm>>) target(%arg10 : memref<128x128xf32, #tpu.memory_space<vmem>>) offsets(%dma_start3A_166 : memref<128xi32, #tpu.memory_space<vmem>>) semaphore(%arg13 : memref<!tpu.dma_semaphore, #tpu.memory_space<semaphore_mem>>)
      } else {
      }
      %mul3A_129 = arith.constant 2 : i32
      %mul3A_130 = arith.muli %mul3A_129, %while3A_106 : i32
      %add3A_131 = arith.constant 1 : i32
      %add3A_132 = arith.addi %mul3A_130, %add3A_131 : i32
      %add3A_133 = arith.addi %select_n3A, %add3A_132 : i32
      %dma_wait3A_134 = arith.constant 0 : i32
      %dma_wait3A_135 = tpu.memref_slice %arg4[%add3A_133, %dma_wait3A_134] : memref<2560x128xi32, #tpu.memory_space<hbm>> -> memref<1x128xi32, #tpu.memory_space<hbm>>
      %dma_wait3A_136 = tpu.memref_squeeze %dma_wait3A_135 : memref<1x128xi32, #tpu.memory_space<hbm>> -> memref<128xi32, #tpu.memory_space<hbm>>
      %dma_wait3A_137 = arith.constant 0 : i32
      %dma_wait3A_138 = tpu.memref_slice %arg4[%add3A_133, %dma_wait3A_137] : memref<2560x128xi32, #tpu.memory_space<hbm>> -> memref<1x128xi32, #tpu.memory_space<hbm>>
      %dma_wait3A_139 = tpu.memref_squeeze %dma_wait3A_138 : memref<1x128xi32, #tpu.memory_space<hbm>> -> memref<128xi32, #tpu.memory_space<hbm>>
      tpu.wait_dma2 semaphore(%arg14 : memref<!tpu.dma_semaphore, #tpu.memory_space<semaphore_mem>>) src(%dma_wait3A_139 : memref<128xi32, #tpu.memory_space<hbm>>) dst(%arg9 : memref<128xi32, #tpu.memory_space<vmem>>)
      %dma_wait3A_140 = arith.constant 0 : i32
      %dma_wait3A_141 = tpu.memref_slice %arg7[%add3A_132, %dma_wait3A_140] : memref<80x128xi32, #tpu.memory_space<vmem>> -> memref<1x128xi32, #tpu.memory_space<vmem>>
      %dma_wait3A_142 = tpu.memref_squeeze %dma_wait3A_141 : memref<1x128xi32, #tpu.memory_space<vmem>> -> memref<128xi32, #tpu.memory_space<vmem>>
      %dma_wait3A_143 = arith.constant 0 : i32
      %dma_wait3A_144 = arith.constant 0 : i32
      %dma_wait3A_145 = tpu.memref_slice %arg2[%dma_wait3A_143, %dma_wait3A_144] : memref<10240x128xf32, #tpu.memory_space<hbm>> -> memref<10240x128xf32, #tpu.memory_space<hbm>>
      tpu.wait_indirect_dma semaphore(%arg14 : memref<!tpu.dma_semaphore, #tpu.memory_space<semaphore_mem>>) src(%dma_wait3A_145 : memref<10240x128xf32, #tpu.memory_space<hbm>>) dst(%arg11 : memref<128x128xf32, #tpu.memory_space<vmem>>)
      "tpu.region"() ({
        %run_scoped3A = tpu.sem_alloc : memref<!tpu.dma_semaphore, #tpu.memory_space<semaphore_mem>>
        %dma_start3A_153 = arith.constant 0 : i32
        %dma_start3A_154 = arith.constant 0 : i32
        %dma_start3A_155 = tpu.memref_slice %arg12[%dma_start3A_153, %dma_start3A_154] : memref<10240x128xf32, #tpu.memory_space<vmem_shared>> -> memref<10240x128xf32, #tpu.memory_space<vmem_shared>>
        tpu.enqueue_indirect_dma source(%arg11 : memref<128x128xf32, #tpu.memory_space<vmem>>) target(%dma_start3A_155 : memref<10240x128xf32, #tpu.memory_space<vmem_shared>>) offsets(%arg9 : memref<128xi32, #tpu.memory_space<vmem>>) semaphore(%run_scoped3A : memref<!tpu.dma_semaphore, #tpu.memory_space<semaphore_mem>>) {add = true}
        %dma_wait3A_156 = arith.constant 0 : i32
        %dma_wait3A_157 = arith.constant 0 : i32
        %dma_wait3A_158 = tpu.memref_slice %arg12[%dma_wait3A_156, %dma_wait3A_157] : memref<10240x128xf32, #tpu.memory_space<vmem_shared>> -> memref<10240x128xf32, #tpu.memory_space<vmem_shared>>
        tpu.wait_indirect_dma semaphore(%run_scoped3A : memref<!tpu.dma_semaphore, #tpu.memory_space<semaphore_mem>>) src(%arg11 : memref<128x128xf32, #tpu.memory_space<vmem>>) dst(%dma_wait3A_158 : memref<10240x128xf32, #tpu.memory_space<vmem_shared>>)
        tpu.yield
      }) : () -> ()
      %add3A_146 = arith.constant 2 : i32
      %add3A_147 = arith.addi %add3A_132, %add3A_146 : i32
      %lt3A_148 = arith.cmpi slt, %add3A_147, %select_n3A_8 : i32
      %convert_element_type3A_149 = arith.extui %lt3A_148 : i1 to i32
      %cond3A_150 = arith.constant 0 : i32
      %cond3A_151 = arith.cmpi ne, %convert_element_type3A_149, %cond3A_150 : i32
      scf.if %cond3A_151 {
        %add3A_153 = arith.addi %select_n3A, %add3A_132 : i32
        %add3A_154 = arith.constant 2 : i32
        %add3A_155 = arith.addi %add3A_153, %add3A_154 : i32
        %dma_start3A_156 = arith.constant 0 : i32
        %dma_start3A_157 = tpu.memref_slice %arg4[%add3A_155, %dma_start3A_156] : memref<2560x128xi32, #tpu.memory_space<hbm>> -> memref<1x128xi32, #tpu.memory_space<hbm>>
        %dma_start3A_158 = tpu.memref_squeeze %dma_start3A_157 : memref<1x128xi32, #tpu.memory_space<hbm>> -> memref<128xi32, #tpu.memory_space<hbm>>
        %dma_start3A_159 = arith.constant 0 : i32
        %dma_start3A_160 = tpu.memref_slice %arg4[%add3A_155, %dma_start3A_159] : memref<2560x128xi32, #tpu.memory_space<hbm>> -> memref<1x128xi32, #tpu.memory_space<hbm>>
        %dma_start3A_161 = tpu.memref_squeeze %dma_start3A_160 : memref<1x128xi32, #tpu.memory_space<hbm>> -> memref<128xi32, #tpu.memory_space<hbm>>
        tpu.enqueue_dma source(%dma_start3A_161 : memref<128xi32, #tpu.memory_space<hbm>>) target(%arg9 : memref<128xi32, #tpu.memory_space<vmem>>) target_semaphore(%arg14 : memref<!tpu.dma_semaphore, #tpu.memory_space<semaphore_mem>>)
        %add3A_162 = arith.constant 2 : i32
        %add3A_163 = arith.addi %add3A_132, %add3A_162 : i32
        %dma_start3A_164 = arith.constant 0 : i32
        %dma_start3A_165 = tpu.memref_slice %arg7[%add3A_163, %dma_start3A_164] : memref<80x128xi32, #tpu.memory_space<vmem>> -> memref<1x128xi32, #tpu.memory_space<vmem>>
        %dma_start3A_166 = tpu.memref_squeeze %dma_start3A_165 : memref<1x128xi32, #tpu.memory_space<vmem>> -> memref<128xi32, #tpu.memory_space<vmem>>
        %dma_start3A_167 = arith.constant 0 : i32
        %dma_start3A_168 = arith.constant 0 : i32
        %dma_start3A_169 = tpu.memref_slice %arg2[%dma_start3A_167, %dma_start3A_168] : memref<10240x128xf32, #tpu.memory_space<hbm>> -> memref<10240x128xf32, #tpu.memory_space<hbm>>
        tpu.enqueue_indirect_dma source(%dma_start3A_169 : memref<10240x128xf32, #tpu.memory_space<hbm>>) target(%arg11 : memref<128x128xf32, #tpu.memory_space<vmem>>) offsets(%dma_start3A_166 : memref<128xi32, #tpu.memory_space<vmem>>) semaphore(%arg14 : memref<!tpu.dma_semaphore, #tpu.memory_space<semaphore_mem>>)
      } else {
      }
      %while3A_152 = arith.constant 0 : i32
      scf.yield %while3A_152 : i32
    }
    %while3A_83 = arith.constant 1 : i32
    %while3A_84 = scf.for %while3A_106 = %while3A_80 to %while3A_76 step %while3A_83 iter_args(%while3A_107 = %while3A_82) -> (i32)  : i32 {
      %mul3A_108 = arith.constant 2 : i32
      %mul3A_109 = arith.muli %mul3A_108, %while3A_106 : i32
      %add3A_110 = arith.constant 0 : i32
      %add3A_111 = arith.addi %mul3A_109, %add3A_110 : i32
      %add3A_112 = arith.addi %select_n3A, %add3A_111 : i32
      %dma_wait3A = arith.constant 0 : i32
      %dma_wait3A_113 = tpu.memref_slice %arg4[%add3A_112, %dma_wait3A] : memref<2560x128xi32, #tpu.memory_space<hbm>> -> memref<1x128xi32, #tpu.memory_space<hbm>>
      %dma_wait3A_114 = tpu.memref_squeeze %dma_wait3A_113 : memref<1x128xi32, #tpu.memory_space<hbm>> -> memref<128xi32, #tpu.memory_space<hbm>>
      %dma_wait3A_115 = arith.constant 0 : i32
      %dma_wait3A_116 = tpu.memref_slice %arg4[%add3A_112, %dma_wait3A_115] : memref<2560x128xi32, #tpu.memory_space<hbm>> -> memref<1x128xi32, #tpu.memory_space<hbm>>
      %dma_wait3A_117 = tpu.memref_squeeze %dma_wait3A_116 : memref<1x128xi32, #tpu.memory_space<hbm>> -> memref<128xi32, #tpu.memory_space<hbm>>
      tpu.wait_dma2 semaphore(%arg13 : memref<!tpu.dma_semaphore, #tpu.memory_space<semaphore_mem>>) src(%dma_wait3A_117 : memref<128xi32, #tpu.memory_space<hbm>>) dst(%arg8 : memref<128xi32, #tpu.memory_space<vmem>>)
      %dma_wait3A_118 = arith.constant 0 : i32
      %dma_wait3A_119 = tpu.memref_slice %arg7[%add3A_111, %dma_wait3A_118] : memref<80x128xi32, #tpu.memory_space<vmem>> -> memref<1x128xi32, #tpu.memory_space<vmem>>
      %dma_wait3A_120 = tpu.memref_squeeze %dma_wait3A_119 : memref<1x128xi32, #tpu.memory_space<vmem>> -> memref<128xi32, #tpu.memory_space<vmem>>
      %dma_wait3A_121 = arith.constant 0 : i32
      %dma_wait3A_122 = arith.constant 0 : i32
      %dma_wait3A_123 = tpu.memref_slice %arg2[%dma_wait3A_121, %dma_wait3A_122] : memref<10240x128xf32, #tpu.memory_space<hbm>> -> memref<10240x128xf32, #tpu.memory_space<hbm>>
      tpu.wait_indirect_dma semaphore(%arg13 : memref<!tpu.dma_semaphore, #tpu.memory_space<semaphore_mem>>) src(%dma_wait3A_123 : memref<10240x128xf32, #tpu.memory_space<hbm>>) dst(%arg10 : memref<128x128xf32, #tpu.memory_space<vmem>>)
      "tpu.region"() ({
        %run_scoped3A = tpu.sem_alloc : memref<!tpu.dma_semaphore, #tpu.memory_space<semaphore_mem>>
        %dma_start3A_153 = arith.constant 0 : i32
        %dma_start3A_154 = arith.constant 0 : i32
        %dma_start3A_155 = tpu.memref_slice %arg12[%dma_start3A_153, %dma_start3A_154] : memref<10240x128xf32, #tpu.memory_space<vmem_shared>> -> memref<10240x128xf32, #tpu.memory_space<vmem_shared>>
        tpu.enqueue_indirect_dma source(%arg10 : memref<128x128xf32, #tpu.memory_space<vmem>>) target(%dma_start3A_155 : memref<10240x128xf32, #tpu.memory_space<vmem_shared>>) offsets(%arg8 : memref<128xi32, #tpu.memory_space<vmem>>) semaphore(%run_scoped3A : memref<!tpu.dma_semaphore, #tpu.memory_space<semaphore_mem>>) {add = true}
        %dma_wait3A_156 = arith.constant 0 : i32
        %dma_wait3A_157 = arith.constant 0 : i32
        %dma_wait3A_158 = tpu.memref_slice %arg12[%dma_wait3A_156, %dma_wait3A_157] : memref<10240x128xf32, #tpu.memory_space<vmem_shared>> -> memref<10240x128xf32, #tpu.memory_space<vmem_shared>>
        tpu.wait_indirect_dma semaphore(%run_scoped3A : memref<!tpu.dma_semaphore, #tpu.memory_space<semaphore_mem>>) src(%arg10 : memref<128x128xf32, #tpu.memory_space<vmem>>) dst(%dma_wait3A_158 : memref<10240x128xf32, #tpu.memory_space<vmem_shared>>)
        tpu.yield
      }) : () -> ()
      %add3A_124 = arith.constant 2 : i32
      %add3A_125 = arith.addi %add3A_111, %add3A_124 : i32
      %lt3A = arith.cmpi slt, %add3A_125, %select_n3A_8 : i32
      %convert_element_type3A_126 = arith.extui %lt3A : i1 to i32
      %cond3A_127 = arith.constant 0 : i32
      %cond3A_128 = arith.cmpi ne, %convert_element_type3A_126, %cond3A_127 : i32
      scf.if %cond3A_128 {
        %add3A_153 = arith.addi %select_n3A, %add3A_111 : i32
        %add3A_154 = arith.constant 2 : i32
        %add3A_155 = arith.addi %add3A_153, %add3A_154 : i32
        %dma_start3A_156 = arith.constant 0 : i32
        %dma_start3A_157 = tpu.memref_slice %arg4[%add3A_155, %dma_start3A_156] : memref<2560x128xi32, #tpu.memory_space<hbm>> -> memref<1x128xi32, #tpu.memory_space<hbm>>
        %dma_start3A_158 = tpu.memref_squeeze %dma_start3A_157 : memref<1x128xi32, #tpu.memory_space<hbm>> -> memref<128xi32, #tpu.memory_space<hbm>>
        %dma_start3A_159 = arith.constant 0 : i32
        %dma_start3A_160 = tpu.memref_slice %arg4[%add3A_155, %dma_start3A_159] : memref<2560x128xi32, #tpu.memory_space<hbm>> -> memref<1x128xi32, #tpu.memory_space<hbm>>
        %dma_start3A_161 = tpu.memref_squeeze %dma_start3A_160 : memref<1x128xi32, #tpu.memory_space<hbm>> -> memref<128xi32, #tpu.memory_space<hbm>>
        tpu.enqueue_dma source(%dma_start3A_161 : memref<128xi32, #tpu.memory_space<hbm>>) target(%arg8 : memref<128xi32, #tpu.memory_space<vmem>>) target_semaphore(%arg13 : memref<!tpu.dma_semaphore, #tpu.memory_space<semaphore_mem>>)
        %add3A_162 = arith.constant 2 : i32
        %add3A_163 = arith.addi %add3A_111, %add3A_162 : i32
        %dma_start3A_164 = arith.constant 0 : i32
        %dma_start3A_165 = tpu.memref_slice %arg7[%add3A_163, %dma_start3A_164] : memref<80x128xi32, #tpu.memory_space<vmem>> -> memref<1x128xi32, #tpu.memory_space<vmem>>
        %dma_start3A_166 = tpu.memref_squeeze %dma_start3A_165 : memref<1x128xi32, #tpu.memory_space<vmem>> -> memref<128xi32, #tpu.memory_space<vmem>>
        %dma_start3A_167 = arith.constant 0 : i32
        %dma_start3A_168 = arith.constant 0 : i32
        %dma_start3A_169 = tpu.memref_slice %arg2[%dma_start3A_167, %dma_start3A_168] : memref<10240x128xf32, #tpu.memory_space<hbm>> -> memref<10240x128xf32, #tpu.memory_space<hbm>>
        tpu.enqueue_indirect_dma source(%dma_start3A_169 : memref<10240x128xf32, #tpu.memory_space<hbm>>) target(%arg10 : memref<128x128xf32, #tpu.memory_space<vmem>>) offsets(%dma_start3A_166 : memref<128xi32, #tpu.memory_space<vmem>>) semaphore(%arg13 : memref<!tpu.dma_semaphore, #tpu.memory_space<semaphore_mem>>)
      } else {
      }
      %mul3A_129 = arith.constant 2 : i32
      %mul3A_130 = arith.muli %mul3A_129, %while3A_106 : i32
      %add3A_131 = arith.constant 1 : i32
      %add3A_132 = arith.addi %mul3A_130, %add3A_131 : i32
      %add3A_133 = arith.addi %select_n3A, %add3A_132 : i32
      %dma_wait3A_134 = arith.constant 0 : i32
      %dma_wait3A_135 = tpu.memref_slice %arg4[%add3A_133, %dma_wait3A_134] : memref<2560x128xi32, #tpu.memory_space<hbm>> -> memref<1x128xi32, #tpu.memory_space<hbm>>
      %dma_wait3A_136 = tpu.memref_squeeze %dma_wait3A_135 : memref<1x128xi32, #tpu.memory_space<hbm>> -> memref<128xi32, #tpu.memory_space<hbm>>
      %dma_wait3A_137 = arith.constant 0 : i32
      %dma_wait3A_138 = tpu.memref_slice %arg4[%add3A_133, %dma_wait3A_137] : memref<2560x128xi32, #tpu.memory_space<hbm>> -> memref<1x128xi32, #tpu.memory_space<hbm>>
      %dma_wait3A_139 = tpu.memref_squeeze %dma_wait3A_138 : memref<1x128xi32, #tpu.memory_space<hbm>> -> memref<128xi32, #tpu.memory_space<hbm>>
      tpu.wait_dma2 semaphore(%arg14 : memref<!tpu.dma_semaphore, #tpu.memory_space<semaphore_mem>>) src(%dma_wait3A_139 : memref<128xi32, #tpu.memory_space<hbm>>) dst(%arg9 : memref<128xi32, #tpu.memory_space<vmem>>)
      %dma_wait3A_140 = arith.constant 0 : i32
      %dma_wait3A_141 = tpu.memref_slice %arg7[%add3A_132, %dma_wait3A_140] : memref<80x128xi32, #tpu.memory_space<vmem>> -> memref<1x128xi32, #tpu.memory_space<vmem>>
      %dma_wait3A_142 = tpu.memref_squeeze %dma_wait3A_141 : memref<1x128xi32, #tpu.memory_space<vmem>> -> memref<128xi32, #tpu.memory_space<vmem>>
      %dma_wait3A_143 = arith.constant 0 : i32
      %dma_wait3A_144 = arith.constant 0 : i32
      %dma_wait3A_145 = tpu.memref_slice %arg2[%dma_wait3A_143, %dma_wait3A_144] : memref<10240x128xf32, #tpu.memory_space<hbm>> -> memref<10240x128xf32, #tpu.memory_space<hbm>>
      tpu.wait_indirect_dma semaphore(%arg14 : memref<!tpu.dma_semaphore, #tpu.memory_space<semaphore_mem>>) src(%dma_wait3A_145 : memref<10240x128xf32, #tpu.memory_space<hbm>>) dst(%arg11 : memref<128x128xf32, #tpu.memory_space<vmem>>)
      "tpu.region"() ({
        %run_scoped3A = tpu.sem_alloc : memref<!tpu.dma_semaphore, #tpu.memory_space<semaphore_mem>>
        %dma_start3A_153 = arith.constant 0 : i32
        %dma_start3A_154 = arith.constant 0 : i32
        %dma_start3A_155 = tpu.memref_slice %arg12[%dma_start3A_153, %dma_start3A_154] : memref<10240x128xf32, #tpu.memory_space<vmem_shared>> -> memref<10240x128xf32, #tpu.memory_space<vmem_shared>>
        tpu.enqueue_indirect_dma source(%arg11 : memref<128x128xf32, #tpu.memory_space<vmem>>) target(%dma_start3A_155 : memref<10240x128xf32, #tpu.memory_space<vmem_shared>>) offsets(%arg9 : memref<128xi32, #tpu.memory_space<vmem>>) semaphore(%run_scoped3A : memref<!tpu.dma_semaphore, #tpu.memory_space<semaphore_mem>>) {add = true}
        %dma_wait3A_156 = arith.constant 0 : i32
        %dma_wait3A_157 = arith.constant 0 : i32
        %dma_wait3A_158 = tpu.memref_slice %arg12[%dma_wait3A_156, %dma_wait3A_157] : memref<10240x128xf32, #tpu.memory_space<vmem_shared>> -> memref<10240x128xf32, #tpu.memory_space<vmem_shared>>
        tpu.wait_indirect_dma semaphore(%run_scoped3A : memref<!tpu.dma_semaphore, #tpu.memory_space<semaphore_mem>>) src(%arg11 : memref<128x128xf32, #tpu.memory_space<vmem>>) dst(%dma_wait3A_158 : memref<10240x128xf32, #tpu.memory_space<vmem_shared>>)
        tpu.yield
      }) : () -> ()
      %add3A_146 = arith.constant 2 : i32
      %add3A_147 = arith.addi %add3A_132, %add3A_146 : i32
      %lt3A_148 = arith.cmpi slt, %add3A_147, %select_n3A_8 : i32
      %convert_element_type3A_149 = arith.extui %lt3A_148 : i1 to i32
      %cond3A_150 = arith.constant 0 : i32
      %cond3A_151 = arith.cmpi ne, %convert_element_type3A_149, %cond3A_150 : i32
      scf.if %cond3A_151 {
        %add3A_153 = arith.addi %select_n3A, %add3A_132 : i32
        %add3A_154 = arith.constant 2 : i32
        %add3A_155 = arith.addi %add3A_153, %add3A_154 : i32
        %dma_start3A_156 = arith.constant 0 : i32
        %dma_start3A_157 = tpu.memref_slice %arg4[%add3A_155, %dma_start3A_156] : memref<2560x128xi32, #tpu.memory_space<hbm>> -> memref<1x128xi32, #tpu.memory_space<hbm>>
        %dma_start3A_158 = tpu.memref_squeeze %dma_start3A_157 : memref<1x128xi32, #tpu.memory_space<hbm>> -> memref<128xi32, #tpu.memory_space<hbm>>
        %dma_start3A_159 = arith.constant 0 : i32
        %dma_start3A_160 = tpu.memref_slice %arg4[%add3A_155, %dma_start3A_159] : memref<2560x128xi32, #tpu.memory_space<hbm>> -> memref<1x128xi32, #tpu.memory_space<hbm>>
        %dma_start3A_161 = tpu.memref_squeeze %dma_start3A_160 : memref<1x128xi32, #tpu.memory_space<hbm>> -> memref<128xi32, #tpu.memory_space<hbm>>
        tpu.enqueue_dma source(%dma_start3A_161 : memref<128xi32, #tpu.memory_space<hbm>>) target(%arg9 : memref<128xi32, #tpu.memory_space<vmem>>) target_semaphore(%arg14 : memref<!tpu.dma_semaphore, #tpu.memory_space<semaphore_mem>>)
        %add3A_162 = arith.constant 2 : i32
        %add3A_163 = arith.addi %add3A_132, %add3A_162 : i32
        %dma_start3A_164 = arith.constant 0 : i32
        %dma_start3A_165 = tpu.memref_slice %arg7[%add3A_163, %dma_start3A_164] : memref<80x128xi32, #tpu.memory_space<vmem>> -> memref<1x128xi32, #tpu.memory_space<vmem>>
        %dma_start3A_166 = tpu.memref_squeeze %dma_start3A_165 : memref<1x128xi32, #tpu.memory_space<vmem>> -> memref<128xi32, #tpu.memory_space<vmem>>
        %dma_start3A_167 = arith.constant 0 : i32
        %dma_start3A_168 = arith.constant 0 : i32
        %dma_start3A_169 = tpu.memref_slice %arg2[%dma_start3A_167, %dma_start3A_168] : memref<10240x128xf32, #tpu.memory_space<hbm>> -> memref<10240x128xf32, #tpu.memory_space<hbm>>
        tpu.enqueue_indirect_dma source(%dma_start3A_169 : memref<10240x128xf32, #tpu.memory_space<hbm>>) target(%arg11 : memref<128x128xf32, #tpu.memory_space<vmem>>) offsets(%dma_start3A_166 : memref<128xi32, #tpu.memory_space<vmem>>) semaphore(%arg14 : memref<!tpu.dma_semaphore, #tpu.memory_space<semaphore_mem>>)
      } else {
      }
      %while3A_152 = arith.constant 0 : i32
      scf.yield %while3A_152 : i32
    }
    %barrier3A_85 = arith.constant 0 : index
    tpu.barrier barrier_id(%barrier3A_85)
    %add3A_86 = arith.constant 0 : i32
    %add3A_87 = arith.addi %mul3A_10, %add3A_86 : i32
    "tpu.region"() ({
      %run_scoped3A = tpu.sem_alloc : memref<!tpu.dma_semaphore, #tpu.memory_space<semaphore_mem>>
      %dma_start3A_106 = arith.constant 0 : i32
      %dma_start3A_107 = tpu.memref_slice %arg12[%add3A_87, %dma_start3A_106] : memref<10240x128xf32, #tpu.memory_space<vmem_shared>> -> memref<128x128xf32, #tpu.memory_space<vmem_shared>>
      %dma_start3A_108 = arith.constant 0 : i32
      %dma_start3A_109 = tpu.memref_slice %arg12[%add3A_87, %dma_start3A_108] : memref<10240x128xf32, #tpu.memory_space<vmem_shared>> -> memref<128x128xf32, #tpu.memory_space<vmem_shared>>
      tpu.enqueue_dma source(%dma_start3A_109 : memref<128x128xf32, #tpu.memory_space<vmem_shared>>) target(%arg10 : memref<128x128xf32, #tpu.memory_space<vmem>>) target_semaphore(%run_scoped3A : memref<!tpu.dma_semaphore, #tpu.memory_space<semaphore_mem>>)
      %dma_wait3A = arith.constant 0 : i32
      %dma_wait3A_110 = tpu.memref_slice %arg12[%add3A_87, %dma_wait3A] : memref<10240x128xf32, #tpu.memory_space<vmem_shared>> -> memref<128x128xf32, #tpu.memory_space<vmem_shared>>
      %dma_wait3A_111 = arith.constant 0 : i32
      %dma_wait3A_112 = tpu.memref_slice %arg12[%add3A_87, %dma_wait3A_111] : memref<10240x128xf32, #tpu.memory_space<vmem_shared>> -> memref<128x128xf32, #tpu.memory_space<vmem_shared>>
      tpu.wait_dma2 semaphore(%run_scoped3A : memref<!tpu.dma_semaphore, #tpu.memory_space<semaphore_mem>>) src(%dma_wait3A_112 : memref<128x128xf32, #tpu.memory_space<vmem_shared>>) dst(%arg10 : memref<128x128xf32, #tpu.memory_space<vmem>>)
      tpu.yield
    }) : () -> ()
    %add3A_88 = arith.constant 0 : i32
    %add3A_89 = arith.addi %mul3A_10, %add3A_88 : i32
    "tpu.region"() ({
      %run_scoped3A = tpu.sem_alloc : memref<!tpu.dma_semaphore, #tpu.memory_space<semaphore_mem>>
      %dma_start3A_106 = arith.constant 0 : i32
      %dma_start3A_107 = tpu.memref_slice %arg6[%arg0, %add3A_89, %dma_start3A_106] : memref<2x10240x128xf32, #tpu.memory_space<hbm>> -> memref<1x128x128xf32, #tpu.memory_space<hbm>>
      %dma_start3A_108 = tpu.memref_squeeze %dma_start3A_107 : memref<1x128x128xf32, #tpu.memory_space<hbm>> -> memref<128x128xf32, #tpu.memory_space<hbm>>
      %dma_start3A_109 = arith.constant 0 : i32
      %dma_start3A_110 = tpu.memref_slice %arg6[%arg0, %add3A_89, %dma_start3A_109] : memref<2x10240x128xf32, #tpu.memory_space<hbm>> -> memref<1x128x128xf32, #tpu.memory_space<hbm>>
      %dma_start3A_111 = tpu.memref_squeeze %dma_start3A_110 : memref<1x128x128xf32, #tpu.memory_space<hbm>> -> memref<128x128xf32, #tpu.memory_space<hbm>>
      tpu.enqueue_dma source(%arg10 : memref<128x128xf32, #tpu.memory_space<vmem>>) target(%dma_start3A_111 : memref<128x128xf32, #tpu.memory_space<hbm>>) target_semaphore(%run_scoped3A : memref<!tpu.dma_semaphore, #tpu.memory_space<semaphore_mem>>)
      %dma_wait3A = arith.constant 0 : i32
      %dma_wait3A_112 = tpu.memref_slice %arg6[%arg0, %add3A_89, %dma_wait3A] : memref<2x10240x128xf32, #tpu.memory_space<hbm>> -> memref<1x128x128xf32, #tpu.memory_space<hbm>>
      %dma_wait3A_113 = tpu.memref_squeeze %dma_wait3A_112 : memref<1x128x128xf32, #tpu.memory_space<hbm>> -> memref<128x128xf32, #tpu.memory_space<hbm>>
      %dma_wait3A_114 = arith.constant 0 : i32
      %dma_wait3A_115 = tpu.memref_slice %arg6[%arg0, %add3A_89, %dma_wait3A_114] : memref<2x10240x128xf32, #tpu.memory_space<hbm>> -> memref<1x128x128xf32, #tpu.memory_space<hbm>>
      %dma_wait3A_116 = tpu.memref_squeeze %dma_wait3A_115 : memref<1x128x128xf32, #tpu.memory_space<hbm>> -> memref<128x128xf32, #tpu.memory_space<hbm>>
      tpu.wait_dma2 semaphore(%run_scoped3A : memref<!tpu.dma_semaphore, #tpu.memory_space<semaphore_mem>>) src(%arg10 : memref<128x128xf32, #tpu.memory_space<vmem>>) dst(%dma_wait3A_116 : memref<128x128xf32, #tpu.memory_space<hbm>>)
      tpu.yield
    }) : () -> ()
    %add3A_90 = arith.constant 128 : i32
    %add3A_91 = arith.addi %mul3A_10, %add3A_90 : i32
    "tpu.region"() ({
      %run_scoped3A = tpu.sem_alloc : memref<!tpu.dma_semaphore, #tpu.memory_space<semaphore_mem>>
      %dma_start3A_106 = arith.constant 0 : i32
      %dma_start3A_107 = tpu.memref_slice %arg12[%add3A_91, %dma_start3A_106] : memref<10240x128xf32, #tpu.memory_space<vmem_shared>> -> memref<128x128xf32, #tpu.memory_space<vmem_shared>>
      %dma_start3A_108 = arith.constant 0 : i32
      %dma_start3A_109 = tpu.memref_slice %arg12[%add3A_91, %dma_start3A_108] : memref<10240x128xf32, #tpu.memory_space<vmem_shared>> -> memref<128x128xf32, #tpu.memory_space<vmem_shared>>
      tpu.enqueue_dma source(%dma_start3A_109 : memref<128x128xf32, #tpu.memory_space<vmem_shared>>) target(%arg10 : memref<128x128xf32, #tpu.memory_space<vmem>>) target_semaphore(%run_scoped3A : memref<!tpu.dma_semaphore, #tpu.memory_space<semaphore_mem>>)
      %dma_wait3A = arith.constant 0 : i32
      %dma_wait3A_110 = tpu.memref_slice %arg12[%add3A_91, %dma_wait3A] : memref<10240x128xf32, #tpu.memory_space<vmem_shared>> -> memref<128x128xf32, #tpu.memory_space<vmem_shared>>
      %dma_wait3A_111 = arith.constant 0 : i32
      %dma_wait3A_112 = tpu.memref_slice %arg12[%add3A_91, %dma_wait3A_111] : memref<10240x128xf32, #tpu.memory_space<vmem_shared>> -> memref<128x128xf32, #tpu.memory_space<vmem_shared>>
      tpu.wait_dma2 semaphore(%run_scoped3A : memref<!tpu.dma_semaphore, #tpu.memory_space<semaphore_mem>>) src(%dma_wait3A_112 : memref<128x128xf32, #tpu.memory_space<vmem_shared>>) dst(%arg10 : memref<128x128xf32, #tpu.memory_space<vmem>>)
      tpu.yield
    }) : () -> ()
    %add3A_92 = arith.constant 128 : i32
    %add3A_93 = arith.addi %mul3A_10, %add3A_92 : i32
    "tpu.region"() ({
      %run_scoped3A = tpu.sem_alloc : memref<!tpu.dma_semaphore, #tpu.memory_space<semaphore_mem>>
      %dma_start3A_106 = arith.constant 0 : i32
      %dma_start3A_107 = tpu.memref_slice %arg6[%arg0, %add3A_93, %dma_start3A_106] : memref<2x10240x128xf32, #tpu.memory_space<hbm>> -> memref<1x128x128xf32, #tpu.memory_space<hbm>>
      %dma_start3A_108 = tpu.memref_squeeze %dma_start3A_107 : memref<1x128x128xf32, #tpu.memory_space<hbm>> -> memref<128x128xf32, #tpu.memory_space<hbm>>
      %dma_start3A_109 = arith.constant 0 : i32
      %dma_start3A_110 = tpu.memref_slice %arg6[%arg0, %add3A_93, %dma_start3A_109] : memref<2x10240x128xf32, #tpu.memory_space<hbm>> -> memref<1x128x128xf32, #tpu.memory_space<hbm>>
      %dma_start3A_111 = tpu.memref_squeeze %dma_start3A_110 : memref<1x128x128xf32, #tpu.memory_space<hbm>> -> memref<128x128xf32, #tpu.memory_space<hbm>>
      tpu.enqueue_dma source(%arg10 : memref<128x128xf32, #tpu.memory_space<vmem>>) target(%dma_start3A_111 : memref<128x128xf32, #tpu.memory_space<hbm>>) target_semaphore(%run_scoped3A : memref<!tpu.dma_semaphore, #tpu.memory_space<semaphore_mem>>)
      %dma_wait3A = arith.constant 0 : i32
      %dma_wait3A_112 = tpu.memref_slice %arg6[%arg0, %add3A_93, %dma_wait3A] : memref<2x10240x128xf32, #tpu.memory_space<hbm>> -> memref<1x128x128xf32, #tpu.memory_space<hbm>>
      %dma_wait3A_113 = tpu.memref_squeeze %dma_wait3A_112 : memref<1x128x128xf32, #tpu.memory_space<hbm>> -> memref<128x128xf32, #tpu.memory_space<hbm>>
      %dma_wait3A_114 = arith.constant 0 : i32
      %dma_wait3A_115 = tpu.memref_slice %arg6[%arg0, %add3A_93, %dma_wait3A_114] : memref<2x10240x128xf32, #tpu.memory_space<hbm>> -> memref<1x128x128xf32, #tpu.memory_space<hbm>>
      %dma_wait3A_116 = tpu.memref_squeeze %dma_wait3A_115 : memref<1x128x128xf32, #tpu.memory_space<hbm>> -> memref<128x128xf32, #tpu.memory_space<hbm>>
      tpu.wait_dma2 semaphore(%run_scoped3A : memref<!tpu.dma_semaphore, #tpu.memory_space<semaphore_mem>>) src(%arg10 : memref<128x128xf32, #tpu.memory_space<vmem>>) dst(%dma_wait3A_116 : memref<128x128xf32, #tpu.memory_space<hbm>>)
      tpu.yield
    }) : () -> ()
    %add3A_94 = arith.constant 256 : i32
    %add3A_95 = arith.addi %mul3A_10, %add3A_94 : i32
    "tpu.region"() ({
      %run_scoped3A = tpu.sem_alloc : memref<!tpu.dma_semaphore, #tpu.memory_space<semaphore_mem>>
      %dma_start3A_106 = arith.constant 0 : i32
      %dma_start3A_107 = tpu.memref_slice %arg12[%add3A_95, %dma_start3A_106] : memref<10240x128xf32, #tpu.memory_space<vmem_shared>> -> memref<128x128xf32, #tpu.memory_space<vmem_shared>>
      %dma_start3A_108 = arith.constant 0 : i32
      %dma_start3A_109 = tpu.memref_slice %arg12[%add3A_95, %dma_start3A_108] : memref<10240x128xf32, #tpu.memory_space<vmem_shared>> -> memref<128x128xf32, #tpu.memory_space<vmem_shared>>
      tpu.enqueue_dma source(%dma_start3A_109 : memref<128x128xf32, #tpu.memory_space<vmem_shared>>) target(%arg10 : memref<128x128xf32, #tpu.memory_space<vmem>>) target_semaphore(%run_scoped3A : memref<!tpu.dma_semaphore, #tpu.memory_space<semaphore_mem>>)
      %dma_wait3A = arith.constant 0 : i32
      %dma_wait3A_110 = tpu.memref_slice %arg12[%add3A_95, %dma_wait3A] : memref<10240x128xf32, #tpu.memory_space<vmem_shared>> -> memref<128x128xf32, #tpu.memory_space<vmem_shared>>
      %dma_wait3A_111 = arith.constant 0 : i32
      %dma_wait3A_112 = tpu.memref_slice %arg12[%add3A_95, %dma_wait3A_111] : memref<10240x128xf32, #tpu.memory_space<vmem_shared>> -> memref<128x128xf32, #tpu.memory_space<vmem_shared>>
      tpu.wait_dma2 semaphore(%run_scoped3A : memref<!tpu.dma_semaphore, #tpu.memory_space<semaphore_mem>>) src(%dma_wait3A_112 : memref<128x128xf32, #tpu.memory_space<vmem_shared>>) dst(%arg10 : memref<128x128xf32, #tpu.memory_space<vmem>>)
      tpu.yield
    }) : () -> ()
    %add3A_96 = arith.constant 256 : i32
    %add3A_97 = arith.addi %mul3A_10, %add3A_96 : i32
    "tpu.region"() ({
      %run_scoped3A = tpu.sem_alloc : memref<!tpu.dma_semaphore, #tpu.memory_space<semaphore_mem>>
      %dma_start3A_106 = arith.constant 0 : i32
      %dma_start3A_107 = tpu.memref_slice %arg6[%arg0, %add3A_97, %dma_start3A_106] : memref<2x10240x128xf32, #tpu.memory_space<hbm>> -> memref<1x128x128xf32, #tpu.memory_space<hbm>>
      %dma_start3A_108 = tpu.memref_squeeze %dma_start3A_107 : memref<1x128x128xf32, #tpu.memory_space<hbm>> -> memref<128x128xf32, #tpu.memory_space<hbm>>
      %dma_start3A_109 = arith.constant 0 : i32
      %dma_start3A_110 = tpu.memref_slice %arg6[%arg0, %add3A_97, %dma_start3A_109] : memref<2x10240x128xf32, #tpu.memory_space<hbm>> -> memref<1x128x128xf32, #tpu.memory_space<hbm>>
      %dma_start3A_111 = tpu.memref_squeeze %dma_start3A_110 : memref<1x128x128xf32, #tpu.memory_space<hbm>> -> memref<128x128xf32, #tpu.memory_space<hbm>>
      tpu.enqueue_dma source(%arg10 : memref<128x128xf32, #tpu.memory_space<vmem>>) target(%dma_start3A_111 : memref<128x128xf32, #tpu.memory_space<hbm>>) target_semaphore(%run_scoped3A : memref<!tpu.dma_semaphore, #tpu.memory_space<semaphore_mem>>)
      %dma_wait3A = arith.constant 0 : i32
      %dma_wait3A_112 = tpu.memref_slice %arg6[%arg0, %add3A_97, %dma_wait3A] : memref<2x10240x128xf32, #tpu.memory_space<hbm>> -> memref<1x128x128xf32, #tpu.memory_space<hbm>>
      %dma_wait3A_113 = tpu.memref_squeeze %dma_wait3A_112 : memref<1x128x128xf32, #tpu.memory_space<hbm>> -> memref<128x128xf32, #tpu.memory_space<hbm>>
      %dma_wait3A_114 = arith.constant 0 : i32
      %dma_wait3A_115 = tpu.memref_slice %arg6[%arg0, %add3A_97, %dma_wait3A_114] : memref<2x10240x128xf32, #tpu.memory_space<hbm>> -> memref<1x128x128xf32, #tpu.memory_space<hbm>>
      %dma_wait3A_116 = tpu.memref_squeeze %dma_wait3A_115 : memref<1x128x128xf32, #tpu.memory_space<hbm>> -> memref<128x128xf32, #tpu.memory_space<hbm>>
      tpu.wait_dma2 semaphore(%run_scoped3A : memref<!tpu.dma_semaphore, #tpu.memory_space<semaphore_mem>>) src(%arg10 : memref<128x128xf32, #tpu.memory_space<vmem>>) dst(%dma_wait3A_116 : memref<128x128xf32, #tpu.memory_space<hbm>>)
      tpu.yield
    }) : () -> ()
    %add3A_98 = arith.constant 384 : i32
    %add3A_99 = arith.addi %mul3A_10, %add3A_98 : i32
    "tpu.region"() ({
      %run_scoped3A = tpu.sem_alloc : memref<!tpu.dma_semaphore, #tpu.memory_space<semaphore_mem>>
      %dma_start3A_106 = arith.constant 0 : i32
      %dma_start3A_107 = tpu.memref_slice %arg12[%add3A_99, %dma_start3A_106] : memref<10240x128xf32, #tpu.memory_space<vmem_shared>> -> memref<128x128xf32, #tpu.memory_space<vmem_shared>>
      %dma_start3A_108 = arith.constant 0 : i32
      %dma_start3A_109 = tpu.memref_slice %arg12[%add3A_99, %dma_start3A_108] : memref<10240x128xf32, #tpu.memory_space<vmem_shared>> -> memref<128x128xf32, #tpu.memory_space<vmem_shared>>
      tpu.enqueue_dma source(%dma_start3A_109 : memref<128x128xf32, #tpu.memory_space<vmem_shared>>) target(%arg10 : memref<128x128xf32, #tpu.memory_space<vmem>>) target_semaphore(%run_scoped3A : memref<!tpu.dma_semaphore, #tpu.memory_space<semaphore_mem>>)
      %dma_wait3A = arith.constant 0 : i32
      %dma_wait3A_110 = tpu.memref_slice %arg12[%add3A_99, %dma_wait3A] : memref<10240x128xf32, #tpu.memory_space<vmem_shared>> -> memref<128x128xf32, #tpu.memory_space<vmem_shared>>
      %dma_wait3A_111 = arith.constant 0 : i32
      %dma_wait3A_112 = tpu.memref_slice %arg12[%add3A_99, %dma_wait3A_111] : memref<10240x128xf32, #tpu.memory_space<vmem_shared>> -> memref<128x128xf32, #tpu.memory_space<vmem_shared>>
      tpu.wait_dma2 semaphore(%run_scoped3A : memref<!tpu.dma_semaphore, #tpu.memory_space<semaphore_mem>>) src(%dma_wait3A_112 : memref<128x128xf32, #tpu.memory_space<vmem_shared>>) dst(%arg10 : memref<128x128xf32, #tpu.memory_space<vmem>>)
      tpu.yield
    }) : () -> ()
    %add3A_100 = arith.constant 384 : i32
    %add3A_101 = arith.addi %mul3A_10, %add3A_100 : i32
    "tpu.region"() ({
      %run_scoped3A = tpu.sem_alloc : memref<!tpu.dma_semaphore, #tpu.memory_space<semaphore_mem>>
      %dma_start3A_106 = arith.constant 0 : i32
      %dma_start3A_107 = tpu.memref_slice %arg6[%arg0, %add3A_101, %dma_start3A_106] : memref<2x10240x128xf32, #tpu.memory_space<hbm>> -> memref<1x128x128xf32, #tpu.memory_space<hbm>>
      %dma_start3A_108 = tpu.memref_squeeze %dma_start3A_107 : memref<1x128x128xf32, #tpu.memory_space<hbm>> -> memref<128x128xf32, #tpu.memory_space<hbm>>
      %dma_start3A_109 = arith.constant 0 : i32
      %dma_start3A_110 = tpu.memref_slice %arg6[%arg0, %add3A_101, %dma_start3A_109] : memref<2x10240x128xf32, #tpu.memory_space<hbm>> -> memref<1x128x128xf32, #tpu.memory_space<hbm>>
      %dma_start3A_111 = tpu.memref_squeeze %dma_start3A_110 : memref<1x128x128xf32, #tpu.memory_space<hbm>> -> memref<128x128xf32, #tpu.memory_space<hbm>>
      tpu.enqueue_dma source(%arg10 : memref<128x128xf32, #tpu.memory_space<vmem>>) target(%dma_start3A_111 : memref<128x128xf32, #tpu.memory_space<hbm>>) target_semaphore(%run_scoped3A : memref<!tpu.dma_semaphore, #tpu.memory_space<semaphore_mem>>)
      %dma_wait3A = arith.constant 0 : i32
      %dma_wait3A_112 = tpu.memref_slice %arg6[%arg0, %add3A_101, %dma_wait3A] : memref<2x10240x128xf32, #tpu.memory_space<hbm>> -> memref<1x128x128xf32, #tpu.memory_space<hbm>>
      %dma_wait3A_113 = tpu.memref_squeeze %dma_wait3A_112 : memref<1x128x128xf32, #tpu.memory_space<hbm>> -> memref<128x128xf32, #tpu.memory_space<hbm>>
      %dma_wait3A_114 = arith.constant 0 : i32
      %dma_wait3A_115 = tpu.memref_slice %arg6[%arg0, %add3A_101, %dma_wait3A_114] : memref<2x10240x128xf32, #tpu.memory_space<hbm>> -> memref<1x128x128xf32, #tpu.memory_space<hbm>>
      %dma_wait3A_116 = tpu.memref_squeeze %dma_wait3A_115 : memref<1x128x128xf32, #tpu.memory_space<hbm>> -> memref<128x128xf32, #tpu.memory_space<hbm>>
      tpu.wait_dma2 semaphore(%run_scoped3A : memref<!tpu.dma_semaphore, #tpu.memory_space<semaphore_mem>>) src(%arg10 : memref<128x128xf32, #tpu.memory_space<vmem>>) dst(%dma_wait3A_116 : memref<128x128xf32, #tpu.memory_space<hbm>>)
      tpu.yield
    }) : () -> ()
    %add3A_102 = arith.constant 512 : i32
    %add3A_103 = arith.addi %mul3A_10, %add3A_102 : i32
    "tpu.region"() ({
      %run_scoped3A = tpu.sem_alloc : memref<!tpu.dma_semaphore, #tpu.memory_space<semaphore_mem>>
      %dma_start3A_106 = arith.constant 0 : i32
      %dma_start3A_107 = tpu.memref_slice %arg12[%add3A_103, %dma_start3A_106] : memref<10240x128xf32, #tpu.memory_space<vmem_shared>> -> memref<128x128xf32, #tpu.memory_space<vmem_shared>>
      %dma_start3A_108 = arith.constant 0 : i32
      %dma_start3A_109 = tpu.memref_slice %arg12[%add3A_103, %dma_start3A_108] : memref<10240x128xf32, #tpu.memory_space<vmem_shared>> -> memref<128x128xf32, #tpu.memory_space<vmem_shared>>
      tpu.enqueue_dma source(%dma_start3A_109 : memref<128x128xf32, #tpu.memory_space<vmem_shared>>) target(%arg10 : memref<128x128xf32, #tpu.memory_space<vmem>>) target_semaphore(%run_scoped3A : memref<!tpu.dma_semaphore, #tpu.memory_space<semaphore_mem>>)
      %dma_wait3A = arith.constant 0 : i32
      %dma_wait3A_110 = tpu.memref_slice %arg12[%add3A_103, %dma_wait3A] : memref<10240x128xf32, #tpu.memory_space<vmem_shared>> -> memref<128x128xf32, #tpu.memory_space<vmem_shared>>
      %dma_wait3A_111 = arith.constant 0 : i32
      %dma_wait3A_112 = tpu.memref_slice %arg12[%add3A_103, %dma_wait3A_111] : memref<10240x128xf32, #tpu.memory_space<vmem_shared>> -> memref<128x128xf32, #tpu.memory_space<vmem_shared>>
      tpu.wait_dma2 semaphore(%run_scoped3A : memref<!tpu.dma_semaphore, #tpu.memory_space<semaphore_mem>>) src(%dma_wait3A_112 : memref<128x128xf32, #tpu.memory_space<vmem_shared>>) dst(%arg10 : memref<128x128xf32, #tpu.memory_space<vmem>>)
      tpu.yield
    }) : () -> ()
    %add3A_104 = arith.constant 512 : i32
    %add3A_105 = arith.addi %mul3A_10, %add3A_104 : i32
    "tpu.region"() ({
      %run_scoped3A = tpu.sem_alloc : memref<!tpu.dma_semaphore, #tpu.memory_space<semaphore_mem>>
      %dma_start3A_106 = arith.constant 0 : i32
      %dma_start3A_107 = tpu.memref_slice %arg6[%arg0, %add3A_105, %dma_start3A_106] : memref<2x10240x128xf32, #tpu.memory_space<hbm>> -> memref<1x128x128xf32, #tpu.memory_space<hbm>>
      %dma_start3A_108 = tpu.memref_squeeze %dma_start3A_107 : memref<1x128x128xf32, #tpu.memory_space<hbm>> -> memref<128x128xf32, #tpu.memory_space<hbm>>
      %dma_start3A_109 = arith.constant 0 : i32
      %dma_start3A_110 = tpu.memref_slice %arg6[%arg0, %add3A_105, %dma_start3A_109] : memref<2x10240x128xf32, #tpu.memory_space<hbm>> -> memref<1x128x128xf32, #tpu.memory_space<hbm>>
      %dma_start3A_111 = tpu.memref_squeeze %dma_start3A_110 : memref<1x128x128xf32, #tpu.memory_space<hbm>> -> memref<128x128xf32, #tpu.memory_space<hbm>>
      tpu.enqueue_dma source(%arg10 : memref<128x128xf32, #tpu.memory_space<vmem>>) target(%dma_start3A_111 : memref<128x128xf32, #tpu.memory_space<hbm>>) target_semaphore(%run_scoped3A : memref<!tpu.dma_semaphore, #tpu.memory_space<semaphore_mem>>)
      %dma_wait3A = arith.constant 0 : i32
      %dma_wait3A_112 = tpu.memref_slice %arg6[%arg0, %add3A_105, %dma_wait3A] : memref<2x10240x128xf32, #tpu.memory_space<hbm>> -> memref<1x128x128xf32, #tpu.memory_space<hbm>>
      %dma_wait3A_113 = tpu.memref_squeeze %dma_wait3A_112 : memref<1x128x128xf32, #tpu.memory_space<hbm>> -> memref<128x128xf32, #tpu.memory_space<hbm>>
      %dma_wait3A_114 = arith.constant 0 : i32
      %dma_wait3A_115 = tpu.memref_slice %arg6[%arg0, %add3A_105, %dma_wait3A_114] : memref<2x10240x128xf32, #tpu.memory_space<hbm>> -> memref<1x128x128xf32, #tpu.memory_space<hbm>>
      %dma_wait3A_116 = tpu.memref_squeeze %dma_wait3A_115 : memref<1x128x128xf32, #tpu.memory_space<hbm>> -> memref<128x128xf32, #tpu.memory_space<hbm>>
      tpu.wait_dma2 semaphore(%run_scoped3A : memref<!tpu.dma_semaphore, #tpu.memory_space<semaphore_mem>>) src(%arg10 : memref<128x128xf32, #tpu.memory_space<vmem>>) dst(%dma_wait3A_116 : memref<128x128xf32, #tpu.memory_space<hbm>>)
      tpu.yield
    }) : () -> ()
    return
  }
}

#map = affine_map<(d0, d1) -> (0, 0)>
#map1 = affine_map<(d0, d1) -> (0, 0, 0)>
module attributes {stable_mosaic.version = 14 : i64} {
  func.func @_sc_scatter_body(%arg0: i32, %arg1: i32, %arg2: memref<10240x128xf32, #tpu.memory_space<hbm>>, %arg3: memref<2560x128xi32, #tpu.memory_space<hbm>>, %arg4: memref<2560x128xi32, #tpu.memory_space<hbm>>, %arg5: memref<128x128xf32, #tpu.memory_space<hbm>>, %arg6: memref<2x10240x128xf32, #tpu.memory_space<hbm>>, %arg7: memref<80x128xi32, #tpu.memory_space<vmem>>, %arg8: memref<128xi32, #tpu.memory_space<vmem>>, %arg9: memref<128xi32, #tpu.memory_space<vmem>>, %arg10: memref<128x128xf32, #tpu.memory_space<vmem>>, %arg11: memref<128x128xf32, #tpu.memory_space<vmem>>, %arg12: memref<10240x128xf32, #tpu.memory_space<vmem_shared>>, %arg13: memref<!tpu.dma_semaphore, #tpu.memory_space<semaphore_mem>>, %arg14: memref<!tpu.dma_semaphore, #tpu.memory_space<semaphore_mem>>) attributes {dimension_semantics = [#tpu.dimension_semantics<core_parallel>, #tpu.dimension_semantics<subcore_parallel>], iteration_bounds = array<i64: 2, 16>, scalar_prefetch = 0 : i64, scratch_operands = 8 : i64, tpu.core_type = #tpu.core_type<sc_vector_subcore>, window_params = [{transform_indices = #map}, {transform_indices = #map}, {transform_indices = #map}, {transform_indices = #map}, {transform_indices = #map1}]} {
    %eq3A = arith.constant 0 : i32
    %eq3A_0 = arith.cmpi eq, %arg0, %eq3A : i32
    %mul3A = arith.constant 80 : i32
    %mul3A_1 = arith.muli %arg1, %mul3A : i32
    %mul3A_2 = arith.constant 80 : i32
    %mul3A_3 = arith.muli %arg1, %mul3A_2 : i32
    %add3A = arith.constant 1280 : i32
    %add3A_4 = arith.addi %add3A, %mul3A_3 : i32
    %select_n3A = arith.select %eq3A_0, %mul3A_1, %add3A_4 : i32
    %eq3A_5 = arith.constant 0 : i32
    %eq3A_6 = arith.cmpi eq, %arg0, %eq3A_5 : i32
    %jit3A = arith.constant 80 : i32
    %jit3A_7 = arith.constant 80 : i32
    %select_n3A_8 = arith.select %eq3A_6, %jit3A, %jit3A_7 : i32
    "tpu.region"() ({
      %run_scoped3A = tpu.sem_alloc : memref<!tpu.dma_semaphore, #tpu.memory_space<semaphore_mem>>
      tpu.enqueue_dma source(%arg5 : memref<128x128xf32, #tpu.memory_space<hbm>>) target(%arg10 : memref<128x128xf32, #tpu.memory_space<vmem>>) target_semaphore(%run_scoped3A : memref<!tpu.dma_semaphore, #tpu.memory_space<semaphore_mem>>)
      tpu.wait_dma2 semaphore(%run_scoped3A : memref<!tpu.dma_semaphore, #tpu.memory_space<semaphore_mem>>) src(%arg5 : memref<128x128xf32, #tpu.memory_space<hbm>>) dst(%arg10 : memref<128x128xf32, #tpu.memory_space<vmem>>)
      tpu.yield
    }) : () -> ()
    %mul3A_9 = arith.constant 640 : i32
    %mul3A_10 = arith.muli %arg1, %mul3A_9 : i32
    %add3A_11 = arith.constant 0 : i32
    %add3A_12 = arith.addi %mul3A_10, %add3A_11 : i32
    "tpu.region"() ({
      %run_scoped3A = tpu.sem_alloc : memref<!tpu.dma_semaphore, #tpu.memory_space<semaphore_mem>>
      %dma_start3A_106 = arith.constant 0 : i32
      %dma_start3A_107 = tpu.memref_slice %arg12[%add3A_12, %dma_start3A_106] : memref<10240x128xf32, #tpu.memory_space<vmem_shared>> -> memref<128x128xf32, #tpu.memory_space<vmem_shared>>
      %dma_start3A_108 = arith.constant 0 : i32
      %dma_start3A_109 = tpu.memref_slice %arg12[%add3A_12, %dma_start3A_108] : memref<10240x128xf32, #tpu.memory_space<vmem_shared>> -> memref<128x128xf32, #tpu.memory_space<vmem_shared>>
      tpu.enqueue_dma source(%arg10 : memref<128x128xf32, #tpu.memory_space<vmem>>) target(%dma_start3A_109 : memref<128x128xf32, #tpu.memory_space<vmem_shared>>) target_semaphore(%run_scoped3A : memref<!tpu.dma_semaphore, #tpu.memory_space<semaphore_mem>>)
      %dma_wait3A = arith.constant 0 : i32
      %dma_wait3A_110 = tpu.memref_slice %arg12[%add3A_12, %dma_wait3A] : memref<10240x128xf32, #tpu.memory_space<vmem_shared>> -> memref<128x128xf32, #tpu.memory_space<vmem_shared>>
      %dma_wait3A_111 = arith.constant 0 : i32
      %dma_wait3A_112 = tpu.memref_slice %arg12[%add3A_12, %dma_wait3A_111] : memref<10240x128xf32, #tpu.memory_space<vmem_shared>> -> memref<128x128xf32, #tpu.memory_space<vmem_shared>>
      tpu.wait_dma2 semaphore(%run_scoped3A : memref<!tpu.dma_semaphore, #tpu.memory_space<semaphore_mem>>) src(%arg10 : memref<128x128xf32, #tpu.memory_space<vmem>>) dst(%dma_wait3A_112 : memref<128x128xf32, #tpu.memory_space<vmem_shared>>)
      tpu.yield
    }) : () -> ()
    %add3A_13 = arith.constant 128 : i32
    %add3A_14 = arith.addi %mul3A_10, %add3A_13 : i32
    "tpu.region"() ({
      %run_scoped3A = tpu.sem_alloc : memref<!tpu.dma_semaphore, #tpu.memory_space<semaphore_mem>>
      %dma_start3A_106 = arith.constant 0 : i32
      %dma_start3A_107 = tpu.memref_slice %arg12[%add3A_14, %dma_start3A_106] : memref<10240x128xf32, #tpu.memory_space<vmem_shared>> -> memref<128x128xf32, #tpu.memory_space<vmem_shared>>
      %dma_start3A_108 = arith.constant 0 : i32
      %dma_start3A_109 = tpu.memref_slice %arg12[%add3A_14, %dma_start3A_108] : memref<10240x128xf32, #tpu.memory_space<vmem_shared>> -> memref<128x128xf32, #tpu.memory_space<vmem_shared>>
      tpu.enqueue_dma source(%arg10 : memref<128x128xf32, #tpu.memory_space<vmem>>) target(%dma_start3A_109 : memref<128x128xf32, #tpu.memory_space<vmem_shared>>) target_semaphore(%run_scoped3A : memref<!tpu.dma_semaphore, #tpu.memory_space<semaphore_mem>>)
      %dma_wait3A = arith.constant 0 : i32
      %dma_wait3A_110 = tpu.memref_slice %arg12[%add3A_14, %dma_wait3A] : memref<10240x128xf32, #tpu.memory_space<vmem_shared>> -> memref<128x128xf32, #tpu.memory_space<vmem_shared>>
      %dma_wait3A_111 = arith.constant 0 : i32
      %dma_wait3A_112 = tpu.memref_slice %arg12[%add3A_14, %dma_wait3A_111] : memref<10240x128xf32, #tpu.memory_space<vmem_shared>> -> memref<128x128xf32, #tpu.memory_space<vmem_shared>>
      tpu.wait_dma2 semaphore(%run_scoped3A : memref<!tpu.dma_semaphore, #tpu.memory_space<semaphore_mem>>) src(%arg10 : memref<128x128xf32, #tpu.memory_space<vmem>>) dst(%dma_wait3A_112 : memref<128x128xf32, #tpu.memory_space<vmem_shared>>)
      tpu.yield
    }) : () -> ()
    %add3A_15 = arith.constant 256 : i32
    %add3A_16 = arith.addi %mul3A_10, %add3A_15 : i32
    "tpu.region"() ({
      %run_scoped3A = tpu.sem_alloc : memref<!tpu.dma_semaphore, #tpu.memory_space<semaphore_mem>>
      %dma_start3A_106 = arith.constant 0 : i32
      %dma_start3A_107 = tpu.memref_slice %arg12[%add3A_16, %dma_start3A_106] : memref<10240x128xf32, #tpu.memory_space<vmem_shared>> -> memref<128x128xf32, #tpu.memory_space<vmem_shared>>
      %dma_start3A_108 = arith.constant 0 : i32
      %dma_start3A_109 = tpu.memref_slice %arg12[%add3A_16, %dma_start3A_108] : memref<10240x128xf32, #tpu.memory_space<vmem_shared>> -> memref<128x128xf32, #tpu.memory_space<vmem_shared>>
      tpu.enqueue_dma source(%arg10 : memref<128x128xf32, #tpu.memory_space<vmem>>) target(%dma_start3A_109 : memref<128x128xf32, #tpu.memory_space<vmem_shared>>) target_semaphore(%run_scoped3A : memref<!tpu.dma_semaphore, #tpu.memory_space<semaphore_mem>>)
      %dma_wait3A = arith.constant 0 : i32
      %dma_wait3A_110 = tpu.memref_slice %arg12[%add3A_16, %dma_wait3A] : memref<10240x128xf32, #tpu.memory_space<vmem_shared>> -> memref<128x128xf32, #tpu.memory_space<vmem_shared>>
      %dma_wait3A_111 = arith.constant 0 : i32
      %dma_wait3A_112 = tpu.memref_slice %arg12[%add3A_16, %dma_wait3A_111] : memref<10240x128xf32, #tpu.memory_space<vmem_shared>> -> memref<128x128xf32, #tpu.memory_space<vmem_shared>>
      tpu.wait_dma2 semaphore(%run_scoped3A : memref<!tpu.dma_semaphore, #tpu.memory_space<semaphore_mem>>) src(%arg10 : memref<128x128xf32, #tpu.memory_space<vmem>>) dst(%dma_wait3A_112 : memref<128x128xf32, #tpu.memory_space<vmem_shared>>)
      tpu.yield
    }) : () -> ()
    %add3A_17 = arith.constant 384 : i32
    %add3A_18 = arith.addi %mul3A_10, %add3A_17 : i32
    "tpu.region"() ({
      %run_scoped3A = tpu.sem_alloc : memref<!tpu.dma_semaphore, #tpu.memory_space<semaphore_mem>>
      %dma_start3A_106 = arith.constant 0 : i32
      %dma_start3A_107 = tpu.memref_slice %arg12[%add3A_18, %dma_start3A_106] : memref<10240x128xf32, #tpu.memory_space<vmem_shared>> -> memref<128x128xf32, #tpu.memory_space<vmem_shared>>
      %dma_start3A_108 = arith.constant 0 : i32
      %dma_start3A_109 = tpu.memref_slice %arg12[%add3A_18, %dma_start3A_108] : memref<10240x128xf32, #tpu.memory_space<vmem_shared>> -> memref<128x128xf32, #tpu.memory_space<vmem_shared>>
      tpu.enqueue_dma source(%arg10 : memref<128x128xf32, #tpu.memory_space<vmem>>) target(%dma_start3A_109 : memref<128x128xf32, #tpu.memory_space<vmem_shared>>) target_semaphore(%run_scoped3A : memref<!tpu.dma_semaphore, #tpu.memory_space<semaphore_mem>>)
      %dma_wait3A = arith.constant 0 : i32
      %dma_wait3A_110 = tpu.memref_slice %arg12[%add3A_18, %dma_wait3A] : memref<10240x128xf32, #tpu.memory_space<vmem_shared>> -> memref<128x128xf32, #tpu.memory_space<vmem_shared>>
      %dma_wait3A_111 = arith.constant 0 : i32
      %dma_wait3A_112 = tpu.memref_slice %arg12[%add3A_18, %dma_wait3A_111] : memref<10240x128xf32, #tpu.memory_space<vmem_shared>> -> memref<128x128xf32, #tpu.memory_space<vmem_shared>>
      tpu.wait_dma2 semaphore(%run_scoped3A : memref<!tpu.dma_semaphore, #tpu.memory_space<semaphore_mem>>) src(%arg10 : memref<128x128xf32, #tpu.memory_space<vmem>>) dst(%dma_wait3A_112 : memref<128x128xf32, #tpu.memory_space<vmem_shared>>)
      tpu.yield
    }) : () -> ()
    %add3A_19 = arith.constant 512 : i32
    %add3A_20 = arith.addi %mul3A_10, %add3A_19 : i32
    "tpu.region"() ({
      %run_scoped3A = tpu.sem_alloc : memref<!tpu.dma_semaphore, #tpu.memory_space<semaphore_mem>>
      %dma_start3A_106 = arith.constant 0 : i32
      %dma_start3A_107 = tpu.memref_slice %arg12[%add3A_20, %dma_start3A_106] : memref<10240x128xf32, #tpu.memory_space<vmem_shared>> -> memref<128x128xf32, #tpu.memory_space<vmem_shared>>
      %dma_start3A_108 = arith.constant 0 : i32
      %dma_start3A_109 = tpu.memref_slice %arg12[%add3A_20, %dma_start3A_108] : memref<10240x128xf32, #tpu.memory_space<vmem_shared>> -> memref<128x128xf32, #tpu.memory_space<vmem_shared>>
      tpu.enqueue_dma source(%arg10 : memref<128x128xf32, #tpu.memory_space<vmem>>) target(%dma_start3A_109 : memref<128x128xf32, #tpu.memory_space<vmem_shared>>) target_semaphore(%run_scoped3A : memref<!tpu.dma_semaphore, #tpu.memory_space<semaphore_mem>>)
      %dma_wait3A = arith.constant 0 : i32
      %dma_wait3A_110 = tpu.memref_slice %arg12[%add3A_20, %dma_wait3A] : memref<10240x128xf32, #tpu.memory_space<vmem_shared>> -> memref<128x128xf32, #tpu.memory_space<vmem_shared>>
      %dma_wait3A_111 = arith.constant 0 : i32
      %dma_wait3A_112 = tpu.memref_slice %arg12[%add3A_20, %dma_wait3A_111] : memref<10240x128xf32, #tpu.memory_space<vmem_shared>> -> memref<128x128xf32, #tpu.memory_space<vmem_shared>>
      tpu.wait_dma2 semaphore(%run_scoped3A : memref<!tpu.dma_semaphore, #tpu.memory_space<semaphore_mem>>) src(%arg10 : memref<128x128xf32, #tpu.memory_space<vmem>>) dst(%dma_wait3A_112 : memref<128x128xf32, #tpu.memory_space<vmem_shared>>)
      tpu.yield
    }) : () -> ()
    %eq3A_21 = arith.constant 0 : i32
    %eq3A_22 = arith.cmpi eq, %arg0, %eq3A_21 : i32
    %convert_element_type3A = arith.extui %eq3A_22 : i1 to i32
    %cond3A = arith.constant 0 : i32
    %cond3A_23 = arith.cmpi ne, %convert_element_type3A, %cond3A : i32
    scf.if %cond3A_23 {
      "tpu.region"() ({
        %run_scoped3A = tpu.sem_alloc : memref<!tpu.dma_semaphore, #tpu.memory_space<semaphore_mem>>
        %dma_start3A_106 = arith.constant 0 : i32
        %dma_start3A_107 = tpu.memref_slice %arg3[%select_n3A, %dma_start3A_106] : memref<2560x128xi32, #tpu.memory_space<hbm>> -> memref<80x128xi32, #tpu.memory_space<hbm>>
        %dma_start3A_108 = arith.constant 0 : i32
        %dma_start3A_109 = tpu.memref_slice %arg3[%select_n3A, %dma_start3A_108] : memref<2560x128xi32, #tpu.memory_space<hbm>> -> memref<80x128xi32, #tpu.memory_space<hbm>>
        tpu.enqueue_dma source(%dma_start3A_109 : memref<80x128xi32, #tpu.memory_space<hbm>>) target(%arg7 : memref<80x128xi32, #tpu.memory_space<vmem>>) target_semaphore(%run_scoped3A : memref<!tpu.dma_semaphore, #tpu.memory_space<semaphore_mem>>)
        %dma_wait3A = arith.constant 0 : i32
        %dma_wait3A_110 = tpu.memref_slice %arg3[%select_n3A, %dma_wait3A] : memref<2560x128xi32, #tpu.memory_space<hbm>> -> memref<80x128xi32, #tpu.memory_space<hbm>>
        %dma_wait3A_111 = arith.constant 0 : i32
        %dma_wait3A_112 = tpu.memref_slice %arg3[%select_n3A, %dma_wait3A_111] : memref<2560x128xi32, #tpu.memory_space<hbm>> -> memref<80x128xi32, #tpu.memory_space<hbm>>
        tpu.wait_dma2 semaphore(%run_scoped3A : memref<!tpu.dma_semaphore, #tpu.memory_space<semaphore_mem>>) src(%dma_wait3A_112 : memref<80x128xi32, #tpu.memory_space<hbm>>) dst(%arg7 : memref<80x128xi32, #tpu.memory_space<vmem>>)
        tpu.yield
      }) : () -> ()
    } else {
    }
    %eq3A_24 = arith.constant 1 : i32
    %eq3A_25 = arith.cmpi eq, %arg0, %eq3A_24 : i32
    %convert_element_type3A_26 = arith.extui %eq3A_25 : i1 to i32
    %cond3A_27 = arith.constant 0 : i32
    %cond3A_28 = arith.cmpi ne, %convert_element_type3A_26, %cond3A_27 : i32
    scf.if %cond3A_28 {
      "tpu.region"() ({
        %run_scoped3A = tpu.sem_alloc : memref<!tpu.dma_semaphore, #tpu.memory_space<semaphore_mem>>
        %dma_start3A_106 = arith.constant 0 : i32
        %dma_start3A_107 = arith.constant 0 : i32
        %dma_start3A_108 = tpu.memref_slice %arg7[%dma_start3A_106, %dma_start3A_107] : memref<80x128xi32, #tpu.memory_space<vmem>> -> memref<80x128xi32, #tpu.memory_space<vmem>>
        %dma_start3A_109 = arith.constant 0 : i32
        %dma_start3A_110 = tpu.memref_slice %arg3[%select_n3A, %dma_start3A_109] : memref<2560x128xi32, #tpu.memory_space<hbm>> -> memref<80x128xi32, #tpu.memory_space<hbm>>
        %dma_start3A_111 = arith.constant 0 : i32
        %dma_start3A_112 = arith.constant 0 : i32
        %dma_start3A_113 = tpu.memref_slice %arg7[%dma_start3A_111, %dma_start3A_112] : memref<80x128xi32, #tpu.memory_space<vmem>> -> memref<80x128xi32, #tpu.memory_space<vmem>>
        %dma_start3A_114 = arith.constant 0 : i32
        %dma_start3A_115 = tpu.memref_slice %arg3[%select_n3A, %dma_start3A_114] : memref<2560x128xi32, #tpu.memory_space<hbm>> -> memref<80x128xi32, #tpu.memory_space<hbm>>
        tpu.enqueue_dma source(%dma_start3A_115 : memref<80x128xi32, #tpu.memory_space<hbm>>) target(%dma_start3A_113 : memref<80x128xi32, #tpu.memory_space<vmem>>) target_semaphore(%run_scoped3A : memref<!tpu.dma_semaphore, #tpu.memory_space<semaphore_mem>>)
        %dma_wait3A = arith.constant 0 : i32
        %dma_wait3A_116 = arith.constant 0 : i32
        %dma_wait3A_117 = tpu.memref_slice %arg7[%dma_wait3A, %dma_wait3A_116] : memref<80x128xi32, #tpu.memory_space<vmem>> -> memref<80x128xi32, #tpu.memory_space<vmem>>
        %dma_wait3A_118 = arith.constant 0 : i32
        %dma_wait3A_119 = tpu.memref_slice %arg3[%select_n3A, %dma_wait3A_118] : memref<2560x128xi32, #tpu.memory_space<hbm>> -> memref<80x128xi32, #tpu.memory_space<hbm>>
        %dma_wait3A_120 = arith.constant 0 : i32
        %dma_wait3A_121 = arith.constant 0 : i32
        %dma_wait3A_122 = tpu.memref_slice %arg7[%dma_wait3A_120, %dma_wait3A_121] : memref<80x128xi32, #tpu.memory_space<vmem>> -> memref<80x128xi32, #tpu.memory_space<vmem>>
        %dma_wait3A_123 = arith.constant 0 : i32
        %dma_wait3A_124 = tpu.memref_slice %arg3[%select_n3A, %dma_wait3A_123] : memref<2560x128xi32, #tpu.memory_space<hbm>> -> memref<80x128xi32, #tpu.memory_space<hbm>>
        tpu.wait_dma2 semaphore(%run_scoped3A : memref<!tpu.dma_semaphore, #tpu.memory_space<semaphore_mem>>) src(%dma_wait3A_124 : memref<80x128xi32, #tpu.memory_space<hbm>>) dst(%dma_wait3A_122 : memref<80x128xi32, #tpu.memory_space<vmem>>)
        tpu.yield
      }) : () -> ()
    } else {
    }
    %dma_start3A = arith.constant 0 : i32
    %dma_start3A_29 = tpu.memref_slice %arg4[%select_n3A, %dma_start3A] : memref<2560x128xi32, #tpu.memory_space<hbm>> -> memref<1x128xi32, #tpu.memory_space<hbm>>
    %dma_start3A_30 = tpu.memref_squeeze %dma_start3A_29 : memref<1x128xi32, #tpu.memory_space<hbm>> -> memref<128xi32, #tpu.memory_space<hbm>>
    %dma_start3A_31 = arith.constant 0 : i32
    %dma_start3A_32 = tpu.memref_slice %arg4[%select_n3A, %dma_start3A_31] : memref<2560x128xi32, #tpu.memory_space<hbm>> -> memref<1x128xi32, #tpu.memory_space<hbm>>
    %dma_start3A_33 = tpu.memref_squeeze %dma_start3A_32 : memref<1x128xi32, #tpu.memory_space<hbm>> -> memref<128xi32, #tpu.memory_space<hbm>>
    tpu.enqueue_dma source(%dma_start3A_33 : memref<128xi32, #tpu.memory_space<hbm>>) target(%arg8 : memref<128xi32, #tpu.memory_space<vmem>>) target_semaphore(%arg13 : memref<!tpu.dma_semaphore, #tpu.memory_space<semaphore_mem>>)
    %dma_start3A_34 = arith.constant 0 : i32
    %dma_start3A_35 = arith.constant 0 : i32
    %dma_start3A_36 = tpu.memref_slice %arg7[%dma_start3A_34, %dma_start3A_35] : memref<80x128xi32, #tpu.memory_space<vmem>> -> memref<1x128xi32, #tpu.memory_space<vmem>>
    %dma_start3A_37 = tpu.memref_squeeze %dma_start3A_36 : memref<1x128xi32, #tpu.memory_space<vmem>> -> memref<128xi32, #tpu.memory_space<vmem>>
    %dma_start3A_38 = arith.constant 0 : i32
    %dma_start3A_39 = arith.constant 0 : i32
    %dma_start3A_40 = tpu.memref_slice %arg2[%dma_start3A_38, %dma_start3A_39] : memref<10240x128xf32, #tpu.memory_space<hbm>> -> memref<10240x128xf32, #tpu.memory_space<hbm>>
    tpu.enqueue_indirect_dma source(%dma_start3A_40 : memref<10240x128xf32, #tpu.memory_space<hbm>>) target(%arg10 : memref<128x128xf32, #tpu.memory_space<vmem>>) offsets(%dma_start3A_37 : memref<128xi32, #tpu.memory_space<vmem>>) semaphore(%arg13 : memref<!tpu.dma_semaphore, #tpu.memory_space<semaphore_mem>>)
    %add3A_41 = arith.constant 1 : i32
    %add3A_42 = arith.addi %select_n3A, %add3A_41 : i32
    %dma_start3A_43 = arith.constant 0 : i32
    %dma_start3A_44 = tpu.memref_slice %arg4[%add3A_42, %dma_start3A_43] : memref<2560x128xi32, #tpu.memory_space<hbm>> -> memref<1x128xi32, #tpu.memory_space<hbm>>
    %dma_start3A_45 = tpu.memref_squeeze %dma_start3A_44 : memref<1x128xi32, #tpu.memory_space<hbm>> -> memref<128xi32, #tpu.memory_space<hbm>>
    %dma_start3A_46 = arith.constant 0 : i32
    %dma_start3A_47 = tpu.memref_slice %arg4[%add3A_42, %dma_start3A_46] : memref<2560x128xi32, #tpu.memory_space<hbm>> -> memref<1x128xi32, #tpu.memory_space<hbm>>
    %dma_start3A_48 = tpu.memref_squeeze %dma_start3A_47 : memref<1x128xi32, #tpu.memory_space<hbm>> -> memref<128xi32, #tpu.memory_space<hbm>>
    tpu.enqueue_dma source(%dma_start3A_48 : memref<128xi32, #tpu.memory_space<hbm>>) target(%arg9 : memref<128xi32, #tpu.memory_space<vmem>>) target_semaphore(%arg14 : memref<!tpu.dma_semaphore, #tpu.memory_space<semaphore_mem>>)
    %dma_start3A_49 = arith.constant 1 : i32
    %dma_start3A_50 = arith.constant 0 : i32
    %dma_start3A_51 = tpu.memref_slice %arg7[%dma_start3A_49, %dma_start3A_50] : memref<80x128xi32, #tpu.memory_space<vmem>> -> memref<1x128xi32, #tpu.memory_space<vmem>>
    %dma_start3A_52 = tpu.memref_squeeze %dma_start3A_51 : memref<1x128xi32, #tpu.memory_space<vmem>> -> memref<128xi32, #tpu.memory_space<vmem>>
    %dma_start3A_53 = arith.constant 0 : i32
    %dma_start3A_54 = arith.constant 0 : i32
    %dma_start3A_55 = tpu.memref_slice %arg2[%dma_start3A_53, %dma_start3A_54] : memref<10240x128xf32, #tpu.memory_space<hbm>> -> memref<10240x128xf32, #tpu.memory_space<hbm>>
    tpu.enqueue_indirect_dma source(%dma_start3A_55 : memref<10240x128xf32, #tpu.memory_space<hbm>>) target(%arg11 : memref<128x128xf32, #tpu.memory_space<vmem>>) offsets(%dma_start3A_52 : memref<128xi32, #tpu.memory_space<vmem>>) semaphore(%arg14 : memref<!tpu.dma_semaphore, #tpu.memory_space<semaphore_mem>>)
    %barrier3A = arith.constant 0 : index
    tpu.barrier barrier_id(%barrier3A)
    %jit3A_56 = arith.constant 2 : i32
    %div3A = arith.divsi %select_n3A_8, %jit3A_56 : i32
    %sign3A = arith.constant 0 : i32
    %sign3A_57 = arith.cmpi sgt, %select_n3A_8, %sign3A : i32
    %sign3A_58 = arith.extui %sign3A_57 : i1 to i32
    %sign3A_59 = arith.constant 0 : i32
    %sign3A_60 = arith.cmpi slt, %select_n3A_8, %sign3A_59 : i32
    %sign3A_61 = arith.extui %sign3A_60 : i1 to i32
    %sign3A_62 = arith.subi %sign3A_58, %sign3A_61 : i32
    %sign3A_63 = arith.constant 0 : i32
    %sign3A_64 = arith.cmpi sgt, %jit3A_56, %sign3A_63 : i32
    %sign3A_65 = arith.extui %sign3A_64 : i1 to i32
    %sign3A_66 = arith.constant 0 : i32
    %sign3A_67 = arith.cmpi slt, %jit3A_56, %sign3A_66 : i32
    %sign3A_68 = arith.extui %sign3A_67 : i1 to i32
    %sign3A_69 = arith.subi %sign3A_65, %sign3A_68 : i32
    %ne3A = arith.cmpi ne, %sign3A_62, %sign3A_69 : i32
    %rem3A = arith.remsi %select_n3A_8, %jit3A_56 : i32
    %ne3A_70 = arith.constant 0 : i32
    %ne3A_71 = arith.cmpi ne, %rem3A, %ne3A_70 : i32
    %and3A = arith.andi %ne3A, %ne3A_71 : i1
    %sub3A = arith.constant 1 : i32
    %sub3A_72 = arith.subi %div3A, %sub3A : i32
    %select_n3A_73 = arith.select %and3A, %sub3A_72, %div3A : i32
    %while3A = arith.constant 0 : i32
    %while3A_74 = arith.constant 0 : i32
    %while3A_75 = arith.subi %select_n3A_73, %while3A : i32
    %while3A_76 = arith.addi %while3A, %while3A_75 : i32
    %while3A_77 = arith.constant 1 : i32
    %while3A_78 = arith.divsi %while3A_75, %while3A_77 : i32
    %while3A_79 = arith.muli %while3A_78, %while3A_77 : i32
    %while3A_80 = arith.addi %while3A, %while3A_79 : i32
    %while3A_81 = arith.constant 1 : i32
    %while3A_82 = scf.for %while3A_106 = %while3A to %while3A_80 step %while3A_81 iter_args(%while3A_107 = %while3A_74) -> (i32)  : i32 {
      %mul3A_108 = arith.constant 2 : i32
      %mul3A_109 = arith.muli %mul3A_108, %while3A_106 : i32
      %add3A_110 = arith.constant 0 : i32
      %add3A_111 = arith.addi %mul3A_109, %add3A_110 : i32
      %add3A_112 = arith.addi %select_n3A, %add3A_111 : i32
      %dma_wait3A = arith.constant 0 : i32
      %dma_wait3A_113 = tpu.memref_slice %arg4[%add3A_112, %dma_wait3A] : memref<2560x128xi32, #tpu.memory_space<hbm>> -> memref<1x128xi32, #tpu.memory_space<hbm>>
      %dma_wait3A_114 = tpu.memref_squeeze %dma_wait3A_113 : memref<1x128xi32, #tpu.memory_space<hbm>> -> memref<128xi32, #tpu.memory_space<hbm>>
      %dma_wait3A_115 = arith.constant 0 : i32
      %dma_wait3A_116 = tpu.memref_slice %arg4[%add3A_112, %dma_wait3A_115] : memref<2560x128xi32, #tpu.memory_space<hbm>> -> memref<1x128xi32, #tpu.memory_space<hbm>>
      %dma_wait3A_117 = tpu.memref_squeeze %dma_wait3A_116 : memref<1x128xi32, #tpu.memory_space<hbm>> -> memref<128xi32, #tpu.memory_space<hbm>>
      tpu.wait_dma2 semaphore(%arg13 : memref<!tpu.dma_semaphore, #tpu.memory_space<semaphore_mem>>) src(%dma_wait3A_117 : memref<128xi32, #tpu.memory_space<hbm>>) dst(%arg8 : memref<128xi32, #tpu.memory_space<vmem>>)
      %dma_wait3A_118 = arith.constant 0 : i32
      %dma_wait3A_119 = tpu.memref_slice %arg7[%add3A_111, %dma_wait3A_118] : memref<80x128xi32, #tpu.memory_space<vmem>> -> memref<1x128xi32, #tpu.memory_space<vmem>>
      %dma_wait3A_120 = tpu.memref_squeeze %dma_wait3A_119 : memref<1x128xi32, #tpu.memory_space<vmem>> -> memref<128xi32, #tpu.memory_space<vmem>>
      %dma_wait3A_121 = arith.constant 0 : i32
      %dma_wait3A_122 = arith.constant 0 : i32
      %dma_wait3A_123 = tpu.memref_slice %arg2[%dma_wait3A_121, %dma_wait3A_122] : memref<10240x128xf32, #tpu.memory_space<hbm>> -> memref<10240x128xf32, #tpu.memory_space<hbm>>
      tpu.wait_indirect_dma semaphore(%arg13 : memref<!tpu.dma_semaphore, #tpu.memory_space<semaphore_mem>>) src(%dma_wait3A_123 : memref<10240x128xf32, #tpu.memory_space<hbm>>) dst(%arg10 : memref<128x128xf32, #tpu.memory_space<vmem>>)
      "tpu.region"() ({
        %run_scoped3A = tpu.sem_alloc : memref<!tpu.dma_semaphore, #tpu.memory_space<semaphore_mem>>
        %dma_start3A_153 = arith.constant 0 : i32
        %dma_start3A_154 = arith.constant 0 : i32
        %dma_start3A_155 = tpu.memref_slice %arg12[%dma_start3A_153, %dma_start3A_154] : memref<10240x128xf32, #tpu.memory_space<vmem_shared>> -> memref<10240x128xf32, #tpu.memory_space<vmem_shared>>
        tpu.enqueue_indirect_dma source(%arg10 : memref<128x128xf32, #tpu.memory_space<vmem>>) target(%dma_start3A_155 : memref<10240x128xf32, #tpu.memory_space<vmem_shared>>) offsets(%arg8 : memref<128xi32, #tpu.memory_space<vmem>>) semaphore(%run_scoped3A : memref<!tpu.dma_semaphore, #tpu.memory_space<semaphore_mem>>) {add = true}
        %dma_wait3A_156 = arith.constant 0 : i32
        %dma_wait3A_157 = arith.constant 0 : i32
        %dma_wait3A_158 = tpu.memref_slice %arg12[%dma_wait3A_156, %dma_wait3A_157] : memref<10240x128xf32, #tpu.memory_space<vmem_shared>> -> memref<10240x128xf32, #tpu.memory_space<vmem_shared>>
        tpu.wait_indirect_dma semaphore(%run_scoped3A : memref<!tpu.dma_semaphore, #tpu.memory_space<semaphore_mem>>) src(%arg10 : memref<128x128xf32, #tpu.memory_space<vmem>>) dst(%dma_wait3A_158 : memref<10240x128xf32, #tpu.memory_space<vmem_shared>>)
        tpu.yield
      }) : () -> ()
      %add3A_124 = arith.constant 2 : i32
      %add3A_125 = arith.addi %add3A_111, %add3A_124 : i32
      %lt3A = arith.cmpi slt, %add3A_125, %select_n3A_8 : i32
      %convert_element_type3A_126 = arith.extui %lt3A : i1 to i32
      %cond3A_127 = arith.constant 0 : i32
      %cond3A_128 = arith.cmpi ne, %convert_element_type3A_126, %cond3A_127 : i32
      scf.if %cond3A_128 {
        %add3A_153 = arith.addi %select_n3A, %add3A_111 : i32
        %add3A_154 = arith.constant 2 : i32
        %add3A_155 = arith.addi %add3A_153, %add3A_154 : i32
        %dma_start3A_156 = arith.constant 0 : i32
        %dma_start3A_157 = tpu.memref_slice %arg4[%add3A_155, %dma_start3A_156] : memref<2560x128xi32, #tpu.memory_space<hbm>> -> memref<1x128xi32, #tpu.memory_space<hbm>>
        %dma_start3A_158 = tpu.memref_squeeze %dma_start3A_157 : memref<1x128xi32, #tpu.memory_space<hbm>> -> memref<128xi32, #tpu.memory_space<hbm>>
        %dma_start3A_159 = arith.constant 0 : i32
        %dma_start3A_160 = tpu.memref_slice %arg4[%add3A_155, %dma_start3A_159] : memref<2560x128xi32, #tpu.memory_space<hbm>> -> memref<1x128xi32, #tpu.memory_space<hbm>>
        %dma_start3A_161 = tpu.memref_squeeze %dma_start3A_160 : memref<1x128xi32, #tpu.memory_space<hbm>> -> memref<128xi32, #tpu.memory_space<hbm>>
        tpu.enqueue_dma source(%dma_start3A_161 : memref<128xi32, #tpu.memory_space<hbm>>) target(%arg8 : memref<128xi32, #tpu.memory_space<vmem>>) target_semaphore(%arg13 : memref<!tpu.dma_semaphore, #tpu.memory_space<semaphore_mem>>)
        %add3A_162 = arith.constant 2 : i32
        %add3A_163 = arith.addi %add3A_111, %add3A_162 : i32
        %dma_start3A_164 = arith.constant 0 : i32
        %dma_start3A_165 = tpu.memref_slice %arg7[%add3A_163, %dma_start3A_164] : memref<80x128xi32, #tpu.memory_space<vmem>> -> memref<1x128xi32, #tpu.memory_space<vmem>>
        %dma_start3A_166 = tpu.memref_squeeze %dma_start3A_165 : memref<1x128xi32, #tpu.memory_space<vmem>> -> memref<128xi32, #tpu.memory_space<vmem>>
        %dma_start3A_167 = arith.constant 0 : i32
        %dma_start3A_168 = arith.constant 0 : i32
        %dma_start3A_169 = tpu.memref_slice %arg2[%dma_start3A_167, %dma_start3A_168] : memref<10240x128xf32, #tpu.memory_space<hbm>> -> memref<10240x128xf32, #tpu.memory_space<hbm>>
        tpu.enqueue_indirect_dma source(%dma_start3A_169 : memref<10240x128xf32, #tpu.memory_space<hbm>>) target(%arg10 : memref<128x128xf32, #tpu.memory_space<vmem>>) offsets(%dma_start3A_166 : memref<128xi32, #tpu.memory_space<vmem>>) semaphore(%arg13 : memref<!tpu.dma_semaphore, #tpu.memory_space<semaphore_mem>>)
      } else {
      }
      %mul3A_129 = arith.constant 2 : i32
      %mul3A_130 = arith.muli %mul3A_129, %while3A_106 : i32
      %add3A_131 = arith.constant 1 : i32
      %add3A_132 = arith.addi %mul3A_130, %add3A_131 : i32
      %add3A_133 = arith.addi %select_n3A, %add3A_132 : i32
      %dma_wait3A_134 = arith.constant 0 : i32
      %dma_wait3A_135 = tpu.memref_slice %arg4[%add3A_133, %dma_wait3A_134] : memref<2560x128xi32, #tpu.memory_space<hbm>> -> memref<1x128xi32, #tpu.memory_space<hbm>>
      %dma_wait3A_136 = tpu.memref_squeeze %dma_wait3A_135 : memref<1x128xi32, #tpu.memory_space<hbm>> -> memref<128xi32, #tpu.memory_space<hbm>>
      %dma_wait3A_137 = arith.constant 0 : i32
      %dma_wait3A_138 = tpu.memref_slice %arg4[%add3A_133, %dma_wait3A_137] : memref<2560x128xi32, #tpu.memory_space<hbm>> -> memref<1x128xi32, #tpu.memory_space<hbm>>
      %dma_wait3A_139 = tpu.memref_squeeze %dma_wait3A_138 : memref<1x128xi32, #tpu.memory_space<hbm>> -> memref<128xi32, #tpu.memory_space<hbm>>
      tpu.wait_dma2 semaphore(%arg14 : memref<!tpu.dma_semaphore, #tpu.memory_space<semaphore_mem>>) src(%dma_wait3A_139 : memref<128xi32, #tpu.memory_space<hbm>>) dst(%arg9 : memref<128xi32, #tpu.memory_space<vmem>>)
      %dma_wait3A_140 = arith.constant 0 : i32
      %dma_wait3A_141 = tpu.memref_slice %arg7[%add3A_132, %dma_wait3A_140] : memref<80x128xi32, #tpu.memory_space<vmem>> -> memref<1x128xi32, #tpu.memory_space<vmem>>
      %dma_wait3A_142 = tpu.memref_squeeze %dma_wait3A_141 : memref<1x128xi32, #tpu.memory_space<vmem>> -> memref<128xi32, #tpu.memory_space<vmem>>
      %dma_wait3A_143 = arith.constant 0 : i32
      %dma_wait3A_144 = arith.constant 0 : i32
      %dma_wait3A_145 = tpu.memref_slice %arg2[%dma_wait3A_143, %dma_wait3A_144] : memref<10240x128xf32, #tpu.memory_space<hbm>> -> memref<10240x128xf32, #tpu.memory_space<hbm>>
      tpu.wait_indirect_dma semaphore(%arg14 : memref<!tpu.dma_semaphore, #tpu.memory_space<semaphore_mem>>) src(%dma_wait3A_145 : memref<10240x128xf32, #tpu.memory_space<hbm>>) dst(%arg11 : memref<128x128xf32, #tpu.memory_space<vmem>>)
      "tpu.region"() ({
        %run_scoped3A = tpu.sem_alloc : memref<!tpu.dma_semaphore, #tpu.memory_space<semaphore_mem>>
        %dma_start3A_153 = arith.constant 0 : i32
        %dma_start3A_154 = arith.constant 0 : i32
        %dma_start3A_155 = tpu.memref_slice %arg12[%dma_start3A_153, %dma_start3A_154] : memref<10240x128xf32, #tpu.memory_space<vmem_shared>> -> memref<10240x128xf32, #tpu.memory_space<vmem_shared>>
        tpu.enqueue_indirect_dma source(%arg11 : memref<128x128xf32, #tpu.memory_space<vmem>>) target(%dma_start3A_155 : memref<10240x128xf32, #tpu.memory_space<vmem_shared>>) offsets(%arg9 : memref<128xi32, #tpu.memory_space<vmem>>) semaphore(%run_scoped3A : memref<!tpu.dma_semaphore, #tpu.memory_space<semaphore_mem>>) {add = true}
        %dma_wait3A_156 = arith.constant 0 : i32
        %dma_wait3A_157 = arith.constant 0 : i32
        %dma_wait3A_158 = tpu.memref_slice %arg12[%dma_wait3A_156, %dma_wait3A_157] : memref<10240x128xf32, #tpu.memory_space<vmem_shared>> -> memref<10240x128xf32, #tpu.memory_space<vmem_shared>>
        tpu.wait_indirect_dma semaphore(%run_scoped3A : memref<!tpu.dma_semaphore, #tpu.memory_space<semaphore_mem>>) src(%arg11 : memref<128x128xf32, #tpu.memory_space<vmem>>) dst(%dma_wait3A_158 : memref<10240x128xf32, #tpu.memory_space<vmem_shared>>)
        tpu.yield
      }) : () -> ()
      %add3A_146 = arith.constant 2 : i32
      %add3A_147 = arith.addi %add3A_132, %add3A_146 : i32
      %lt3A_148 = arith.cmpi slt, %add3A_147, %select_n3A_8 : i32
      %convert_element_type3A_149 = arith.extui %lt3A_148 : i1 to i32
      %cond3A_150 = arith.constant 0 : i32
      %cond3A_151 = arith.cmpi ne, %convert_element_type3A_149, %cond3A_150 : i32
      scf.if %cond3A_151 {
        %add3A_153 = arith.addi %select_n3A, %add3A_132 : i32
        %add3A_154 = arith.constant 2 : i32
        %add3A_155 = arith.addi %add3A_153, %add3A_154 : i32
        %dma_start3A_156 = arith.constant 0 : i32
        %dma_start3A_157 = tpu.memref_slice %arg4[%add3A_155, %dma_start3A_156] : memref<2560x128xi32, #tpu.memory_space<hbm>> -> memref<1x128xi32, #tpu.memory_space<hbm>>
        %dma_start3A_158 = tpu.memref_squeeze %dma_start3A_157 : memref<1x128xi32, #tpu.memory_space<hbm>> -> memref<128xi32, #tpu.memory_space<hbm>>
        %dma_start3A_159 = arith.constant 0 : i32
        %dma_start3A_160 = tpu.memref_slice %arg4[%add3A_155, %dma_start3A_159] : memref<2560x128xi32, #tpu.memory_space<hbm>> -> memref<1x128xi32, #tpu.memory_space<hbm>>
        %dma_start3A_161 = tpu.memref_squeeze %dma_start3A_160 : memref<1x128xi32, #tpu.memory_space<hbm>> -> memref<128xi32, #tpu.memory_space<hbm>>
        tpu.enqueue_dma source(%dma_start3A_161 : memref<128xi32, #tpu.memory_space<hbm>>) target(%arg9 : memref<128xi32, #tpu.memory_space<vmem>>) target_semaphore(%arg14 : memref<!tpu.dma_semaphore, #tpu.memory_space<semaphore_mem>>)
        %add3A_162 = arith.constant 2 : i32
        %add3A_163 = arith.addi %add3A_132, %add3A_162 : i32
        %dma_start3A_164 = arith.constant 0 : i32
        %dma_start3A_165 = tpu.memref_slice %arg7[%add3A_163, %dma_start3A_164] : memref<80x128xi32, #tpu.memory_space<vmem>> -> memref<1x128xi32, #tpu.memory_space<vmem>>
        %dma_start3A_166 = tpu.memref_squeeze %dma_start3A_165 : memref<1x128xi32, #tpu.memory_space<vmem>> -> memref<128xi32, #tpu.memory_space<vmem>>
        %dma_start3A_167 = arith.constant 0 : i32
        %dma_start3A_168 = arith.constant 0 : i32
        %dma_start3A_169 = tpu.memref_slice %arg2[%dma_start3A_167, %dma_start3A_168] : memref<10240x128xf32, #tpu.memory_space<hbm>> -> memref<10240x128xf32, #tpu.memory_space<hbm>>
        tpu.enqueue_indirect_dma source(%dma_start3A_169 : memref<10240x128xf32, #tpu.memory_space<hbm>>) target(%arg11 : memref<128x128xf32, #tpu.memory_space<vmem>>) offsets(%dma_start3A_166 : memref<128xi32, #tpu.memory_space<vmem>>) semaphore(%arg14 : memref<!tpu.dma_semaphore, #tpu.memory_space<semaphore_mem>>)
      } else {
      }
      %while3A_152 = arith.constant 0 : i32
      scf.yield %while3A_152 : i32
    }
    %while3A_83 = arith.constant 1 : i32
    %while3A_84 = scf.for %while3A_106 = %while3A_80 to %while3A_76 step %while3A_83 iter_args(%while3A_107 = %while3A_82) -> (i32)  : i32 {
      %mul3A_108 = arith.constant 2 : i32
      %mul3A_109 = arith.muli %mul3A_108, %while3A_106 : i32
      %add3A_110 = arith.constant 0 : i32
      %add3A_111 = arith.addi %mul3A_109, %add3A_110 : i32
      %add3A_112 = arith.addi %select_n3A, %add3A_111 : i32
      %dma_wait3A = arith.constant 0 : i32
      %dma_wait3A_113 = tpu.memref_slice %arg4[%add3A_112, %dma_wait3A] : memref<2560x128xi32, #tpu.memory_space<hbm>> -> memref<1x128xi32, #tpu.memory_space<hbm>>
      %dma_wait3A_114 = tpu.memref_squeeze %dma_wait3A_113 : memref<1x128xi32, #tpu.memory_space<hbm>> -> memref<128xi32, #tpu.memory_space<hbm>>
      %dma_wait3A_115 = arith.constant 0 : i32
      %dma_wait3A_116 = tpu.memref_slice %arg4[%add3A_112, %dma_wait3A_115] : memref<2560x128xi32, #tpu.memory_space<hbm>> -> memref<1x128xi32, #tpu.memory_space<hbm>>
      %dma_wait3A_117 = tpu.memref_squeeze %dma_wait3A_116 : memref<1x128xi32, #tpu.memory_space<hbm>> -> memref<128xi32, #tpu.memory_space<hbm>>
      tpu.wait_dma2 semaphore(%arg13 : memref<!tpu.dma_semaphore, #tpu.memory_space<semaphore_mem>>) src(%dma_wait3A_117 : memref<128xi32, #tpu.memory_space<hbm>>) dst(%arg8 : memref<128xi32, #tpu.memory_space<vmem>>)
      %dma_wait3A_118 = arith.constant 0 : i32
      %dma_wait3A_119 = tpu.memref_slice %arg7[%add3A_111, %dma_wait3A_118] : memref<80x128xi32, #tpu.memory_space<vmem>> -> memref<1x128xi32, #tpu.memory_space<vmem>>
      %dma_wait3A_120 = tpu.memref_squeeze %dma_wait3A_119 : memref<1x128xi32, #tpu.memory_space<vmem>> -> memref<128xi32, #tpu.memory_space<vmem>>
      %dma_wait3A_121 = arith.constant 0 : i32
      %dma_wait3A_122 = arith.constant 0 : i32
      %dma_wait3A_123 = tpu.memref_slice %arg2[%dma_wait3A_121, %dma_wait3A_122] : memref<10240x128xf32, #tpu.memory_space<hbm>> -> memref<10240x128xf32, #tpu.memory_space<hbm>>
      tpu.wait_indirect_dma semaphore(%arg13 : memref<!tpu.dma_semaphore, #tpu.memory_space<semaphore_mem>>) src(%dma_wait3A_123 : memref<10240x128xf32, #tpu.memory_space<hbm>>) dst(%arg10 : memref<128x128xf32, #tpu.memory_space<vmem>>)
      "tpu.region"() ({
        %run_scoped3A = tpu.sem_alloc : memref<!tpu.dma_semaphore, #tpu.memory_space<semaphore_mem>>
        %dma_start3A_153 = arith.constant 0 : i32
        %dma_start3A_154 = arith.constant 0 : i32
        %dma_start3A_155 = tpu.memref_slice %arg12[%dma_start3A_153, %dma_start3A_154] : memref<10240x128xf32, #tpu.memory_space<vmem_shared>> -> memref<10240x128xf32, #tpu.memory_space<vmem_shared>>
        tpu.enqueue_indirect_dma source(%arg10 : memref<128x128xf32, #tpu.memory_space<vmem>>) target(%dma_start3A_155 : memref<10240x128xf32, #tpu.memory_space<vmem_shared>>) offsets(%arg8 : memref<128xi32, #tpu.memory_space<vmem>>) semaphore(%run_scoped3A : memref<!tpu.dma_semaphore, #tpu.memory_space<semaphore_mem>>) {add = true}
        %dma_wait3A_156 = arith.constant 0 : i32
        %dma_wait3A_157 = arith.constant 0 : i32
        %dma_wait3A_158 = tpu.memref_slice %arg12[%dma_wait3A_156, %dma_wait3A_157] : memref<10240x128xf32, #tpu.memory_space<vmem_shared>> -> memref<10240x128xf32, #tpu.memory_space<vmem_shared>>
        tpu.wait_indirect_dma semaphore(%run_scoped3A : memref<!tpu.dma_semaphore, #tpu.memory_space<semaphore_mem>>) src(%arg10 : memref<128x128xf32, #tpu.memory_space<vmem>>) dst(%dma_wait3A_158 : memref<10240x128xf32, #tpu.memory_space<vmem_shared>>)
        tpu.yield
      }) : () -> ()
      %add3A_124 = arith.constant 2 : i32
      %add3A_125 = arith.addi %add3A_111, %add3A_124 : i32
      %lt3A = arith.cmpi slt, %add3A_125, %select_n3A_8 : i32
      %convert_element_type3A_126 = arith.extui %lt3A : i1 to i32
      %cond3A_127 = arith.constant 0 : i32
      %cond3A_128 = arith.cmpi ne, %convert_element_type3A_126, %cond3A_127 : i32
      scf.if %cond3A_128 {
        %add3A_153 = arith.addi %select_n3A, %add3A_111 : i32
        %add3A_154 = arith.constant 2 : i32
        %add3A_155 = arith.addi %add3A_153, %add3A_154 : i32
        %dma_start3A_156 = arith.constant 0 : i32
        %dma_start3A_157 = tpu.memref_slice %arg4[%add3A_155, %dma_start3A_156] : memref<2560x128xi32, #tpu.memory_space<hbm>> -> memref<1x128xi32, #tpu.memory_space<hbm>>
        %dma_start3A_158 = tpu.memref_squeeze %dma_start3A_157 : memref<1x128xi32, #tpu.memory_space<hbm>> -> memref<128xi32, #tpu.memory_space<hbm>>
        %dma_start3A_159 = arith.constant 0 : i32
        %dma_start3A_160 = tpu.memref_slice %arg4[%add3A_155, %dma_start3A_159] : memref<2560x128xi32, #tpu.memory_space<hbm>> -> memref<1x128xi32, #tpu.memory_space<hbm>>
        %dma_start3A_161 = tpu.memref_squeeze %dma_start3A_160 : memref<1x128xi32, #tpu.memory_space<hbm>> -> memref<128xi32, #tpu.memory_space<hbm>>
        tpu.enqueue_dma source(%dma_start3A_161 : memref<128xi32, #tpu.memory_space<hbm>>) target(%arg8 : memref<128xi32, #tpu.memory_space<vmem>>) target_semaphore(%arg13 : memref<!tpu.dma_semaphore, #tpu.memory_space<semaphore_mem>>)
        %add3A_162 = arith.constant 2 : i32
        %add3A_163 = arith.addi %add3A_111, %add3A_162 : i32
        %dma_start3A_164 = arith.constant 0 : i32
        %dma_start3A_165 = tpu.memref_slice %arg7[%add3A_163, %dma_start3A_164] : memref<80x128xi32, #tpu.memory_space<vmem>> -> memref<1x128xi32, #tpu.memory_space<vmem>>
        %dma_start3A_166 = tpu.memref_squeeze %dma_start3A_165 : memref<1x128xi32, #tpu.memory_space<vmem>> -> memref<128xi32, #tpu.memory_space<vmem>>
        %dma_start3A_167 = arith.constant 0 : i32
        %dma_start3A_168 = arith.constant 0 : i32
        %dma_start3A_169 = tpu.memref_slice %arg2[%dma_start3A_167, %dma_start3A_168] : memref<10240x128xf32, #tpu.memory_space<hbm>> -> memref<10240x128xf32, #tpu.memory_space<hbm>>
        tpu.enqueue_indirect_dma source(%dma_start3A_169 : memref<10240x128xf32, #tpu.memory_space<hbm>>) target(%arg10 : memref<128x128xf32, #tpu.memory_space<vmem>>) offsets(%dma_start3A_166 : memref<128xi32, #tpu.memory_space<vmem>>) semaphore(%arg13 : memref<!tpu.dma_semaphore, #tpu.memory_space<semaphore_mem>>)
      } else {
      }
      %mul3A_129 = arith.constant 2 : i32
      %mul3A_130 = arith.muli %mul3A_129, %while3A_106 : i32
      %add3A_131 = arith.constant 1 : i32
      %add3A_132 = arith.addi %mul3A_130, %add3A_131 : i32
      %add3A_133 = arith.addi %select_n3A, %add3A_132 : i32
      %dma_wait3A_134 = arith.constant 0 : i32
      %dma_wait3A_135 = tpu.memref_slice %arg4[%add3A_133, %dma_wait3A_134] : memref<2560x128xi32, #tpu.memory_space<hbm>> -> memref<1x128xi32, #tpu.memory_space<hbm>>
      %dma_wait3A_136 = tpu.memref_squeeze %dma_wait3A_135 : memref<1x128xi32, #tpu.memory_space<hbm>> -> memref<128xi32, #tpu.memory_space<hbm>>
      %dma_wait3A_137 = arith.constant 0 : i32
      %dma_wait3A_138 = tpu.memref_slice %arg4[%add3A_133, %dma_wait3A_137] : memref<2560x128xi32, #tpu.memory_space<hbm>> -> memref<1x128xi32, #tpu.memory_space<hbm>>
      %dma_wait3A_139 = tpu.memref_squeeze %dma_wait3A_138 : memref<1x128xi32, #tpu.memory_space<hbm>> -> memref<128xi32, #tpu.memory_space<hbm>>
      tpu.wait_dma2 semaphore(%arg14 : memref<!tpu.dma_semaphore, #tpu.memory_space<semaphore_mem>>) src(%dma_wait3A_139 : memref<128xi32, #tpu.memory_space<hbm>>) dst(%arg9 : memref<128xi32, #tpu.memory_space<vmem>>)
      %dma_wait3A_140 = arith.constant 0 : i32
      %dma_wait3A_141 = tpu.memref_slice %arg7[%add3A_132, %dma_wait3A_140] : memref<80x128xi32, #tpu.memory_space<vmem>> -> memref<1x128xi32, #tpu.memory_space<vmem>>
      %dma_wait3A_142 = tpu.memref_squeeze %dma_wait3A_141 : memref<1x128xi32, #tpu.memory_space<vmem>> -> memref<128xi32, #tpu.memory_space<vmem>>
      %dma_wait3A_143 = arith.constant 0 : i32
      %dma_wait3A_144 = arith.constant 0 : i32
      %dma_wait3A_145 = tpu.memref_slice %arg2[%dma_wait3A_143, %dma_wait3A_144] : memref<10240x128xf32, #tpu.memory_space<hbm>> -> memref<10240x128xf32, #tpu.memory_space<hbm>>
      tpu.wait_indirect_dma semaphore(%arg14 : memref<!tpu.dma_semaphore, #tpu.memory_space<semaphore_mem>>) src(%dma_wait3A_145 : memref<10240x128xf32, #tpu.memory_space<hbm>>) dst(%arg11 : memref<128x128xf32, #tpu.memory_space<vmem>>)
      "tpu.region"() ({
        %run_scoped3A = tpu.sem_alloc : memref<!tpu.dma_semaphore, #tpu.memory_space<semaphore_mem>>
        %dma_start3A_153 = arith.constant 0 : i32
        %dma_start3A_154 = arith.constant 0 : i32
        %dma_start3A_155 = tpu.memref_slice %arg12[%dma_start3A_153, %dma_start3A_154] : memref<10240x128xf32, #tpu.memory_space<vmem_shared>> -> memref<10240x128xf32, #tpu.memory_space<vmem_shared>>
        tpu.enqueue_indirect_dma source(%arg11 : memref<128x128xf32, #tpu.memory_space<vmem>>) target(%dma_start3A_155 : memref<10240x128xf32, #tpu.memory_space<vmem_shared>>) offsets(%arg9 : memref<128xi32, #tpu.memory_space<vmem>>) semaphore(%run_scoped3A : memref<!tpu.dma_semaphore, #tpu.memory_space<semaphore_mem>>) {add = true}
        %dma_wait3A_156 = arith.constant 0 : i32
        %dma_wait3A_157 = arith.constant 0 : i32
        %dma_wait3A_158 = tpu.memref_slice %arg12[%dma_wait3A_156, %dma_wait3A_157] : memref<10240x128xf32, #tpu.memory_space<vmem_shared>> -> memref<10240x128xf32, #tpu.memory_space<vmem_shared>>
        tpu.wait_indirect_dma semaphore(%run_scoped3A : memref<!tpu.dma_semaphore, #tpu.memory_space<semaphore_mem>>) src(%arg11 : memref<128x128xf32, #tpu.memory_space<vmem>>) dst(%dma_wait3A_158 : memref<10240x128xf32, #tpu.memory_space<vmem_shared>>)
        tpu.yield
      }) : () -> ()
      %add3A_146 = arith.constant 2 : i32
      %add3A_147 = arith.addi %add3A_132, %add3A_146 : i32
      %lt3A_148 = arith.cmpi slt, %add3A_147, %select_n3A_8 : i32
      %convert_element_type3A_149 = arith.extui %lt3A_148 : i1 to i32
      %cond3A_150 = arith.constant 0 : i32
      %cond3A_151 = arith.cmpi ne, %convert_element_type3A_149, %cond3A_150 : i32
      scf.if %cond3A_151 {
        %add3A_153 = arith.addi %select_n3A, %add3A_132 : i32
        %add3A_154 = arith.constant 2 : i32
        %add3A_155 = arith.addi %add3A_153, %add3A_154 : i32
        %dma_start3A_156 = arith.constant 0 : i32
        %dma_start3A_157 = tpu.memref_slice %arg4[%add3A_155, %dma_start3A_156] : memref<2560x128xi32, #tpu.memory_space<hbm>> -> memref<1x128xi32, #tpu.memory_space<hbm>>
        %dma_start3A_158 = tpu.memref_squeeze %dma_start3A_157 : memref<1x128xi32, #tpu.memory_space<hbm>> -> memref<128xi32, #tpu.memory_space<hbm>>
        %dma_start3A_159 = arith.constant 0 : i32
        %dma_start3A_160 = tpu.memref_slice %arg4[%add3A_155, %dma_start3A_159] : memref<2560x128xi32, #tpu.memory_space<hbm>> -> memref<1x128xi32, #tpu.memory_space<hbm>>
        %dma_start3A_161 = tpu.memref_squeeze %dma_start3A_160 : memref<1x128xi32, #tpu.memory_space<hbm>> -> memref<128xi32, #tpu.memory_space<hbm>>
        tpu.enqueue_dma source(%dma_start3A_161 : memref<128xi32, #tpu.memory_space<hbm>>) target(%arg9 : memref<128xi32, #tpu.memory_space<vmem>>) target_semaphore(%arg14 : memref<!tpu.dma_semaphore, #tpu.memory_space<semaphore_mem>>)
        %add3A_162 = arith.constant 2 : i32
        %add3A_163 = arith.addi %add3A_132, %add3A_162 : i32
        %dma_start3A_164 = arith.constant 0 : i32
        %dma_start3A_165 = tpu.memref_slice %arg7[%add3A_163, %dma_start3A_164] : memref<80x128xi32, #tpu.memory_space<vmem>> -> memref<1x128xi32, #tpu.memory_space<vmem>>
        %dma_start3A_166 = tpu.memref_squeeze %dma_start3A_165 : memref<1x128xi32, #tpu.memory_space<vmem>> -> memref<128xi32, #tpu.memory_space<vmem>>
        %dma_start3A_167 = arith.constant 0 : i32
        %dma_start3A_168 = arith.constant 0 : i32
        %dma_start3A_169 = tpu.memref_slice %arg2[%dma_start3A_167, %dma_start3A_168] : memref<10240x128xf32, #tpu.memory_space<hbm>> -> memref<10240x128xf32, #tpu.memory_space<hbm>>
        tpu.enqueue_indirect_dma source(%dma_start3A_169 : memref<10240x128xf32, #tpu.memory_space<hbm>>) target(%arg11 : memref<128x128xf32, #tpu.memory_space<vmem>>) offsets(%dma_start3A_166 : memref<128xi32, #tpu.memory_space<vmem>>) semaphore(%arg14 : memref<!tpu.dma_semaphore, #tpu.memory_space<semaphore_mem>>)
      } else {
      }
      %while3A_152 = arith.constant 0 : i32
      scf.yield %while3A_152 : i32
    }
    %barrier3A_85 = arith.constant 0 : index
    tpu.barrier barrier_id(%barrier3A_85)
    %add3A_86 = arith.constant 0 : i32
    %add3A_87 = arith.addi %mul3A_10, %add3A_86 : i32
    "tpu.region"() ({
      %run_scoped3A = tpu.sem_alloc : memref<!tpu.dma_semaphore, #tpu.memory_space<semaphore_mem>>
      %dma_start3A_106 = arith.constant 0 : i32
      %dma_start3A_107 = tpu.memref_slice %arg12[%add3A_87, %dma_start3A_106] : memref<10240x128xf32, #tpu.memory_space<vmem_shared>> -> memref<128x128xf32, #tpu.memory_space<vmem_shared>>
      %dma_start3A_108 = arith.constant 0 : i32
      %dma_start3A_109 = tpu.memref_slice %arg12[%add3A_87, %dma_start3A_108] : memref<10240x128xf32, #tpu.memory_space<vmem_shared>> -> memref<128x128xf32, #tpu.memory_space<vmem_shared>>
      tpu.enqueue_dma source(%dma_start3A_109 : memref<128x128xf32, #tpu.memory_space<vmem_shared>>) target(%arg10 : memref<128x128xf32, #tpu.memory_space<vmem>>) target_semaphore(%run_scoped3A : memref<!tpu.dma_semaphore, #tpu.memory_space<semaphore_mem>>)
      %dma_wait3A = arith.constant 0 : i32
      %dma_wait3A_110 = tpu.memref_slice %arg12[%add3A_87, %dma_wait3A] : memref<10240x128xf32, #tpu.memory_space<vmem_shared>> -> memref<128x128xf32, #tpu.memory_space<vmem_shared>>
      %dma_wait3A_111 = arith.constant 0 : i32
      %dma_wait3A_112 = tpu.memref_slice %arg12[%add3A_87, %dma_wait3A_111] : memref<10240x128xf32, #tpu.memory_space<vmem_shared>> -> memref<128x128xf32, #tpu.memory_space<vmem_shared>>
      tpu.wait_dma2 semaphore(%run_scoped3A : memref<!tpu.dma_semaphore, #tpu.memory_space<semaphore_mem>>) src(%dma_wait3A_112 : memref<128x128xf32, #tpu.memory_space<vmem_shared>>) dst(%arg10 : memref<128x128xf32, #tpu.memory_space<vmem>>)
      tpu.yield
    }) : () -> ()
    %add3A_88 = arith.constant 0 : i32
    %add3A_89 = arith.addi %mul3A_10, %add3A_88 : i32
    "tpu.region"() ({
      %run_scoped3A = tpu.sem_alloc : memref<!tpu.dma_semaphore, #tpu.memory_space<semaphore_mem>>
      %dma_start3A_106 = arith.constant 0 : i32
      %dma_start3A_107 = tpu.memref_slice %arg6[%arg0, %add3A_89, %dma_start3A_106] : memref<2x10240x128xf32, #tpu.memory_space<hbm>> -> memref<1x128x128xf32, #tpu.memory_space<hbm>>
      %dma_start3A_108 = tpu.memref_squeeze %dma_start3A_107 : memref<1x128x128xf32, #tpu.memory_space<hbm>> -> memref<128x128xf32, #tpu.memory_space<hbm>>
      %dma_start3A_109 = arith.constant 0 : i32
      %dma_start3A_110 = tpu.memref_slice %arg6[%arg0, %add3A_89, %dma_start3A_109] : memref<2x10240x128xf32, #tpu.memory_space<hbm>> -> memref<1x128x128xf32, #tpu.memory_space<hbm>>
      %dma_start3A_111 = tpu.memref_squeeze %dma_start3A_110 : memref<1x128x128xf32, #tpu.memory_space<hbm>> -> memref<128x128xf32, #tpu.memory_space<hbm>>
      tpu.enqueue_dma source(%arg10 : memref<128x128xf32, #tpu.memory_space<vmem>>) target(%dma_start3A_111 : memref<128x128xf32, #tpu.memory_space<hbm>>) target_semaphore(%run_scoped3A : memref<!tpu.dma_semaphore, #tpu.memory_space<semaphore_mem>>)
      %dma_wait3A = arith.constant 0 : i32
      %dma_wait3A_112 = tpu.memref_slice %arg6[%arg0, %add3A_89, %dma_wait3A] : memref<2x10240x128xf32, #tpu.memory_space<hbm>> -> memref<1x128x128xf32, #tpu.memory_space<hbm>>
      %dma_wait3A_113 = tpu.memref_squeeze %dma_wait3A_112 : memref<1x128x128xf32, #tpu.memory_space<hbm>> -> memref<128x128xf32, #tpu.memory_space<hbm>>
      %dma_wait3A_114 = arith.constant 0 : i32
      %dma_wait3A_115 = tpu.memref_slice %arg6[%arg0, %add3A_89, %dma_wait3A_114] : memref<2x10240x128xf32, #tpu.memory_space<hbm>> -> memref<1x128x128xf32, #tpu.memory_space<hbm>>
      %dma_wait3A_116 = tpu.memref_squeeze %dma_wait3A_115 : memref<1x128x128xf32, #tpu.memory_space<hbm>> -> memref<128x128xf32, #tpu.memory_space<hbm>>
      tpu.wait_dma2 semaphore(%run_scoped3A : memref<!tpu.dma_semaphore, #tpu.memory_space<semaphore_mem>>) src(%arg10 : memref<128x128xf32, #tpu.memory_space<vmem>>) dst(%dma_wait3A_116 : memref<128x128xf32, #tpu.memory_space<hbm>>)
      tpu.yield
    }) : () -> ()
    %add3A_90 = arith.constant 128 : i32
    %add3A_91 = arith.addi %mul3A_10, %add3A_90 : i32
    "tpu.region"() ({
      %run_scoped3A = tpu.sem_alloc : memref<!tpu.dma_semaphore, #tpu.memory_space<semaphore_mem>>
      %dma_start3A_106 = arith.constant 0 : i32
      %dma_start3A_107 = tpu.memref_slice %arg12[%add3A_91, %dma_start3A_106] : memref<10240x128xf32, #tpu.memory_space<vmem_shared>> -> memref<128x128xf32, #tpu.memory_space<vmem_shared>>
      %dma_start3A_108 = arith.constant 0 : i32
      %dma_start3A_109 = tpu.memref_slice %arg12[%add3A_91, %dma_start3A_108] : memref<10240x128xf32, #tpu.memory_space<vmem_shared>> -> memref<128x128xf32, #tpu.memory_space<vmem_shared>>
      tpu.enqueue_dma source(%dma_start3A_109 : memref<128x128xf32, #tpu.memory_space<vmem_shared>>) target(%arg10 : memref<128x128xf32, #tpu.memory_space<vmem>>) target_semaphore(%run_scoped3A : memref<!tpu.dma_semaphore, #tpu.memory_space<semaphore_mem>>)
      %dma_wait3A = arith.constant 0 : i32
      %dma_wait3A_110 = tpu.memref_slice %arg12[%add3A_91, %dma_wait3A] : memref<10240x128xf32, #tpu.memory_space<vmem_shared>> -> memref<128x128xf32, #tpu.memory_space<vmem_shared>>
      %dma_wait3A_111 = arith.constant 0 : i32
      %dma_wait3A_112 = tpu.memref_slice %arg12[%add3A_91, %dma_wait3A_111] : memref<10240x128xf32, #tpu.memory_space<vmem_shared>> -> memref<128x128xf32, #tpu.memory_space<vmem_shared>>
      tpu.wait_dma2 semaphore(%run_scoped3A : memref<!tpu.dma_semaphore, #tpu.memory_space<semaphore_mem>>) src(%dma_wait3A_112 : memref<128x128xf32, #tpu.memory_space<vmem_shared>>) dst(%arg10 : memref<128x128xf32, #tpu.memory_space<vmem>>)
      tpu.yield
    }) : () -> ()
    %add3A_92 = arith.constant 128 : i32
    %add3A_93 = arith.addi %mul3A_10, %add3A_92 : i32
    "tpu.region"() ({
      %run_scoped3A = tpu.sem_alloc : memref<!tpu.dma_semaphore, #tpu.memory_space<semaphore_mem>>
      %dma_start3A_106 = arith.constant 0 : i32
      %dma_start3A_107 = tpu.memref_slice %arg6[%arg0, %add3A_93, %dma_start3A_106] : memref<2x10240x128xf32, #tpu.memory_space<hbm>> -> memref<1x128x128xf32, #tpu.memory_space<hbm>>
      %dma_start3A_108 = tpu.memref_squeeze %dma_start3A_107 : memref<1x128x128xf32, #tpu.memory_space<hbm>> -> memref<128x128xf32, #tpu.memory_space<hbm>>
      %dma_start3A_109 = arith.constant 0 : i32
      %dma_start3A_110 = tpu.memref_slice %arg6[%arg0, %add3A_93, %dma_start3A_109] : memref<2x10240x128xf32, #tpu.memory_space<hbm>> -> memref<1x128x128xf32, #tpu.memory_space<hbm>>
      %dma_start3A_111 = tpu.memref_squeeze %dma_start3A_110 : memref<1x128x128xf32, #tpu.memory_space<hbm>> -> memref<128x128xf32, #tpu.memory_space<hbm>>
      tpu.enqueue_dma source(%arg10 : memref<128x128xf32, #tpu.memory_space<vmem>>) target(%dma_start3A_111 : memref<128x128xf32, #tpu.memory_space<hbm>>) target_semaphore(%run_scoped3A : memref<!tpu.dma_semaphore, #tpu.memory_space<semaphore_mem>>)
      %dma_wait3A = arith.constant 0 : i32
      %dma_wait3A_112 = tpu.memref_slice %arg6[%arg0, %add3A_93, %dma_wait3A] : memref<2x10240x128xf32, #tpu.memory_space<hbm>> -> memref<1x128x128xf32, #tpu.memory_space<hbm>>
      %dma_wait3A_113 = tpu.memref_squeeze %dma_wait3A_112 : memref<1x128x128xf32, #tpu.memory_space<hbm>> -> memref<128x128xf32, #tpu.memory_space<hbm>>
      %dma_wait3A_114 = arith.constant 0 : i32
      %dma_wait3A_115 = tpu.memref_slice %arg6[%arg0, %add3A_93, %dma_wait3A_114] : memref<2x10240x128xf32, #tpu.memory_space<hbm>> -> memref<1x128x128xf32, #tpu.memory_space<hbm>>
      %dma_wait3A_116 = tpu.memref_squeeze %dma_wait3A_115 : memref<1x128x128xf32, #tpu.memory_space<hbm>> -> memref<128x128xf32, #tpu.memory_space<hbm>>
      tpu.wait_dma2 semaphore(%run_scoped3A : memref<!tpu.dma_semaphore, #tpu.memory_space<semaphore_mem>>) src(%arg10 : memref<128x128xf32, #tpu.memory_space<vmem>>) dst(%dma_wait3A_116 : memref<128x128xf32, #tpu.memory_space<hbm>>)
      tpu.yield
    }) : () -> ()
    %add3A_94 = arith.constant 256 : i32
    %add3A_95 = arith.addi %mul3A_10, %add3A_94 : i32
    "tpu.region"() ({
      %run_scoped3A = tpu.sem_alloc : memref<!tpu.dma_semaphore, #tpu.memory_space<semaphore_mem>>
      %dma_start3A_106 = arith.constant 0 : i32
      %dma_start3A_107 = tpu.memref_slice %arg12[%add3A_95, %dma_start3A_106] : memref<10240x128xf32, #tpu.memory_space<vmem_shared>> -> memref<128x128xf32, #tpu.memory_space<vmem_shared>>
      %dma_start3A_108 = arith.constant 0 : i32
      %dma_start3A_109 = tpu.memref_slice %arg12[%add3A_95, %dma_start3A_108] : memref<10240x128xf32, #tpu.memory_space<vmem_shared>> -> memref<128x128xf32, #tpu.memory_space<vmem_shared>>
      tpu.enqueue_dma source(%dma_start3A_109 : memref<128x128xf32, #tpu.memory_space<vmem_shared>>) target(%arg10 : memref<128x128xf32, #tpu.memory_space<vmem>>) target_semaphore(%run_scoped3A : memref<!tpu.dma_semaphore, #tpu.memory_space<semaphore_mem>>)
      %dma_wait3A = arith.constant 0 : i32
      %dma_wait3A_110 = tpu.memref_slice %arg12[%add3A_95, %dma_wait3A] : memref<10240x128xf32, #tpu.memory_space<vmem_shared>> -> memref<128x128xf32, #tpu.memory_space<vmem_shared>>
      %dma_wait3A_111 = arith.constant 0 : i32
      %dma_wait3A_112 = tpu.memref_slice %arg12[%add3A_95, %dma_wait3A_111] : memref<10240x128xf32, #tpu.memory_space<vmem_shared>> -> memref<128x128xf32, #tpu.memory_space<vmem_shared>>
      tpu.wait_dma2 semaphore(%run_scoped3A : memref<!tpu.dma_semaphore, #tpu.memory_space<semaphore_mem>>) src(%dma_wait3A_112 : memref<128x128xf32, #tpu.memory_space<vmem_shared>>) dst(%arg10 : memref<128x128xf32, #tpu.memory_space<vmem>>)
      tpu.yield
    }) : () -> ()
    %add3A_96 = arith.constant 256 : i32
    %add3A_97 = arith.addi %mul3A_10, %add3A_96 : i32
    "tpu.region"() ({
      %run_scoped3A = tpu.sem_alloc : memref<!tpu.dma_semaphore, #tpu.memory_space<semaphore_mem>>
      %dma_start3A_106 = arith.constant 0 : i32
      %dma_start3A_107 = tpu.memref_slice %arg6[%arg0, %add3A_97, %dma_start3A_106] : memref<2x10240x128xf32, #tpu.memory_space<hbm>> -> memref<1x128x128xf32, #tpu.memory_space<hbm>>
      %dma_start3A_108 = tpu.memref_squeeze %dma_start3A_107 : memref<1x128x128xf32, #tpu.memory_space<hbm>> -> memref<128x128xf32, #tpu.memory_space<hbm>>
      %dma_start3A_109 = arith.constant 0 : i32
      %dma_start3A_110 = tpu.memref_slice %arg6[%arg0, %add3A_97, %dma_start3A_109] : memref<2x10240x128xf32, #tpu.memory_space<hbm>> -> memref<1x128x128xf32, #tpu.memory_space<hbm>>
      %dma_start3A_111 = tpu.memref_squeeze %dma_start3A_110 : memref<1x128x128xf32, #tpu.memory_space<hbm>> -> memref<128x128xf32, #tpu.memory_space<hbm>>
      tpu.enqueue_dma source(%arg10 : memref<128x128xf32, #tpu.memory_space<vmem>>) target(%dma_start3A_111 : memref<128x128xf32, #tpu.memory_space<hbm>>) target_semaphore(%run_scoped3A : memref<!tpu.dma_semaphore, #tpu.memory_space<semaphore_mem>>)
      %dma_wait3A = arith.constant 0 : i32
      %dma_wait3A_112 = tpu.memref_slice %arg6[%arg0, %add3A_97, %dma_wait3A] : memref<2x10240x128xf32, #tpu.memory_space<hbm>> -> memref<1x128x128xf32, #tpu.memory_space<hbm>>
      %dma_wait3A_113 = tpu.memref_squeeze %dma_wait3A_112 : memref<1x128x128xf32, #tpu.memory_space<hbm>> -> memref<128x128xf32, #tpu.memory_space<hbm>>
      %dma_wait3A_114 = arith.constant 0 : i32
      %dma_wait3A_115 = tpu.memref_slice %arg6[%arg0, %add3A_97, %dma_wait3A_114] : memref<2x10240x128xf32, #tpu.memory_space<hbm>> -> memref<1x128x128xf32, #tpu.memory_space<hbm>>
      %dma_wait3A_116 = tpu.memref_squeeze %dma_wait3A_115 : memref<1x128x128xf32, #tpu.memory_space<hbm>> -> memref<128x128xf32, #tpu.memory_space<hbm>>
      tpu.wait_dma2 semaphore(%run_scoped3A : memref<!tpu.dma_semaphore, #tpu.memory_space<semaphore_mem>>) src(%arg10 : memref<128x128xf32, #tpu.memory_space<vmem>>) dst(%dma_wait3A_116 : memref<128x128xf32, #tpu.memory_space<hbm>>)
      tpu.yield
    }) : () -> ()
    %add3A_98 = arith.constant 384 : i32
    %add3A_99 = arith.addi %mul3A_10, %add3A_98 : i32
    "tpu.region"() ({
      %run_scoped3A = tpu.sem_alloc : memref<!tpu.dma_semaphore, #tpu.memory_space<semaphore_mem>>
      %dma_start3A_106 = arith.constant 0 : i32
      %dma_start3A_107 = tpu.memref_slice %arg12[%add3A_99, %dma_start3A_106] : memref<10240x128xf32, #tpu.memory_space<vmem_shared>> -> memref<128x128xf32, #tpu.memory_space<vmem_shared>>
      %dma_start3A_108 = arith.constant 0 : i32
      %dma_start3A_109 = tpu.memref_slice %arg12[%add3A_99, %dma_start3A_108] : memref<10240x128xf32, #tpu.memory_space<vmem_shared>> -> memref<128x128xf32, #tpu.memory_space<vmem_shared>>
      tpu.enqueue_dma source(%dma_start3A_109 : memref<128x128xf32, #tpu.memory_space<vmem_shared>>) target(%arg10 : memref<128x128xf32, #tpu.memory_space<vmem>>) target_semaphore(%run_scoped3A : memref<!tpu.dma_semaphore, #tpu.memory_space<semaphore_mem>>)
      %dma_wait3A = arith.constant 0 : i32
      %dma_wait3A_110 = tpu.memref_slice %arg12[%add3A_99, %dma_wait3A] : memref<10240x128xf32, #tpu.memory_space<vmem_shared>> -> memref<128x128xf32, #tpu.memory_space<vmem_shared>>
      %dma_wait3A_111 = arith.constant 0 : i32
      %dma_wait3A_112 = tpu.memref_slice %arg12[%add3A_99, %dma_wait3A_111] : memref<10240x128xf32, #tpu.memory_space<vmem_shared>> -> memref<128x128xf32, #tpu.memory_space<vmem_shared>>
      tpu.wait_dma2 semaphore(%run_scoped3A : memref<!tpu.dma_semaphore, #tpu.memory_space<semaphore_mem>>) src(%dma_wait3A_112 : memref<128x128xf32, #tpu.memory_space<vmem_shared>>) dst(%arg10 : memref<128x128xf32, #tpu.memory_space<vmem>>)
      tpu.yield
    }) : () -> ()
    %add3A_100 = arith.constant 384 : i32
    %add3A_101 = arith.addi %mul3A_10, %add3A_100 : i32
    "tpu.region"() ({
      %run_scoped3A = tpu.sem_alloc : memref<!tpu.dma_semaphore, #tpu.memory_space<semaphore_mem>>
      %dma_start3A_106 = arith.constant 0 : i32
      %dma_start3A_107 = tpu.memref_slice %arg6[%arg0, %add3A_101, %dma_start3A_106] : memref<2x10240x128xf32, #tpu.memory_space<hbm>> -> memref<1x128x128xf32, #tpu.memory_space<hbm>>
      %dma_start3A_108 = tpu.memref_squeeze %dma_start3A_107 : memref<1x128x128xf32, #tpu.memory_space<hbm>> -> memref<128x128xf32, #tpu.memory_space<hbm>>
      %dma_start3A_109 = arith.constant 0 : i32
      %dma_start3A_110 = tpu.memref_slice %arg6[%arg0, %add3A_101, %dma_start3A_109] : memref<2x10240x128xf32, #tpu.memory_space<hbm>> -> memref<1x128x128xf32, #tpu.memory_space<hbm>>
      %dma_start3A_111 = tpu.memref_squeeze %dma_start3A_110 : memref<1x128x128xf32, #tpu.memory_space<hbm>> -> memref<128x128xf32, #tpu.memory_space<hbm>>
      tpu.enqueue_dma source(%arg10 : memref<128x128xf32, #tpu.memory_space<vmem>>) target(%dma_start3A_111 : memref<128x128xf32, #tpu.memory_space<hbm>>) target_semaphore(%run_scoped3A : memref<!tpu.dma_semaphore, #tpu.memory_space<semaphore_mem>>)
      %dma_wait3A = arith.constant 0 : i32
      %dma_wait3A_112 = tpu.memref_slice %arg6[%arg0, %add3A_101, %dma_wait3A] : memref<2x10240x128xf32, #tpu.memory_space<hbm>> -> memref<1x128x128xf32, #tpu.memory_space<hbm>>
      %dma_wait3A_113 = tpu.memref_squeeze %dma_wait3A_112 : memref<1x128x128xf32, #tpu.memory_space<hbm>> -> memref<128x128xf32, #tpu.memory_space<hbm>>
      %dma_wait3A_114 = arith.constant 0 : i32
      %dma_wait3A_115 = tpu.memref_slice %arg6[%arg0, %add3A_101, %dma_wait3A_114] : memref<2x10240x128xf32, #tpu.memory_space<hbm>> -> memref<1x128x128xf32, #tpu.memory_space<hbm>>
      %dma_wait3A_116 = tpu.memref_squeeze %dma_wait3A_115 : memref<1x128x128xf32, #tpu.memory_space<hbm>> -> memref<128x128xf32, #tpu.memory_space<hbm>>
      tpu.wait_dma2 semaphore(%run_scoped3A : memref<!tpu.dma_semaphore, #tpu.memory_space<semaphore_mem>>) src(%arg10 : memref<128x128xf32, #tpu.memory_space<vmem>>) dst(%dma_wait3A_116 : memref<128x128xf32, #tpu.memory_space<hbm>>)
      tpu.yield
    }) : () -> ()
    %add3A_102 = arith.constant 512 : i32
    %add3A_103 = arith.addi %mul3A_10, %add3A_102 : i32
    "tpu.region"() ({
      %run_scoped3A = tpu.sem_alloc : memref<!tpu.dma_semaphore, #tpu.memory_space<semaphore_mem>>
      %dma_start3A_106 = arith.constant 0 : i32
      %dma_start3A_107 = tpu.memref_slice %arg12[%add3A_103, %dma_start3A_106] : memref<10240x128xf32, #tpu.memory_space<vmem_shared>> -> memref<128x128xf32, #tpu.memory_space<vmem_shared>>
      %dma_start3A_108 = arith.constant 0 : i32
      %dma_start3A_109 = tpu.memref_slice %arg12[%add3A_103, %dma_start3A_108] : memref<10240x128xf32, #tpu.memory_space<vmem_shared>> -> memref<128x128xf32, #tpu.memory_space<vmem_shared>>
      tpu.enqueue_dma source(%dma_start3A_109 : memref<128x128xf32, #tpu.memory_space<vmem_shared>>) target(%arg10 : memref<128x128xf32, #tpu.memory_space<vmem>>) target_semaphore(%run_scoped3A : memref<!tpu.dma_semaphore, #tpu.memory_space<semaphore_mem>>)
      %dma_wait3A = arith.constant 0 : i32
      %dma_wait3A_110 = tpu.memref_slice %arg12[%add3A_103, %dma_wait3A] : memref<10240x128xf32, #tpu.memory_space<vmem_shared>> -> memref<128x128xf32, #tpu.memory_space<vmem_shared>>
      %dma_wait3A_111 = arith.constant 0 : i32
      %dma_wait3A_112 = tpu.memref_slice %arg12[%add3A_103, %dma_wait3A_111] : memref<10240x128xf32, #tpu.memory_space<vmem_shared>> -> memref<128x128xf32, #tpu.memory_space<vmem_shared>>
      tpu.wait_dma2 semaphore(%run_scoped3A : memref<!tpu.dma_semaphore, #tpu.memory_space<semaphore_mem>>) src(%dma_wait3A_112 : memref<128x128xf32, #tpu.memory_space<vmem_shared>>) dst(%arg10 : memref<128x128xf32, #tpu.memory_space<vmem>>)
      tpu.yield
    }) : () -> ()
    %add3A_104 = arith.constant 512 : i32
    %add3A_105 = arith.addi %mul3A_10, %add3A_104 : i32
    "tpu.region"() ({
      %run_scoped3A = tpu.sem_alloc : memref<!tpu.dma_semaphore, #tpu.memory_space<semaphore_mem>>
      %dma_start3A_106 = arith.constant 0 : i32
      %dma_start3A_107 = tpu.memref_slice %arg6[%arg0, %add3A_105, %dma_start3A_106] : memref<2x10240x128xf32, #tpu.memory_space<hbm>> -> memref<1x128x128xf32, #tpu.memory_space<hbm>>
      %dma_start3A_108 = tpu.memref_squeeze %dma_start3A_107 : memref<1x128x128xf32, #tpu.memory_space<hbm>> -> memref<128x128xf32, #tpu.memory_space<hbm>>
      %dma_start3A_109 = arith.constant 0 : i32
      %dma_start3A_110 = tpu.memref_slice %arg6[%arg0, %add3A_105, %dma_start3A_109] : memref<2x10240x128xf32, #tpu.memory_space<hbm>> -> memref<1x128x128xf32, #tpu.memory_space<hbm>>
      %dma_start3A_111 = tpu.memref_squeeze %dma_start3A_110 : memref<1x128x128xf32, #tpu.memory_space<hbm>> -> memref<128x128xf32, #tpu.memory_space<hbm>>
      tpu.enqueue_dma source(%arg10 : memref<128x128xf32, #tpu.memory_space<vmem>>) target(%dma_start3A_111 : memref<128x128xf32, #tpu.memory_space<hbm>>) target_semaphore(%run_scoped3A : memref<!tpu.dma_semaphore, #tpu.memory_space<semaphore_mem>>)
      %dma_wait3A = arith.constant 0 : i32
      %dma_wait3A_112 = tpu.memref_slice %arg6[%arg0, %add3A_105, %dma_wait3A] : memref<2x10240x128xf32, #tpu.memory_space<hbm>> -> memref<1x128x128xf32, #tpu.memory_space<hbm>>
      %dma_wait3A_113 = tpu.memref_squeeze %dma_wait3A_112 : memref<1x128x128xf32, #tpu.memory_space<hbm>> -> memref<128x128xf32, #tpu.memory_space<hbm>>
      %dma_wait3A_114 = arith.constant 0 : i32
      %dma_wait3A_115 = tpu.memref_slice %arg6[%arg0, %add3A_105, %dma_wait3A_114] : memref<2x10240x128xf32, #tpu.memory_space<hbm>> -> memref<1x128x128xf32, #tpu.memory_space<hbm>>
      %dma_wait3A_116 = tpu.memref_squeeze %dma_wait3A_115 : memref<1x128x128xf32, #tpu.memory_space<hbm>> -> memref<128x128xf32, #tpu.memory_space<hbm>>
      tpu.wait_dma2 semaphore(%run_scoped3A : memref<!tpu.dma_semaphore, #tpu.memory_space<semaphore_mem>>) src(%arg10 : memref<128x128xf32, #tpu.memory_space<vmem>>) dst(%dma_wait3A_116 : memref<128x128xf32, #tpu.memory_space<hbm>>)
      tpu.yield
    }) : () -> ()
    return
  }
}

#map = affine_map<(d0, d1) -> (0, 0)>
#map1 = affine_map<(d0, d1) -> (0, 0, 0)>
module attributes {stable_mosaic.version = 14 : i64} {
  func.func @_sc_scatter_body(%arg0: i32, %arg1: i32, %arg2: memref<10240x128xf32, #tpu.memory_space<hbm>>, %arg3: memref<2560x128xi32, #tpu.memory_space<hbm>>, %arg4: memref<2560x128xi32, #tpu.memory_space<hbm>>, %arg5: memref<128x128xf32, #tpu.memory_space<hbm>>, %arg6: memref<2x10240x128xf32, #tpu.memory_space<hbm>>, %arg7: memref<80x128xi32, #tpu.memory_space<vmem>>, %arg8: memref<128xi32, #tpu.memory_space<vmem>>, %arg9: memref<128xi32, #tpu.memory_space<vmem>>, %arg10: memref<128x128xf32, #tpu.memory_space<vmem>>, %arg11: memref<128x128xf32, #tpu.memory_space<vmem>>, %arg12: memref<10240x128xf32, #tpu.memory_space<vmem_shared>>, %arg13: memref<!tpu.dma_semaphore, #tpu.memory_space<semaphore_mem>>, %arg14: memref<!tpu.dma_semaphore, #tpu.memory_space<semaphore_mem>>) attributes {dimension_semantics = [#tpu.dimension_semantics<core_parallel>, #tpu.dimension_semantics<subcore_parallel>], iteration_bounds = array<i64: 2, 16>, scalar_prefetch = 0 : i64, scratch_operands = 8 : i64, tpu.core_type = #tpu.core_type<sc_vector_subcore>, window_params = [{transform_indices = #map}, {transform_indices = #map}, {transform_indices = #map}, {transform_indices = #map}, {transform_indices = #map1}]} {
    %eq3A = arith.constant 0 : i32
    %eq3A_0 = arith.cmpi eq, %arg0, %eq3A : i32
    %mul3A = arith.constant 80 : i32
    %mul3A_1 = arith.muli %arg1, %mul3A : i32
    %mul3A_2 = arith.constant 80 : i32
    %mul3A_3 = arith.muli %arg1, %mul3A_2 : i32
    %add3A = arith.constant 1280 : i32
    %add3A_4 = arith.addi %add3A, %mul3A_3 : i32
    %select_n3A = arith.select %eq3A_0, %mul3A_1, %add3A_4 : i32
    %eq3A_5 = arith.constant 0 : i32
    %eq3A_6 = arith.cmpi eq, %arg0, %eq3A_5 : i32
    %jit3A = arith.constant 80 : i32
    %jit3A_7 = arith.constant 80 : i32
    %select_n3A_8 = arith.select %eq3A_6, %jit3A, %jit3A_7 : i32
    "tpu.region"() ({
      %run_scoped3A = tpu.sem_alloc : memref<!tpu.dma_semaphore, #tpu.memory_space<semaphore_mem>>
      tpu.enqueue_dma source(%arg5 : memref<128x128xf32, #tpu.memory_space<hbm>>) target(%arg10 : memref<128x128xf32, #tpu.memory_space<vmem>>) target_semaphore(%run_scoped3A : memref<!tpu.dma_semaphore, #tpu.memory_space<semaphore_mem>>)
      tpu.wait_dma2 semaphore(%run_scoped3A : memref<!tpu.dma_semaphore, #tpu.memory_space<semaphore_mem>>) src(%arg5 : memref<128x128xf32, #tpu.memory_space<hbm>>) dst(%arg10 : memref<128x128xf32, #tpu.memory_space<vmem>>)
      tpu.yield
    }) : () -> ()
    %mul3A_9 = arith.constant 640 : i32
    %mul3A_10 = arith.muli %arg1, %mul3A_9 : i32
    %add3A_11 = arith.constant 0 : i32
    %add3A_12 = arith.addi %mul3A_10, %add3A_11 : i32
    "tpu.region"() ({
      %run_scoped3A = tpu.sem_alloc : memref<!tpu.dma_semaphore, #tpu.memory_space<semaphore_mem>>
      %dma_start3A_106 = arith.constant 0 : i32
      %dma_start3A_107 = tpu.memref_slice %arg12[%add3A_12, %dma_start3A_106] : memref<10240x128xf32, #tpu.memory_space<vmem_shared>> -> memref<128x128xf32, #tpu.memory_space<vmem_shared>>
      %dma_start3A_108 = arith.constant 0 : i32
      %dma_start3A_109 = tpu.memref_slice %arg12[%add3A_12, %dma_start3A_108] : memref<10240x128xf32, #tpu.memory_space<vmem_shared>> -> memref<128x128xf32, #tpu.memory_space<vmem_shared>>
      tpu.enqueue_dma source(%arg10 : memref<128x128xf32, #tpu.memory_space<vmem>>) target(%dma_start3A_109 : memref<128x128xf32, #tpu.memory_space<vmem_shared>>) target_semaphore(%run_scoped3A : memref<!tpu.dma_semaphore, #tpu.memory_space<semaphore_mem>>)
      %dma_wait3A = arith.constant 0 : i32
      %dma_wait3A_110 = tpu.memref_slice %arg12[%add3A_12, %dma_wait3A] : memref<10240x128xf32, #tpu.memory_space<vmem_shared>> -> memref<128x128xf32, #tpu.memory_space<vmem_shared>>
      %dma_wait3A_111 = arith.constant 0 : i32
      %dma_wait3A_112 = tpu.memref_slice %arg12[%add3A_12, %dma_wait3A_111] : memref<10240x128xf32, #tpu.memory_space<vmem_shared>> -> memref<128x128xf32, #tpu.memory_space<vmem_shared>>
      tpu.wait_dma2 semaphore(%run_scoped3A : memref<!tpu.dma_semaphore, #tpu.memory_space<semaphore_mem>>) src(%arg10 : memref<128x128xf32, #tpu.memory_space<vmem>>) dst(%dma_wait3A_112 : memref<128x128xf32, #tpu.memory_space<vmem_shared>>)
      tpu.yield
    }) : () -> ()
    %add3A_13 = arith.constant 128 : i32
    %add3A_14 = arith.addi %mul3A_10, %add3A_13 : i32
    "tpu.region"() ({
      %run_scoped3A = tpu.sem_alloc : memref<!tpu.dma_semaphore, #tpu.memory_space<semaphore_mem>>
      %dma_start3A_106 = arith.constant 0 : i32
      %dma_start3A_107 = tpu.memref_slice %arg12[%add3A_14, %dma_start3A_106] : memref<10240x128xf32, #tpu.memory_space<vmem_shared>> -> memref<128x128xf32, #tpu.memory_space<vmem_shared>>
      %dma_start3A_108 = arith.constant 0 : i32
      %dma_start3A_109 = tpu.memref_slice %arg12[%add3A_14, %dma_start3A_108] : memref<10240x128xf32, #tpu.memory_space<vmem_shared>> -> memref<128x128xf32, #tpu.memory_space<vmem_shared>>
      tpu.enqueue_dma source(%arg10 : memref<128x128xf32, #tpu.memory_space<vmem>>) target(%dma_start3A_109 : memref<128x128xf32, #tpu.memory_space<vmem_shared>>) target_semaphore(%run_scoped3A : memref<!tpu.dma_semaphore, #tpu.memory_space<semaphore_mem>>)
      %dma_wait3A = arith.constant 0 : i32
      %dma_wait3A_110 = tpu.memref_slice %arg12[%add3A_14, %dma_wait3A] : memref<10240x128xf32, #tpu.memory_space<vmem_shared>> -> memref<128x128xf32, #tpu.memory_space<vmem_shared>>
      %dma_wait3A_111 = arith.constant 0 : i32
      %dma_wait3A_112 = tpu.memref_slice %arg12[%add3A_14, %dma_wait3A_111] : memref<10240x128xf32, #tpu.memory_space<vmem_shared>> -> memref<128x128xf32, #tpu.memory_space<vmem_shared>>
      tpu.wait_dma2 semaphore(%run_scoped3A : memref<!tpu.dma_semaphore, #tpu.memory_space<semaphore_mem>>) src(%arg10 : memref<128x128xf32, #tpu.memory_space<vmem>>) dst(%dma_wait3A_112 : memref<128x128xf32, #tpu.memory_space<vmem_shared>>)
      tpu.yield
    }) : () -> ()
    %add3A_15 = arith.constant 256 : i32
    %add3A_16 = arith.addi %mul3A_10, %add3A_15 : i32
    "tpu.region"() ({
      %run_scoped3A = tpu.sem_alloc : memref<!tpu.dma_semaphore, #tpu.memory_space<semaphore_mem>>
      %dma_start3A_106 = arith.constant 0 : i32
      %dma_start3A_107 = tpu.memref_slice %arg12[%add3A_16, %dma_start3A_106] : memref<10240x128xf32, #tpu.memory_space<vmem_shared>> -> memref<128x128xf32, #tpu.memory_space<vmem_shared>>
      %dma_start3A_108 = arith.constant 0 : i32
      %dma_start3A_109 = tpu.memref_slice %arg12[%add3A_16, %dma_start3A_108] : memref<10240x128xf32, #tpu.memory_space<vmem_shared>> -> memref<128x128xf32, #tpu.memory_space<vmem_shared>>
      tpu.enqueue_dma source(%arg10 : memref<128x128xf32, #tpu.memory_space<vmem>>) target(%dma_start3A_109 : memref<128x128xf32, #tpu.memory_space<vmem_shared>>) target_semaphore(%run_scoped3A : memref<!tpu.dma_semaphore, #tpu.memory_space<semaphore_mem>>)
      %dma_wait3A = arith.constant 0 : i32
      %dma_wait3A_110 = tpu.memref_slice %arg12[%add3A_16, %dma_wait3A] : memref<10240x128xf32, #tpu.memory_space<vmem_shared>> -> memref<128x128xf32, #tpu.memory_space<vmem_shared>>
      %dma_wait3A_111 = arith.constant 0 : i32
      %dma_wait3A_112 = tpu.memref_slice %arg12[%add3A_16, %dma_wait3A_111] : memref<10240x128xf32, #tpu.memory_space<vmem_shared>> -> memref<128x128xf32, #tpu.memory_space<vmem_shared>>
      tpu.wait_dma2 semaphore(%run_scoped3A : memref<!tpu.dma_semaphore, #tpu.memory_space<semaphore_mem>>) src(%arg10 : memref<128x128xf32, #tpu.memory_space<vmem>>) dst(%dma_wait3A_112 : memref<128x128xf32, #tpu.memory_space<vmem_shared>>)
      tpu.yield
    }) : () -> ()
    %add3A_17 = arith.constant 384 : i32
    %add3A_18 = arith.addi %mul3A_10, %add3A_17 : i32
    "tpu.region"() ({
      %run_scoped3A = tpu.sem_alloc : memref<!tpu.dma_semaphore, #tpu.memory_space<semaphore_mem>>
      %dma_start3A_106 = arith.constant 0 : i32
      %dma_start3A_107 = tpu.memref_slice %arg12[%add3A_18, %dma_start3A_106] : memref<10240x128xf32, #tpu.memory_space<vmem_shared>> -> memref<128x128xf32, #tpu.memory_space<vmem_shared>>
      %dma_start3A_108 = arith.constant 0 : i32
      %dma_start3A_109 = tpu.memref_slice %arg12[%add3A_18, %dma_start3A_108] : memref<10240x128xf32, #tpu.memory_space<vmem_shared>> -> memref<128x128xf32, #tpu.memory_space<vmem_shared>>
      tpu.enqueue_dma source(%arg10 : memref<128x128xf32, #tpu.memory_space<vmem>>) target(%dma_start3A_109 : memref<128x128xf32, #tpu.memory_space<vmem_shared>>) target_semaphore(%run_scoped3A : memref<!tpu.dma_semaphore, #tpu.memory_space<semaphore_mem>>)
      %dma_wait3A = arith.constant 0 : i32
      %dma_wait3A_110 = tpu.memref_slice %arg12[%add3A_18, %dma_wait3A] : memref<10240x128xf32, #tpu.memory_space<vmem_shared>> -> memref<128x128xf32, #tpu.memory_space<vmem_shared>>
      %dma_wait3A_111 = arith.constant 0 : i32
      %dma_wait3A_112 = tpu.memref_slice %arg12[%add3A_18, %dma_wait3A_111] : memref<10240x128xf32, #tpu.memory_space<vmem_shared>> -> memref<128x128xf32, #tpu.memory_space<vmem_shared>>
      tpu.wait_dma2 semaphore(%run_scoped3A : memref<!tpu.dma_semaphore, #tpu.memory_space<semaphore_mem>>) src(%arg10 : memref<128x128xf32, #tpu.memory_space<vmem>>) dst(%dma_wait3A_112 : memref<128x128xf32, #tpu.memory_space<vmem_shared>>)
      tpu.yield
    }) : () -> ()
    %add3A_19 = arith.constant 512 : i32
    %add3A_20 = arith.addi %mul3A_10, %add3A_19 : i32
    "tpu.region"() ({
      %run_scoped3A = tpu.sem_alloc : memref<!tpu.dma_semaphore, #tpu.memory_space<semaphore_mem>>
      %dma_start3A_106 = arith.constant 0 : i32
      %dma_start3A_107 = tpu.memref_slice %arg12[%add3A_20, %dma_start3A_106] : memref<10240x128xf32, #tpu.memory_space<vmem_shared>> -> memref<128x128xf32, #tpu.memory_space<vmem_shared>>
      %dma_start3A_108 = arith.constant 0 : i32
      %dma_start3A_109 = tpu.memref_slice %arg12[%add3A_20, %dma_start3A_108] : memref<10240x128xf32, #tpu.memory_space<vmem_shared>> -> memref<128x128xf32, #tpu.memory_space<vmem_shared>>
      tpu.enqueue_dma source(%arg10 : memref<128x128xf32, #tpu.memory_space<vmem>>) target(%dma_start3A_109 : memref<128x128xf32, #tpu.memory_space<vmem_shared>>) target_semaphore(%run_scoped3A : memref<!tpu.dma_semaphore, #tpu.memory_space<semaphore_mem>>)
      %dma_wait3A = arith.constant 0 : i32
      %dma_wait3A_110 = tpu.memref_slice %arg12[%add3A_20, %dma_wait3A] : memref<10240x128xf32, #tpu.memory_space<vmem_shared>> -> memref<128x128xf32, #tpu.memory_space<vmem_shared>>
      %dma_wait3A_111 = arith.constant 0 : i32
      %dma_wait3A_112 = tpu.memref_slice %arg12[%add3A_20, %dma_wait3A_111] : memref<10240x128xf32, #tpu.memory_space<vmem_shared>> -> memref<128x128xf32, #tpu.memory_space<vmem_shared>>
      tpu.wait_dma2 semaphore(%run_scoped3A : memref<!tpu.dma_semaphore, #tpu.memory_space<semaphore_mem>>) src(%arg10 : memref<128x128xf32, #tpu.memory_space<vmem>>) dst(%dma_wait3A_112 : memref<128x128xf32, #tpu.memory_space<vmem_shared>>)
      tpu.yield
    }) : () -> ()
    %eq3A_21 = arith.constant 0 : i32
    %eq3A_22 = arith.cmpi eq, %arg0, %eq3A_21 : i32
    %convert_element_type3A = arith.extui %eq3A_22 : i1 to i32
    %cond3A = arith.constant 0 : i32
    %cond3A_23 = arith.cmpi ne, %convert_element_type3A, %cond3A : i32
    scf.if %cond3A_23 {
      "tpu.region"() ({
        %run_scoped3A = tpu.sem_alloc : memref<!tpu.dma_semaphore, #tpu.memory_space<semaphore_mem>>
        %dma_start3A_106 = arith.constant 0 : i32
        %dma_start3A_107 = tpu.memref_slice %arg3[%select_n3A, %dma_start3A_106] : memref<2560x128xi32, #tpu.memory_space<hbm>> -> memref<80x128xi32, #tpu.memory_space<hbm>>
        %dma_start3A_108 = arith.constant 0 : i32
        %dma_start3A_109 = tpu.memref_slice %arg3[%select_n3A, %dma_start3A_108] : memref<2560x128xi32, #tpu.memory_space<hbm>> -> memref<80x128xi32, #tpu.memory_space<hbm>>
        tpu.enqueue_dma source(%dma_start3A_109 : memref<80x128xi32, #tpu.memory_space<hbm>>) target(%arg7 : memref<80x128xi32, #tpu.memory_space<vmem>>) target_semaphore(%run_scoped3A : memref<!tpu.dma_semaphore, #tpu.memory_space<semaphore_mem>>)
        %dma_wait3A = arith.constant 0 : i32
        %dma_wait3A_110 = tpu.memref_slice %arg3[%select_n3A, %dma_wait3A] : memref<2560x128xi32, #tpu.memory_space<hbm>> -> memref<80x128xi32, #tpu.memory_space<hbm>>
        %dma_wait3A_111 = arith.constant 0 : i32
        %dma_wait3A_112 = tpu.memref_slice %arg3[%select_n3A, %dma_wait3A_111] : memref<2560x128xi32, #tpu.memory_space<hbm>> -> memref<80x128xi32, #tpu.memory_space<hbm>>
        tpu.wait_dma2 semaphore(%run_scoped3A : memref<!tpu.dma_semaphore, #tpu.memory_space<semaphore_mem>>) src(%dma_wait3A_112 : memref<80x128xi32, #tpu.memory_space<hbm>>) dst(%arg7 : memref<80x128xi32, #tpu.memory_space<vmem>>)
        tpu.yield
      }) : () -> ()
    } else {
    }
    %eq3A_24 = arith.constant 1 : i32
    %eq3A_25 = arith.cmpi eq, %arg0, %eq3A_24 : i32
    %convert_element_type3A_26 = arith.extui %eq3A_25 : i1 to i32
    %cond3A_27 = arith.constant 0 : i32
    %cond3A_28 = arith.cmpi ne, %convert_element_type3A_26, %cond3A_27 : i32
    scf.if %cond3A_28 {
      "tpu.region"() ({
        %run_scoped3A = tpu.sem_alloc : memref<!tpu.dma_semaphore, #tpu.memory_space<semaphore_mem>>
        %dma_start3A_106 = arith.constant 0 : i32
        %dma_start3A_107 = arith.constant 0 : i32
        %dma_start3A_108 = tpu.memref_slice %arg7[%dma_start3A_106, %dma_start3A_107] : memref<80x128xi32, #tpu.memory_space<vmem>> -> memref<80x128xi32, #tpu.memory_space<vmem>>
        %dma_start3A_109 = arith.constant 0 : i32
        %dma_start3A_110 = tpu.memref_slice %arg3[%select_n3A, %dma_start3A_109] : memref<2560x128xi32, #tpu.memory_space<hbm>> -> memref<80x128xi32, #tpu.memory_space<hbm>>
        %dma_start3A_111 = arith.constant 0 : i32
        %dma_start3A_112 = arith.constant 0 : i32
        %dma_start3A_113 = tpu.memref_slice %arg7[%dma_start3A_111, %dma_start3A_112] : memref<80x128xi32, #tpu.memory_space<vmem>> -> memref<80x128xi32, #tpu.memory_space<vmem>>
        %dma_start3A_114 = arith.constant 0 : i32
        %dma_start3A_115 = tpu.memref_slice %arg3[%select_n3A, %dma_start3A_114] : memref<2560x128xi32, #tpu.memory_space<hbm>> -> memref<80x128xi32, #tpu.memory_space<hbm>>
        tpu.enqueue_dma source(%dma_start3A_115 : memref<80x128xi32, #tpu.memory_space<hbm>>) target(%dma_start3A_113 : memref<80x128xi32, #tpu.memory_space<vmem>>) target_semaphore(%run_scoped3A : memref<!tpu.dma_semaphore, #tpu.memory_space<semaphore_mem>>)
        %dma_wait3A = arith.constant 0 : i32
        %dma_wait3A_116 = arith.constant 0 : i32
        %dma_wait3A_117 = tpu.memref_slice %arg7[%dma_wait3A, %dma_wait3A_116] : memref<80x128xi32, #tpu.memory_space<vmem>> -> memref<80x128xi32, #tpu.memory_space<vmem>>
        %dma_wait3A_118 = arith.constant 0 : i32
        %dma_wait3A_119 = tpu.memref_slice %arg3[%select_n3A, %dma_wait3A_118] : memref<2560x128xi32, #tpu.memory_space<hbm>> -> memref<80x128xi32, #tpu.memory_space<hbm>>
        %dma_wait3A_120 = arith.constant 0 : i32
        %dma_wait3A_121 = arith.constant 0 : i32
        %dma_wait3A_122 = tpu.memref_slice %arg7[%dma_wait3A_120, %dma_wait3A_121] : memref<80x128xi32, #tpu.memory_space<vmem>> -> memref<80x128xi32, #tpu.memory_space<vmem>>
        %dma_wait3A_123 = arith.constant 0 : i32
        %dma_wait3A_124 = tpu.memref_slice %arg3[%select_n3A, %dma_wait3A_123] : memref<2560x128xi32, #tpu.memory_space<hbm>> -> memref<80x128xi32, #tpu.memory_space<hbm>>
        tpu.wait_dma2 semaphore(%run_scoped3A : memref<!tpu.dma_semaphore, #tpu.memory_space<semaphore_mem>>) src(%dma_wait3A_124 : memref<80x128xi32, #tpu.memory_space<hbm>>) dst(%dma_wait3A_122 : memref<80x128xi32, #tpu.memory_space<vmem>>)
        tpu.yield
      }) : () -> ()
    } else {
    }
    %dma_start3A = arith.constant 0 : i32
    %dma_start3A_29 = tpu.memref_slice %arg4[%select_n3A, %dma_start3A] : memref<2560x128xi32, #tpu.memory_space<hbm>> -> memref<1x128xi32, #tpu.memory_space<hbm>>
    %dma_start3A_30 = tpu.memref_squeeze %dma_start3A_29 : memref<1x128xi32, #tpu.memory_space<hbm>> -> memref<128xi32, #tpu.memory_space<hbm>>
    %dma_start3A_31 = arith.constant 0 : i32
    %dma_start3A_32 = tpu.memref_slice %arg4[%select_n3A, %dma_start3A_31] : memref<2560x128xi32, #tpu.memory_space<hbm>> -> memref<1x128xi32, #tpu.memory_space<hbm>>
    %dma_start3A_33 = tpu.memref_squeeze %dma_start3A_32 : memref<1x128xi32, #tpu.memory_space<hbm>> -> memref<128xi32, #tpu.memory_space<hbm>>
    tpu.enqueue_dma source(%dma_start3A_33 : memref<128xi32, #tpu.memory_space<hbm>>) target(%arg8 : memref<128xi32, #tpu.memory_space<vmem>>) target_semaphore(%arg13 : memref<!tpu.dma_semaphore, #tpu.memory_space<semaphore_mem>>)
    %dma_start3A_34 = arith.constant 0 : i32
    %dma_start3A_35 = arith.constant 0 : i32
    %dma_start3A_36 = tpu.memref_slice %arg7[%dma_start3A_34, %dma_start3A_35] : memref<80x128xi32, #tpu.memory_space<vmem>> -> memref<1x128xi32, #tpu.memory_space<vmem>>
    %dma_start3A_37 = tpu.memref_squeeze %dma_start3A_36 : memref<1x128xi32, #tpu.memory_space<vmem>> -> memref<128xi32, #tpu.memory_space<vmem>>
    %dma_start3A_38 = arith.constant 0 : i32
    %dma_start3A_39 = arith.constant 0 : i32
    %dma_start3A_40 = tpu.memref_slice %arg2[%dma_start3A_38, %dma_start3A_39] : memref<10240x128xf32, #tpu.memory_space<hbm>> -> memref<10240x128xf32, #tpu.memory_space<hbm>>
    tpu.enqueue_indirect_dma source(%dma_start3A_40 : memref<10240x128xf32, #tpu.memory_space<hbm>>) target(%arg10 : memref<128x128xf32, #tpu.memory_space<vmem>>) offsets(%dma_start3A_37 : memref<128xi32, #tpu.memory_space<vmem>>) semaphore(%arg13 : memref<!tpu.dma_semaphore, #tpu.memory_space<semaphore_mem>>)
    %add3A_41 = arith.constant 1 : i32
    %add3A_42 = arith.addi %select_n3A, %add3A_41 : i32
    %dma_start3A_43 = arith.constant 0 : i32
    %dma_start3A_44 = tpu.memref_slice %arg4[%add3A_42, %dma_start3A_43] : memref<2560x128xi32, #tpu.memory_space<hbm>> -> memref<1x128xi32, #tpu.memory_space<hbm>>
    %dma_start3A_45 = tpu.memref_squeeze %dma_start3A_44 : memref<1x128xi32, #tpu.memory_space<hbm>> -> memref<128xi32, #tpu.memory_space<hbm>>
    %dma_start3A_46 = arith.constant 0 : i32
    %dma_start3A_47 = tpu.memref_slice %arg4[%add3A_42, %dma_start3A_46] : memref<2560x128xi32, #tpu.memory_space<hbm>> -> memref<1x128xi32, #tpu.memory_space<hbm>>
    %dma_start3A_48 = tpu.memref_squeeze %dma_start3A_47 : memref<1x128xi32, #tpu.memory_space<hbm>> -> memref<128xi32, #tpu.memory_space<hbm>>
    tpu.enqueue_dma source(%dma_start3A_48 : memref<128xi32, #tpu.memory_space<hbm>>) target(%arg9 : memref<128xi32, #tpu.memory_space<vmem>>) target_semaphore(%arg14 : memref<!tpu.dma_semaphore, #tpu.memory_space<semaphore_mem>>)
    %dma_start3A_49 = arith.constant 1 : i32
    %dma_start3A_50 = arith.constant 0 : i32
    %dma_start3A_51 = tpu.memref_slice %arg7[%dma_start3A_49, %dma_start3A_50] : memref<80x128xi32, #tpu.memory_space<vmem>> -> memref<1x128xi32, #tpu.memory_space<vmem>>
    %dma_start3A_52 = tpu.memref_squeeze %dma_start3A_51 : memref<1x128xi32, #tpu.memory_space<vmem>> -> memref<128xi32, #tpu.memory_space<vmem>>
    %dma_start3A_53 = arith.constant 0 : i32
    %dma_start3A_54 = arith.constant 0 : i32
    %dma_start3A_55 = tpu.memref_slice %arg2[%dma_start3A_53, %dma_start3A_54] : memref<10240x128xf32, #tpu.memory_space<hbm>> -> memref<10240x128xf32, #tpu.memory_space<hbm>>
    tpu.enqueue_indirect_dma source(%dma_start3A_55 : memref<10240x128xf32, #tpu.memory_space<hbm>>) target(%arg11 : memref<128x128xf32, #tpu.memory_space<vmem>>) offsets(%dma_start3A_52 : memref<128xi32, #tpu.memory_space<vmem>>) semaphore(%arg14 : memref<!tpu.dma_semaphore, #tpu.memory_space<semaphore_mem>>)
    %barrier3A = arith.constant 0 : index
    tpu.barrier barrier_id(%barrier3A)
    %jit3A_56 = arith.constant 2 : i32
    %div3A = arith.divsi %select_n3A_8, %jit3A_56 : i32
    %sign3A = arith.constant 0 : i32
    %sign3A_57 = arith.cmpi sgt, %select_n3A_8, %sign3A : i32
    %sign3A_58 = arith.extui %sign3A_57 : i1 to i32
    %sign3A_59 = arith.constant 0 : i32
    %sign3A_60 = arith.cmpi slt, %select_n3A_8, %sign3A_59 : i32
    %sign3A_61 = arith.extui %sign3A_60 : i1 to i32
    %sign3A_62 = arith.subi %sign3A_58, %sign3A_61 : i32
    %sign3A_63 = arith.constant 0 : i32
    %sign3A_64 = arith.cmpi sgt, %jit3A_56, %sign3A_63 : i32
    %sign3A_65 = arith.extui %sign3A_64 : i1 to i32
    %sign3A_66 = arith.constant 0 : i32
    %sign3A_67 = arith.cmpi slt, %jit3A_56, %sign3A_66 : i32
    %sign3A_68 = arith.extui %sign3A_67 : i1 to i32
    %sign3A_69 = arith.subi %sign3A_65, %sign3A_68 : i32
    %ne3A = arith.cmpi ne, %sign3A_62, %sign3A_69 : i32
    %rem3A = arith.remsi %select_n3A_8, %jit3A_56 : i32
    %ne3A_70 = arith.constant 0 : i32
    %ne3A_71 = arith.cmpi ne, %rem3A, %ne3A_70 : i32
    %and3A = arith.andi %ne3A, %ne3A_71 : i1
    %sub3A = arith.constant 1 : i32
    %sub3A_72 = arith.subi %div3A, %sub3A : i32
    %select_n3A_73 = arith.select %and3A, %sub3A_72, %div3A : i32
    %while3A = arith.constant 0 : i32
    %while3A_74 = arith.constant 0 : i32
    %while3A_75 = arith.subi %select_n3A_73, %while3A : i32
    %while3A_76 = arith.addi %while3A, %while3A_75 : i32
    %while3A_77 = arith.constant 1 : i32
    %while3A_78 = arith.divsi %while3A_75, %while3A_77 : i32
    %while3A_79 = arith.muli %while3A_78, %while3A_77 : i32
    %while3A_80 = arith.addi %while3A, %while3A_79 : i32
    %while3A_81 = arith.constant 1 : i32
    %while3A_82 = scf.for %while3A_106 = %while3A to %while3A_80 step %while3A_81 iter_args(%while3A_107 = %while3A_74) -> (i32)  : i32 {
      %mul3A_108 = arith.constant 2 : i32
      %mul3A_109 = arith.muli %mul3A_108, %while3A_106 : i32
      %add3A_110 = arith.constant 0 : i32
      %add3A_111 = arith.addi %mul3A_109, %add3A_110 : i32
      %add3A_112 = arith.addi %select_n3A, %add3A_111 : i32
      %dma_wait3A = arith.constant 0 : i32
      %dma_wait3A_113 = tpu.memref_slice %arg4[%add3A_112, %dma_wait3A] : memref<2560x128xi32, #tpu.memory_space<hbm>> -> memref<1x128xi32, #tpu.memory_space<hbm>>
      %dma_wait3A_114 = tpu.memref_squeeze %dma_wait3A_113 : memref<1x128xi32, #tpu.memory_space<hbm>> -> memref<128xi32, #tpu.memory_space<hbm>>
      %dma_wait3A_115 = arith.constant 0 : i32
      %dma_wait3A_116 = tpu.memref_slice %arg4[%add3A_112, %dma_wait3A_115] : memref<2560x128xi32, #tpu.memory_space<hbm>> -> memref<1x128xi32, #tpu.memory_space<hbm>>
      %dma_wait3A_117 = tpu.memref_squeeze %dma_wait3A_116 : memref<1x128xi32, #tpu.memory_space<hbm>> -> memref<128xi32, #tpu.memory_space<hbm>>
      tpu.wait_dma2 semaphore(%arg13 : memref<!tpu.dma_semaphore, #tpu.memory_space<semaphore_mem>>) src(%dma_wait3A_117 : memref<128xi32, #tpu.memory_space<hbm>>) dst(%arg8 : memref<128xi32, #tpu.memory_space<vmem>>)
      %dma_wait3A_118 = arith.constant 0 : i32
      %dma_wait3A_119 = tpu.memref_slice %arg7[%add3A_111, %dma_wait3A_118] : memref<80x128xi32, #tpu.memory_space<vmem>> -> memref<1x128xi32, #tpu.memory_space<vmem>>
      %dma_wait3A_120 = tpu.memref_squeeze %dma_wait3A_119 : memref<1x128xi32, #tpu.memory_space<vmem>> -> memref<128xi32, #tpu.memory_space<vmem>>
      %dma_wait3A_121 = arith.constant 0 : i32
      %dma_wait3A_122 = arith.constant 0 : i32
      %dma_wait3A_123 = tpu.memref_slice %arg2[%dma_wait3A_121, %dma_wait3A_122] : memref<10240x128xf32, #tpu.memory_space<hbm>> -> memref<10240x128xf32, #tpu.memory_space<hbm>>
      tpu.wait_indirect_dma semaphore(%arg13 : memref<!tpu.dma_semaphore, #tpu.memory_space<semaphore_mem>>) src(%dma_wait3A_123 : memref<10240x128xf32, #tpu.memory_space<hbm>>) dst(%arg10 : memref<128x128xf32, #tpu.memory_space<vmem>>)
      "tpu.region"() ({
        %run_scoped3A = tpu.sem_alloc : memref<!tpu.dma_semaphore, #tpu.memory_space<semaphore_mem>>
        %dma_start3A_153 = arith.constant 0 : i32
        %dma_start3A_154 = arith.constant 0 : i32
        %dma_start3A_155 = tpu.memref_slice %arg12[%dma_start3A_153, %dma_start3A_154] : memref<10240x128xf32, #tpu.memory_space<vmem_shared>> -> memref<10240x128xf32, #tpu.memory_space<vmem_shared>>
        tpu.enqueue_indirect_dma source(%arg10 : memref<128x128xf32, #tpu.memory_space<vmem>>) target(%dma_start3A_155 : memref<10240x128xf32, #tpu.memory_space<vmem_shared>>) offsets(%arg8 : memref<128xi32, #tpu.memory_space<vmem>>) semaphore(%run_scoped3A : memref<!tpu.dma_semaphore, #tpu.memory_space<semaphore_mem>>) {add = true}
        %dma_wait3A_156 = arith.constant 0 : i32
        %dma_wait3A_157 = arith.constant 0 : i32
        %dma_wait3A_158 = tpu.memref_slice %arg12[%dma_wait3A_156, %dma_wait3A_157] : memref<10240x128xf32, #tpu.memory_space<vmem_shared>> -> memref<10240x128xf32, #tpu.memory_space<vmem_shared>>
        tpu.wait_indirect_dma semaphore(%run_scoped3A : memref<!tpu.dma_semaphore, #tpu.memory_space<semaphore_mem>>) src(%arg10 : memref<128x128xf32, #tpu.memory_space<vmem>>) dst(%dma_wait3A_158 : memref<10240x128xf32, #tpu.memory_space<vmem_shared>>)
        tpu.yield
      }) : () -> ()
      %add3A_124 = arith.constant 2 : i32
      %add3A_125 = arith.addi %add3A_111, %add3A_124 : i32
      %lt3A = arith.cmpi slt, %add3A_125, %select_n3A_8 : i32
      %convert_element_type3A_126 = arith.extui %lt3A : i1 to i32
      %cond3A_127 = arith.constant 0 : i32
      %cond3A_128 = arith.cmpi ne, %convert_element_type3A_126, %cond3A_127 : i32
      scf.if %cond3A_128 {
        %add3A_153 = arith.addi %select_n3A, %add3A_111 : i32
        %add3A_154 = arith.constant 2 : i32
        %add3A_155 = arith.addi %add3A_153, %add3A_154 : i32
        %dma_start3A_156 = arith.constant 0 : i32
        %dma_start3A_157 = tpu.memref_slice %arg4[%add3A_155, %dma_start3A_156] : memref<2560x128xi32, #tpu.memory_space<hbm>> -> memref<1x128xi32, #tpu.memory_space<hbm>>
        %dma_start3A_158 = tpu.memref_squeeze %dma_start3A_157 : memref<1x128xi32, #tpu.memory_space<hbm>> -> memref<128xi32, #tpu.memory_space<hbm>>
        %dma_start3A_159 = arith.constant 0 : i32
        %dma_start3A_160 = tpu.memref_slice %arg4[%add3A_155, %dma_start3A_159] : memref<2560x128xi32, #tpu.memory_space<hbm>> -> memref<1x128xi32, #tpu.memory_space<hbm>>
        %dma_start3A_161 = tpu.memref_squeeze %dma_start3A_160 : memref<1x128xi32, #tpu.memory_space<hbm>> -> memref<128xi32, #tpu.memory_space<hbm>>
        tpu.enqueue_dma source(%dma_start3A_161 : memref<128xi32, #tpu.memory_space<hbm>>) target(%arg8 : memref<128xi32, #tpu.memory_space<vmem>>) target_semaphore(%arg13 : memref<!tpu.dma_semaphore, #tpu.memory_space<semaphore_mem>>)
        %add3A_162 = arith.constant 2 : i32
        %add3A_163 = arith.addi %add3A_111, %add3A_162 : i32
        %dma_start3A_164 = arith.constant 0 : i32
        %dma_start3A_165 = tpu.memref_slice %arg7[%add3A_163, %dma_start3A_164] : memref<80x128xi32, #tpu.memory_space<vmem>> -> memref<1x128xi32, #tpu.memory_space<vmem>>
        %dma_start3A_166 = tpu.memref_squeeze %dma_start3A_165 : memref<1x128xi32, #tpu.memory_space<vmem>> -> memref<128xi32, #tpu.memory_space<vmem>>
        %dma_start3A_167 = arith.constant 0 : i32
        %dma_start3A_168 = arith.constant 0 : i32
        %dma_start3A_169 = tpu.memref_slice %arg2[%dma_start3A_167, %dma_start3A_168] : memref<10240x128xf32, #tpu.memory_space<hbm>> -> memref<10240x128xf32, #tpu.memory_space<hbm>>
        tpu.enqueue_indirect_dma source(%dma_start3A_169 : memref<10240x128xf32, #tpu.memory_space<hbm>>) target(%arg10 : memref<128x128xf32, #tpu.memory_space<vmem>>) offsets(%dma_start3A_166 : memref<128xi32, #tpu.memory_space<vmem>>) semaphore(%arg13 : memref<!tpu.dma_semaphore, #tpu.memory_space<semaphore_mem>>)
      } else {
      }
      %mul3A_129 = arith.constant 2 : i32
      %mul3A_130 = arith.muli %mul3A_129, %while3A_106 : i32
      %add3A_131 = arith.constant 1 : i32
      %add3A_132 = arith.addi %mul3A_130, %add3A_131 : i32
      %add3A_133 = arith.addi %select_n3A, %add3A_132 : i32
      %dma_wait3A_134 = arith.constant 0 : i32
      %dma_wait3A_135 = tpu.memref_slice %arg4[%add3A_133, %dma_wait3A_134] : memref<2560x128xi32, #tpu.memory_space<hbm>> -> memref<1x128xi32, #tpu.memory_space<hbm>>
      %dma_wait3A_136 = tpu.memref_squeeze %dma_wait3A_135 : memref<1x128xi32, #tpu.memory_space<hbm>> -> memref<128xi32, #tpu.memory_space<hbm>>
      %dma_wait3A_137 = arith.constant 0 : i32
      %dma_wait3A_138 = tpu.memref_slice %arg4[%add3A_133, %dma_wait3A_137] : memref<2560x128xi32, #tpu.memory_space<hbm>> -> memref<1x128xi32, #tpu.memory_space<hbm>>
      %dma_wait3A_139 = tpu.memref_squeeze %dma_wait3A_138 : memref<1x128xi32, #tpu.memory_space<hbm>> -> memref<128xi32, #tpu.memory_space<hbm>>
      tpu.wait_dma2 semaphore(%arg14 : memref<!tpu.dma_semaphore, #tpu.memory_space<semaphore_mem>>) src(%dma_wait3A_139 : memref<128xi32, #tpu.memory_space<hbm>>) dst(%arg9 : memref<128xi32, #tpu.memory_space<vmem>>)
      %dma_wait3A_140 = arith.constant 0 : i32
      %dma_wait3A_141 = tpu.memref_slice %arg7[%add3A_132, %dma_wait3A_140] : memref<80x128xi32, #tpu.memory_space<vmem>> -> memref<1x128xi32, #tpu.memory_space<vmem>>
      %dma_wait3A_142 = tpu.memref_squeeze %dma_wait3A_141 : memref<1x128xi32, #tpu.memory_space<vmem>> -> memref<128xi32, #tpu.memory_space<vmem>>
      %dma_wait3A_143 = arith.constant 0 : i32
      %dma_wait3A_144 = arith.constant 0 : i32
      %dma_wait3A_145 = tpu.memref_slice %arg2[%dma_wait3A_143, %dma_wait3A_144] : memref<10240x128xf32, #tpu.memory_space<hbm>> -> memref<10240x128xf32, #tpu.memory_space<hbm>>
      tpu.wait_indirect_dma semaphore(%arg14 : memref<!tpu.dma_semaphore, #tpu.memory_space<semaphore_mem>>) src(%dma_wait3A_145 : memref<10240x128xf32, #tpu.memory_space<hbm>>) dst(%arg11 : memref<128x128xf32, #tpu.memory_space<vmem>>)
      "tpu.region"() ({
        %run_scoped3A = tpu.sem_alloc : memref<!tpu.dma_semaphore, #tpu.memory_space<semaphore_mem>>
        %dma_start3A_153 = arith.constant 0 : i32
        %dma_start3A_154 = arith.constant 0 : i32
        %dma_start3A_155 = tpu.memref_slice %arg12[%dma_start3A_153, %dma_start3A_154] : memref<10240x128xf32, #tpu.memory_space<vmem_shared>> -> memref<10240x128xf32, #tpu.memory_space<vmem_shared>>
        tpu.enqueue_indirect_dma source(%arg11 : memref<128x128xf32, #tpu.memory_space<vmem>>) target(%dma_start3A_155 : memref<10240x128xf32, #tpu.memory_space<vmem_shared>>) offsets(%arg9 : memref<128xi32, #tpu.memory_space<vmem>>) semaphore(%run_scoped3A : memref<!tpu.dma_semaphore, #tpu.memory_space<semaphore_mem>>) {add = true}
        %dma_wait3A_156 = arith.constant 0 : i32
        %dma_wait3A_157 = arith.constant 0 : i32
        %dma_wait3A_158 = tpu.memref_slice %arg12[%dma_wait3A_156, %dma_wait3A_157] : memref<10240x128xf32, #tpu.memory_space<vmem_shared>> -> memref<10240x128xf32, #tpu.memory_space<vmem_shared>>
        tpu.wait_indirect_dma semaphore(%run_scoped3A : memref<!tpu.dma_semaphore, #tpu.memory_space<semaphore_mem>>) src(%arg11 : memref<128x128xf32, #tpu.memory_space<vmem>>) dst(%dma_wait3A_158 : memref<10240x128xf32, #tpu.memory_space<vmem_shared>>)
        tpu.yield
      }) : () -> ()
      %add3A_146 = arith.constant 2 : i32
      %add3A_147 = arith.addi %add3A_132, %add3A_146 : i32
      %lt3A_148 = arith.cmpi slt, %add3A_147, %select_n3A_8 : i32
      %convert_element_type3A_149 = arith.extui %lt3A_148 : i1 to i32
      %cond3A_150 = arith.constant 0 : i32
      %cond3A_151 = arith.cmpi ne, %convert_element_type3A_149, %cond3A_150 : i32
      scf.if %cond3A_151 {
        %add3A_153 = arith.addi %select_n3A, %add3A_132 : i32
        %add3A_154 = arith.constant 2 : i32
        %add3A_155 = arith.addi %add3A_153, %add3A_154 : i32
        %dma_start3A_156 = arith.constant 0 : i32
        %dma_start3A_157 = tpu.memref_slice %arg4[%add3A_155, %dma_start3A_156] : memref<2560x128xi32, #tpu.memory_space<hbm>> -> memref<1x128xi32, #tpu.memory_space<hbm>>
        %dma_start3A_158 = tpu.memref_squeeze %dma_start3A_157 : memref<1x128xi32, #tpu.memory_space<hbm>> -> memref<128xi32, #tpu.memory_space<hbm>>
        %dma_start3A_159 = arith.constant 0 : i32
        %dma_start3A_160 = tpu.memref_slice %arg4[%add3A_155, %dma_start3A_159] : memref<2560x128xi32, #tpu.memory_space<hbm>> -> memref<1x128xi32, #tpu.memory_space<hbm>>
        %dma_start3A_161 = tpu.memref_squeeze %dma_start3A_160 : memref<1x128xi32, #tpu.memory_space<hbm>> -> memref<128xi32, #tpu.memory_space<hbm>>
        tpu.enqueue_dma source(%dma_start3A_161 : memref<128xi32, #tpu.memory_space<hbm>>) target(%arg9 : memref<128xi32, #tpu.memory_space<vmem>>) target_semaphore(%arg14 : memref<!tpu.dma_semaphore, #tpu.memory_space<semaphore_mem>>)
        %add3A_162 = arith.constant 2 : i32
        %add3A_163 = arith.addi %add3A_132, %add3A_162 : i32
        %dma_start3A_164 = arith.constant 0 : i32
        %dma_start3A_165 = tpu.memref_slice %arg7[%add3A_163, %dma_start3A_164] : memref<80x128xi32, #tpu.memory_space<vmem>> -> memref<1x128xi32, #tpu.memory_space<vmem>>
        %dma_start3A_166 = tpu.memref_squeeze %dma_start3A_165 : memref<1x128xi32, #tpu.memory_space<vmem>> -> memref<128xi32, #tpu.memory_space<vmem>>
        %dma_start3A_167 = arith.constant 0 : i32
        %dma_start3A_168 = arith.constant 0 : i32
        %dma_start3A_169 = tpu.memref_slice %arg2[%dma_start3A_167, %dma_start3A_168] : memref<10240x128xf32, #tpu.memory_space<hbm>> -> memref<10240x128xf32, #tpu.memory_space<hbm>>
        tpu.enqueue_indirect_dma source(%dma_start3A_169 : memref<10240x128xf32, #tpu.memory_space<hbm>>) target(%arg11 : memref<128x128xf32, #tpu.memory_space<vmem>>) offsets(%dma_start3A_166 : memref<128xi32, #tpu.memory_space<vmem>>) semaphore(%arg14 : memref<!tpu.dma_semaphore, #tpu.memory_space<semaphore_mem>>)
      } else {
      }
      %while3A_152 = arith.constant 0 : i32
      scf.yield %while3A_152 : i32
    }
    %while3A_83 = arith.constant 1 : i32
    %while3A_84 = scf.for %while3A_106 = %while3A_80 to %while3A_76 step %while3A_83 iter_args(%while3A_107 = %while3A_82) -> (i32)  : i32 {
      %mul3A_108 = arith.constant 2 : i32
      %mul3A_109 = arith.muli %mul3A_108, %while3A_106 : i32
      %add3A_110 = arith.constant 0 : i32
      %add3A_111 = arith.addi %mul3A_109, %add3A_110 : i32
      %add3A_112 = arith.addi %select_n3A, %add3A_111 : i32
      %dma_wait3A = arith.constant 0 : i32
      %dma_wait3A_113 = tpu.memref_slice %arg4[%add3A_112, %dma_wait3A] : memref<2560x128xi32, #tpu.memory_space<hbm>> -> memref<1x128xi32, #tpu.memory_space<hbm>>
      %dma_wait3A_114 = tpu.memref_squeeze %dma_wait3A_113 : memref<1x128xi32, #tpu.memory_space<hbm>> -> memref<128xi32, #tpu.memory_space<hbm>>
      %dma_wait3A_115 = arith.constant 0 : i32
      %dma_wait3A_116 = tpu.memref_slice %arg4[%add3A_112, %dma_wait3A_115] : memref<2560x128xi32, #tpu.memory_space<hbm>> -> memref<1x128xi32, #tpu.memory_space<hbm>>
      %dma_wait3A_117 = tpu.memref_squeeze %dma_wait3A_116 : memref<1x128xi32, #tpu.memory_space<hbm>> -> memref<128xi32, #tpu.memory_space<hbm>>
      tpu.wait_dma2 semaphore(%arg13 : memref<!tpu.dma_semaphore, #tpu.memory_space<semaphore_mem>>) src(%dma_wait3A_117 : memref<128xi32, #tpu.memory_space<hbm>>) dst(%arg8 : memref<128xi32, #tpu.memory_space<vmem>>)
      %dma_wait3A_118 = arith.constant 0 : i32
      %dma_wait3A_119 = tpu.memref_slice %arg7[%add3A_111, %dma_wait3A_118] : memref<80x128xi32, #tpu.memory_space<vmem>> -> memref<1x128xi32, #tpu.memory_space<vmem>>
      %dma_wait3A_120 = tpu.memref_squeeze %dma_wait3A_119 : memref<1x128xi32, #tpu.memory_space<vmem>> -> memref<128xi32, #tpu.memory_space<vmem>>
      %dma_wait3A_121 = arith.constant 0 : i32
      %dma_wait3A_122 = arith.constant 0 : i32
      %dma_wait3A_123 = tpu.memref_slice %arg2[%dma_wait3A_121, %dma_wait3A_122] : memref<10240x128xf32, #tpu.memory_space<hbm>> -> memref<10240x128xf32, #tpu.memory_space<hbm>>
      tpu.wait_indirect_dma semaphore(%arg13 : memref<!tpu.dma_semaphore, #tpu.memory_space<semaphore_mem>>) src(%dma_wait3A_123 : memref<10240x128xf32, #tpu.memory_space<hbm>>) dst(%arg10 : memref<128x128xf32, #tpu.memory_space<vmem>>)
      "tpu.region"() ({
        %run_scoped3A = tpu.sem_alloc : memref<!tpu.dma_semaphore, #tpu.memory_space<semaphore_mem>>
        %dma_start3A_153 = arith.constant 0 : i32
        %dma_start3A_154 = arith.constant 0 : i32
        %dma_start3A_155 = tpu.memref_slice %arg12[%dma_start3A_153, %dma_start3A_154] : memref<10240x128xf32, #tpu.memory_space<vmem_shared>> -> memref<10240x128xf32, #tpu.memory_space<vmem_shared>>
        tpu.enqueue_indirect_dma source(%arg10 : memref<128x128xf32, #tpu.memory_space<vmem>>) target(%dma_start3A_155 : memref<10240x128xf32, #tpu.memory_space<vmem_shared>>) offsets(%arg8 : memref<128xi32, #tpu.memory_space<vmem>>) semaphore(%run_scoped3A : memref<!tpu.dma_semaphore, #tpu.memory_space<semaphore_mem>>) {add = true}
        %dma_wait3A_156 = arith.constant 0 : i32
        %dma_wait3A_157 = arith.constant 0 : i32
        %dma_wait3A_158 = tpu.memref_slice %arg12[%dma_wait3A_156, %dma_wait3A_157] : memref<10240x128xf32, #tpu.memory_space<vmem_shared>> -> memref<10240x128xf32, #tpu.memory_space<vmem_shared>>
        tpu.wait_indirect_dma semaphore(%run_scoped3A : memref<!tpu.dma_semaphore, #tpu.memory_space<semaphore_mem>>) src(%arg10 : memref<128x128xf32, #tpu.memory_space<vmem>>) dst(%dma_wait3A_158 : memref<10240x128xf32, #tpu.memory_space<vmem_shared>>)
        tpu.yield
      }) : () -> ()
      %add3A_124 = arith.constant 2 : i32
      %add3A_125 = arith.addi %add3A_111, %add3A_124 : i32
      %lt3A = arith.cmpi slt, %add3A_125, %select_n3A_8 : i32
      %convert_element_type3A_126 = arith.extui %lt3A : i1 to i32
      %cond3A_127 = arith.constant 0 : i32
      %cond3A_128 = arith.cmpi ne, %convert_element_type3A_126, %cond3A_127 : i32
      scf.if %cond3A_128 {
        %add3A_153 = arith.addi %select_n3A, %add3A_111 : i32
        %add3A_154 = arith.constant 2 : i32
        %add3A_155 = arith.addi %add3A_153, %add3A_154 : i32
        %dma_start3A_156 = arith.constant 0 : i32
        %dma_start3A_157 = tpu.memref_slice %arg4[%add3A_155, %dma_start3A_156] : memref<2560x128xi32, #tpu.memory_space<hbm>> -> memref<1x128xi32, #tpu.memory_space<hbm>>
        %dma_start3A_158 = tpu.memref_squeeze %dma_start3A_157 : memref<1x128xi32, #tpu.memory_space<hbm>> -> memref<128xi32, #tpu.memory_space<hbm>>
        %dma_start3A_159 = arith.constant 0 : i32
        %dma_start3A_160 = tpu.memref_slice %arg4[%add3A_155, %dma_start3A_159] : memref<2560x128xi32, #tpu.memory_space<hbm>> -> memref<1x128xi32, #tpu.memory_space<hbm>>
        %dma_start3A_161 = tpu.memref_squeeze %dma_start3A_160 : memref<1x128xi32, #tpu.memory_space<hbm>> -> memref<128xi32, #tpu.memory_space<hbm>>
        tpu.enqueue_dma source(%dma_start3A_161 : memref<128xi32, #tpu.memory_space<hbm>>) target(%arg8 : memref<128xi32, #tpu.memory_space<vmem>>) target_semaphore(%arg13 : memref<!tpu.dma_semaphore, #tpu.memory_space<semaphore_mem>>)
        %add3A_162 = arith.constant 2 : i32
        %add3A_163 = arith.addi %add3A_111, %add3A_162 : i32
        %dma_start3A_164 = arith.constant 0 : i32
        %dma_start3A_165 = tpu.memref_slice %arg7[%add3A_163, %dma_start3A_164] : memref<80x128xi32, #tpu.memory_space<vmem>> -> memref<1x128xi32, #tpu.memory_space<vmem>>
        %dma_start3A_166 = tpu.memref_squeeze %dma_start3A_165 : memref<1x128xi32, #tpu.memory_space<vmem>> -> memref<128xi32, #tpu.memory_space<vmem>>
        %dma_start3A_167 = arith.constant 0 : i32
        %dma_start3A_168 = arith.constant 0 : i32
        %dma_start3A_169 = tpu.memref_slice %arg2[%dma_start3A_167, %dma_start3A_168] : memref<10240x128xf32, #tpu.memory_space<hbm>> -> memref<10240x128xf32, #tpu.memory_space<hbm>>
        tpu.enqueue_indirect_dma source(%dma_start3A_169 : memref<10240x128xf32, #tpu.memory_space<hbm>>) target(%arg10 : memref<128x128xf32, #tpu.memory_space<vmem>>) offsets(%dma_start3A_166 : memref<128xi32, #tpu.memory_space<vmem>>) semaphore(%arg13 : memref<!tpu.dma_semaphore, #tpu.memory_space<semaphore_mem>>)
      } else {
      }
      %mul3A_129 = arith.constant 2 : i32
      %mul3A_130 = arith.muli %mul3A_129, %while3A_106 : i32
      %add3A_131 = arith.constant 1 : i32
      %add3A_132 = arith.addi %mul3A_130, %add3A_131 : i32
      %add3A_133 = arith.addi %select_n3A, %add3A_132 : i32
      %dma_wait3A_134 = arith.constant 0 : i32
      %dma_wait3A_135 = tpu.memref_slice %arg4[%add3A_133, %dma_wait3A_134] : memref<2560x128xi32, #tpu.memory_space<hbm>> -> memref<1x128xi32, #tpu.memory_space<hbm>>
      %dma_wait3A_136 = tpu.memref_squeeze %dma_wait3A_135 : memref<1x128xi32, #tpu.memory_space<hbm>> -> memref<128xi32, #tpu.memory_space<hbm>>
      %dma_wait3A_137 = arith.constant 0 : i32
      %dma_wait3A_138 = tpu.memref_slice %arg4[%add3A_133, %dma_wait3A_137] : memref<2560x128xi32, #tpu.memory_space<hbm>> -> memref<1x128xi32, #tpu.memory_space<hbm>>
      %dma_wait3A_139 = tpu.memref_squeeze %dma_wait3A_138 : memref<1x128xi32, #tpu.memory_space<hbm>> -> memref<128xi32, #tpu.memory_space<hbm>>
      tpu.wait_dma2 semaphore(%arg14 : memref<!tpu.dma_semaphore, #tpu.memory_space<semaphore_mem>>) src(%dma_wait3A_139 : memref<128xi32, #tpu.memory_space<hbm>>) dst(%arg9 : memref<128xi32, #tpu.memory_space<vmem>>)
      %dma_wait3A_140 = arith.constant 0 : i32
      %dma_wait3A_141 = tpu.memref_slice %arg7[%add3A_132, %dma_wait3A_140] : memref<80x128xi32, #tpu.memory_space<vmem>> -> memref<1x128xi32, #tpu.memory_space<vmem>>
      %dma_wait3A_142 = tpu.memref_squeeze %dma_wait3A_141 : memref<1x128xi32, #tpu.memory_space<vmem>> -> memref<128xi32, #tpu.memory_space<vmem>>
      %dma_wait3A_143 = arith.constant 0 : i32
      %dma_wait3A_144 = arith.constant 0 : i32
      %dma_wait3A_145 = tpu.memref_slice %arg2[%dma_wait3A_143, %dma_wait3A_144] : memref<10240x128xf32, #tpu.memory_space<hbm>> -> memref<10240x128xf32, #tpu.memory_space<hbm>>
      tpu.wait_indirect_dma semaphore(%arg14 : memref<!tpu.dma_semaphore, #tpu.memory_space<semaphore_mem>>) src(%dma_wait3A_145 : memref<10240x128xf32, #tpu.memory_space<hbm>>) dst(%arg11 : memref<128x128xf32, #tpu.memory_space<vmem>>)
      "tpu.region"() ({
        %run_scoped3A = tpu.sem_alloc : memref<!tpu.dma_semaphore, #tpu.memory_space<semaphore_mem>>
        %dma_start3A_153 = arith.constant 0 : i32
        %dma_start3A_154 = arith.constant 0 : i32
        %dma_start3A_155 = tpu.memref_slice %arg12[%dma_start3A_153, %dma_start3A_154] : memref<10240x128xf32, #tpu.memory_space<vmem_shared>> -> memref<10240x128xf32, #tpu.memory_space<vmem_shared>>
        tpu.enqueue_indirect_dma source(%arg11 : memref<128x128xf32, #tpu.memory_space<vmem>>) target(%dma_start3A_155 : memref<10240x128xf32, #tpu.memory_space<vmem_shared>>) offsets(%arg9 : memref<128xi32, #tpu.memory_space<vmem>>) semaphore(%run_scoped3A : memref<!tpu.dma_semaphore, #tpu.memory_space<semaphore_mem>>) {add = true}
        %dma_wait3A_156 = arith.constant 0 : i32
        %dma_wait3A_157 = arith.constant 0 : i32
        %dma_wait3A_158 = tpu.memref_slice %arg12[%dma_wait3A_156, %dma_wait3A_157] : memref<10240x128xf32, #tpu.memory_space<vmem_shared>> -> memref<10240x128xf32, #tpu.memory_space<vmem_shared>>
        tpu.wait_indirect_dma semaphore(%run_scoped3A : memref<!tpu.dma_semaphore, #tpu.memory_space<semaphore_mem>>) src(%arg11 : memref<128x128xf32, #tpu.memory_space<vmem>>) dst(%dma_wait3A_158 : memref<10240x128xf32, #tpu.memory_space<vmem_shared>>)
        tpu.yield
      }) : () -> ()
      %add3A_146 = arith.constant 2 : i32
      %add3A_147 = arith.addi %add3A_132, %add3A_146 : i32
      %lt3A_148 = arith.cmpi slt, %add3A_147, %select_n3A_8 : i32
      %convert_element_type3A_149 = arith.extui %lt3A_148 : i1 to i32
      %cond3A_150 = arith.constant 0 : i32
      %cond3A_151 = arith.cmpi ne, %convert_element_type3A_149, %cond3A_150 : i32
      scf.if %cond3A_151 {
        %add3A_153 = arith.addi %select_n3A, %add3A_132 : i32
        %add3A_154 = arith.constant 2 : i32
        %add3A_155 = arith.addi %add3A_153, %add3A_154 : i32
        %dma_start3A_156 = arith.constant 0 : i32
        %dma_start3A_157 = tpu.memref_slice %arg4[%add3A_155, %dma_start3A_156] : memref<2560x128xi32, #tpu.memory_space<hbm>> -> memref<1x128xi32, #tpu.memory_space<hbm>>
        %dma_start3A_158 = tpu.memref_squeeze %dma_start3A_157 : memref<1x128xi32, #tpu.memory_space<hbm>> -> memref<128xi32, #tpu.memory_space<hbm>>
        %dma_start3A_159 = arith.constant 0 : i32
        %dma_start3A_160 = tpu.memref_slice %arg4[%add3A_155, %dma_start3A_159] : memref<2560x128xi32, #tpu.memory_space<hbm>> -> memref<1x128xi32, #tpu.memory_space<hbm>>
        %dma_start3A_161 = tpu.memref_squeeze %dma_start3A_160 : memref<1x128xi32, #tpu.memory_space<hbm>> -> memref<128xi32, #tpu.memory_space<hbm>>
        tpu.enqueue_dma source(%dma_start3A_161 : memref<128xi32, #tpu.memory_space<hbm>>) target(%arg9 : memref<128xi32, #tpu.memory_space<vmem>>) target_semaphore(%arg14 : memref<!tpu.dma_semaphore, #tpu.memory_space<semaphore_mem>>)
        %add3A_162 = arith.constant 2 : i32
        %add3A_163 = arith.addi %add3A_132, %add3A_162 : i32
        %dma_start3A_164 = arith.constant 0 : i32
        %dma_start3A_165 = tpu.memref_slice %arg7[%add3A_163, %dma_start3A_164] : memref<80x128xi32, #tpu.memory_space<vmem>> -> memref<1x128xi32, #tpu.memory_space<vmem>>
        %dma_start3A_166 = tpu.memref_squeeze %dma_start3A_165 : memref<1x128xi32, #tpu.memory_space<vmem>> -> memref<128xi32, #tpu.memory_space<vmem>>
        %dma_start3A_167 = arith.constant 0 : i32
        %dma_start3A_168 = arith.constant 0 : i32
        %dma_start3A_169 = tpu.memref_slice %arg2[%dma_start3A_167, %dma_start3A_168] : memref<10240x128xf32, #tpu.memory_space<hbm>> -> memref<10240x128xf32, #tpu.memory_space<hbm>>
        tpu.enqueue_indirect_dma source(%dma_start3A_169 : memref<10240x128xf32, #tpu.memory_space<hbm>>) target(%arg11 : memref<128x128xf32, #tpu.memory_space<vmem>>) offsets(%dma_start3A_166 : memref<128xi32, #tpu.memory_space<vmem>>) semaphore(%arg14 : memref<!tpu.dma_semaphore, #tpu.memory_space<semaphore_mem>>)
      } else {
      }
      %while3A_152 = arith.constant 0 : i32
      scf.yield %while3A_152 : i32
    }
    %barrier3A_85 = arith.constant 0 : index
    tpu.barrier barrier_id(%barrier3A_85)
    %add3A_86 = arith.constant 0 : i32
    %add3A_87 = arith.addi %mul3A_10, %add3A_86 : i32
    "tpu.region"() ({
      %run_scoped3A = tpu.sem_alloc : memref<!tpu.dma_semaphore, #tpu.memory_space<semaphore_mem>>
      %dma_start3A_106 = arith.constant 0 : i32
      %dma_start3A_107 = tpu.memref_slice %arg12[%add3A_87, %dma_start3A_106] : memref<10240x128xf32, #tpu.memory_space<vmem_shared>> -> memref<128x128xf32, #tpu.memory_space<vmem_shared>>
      %dma_start3A_108 = arith.constant 0 : i32
      %dma_start3A_109 = tpu.memref_slice %arg12[%add3A_87, %dma_start3A_108] : memref<10240x128xf32, #tpu.memory_space<vmem_shared>> -> memref<128x128xf32, #tpu.memory_space<vmem_shared>>
      tpu.enqueue_dma source(%dma_start3A_109 : memref<128x128xf32, #tpu.memory_space<vmem_shared>>) target(%arg10 : memref<128x128xf32, #tpu.memory_space<vmem>>) target_semaphore(%run_scoped3A : memref<!tpu.dma_semaphore, #tpu.memory_space<semaphore_mem>>)
      %dma_wait3A = arith.constant 0 : i32
      %dma_wait3A_110 = tpu.memref_slice %arg12[%add3A_87, %dma_wait3A] : memref<10240x128xf32, #tpu.memory_space<vmem_shared>> -> memref<128x128xf32, #tpu.memory_space<vmem_shared>>
      %dma_wait3A_111 = arith.constant 0 : i32
      %dma_wait3A_112 = tpu.memref_slice %arg12[%add3A_87, %dma_wait3A_111] : memref<10240x128xf32, #tpu.memory_space<vmem_shared>> -> memref<128x128xf32, #tpu.memory_space<vmem_shared>>
      tpu.wait_dma2 semaphore(%run_scoped3A : memref<!tpu.dma_semaphore, #tpu.memory_space<semaphore_mem>>) src(%dma_wait3A_112 : memref<128x128xf32, #tpu.memory_space<vmem_shared>>) dst(%arg10 : memref<128x128xf32, #tpu.memory_space<vmem>>)
      tpu.yield
    }) : () -> ()
    %add3A_88 = arith.constant 0 : i32
    %add3A_89 = arith.addi %mul3A_10, %add3A_88 : i32
    "tpu.region"() ({
      %run_scoped3A = tpu.sem_alloc : memref<!tpu.dma_semaphore, #tpu.memory_space<semaphore_mem>>
      %dma_start3A_106 = arith.constant 0 : i32
      %dma_start3A_107 = tpu.memref_slice %arg6[%arg0, %add3A_89, %dma_start3A_106] : memref<2x10240x128xf32, #tpu.memory_space<hbm>> -> memref<1x128x128xf32, #tpu.memory_space<hbm>>
      %dma_start3A_108 = tpu.memref_squeeze %dma_start3A_107 : memref<1x128x128xf32, #tpu.memory_space<hbm>> -> memref<128x128xf32, #tpu.memory_space<hbm>>
      %dma_start3A_109 = arith.constant 0 : i32
      %dma_start3A_110 = tpu.memref_slice %arg6[%arg0, %add3A_89, %dma_start3A_109] : memref<2x10240x128xf32, #tpu.memory_space<hbm>> -> memref<1x128x128xf32, #tpu.memory_space<hbm>>
      %dma_start3A_111 = tpu.memref_squeeze %dma_start3A_110 : memref<1x128x128xf32, #tpu.memory_space<hbm>> -> memref<128x128xf32, #tpu.memory_space<hbm>>
      tpu.enqueue_dma source(%arg10 : memref<128x128xf32, #tpu.memory_space<vmem>>) target(%dma_start3A_111 : memref<128x128xf32, #tpu.memory_space<hbm>>) target_semaphore(%run_scoped3A : memref<!tpu.dma_semaphore, #tpu.memory_space<semaphore_mem>>)
      %dma_wait3A = arith.constant 0 : i32
      %dma_wait3A_112 = tpu.memref_slice %arg6[%arg0, %add3A_89, %dma_wait3A] : memref<2x10240x128xf32, #tpu.memory_space<hbm>> -> memref<1x128x128xf32, #tpu.memory_space<hbm>>
      %dma_wait3A_113 = tpu.memref_squeeze %dma_wait3A_112 : memref<1x128x128xf32, #tpu.memory_space<hbm>> -> memref<128x128xf32, #tpu.memory_space<hbm>>
      %dma_wait3A_114 = arith.constant 0 : i32
      %dma_wait3A_115 = tpu.memref_slice %arg6[%arg0, %add3A_89, %dma_wait3A_114] : memref<2x10240x128xf32, #tpu.memory_space<hbm>> -> memref<1x128x128xf32, #tpu.memory_space<hbm>>
      %dma_wait3A_116 = tpu.memref_squeeze %dma_wait3A_115 : memref<1x128x128xf32, #tpu.memory_space<hbm>> -> memref<128x128xf32, #tpu.memory_space<hbm>>
      tpu.wait_dma2 semaphore(%run_scoped3A : memref<!tpu.dma_semaphore, #tpu.memory_space<semaphore_mem>>) src(%arg10 : memref<128x128xf32, #tpu.memory_space<vmem>>) dst(%dma_wait3A_116 : memref<128x128xf32, #tpu.memory_space<hbm>>)
      tpu.yield
    }) : () -> ()
    %add3A_90 = arith.constant 128 : i32
    %add3A_91 = arith.addi %mul3A_10, %add3A_90 : i32
    "tpu.region"() ({
      %run_scoped3A = tpu.sem_alloc : memref<!tpu.dma_semaphore, #tpu.memory_space<semaphore_mem>>
      %dma_start3A_106 = arith.constant 0 : i32
      %dma_start3A_107 = tpu.memref_slice %arg12[%add3A_91, %dma_start3A_106] : memref<10240x128xf32, #tpu.memory_space<vmem_shared>> -> memref<128x128xf32, #tpu.memory_space<vmem_shared>>
      %dma_start3A_108 = arith.constant 0 : i32
      %dma_start3A_109 = tpu.memref_slice %arg12[%add3A_91, %dma_start3A_108] : memref<10240x128xf32, #tpu.memory_space<vmem_shared>> -> memref<128x128xf32, #tpu.memory_space<vmem_shared>>
      tpu.enqueue_dma source(%dma_start3A_109 : memref<128x128xf32, #tpu.memory_space<vmem_shared>>) target(%arg10 : memref<128x128xf32, #tpu.memory_space<vmem>>) target_semaphore(%run_scoped3A : memref<!tpu.dma_semaphore, #tpu.memory_space<semaphore_mem>>)
      %dma_wait3A = arith.constant 0 : i32
      %dma_wait3A_110 = tpu.memref_slice %arg12[%add3A_91, %dma_wait3A] : memref<10240x128xf32, #tpu.memory_space<vmem_shared>> -> memref<128x128xf32, #tpu.memory_space<vmem_shared>>
      %dma_wait3A_111 = arith.constant 0 : i32
      %dma_wait3A_112 = tpu.memref_slice %arg12[%add3A_91, %dma_wait3A_111] : memref<10240x128xf32, #tpu.memory_space<vmem_shared>> -> memref<128x128xf32, #tpu.memory_space<vmem_shared>>
      tpu.wait_dma2 semaphore(%run_scoped3A : memref<!tpu.dma_semaphore, #tpu.memory_space<semaphore_mem>>) src(%dma_wait3A_112 : memref<128x128xf32, #tpu.memory_space<vmem_shared>>) dst(%arg10 : memref<128x128xf32, #tpu.memory_space<vmem>>)
      tpu.yield
    }) : () -> ()
    %add3A_92 = arith.constant 128 : i32
    %add3A_93 = arith.addi %mul3A_10, %add3A_92 : i32
    "tpu.region"() ({
      %run_scoped3A = tpu.sem_alloc : memref<!tpu.dma_semaphore, #tpu.memory_space<semaphore_mem>>
      %dma_start3A_106 = arith.constant 0 : i32
      %dma_start3A_107 = tpu.memref_slice %arg6[%arg0, %add3A_93, %dma_start3A_106] : memref<2x10240x128xf32, #tpu.memory_space<hbm>> -> memref<1x128x128xf32, #tpu.memory_space<hbm>>
      %dma_start3A_108 = tpu.memref_squeeze %dma_start3A_107 : memref<1x128x128xf32, #tpu.memory_space<hbm>> -> memref<128x128xf32, #tpu.memory_space<hbm>>
      %dma_start3A_109 = arith.constant 0 : i32
      %dma_start3A_110 = tpu.memref_slice %arg6[%arg0, %add3A_93, %dma_start3A_109] : memref<2x10240x128xf32, #tpu.memory_space<hbm>> -> memref<1x128x128xf32, #tpu.memory_space<hbm>>
      %dma_start3A_111 = tpu.memref_squeeze %dma_start3A_110 : memref<1x128x128xf32, #tpu.memory_space<hbm>> -> memref<128x128xf32, #tpu.memory_space<hbm>>
      tpu.enqueue_dma source(%arg10 : memref<128x128xf32, #tpu.memory_space<vmem>>) target(%dma_start3A_111 : memref<128x128xf32, #tpu.memory_space<hbm>>) target_semaphore(%run_scoped3A : memref<!tpu.dma_semaphore, #tpu.memory_space<semaphore_mem>>)
      %dma_wait3A = arith.constant 0 : i32
      %dma_wait3A_112 = tpu.memref_slice %arg6[%arg0, %add3A_93, %dma_wait3A] : memref<2x10240x128xf32, #tpu.memory_space<hbm>> -> memref<1x128x128xf32, #tpu.memory_space<hbm>>
      %dma_wait3A_113 = tpu.memref_squeeze %dma_wait3A_112 : memref<1x128x128xf32, #tpu.memory_space<hbm>> -> memref<128x128xf32, #tpu.memory_space<hbm>>
      %dma_wait3A_114 = arith.constant 0 : i32
      %dma_wait3A_115 = tpu.memref_slice %arg6[%arg0, %add3A_93, %dma_wait3A_114] : memref<2x10240x128xf32, #tpu.memory_space<hbm>> -> memref<1x128x128xf32, #tpu.memory_space<hbm>>
      %dma_wait3A_116 = tpu.memref_squeeze %dma_wait3A_115 : memref<1x128x128xf32, #tpu.memory_space<hbm>> -> memref<128x128xf32, #tpu.memory_space<hbm>>
      tpu.wait_dma2 semaphore(%run_scoped3A : memref<!tpu.dma_semaphore, #tpu.memory_space<semaphore_mem>>) src(%arg10 : memref<128x128xf32, #tpu.memory_space<vmem>>) dst(%dma_wait3A_116 : memref<128x128xf32, #tpu.memory_space<hbm>>)
      tpu.yield
    }) : () -> ()
    %add3A_94 = arith.constant 256 : i32
    %add3A_95 = arith.addi %mul3A_10, %add3A_94 : i32
    "tpu.region"() ({
      %run_scoped3A = tpu.sem_alloc : memref<!tpu.dma_semaphore, #tpu.memory_space<semaphore_mem>>
      %dma_start3A_106 = arith.constant 0 : i32
      %dma_start3A_107 = tpu.memref_slice %arg12[%add3A_95, %dma_start3A_106] : memref<10240x128xf32, #tpu.memory_space<vmem_shared>> -> memref<128x128xf32, #tpu.memory_space<vmem_shared>>
      %dma_start3A_108 = arith.constant 0 : i32
      %dma_start3A_109 = tpu.memref_slice %arg12[%add3A_95, %dma_start3A_108] : memref<10240x128xf32, #tpu.memory_space<vmem_shared>> -> memref<128x128xf32, #tpu.memory_space<vmem_shared>>
      tpu.enqueue_dma source(%dma_start3A_109 : memref<128x128xf32, #tpu.memory_space<vmem_shared>>) target(%arg10 : memref<128x128xf32, #tpu.memory_space<vmem>>) target_semaphore(%run_scoped3A : memref<!tpu.dma_semaphore, #tpu.memory_space<semaphore_mem>>)
      %dma_wait3A = arith.constant 0 : i32
      %dma_wait3A_110 = tpu.memref_slice %arg12[%add3A_95, %dma_wait3A] : memref<10240x128xf32, #tpu.memory_space<vmem_shared>> -> memref<128x128xf32, #tpu.memory_space<vmem_shared>>
      %dma_wait3A_111 = arith.constant 0 : i32
      %dma_wait3A_112 = tpu.memref_slice %arg12[%add3A_95, %dma_wait3A_111] : memref<10240x128xf32, #tpu.memory_space<vmem_shared>> -> memref<128x128xf32, #tpu.memory_space<vmem_shared>>
      tpu.wait_dma2 semaphore(%run_scoped3A : memref<!tpu.dma_semaphore, #tpu.memory_space<semaphore_mem>>) src(%dma_wait3A_112 : memref<128x128xf32, #tpu.memory_space<vmem_shared>>) dst(%arg10 : memref<128x128xf32, #tpu.memory_space<vmem>>)
      tpu.yield
    }) : () -> ()
    %add3A_96 = arith.constant 256 : i32
    %add3A_97 = arith.addi %mul3A_10, %add3A_96 : i32
    "tpu.region"() ({
      %run_scoped3A = tpu.sem_alloc : memref<!tpu.dma_semaphore, #tpu.memory_space<semaphore_mem>>
      %dma_start3A_106 = arith.constant 0 : i32
      %dma_start3A_107 = tpu.memref_slice %arg6[%arg0, %add3A_97, %dma_start3A_106] : memref<2x10240x128xf32, #tpu.memory_space<hbm>> -> memref<1x128x128xf32, #tpu.memory_space<hbm>>
      %dma_start3A_108 = tpu.memref_squeeze %dma_start3A_107 : memref<1x128x128xf32, #tpu.memory_space<hbm>> -> memref<128x128xf32, #tpu.memory_space<hbm>>
      %dma_start3A_109 = arith.constant 0 : i32
      %dma_start3A_110 = tpu.memref_slice %arg6[%arg0, %add3A_97, %dma_start3A_109] : memref<2x10240x128xf32, #tpu.memory_space<hbm>> -> memref<1x128x128xf32, #tpu.memory_space<hbm>>
      %dma_start3A_111 = tpu.memref_squeeze %dma_start3A_110 : memref<1x128x128xf32, #tpu.memory_space<hbm>> -> memref<128x128xf32, #tpu.memory_space<hbm>>
      tpu.enqueue_dma source(%arg10 : memref<128x128xf32, #tpu.memory_space<vmem>>) target(%dma_start3A_111 : memref<128x128xf32, #tpu.memory_space<hbm>>) target_semaphore(%run_scoped3A : memref<!tpu.dma_semaphore, #tpu.memory_space<semaphore_mem>>)
      %dma_wait3A = arith.constant 0 : i32
      %dma_wait3A_112 = tpu.memref_slice %arg6[%arg0, %add3A_97, %dma_wait3A] : memref<2x10240x128xf32, #tpu.memory_space<hbm>> -> memref<1x128x128xf32, #tpu.memory_space<hbm>>
      %dma_wait3A_113 = tpu.memref_squeeze %dma_wait3A_112 : memref<1x128x128xf32, #tpu.memory_space<hbm>> -> memref<128x128xf32, #tpu.memory_space<hbm>>
      %dma_wait3A_114 = arith.constant 0 : i32
      %dma_wait3A_115 = tpu.memref_slice %arg6[%arg0, %add3A_97, %dma_wait3A_114] : memref<2x10240x128xf32, #tpu.memory_space<hbm>> -> memref<1x128x128xf32, #tpu.memory_space<hbm>>
      %dma_wait3A_116 = tpu.memref_squeeze %dma_wait3A_115 : memref<1x128x128xf32, #tpu.memory_space<hbm>> -> memref<128x128xf32, #tpu.memory_space<hbm>>
      tpu.wait_dma2 semaphore(%run_scoped3A : memref<!tpu.dma_semaphore, #tpu.memory_space<semaphore_mem>>) src(%arg10 : memref<128x128xf32, #tpu.memory_space<vmem>>) dst(%dma_wait3A_116 : memref<128x128xf32, #tpu.memory_space<hbm>>)
      tpu.yield
    }) : () -> ()
    %add3A_98 = arith.constant 384 : i32
    %add3A_99 = arith.addi %mul3A_10, %add3A_98 : i32
    "tpu.region"() ({
      %run_scoped3A = tpu.sem_alloc : memref<!tpu.dma_semaphore, #tpu.memory_space<semaphore_mem>>
      %dma_start3A_106 = arith.constant 0 : i32
      %dma_start3A_107 = tpu.memref_slice %arg12[%add3A_99, %dma_start3A_106] : memref<10240x128xf32, #tpu.memory_space<vmem_shared>> -> memref<128x128xf32, #tpu.memory_space<vmem_shared>>
      %dma_start3A_108 = arith.constant 0 : i32
      %dma_start3A_109 = tpu.memref_slice %arg12[%add3A_99, %dma_start3A_108] : memref<10240x128xf32, #tpu.memory_space<vmem_shared>> -> memref<128x128xf32, #tpu.memory_space<vmem_shared>>
      tpu.enqueue_dma source(%dma_start3A_109 : memref<128x128xf32, #tpu.memory_space<vmem_shared>>) target(%arg10 : memref<128x128xf32, #tpu.memory_space<vmem>>) target_semaphore(%run_scoped3A : memref<!tpu.dma_semaphore, #tpu.memory_space<semaphore_mem>>)
      %dma_wait3A = arith.constant 0 : i32
      %dma_wait3A_110 = tpu.memref_slice %arg12[%add3A_99, %dma_wait3A] : memref<10240x128xf32, #tpu.memory_space<vmem_shared>> -> memref<128x128xf32, #tpu.memory_space<vmem_shared>>
      %dma_wait3A_111 = arith.constant 0 : i32
      %dma_wait3A_112 = tpu.memref_slice %arg12[%add3A_99, %dma_wait3A_111] : memref<10240x128xf32, #tpu.memory_space<vmem_shared>> -> memref<128x128xf32, #tpu.memory_space<vmem_shared>>
      tpu.wait_dma2 semaphore(%run_scoped3A : memref<!tpu.dma_semaphore, #tpu.memory_space<semaphore_mem>>) src(%dma_wait3A_112 : memref<128x128xf32, #tpu.memory_space<vmem_shared>>) dst(%arg10 : memref<128x128xf32, #tpu.memory_space<vmem>>)
      tpu.yield
    }) : () -> ()
    %add3A_100 = arith.constant 384 : i32
    %add3A_101 = arith.addi %mul3A_10, %add3A_100 : i32
    "tpu.region"() ({
      %run_scoped3A = tpu.sem_alloc : memref<!tpu.dma_semaphore, #tpu.memory_space<semaphore_mem>>
      %dma_start3A_106 = arith.constant 0 : i32
      %dma_start3A_107 = tpu.memref_slice %arg6[%arg0, %add3A_101, %dma_start3A_106] : memref<2x10240x128xf32, #tpu.memory_space<hbm>> -> memref<1x128x128xf32, #tpu.memory_space<hbm>>
      %dma_start3A_108 = tpu.memref_squeeze %dma_start3A_107 : memref<1x128x128xf32, #tpu.memory_space<hbm>> -> memref<128x128xf32, #tpu.memory_space<hbm>>
      %dma_start3A_109 = arith.constant 0 : i32
      %dma_start3A_110 = tpu.memref_slice %arg6[%arg0, %add3A_101, %dma_start3A_109] : memref<2x10240x128xf32, #tpu.memory_space<hbm>> -> memref<1x128x128xf32, #tpu.memory_space<hbm>>
      %dma_start3A_111 = tpu.memref_squeeze %dma_start3A_110 : memref<1x128x128xf32, #tpu.memory_space<hbm>> -> memref<128x128xf32, #tpu.memory_space<hbm>>
      tpu.enqueue_dma source(%arg10 : memref<128x128xf32, #tpu.memory_space<vmem>>) target(%dma_start3A_111 : memref<128x128xf32, #tpu.memory_space<hbm>>) target_semaphore(%run_scoped3A : memref<!tpu.dma_semaphore, #tpu.memory_space<semaphore_mem>>)
      %dma_wait3A = arith.constant 0 : i32
      %dma_wait3A_112 = tpu.memref_slice %arg6[%arg0, %add3A_101, %dma_wait3A] : memref<2x10240x128xf32, #tpu.memory_space<hbm>> -> memref<1x128x128xf32, #tpu.memory_space<hbm>>
      %dma_wait3A_113 = tpu.memref_squeeze %dma_wait3A_112 : memref<1x128x128xf32, #tpu.memory_space<hbm>> -> memref<128x128xf32, #tpu.memory_space<hbm>>
      %dma_wait3A_114 = arith.constant 0 : i32
      %dma_wait3A_115 = tpu.memref_slice %arg6[%arg0, %add3A_101, %dma_wait3A_114] : memref<2x10240x128xf32, #tpu.memory_space<hbm>> -> memref<1x128x128xf32, #tpu.memory_space<hbm>>
      %dma_wait3A_116 = tpu.memref_squeeze %dma_wait3A_115 : memref<1x128x128xf32, #tpu.memory_space<hbm>> -> memref<128x128xf32, #tpu.memory_space<hbm>>
      tpu.wait_dma2 semaphore(%run_scoped3A : memref<!tpu.dma_semaphore, #tpu.memory_space<semaphore_mem>>) src(%arg10 : memref<128x128xf32, #tpu.memory_space<vmem>>) dst(%dma_wait3A_116 : memref<128x128xf32, #tpu.memory_space<hbm>>)
      tpu.yield
    }) : () -> ()
    %add3A_102 = arith.constant 512 : i32
    %add3A_103 = arith.addi %mul3A_10, %add3A_102 : i32
    "tpu.region"() ({
      %run_scoped3A = tpu.sem_alloc : memref<!tpu.dma_semaphore, #tpu.memory_space<semaphore_mem>>
      %dma_start3A_106 = arith.constant 0 : i32
      %dma_start3A_107 = tpu.memref_slice %arg12[%add3A_103, %dma_start3A_106] : memref<10240x128xf32, #tpu.memory_space<vmem_shared>> -> memref<128x128xf32, #tpu.memory_space<vmem_shared>>
      %dma_start3A_108 = arith.constant 0 : i32
      %dma_start3A_109 = tpu.memref_slice %arg12[%add3A_103, %dma_start3A_108] : memref<10240x128xf32, #tpu.memory_space<vmem_shared>> -> memref<128x128xf32, #tpu.memory_space<vmem_shared>>
      tpu.enqueue_dma source(%dma_start3A_109 : memref<128x128xf32, #tpu.memory_space<vmem_shared>>) target(%arg10 : memref<128x128xf32, #tpu.memory_space<vmem>>) target_semaphore(%run_scoped3A : memref<!tpu.dma_semaphore, #tpu.memory_space<semaphore_mem>>)
      %dma_wait3A = arith.constant 0 : i32
      %dma_wait3A_110 = tpu.memref_slice %arg12[%add3A_103, %dma_wait3A] : memref<10240x128xf32, #tpu.memory_space<vmem_shared>> -> memref<128x128xf32, #tpu.memory_space<vmem_shared>>
      %dma_wait3A_111 = arith.constant 0 : i32
      %dma_wait3A_112 = tpu.memref_slice %arg12[%add3A_103, %dma_wait3A_111] : memref<10240x128xf32, #tpu.memory_space<vmem_shared>> -> memref<128x128xf32, #tpu.memory_space<vmem_shared>>
      tpu.wait_dma2 semaphore(%run_scoped3A : memref<!tpu.dma_semaphore, #tpu.memory_space<semaphore_mem>>) src(%dma_wait3A_112 : memref<128x128xf32, #tpu.memory_space<vmem_shared>>) dst(%arg10 : memref<128x128xf32, #tpu.memory_space<vmem>>)
      tpu.yield
    }) : () -> ()
    %add3A_104 = arith.constant 512 : i32
    %add3A_105 = arith.addi %mul3A_10, %add3A_104 : i32
    "tpu.region"() ({
      %run_scoped3A = tpu.sem_alloc : memref<!tpu.dma_semaphore, #tpu.memory_space<semaphore_mem>>
      %dma_start3A_106 = arith.constant 0 : i32
      %dma_start3A_107 = tpu.memref_slice %arg6[%arg0, %add3A_105, %dma_start3A_106] : memref<2x10240x128xf32, #tpu.memory_space<hbm>> -> memref<1x128x128xf32, #tpu.memory_space<hbm>>
      %dma_start3A_108 = tpu.memref_squeeze %dma_start3A_107 : memref<1x128x128xf32, #tpu.memory_space<hbm>> -> memref<128x128xf32, #tpu.memory_space<hbm>>
      %dma_start3A_109 = arith.constant 0 : i32
      %dma_start3A_110 = tpu.memref_slice %arg6[%arg0, %add3A_105, %dma_start3A_109] : memref<2x10240x128xf32, #tpu.memory_space<hbm>> -> memref<1x128x128xf32, #tpu.memory_space<hbm>>
      %dma_start3A_111 = tpu.memref_squeeze %dma_start3A_110 : memref<1x128x128xf32, #tpu.memory_space<hbm>> -> memref<128x128xf32, #tpu.memory_space<hbm>>
      tpu.enqueue_dma source(%arg10 : memref<128x128xf32, #tpu.memory_space<vmem>>) target(%dma_start3A_111 : memref<128x128xf32, #tpu.memory_space<hbm>>) target_semaphore(%run_scoped3A : memref<!tpu.dma_semaphore, #tpu.memory_space<semaphore_mem>>)
      %dma_wait3A = arith.constant 0 : i32
      %dma_wait3A_112 = tpu.memref_slice %arg6[%arg0, %add3A_105, %dma_wait3A] : memref<2x10240x128xf32, #tpu.memory_space<hbm>> -> memref<1x128x128xf32, #tpu.memory_space<hbm>>
      %dma_wait3A_113 = tpu.memref_squeeze %dma_wait3A_112 : memref<1x128x128xf32, #tpu.memory_space<hbm>> -> memref<128x128xf32, #tpu.memory_space<hbm>>
      %dma_wait3A_114 = arith.constant 0 : i32
      %dma_wait3A_115 = tpu.memref_slice %arg6[%arg0, %add3A_105, %dma_wait3A_114] : memref<2x10240x128xf32, #tpu.memory_space<hbm>> -> memref<1x128x128xf32, #tpu.memory_space<hbm>>
      %dma_wait3A_116 = tpu.memref_squeeze %dma_wait3A_115 : memref<1x128x128xf32, #tpu.memory_space<hbm>> -> memref<128x128xf32, #tpu.memory_space<hbm>>
      tpu.wait_dma2 semaphore(%run_scoped3A : memref<!tpu.dma_semaphore, #tpu.memory_space<semaphore_mem>>) src(%arg10 : memref<128x128xf32, #tpu.memory_space<vmem>>) dst(%dma_wait3A_116 : memref<128x128xf32, #tpu.memory_space<hbm>>)
      tpu.yield
    }) : () -> ()
    return
  }
}

module attributes {stable_mosaic.version = 14 : i64} {
  func.func @_k1_body(%arg0: i32, %arg1: memref<2x1024x16xf32, #tpu.memory_space<vmem>>, %arg2: memref<1024x128xf32, #tpu.memory_space<vmem>>, %arg3: memref<1024x1xf32, #tpu.memory_space<vmem>>, %arg4: memref<1024x128xf32, #tpu.memory_space<vmem>>) attributes {dimension_semantics = [#tpu.dimension_semantics<arbitrary>], iteration_bounds = array<i64: 10>, scalar_prefetch = 0 : i64, scratch_operands = 0 : i64, tpu.core_type = #tpu.core_type<tc>, window_params = [{transform_indices = @transform_0, window_bounds = array<i64: 2, 1024, 16>}, {transform_indices = @transform_1, window_bounds = array<i64: 1024, 128>}, {transform_indices = @transform_2, window_bounds = array<i64: 1024, 1>}, {transform_indices = @transform_3, window_bounds = array<i64: 1024, 128>}]} {
    %get3A = arith.constant 0 : index
    %get3A_0 = arith.constant 0 : index
    %get3A_1 = arith.constant 0 : index
    %get3A_2 = vector.load %arg1[%get3A, %get3A_0, %get3A_1] : memref<2x1024x16xf32, #tpu.memory_space<vmem>>, vector<2x1024x16xf32>
    %reduce_sum3A = arith.constant dense<0.000000e+00> : vector<1024xf32>
    %reduce_sum3A_3 = vector.multi_reduction <add>, %get3A_2, %reduce_sum3A [0, 2] : vector<2x1024x16xf32> to vector<1024xf32>
    %add3A = arith.constant 1.000000e+00 : f32
    %add3A_4 = vector.broadcast %add3A : f32 to vector<1024xf32>
    %add3A_5 = arith.addf %reduce_sum3A_3, %add3A_4 : vector<1024xf32>
    %rsqrt3A = math.rsqrt %add3A_5 : vector<1024xf32>
    %broadcast_in_dim3A = vector.shape_cast %rsqrt3A : vector<1024xf32> to vector<1024x1xf32>
    %swap3A = arith.constant 0 : index
    %swap3A_6 = arith.constant 0 : index
    %swap3A_7 = vector.load %arg3[%swap3A, %swap3A_6] : memref<1024x1xf32, #tpu.memory_space<vmem>>, vector<1024x1xf32>
    tpu.vector_store %arg3[%swap3A, %swap3A_6], %broadcast_in_dim3A {strides = array<i32>} : memref<1024x1xf32, #tpu.memory_space<vmem>>, vector<1024x1xf32>,
    %get3A_8 = arith.constant 0 : index
    %get3A_9 = arith.constant 0 : index
    %get3A_10 = vector.load %arg2[%get3A_8, %get3A_9] : memref<1024x128xf32, #tpu.memory_space<vmem>>, vector<1024x128xf32>
    %mul3A = vector.broadcast %broadcast_in_dim3A : vector<1024x1xf32> to vector<1024x128xf32>
    %mul3A_11 = arith.mulf %get3A_10, %mul3A : vector<1024x128xf32>
    %swap3A_12 = arith.constant 0 : index
    %swap3A_13 = arith.constant 0 : index
    %swap3A_14 = vector.load %arg4[%swap3A_12, %swap3A_13] : memref<1024x128xf32, #tpu.memory_space<vmem>>, vector<1024x128xf32>
    tpu.vector_store %arg4[%swap3A_12, %swap3A_13], %mul3A_11 {strides = array<i32>} : memref<1024x128xf32, #tpu.memory_space<vmem>>, vector<1024x128xf32>,
    return
  }
  func.func @transform_0(%arg0: i32) -> (i32, i32, i32) {
    %c0_i32 = arith.constant 0 : i32
    %c0_i32_0 = arith.constant 0 : i32
    %c0_i32_1 = arith.constant 0 : i32
    return %c0_i32, %arg0, %c0_i32_0 : i32, i32, i32
  }
  func.func @transform_1(%arg0: i32) -> (i32, i32) {
    %c0_i32 = arith.constant 0 : i32
    %c0_i32_0 = arith.constant 0 : i32
    return %arg0, %c0_i32 : i32, i32
  }
  func.func @transform_2(%arg0: i32) -> (i32, i32) {
    %c0_i32 = arith.constant 0 : i32
    %c0_i32_0 = arith.constant 0 : i32
    return %arg0, %c0_i32 : i32, i32
  }
  func.func @transform_3(%arg0: i32) -> (i32, i32) {
    %c0_i32 = arith.constant 0 : i32
    %c0_i32_0 = arith.constant 0 : i32
    return %arg0, %c0_i32 : i32, i32
  }
}

module attributes {stable_mosaic.version = 14 : i64} {
  func.func @_mid_body(%arg0: i32, %arg1: memref<1024x1xf32, #tpu.memory_space<vmem>>, %arg2: memref<2x1024x128xf32, #tpu.memory_space<vmem>>, %arg3: memref<1024x128xf32, #tpu.memory_space<vmem>>, %arg4: memref<1024x128xf32, #tpu.memory_space<vmem>>, %arg5: memref<128x128xf32, #tpu.memory_space<vmem>>, %arg6: memref<1x128xf32, #tpu.memory_space<vmem>>, %arg7: memref<128x128xf32, #tpu.memory_space<vmem>>, %arg8: memref<1024x128xf32, #tpu.memory_space<vmem>>, %arg9: memref<1024x128xf32, #tpu.memory_space<vmem>>) attributes {dimension_semantics = [#tpu.dimension_semantics<arbitrary>], iteration_bounds = array<i64: 10>, scalar_prefetch = 0 : i64, scratch_operands = 0 : i64, tpu.core_type = #tpu.core_type<tc>, window_params = [{transform_indices = @transform_0, window_bounds = array<i64: 1024, 1>}, {transform_indices = @transform_1, window_bounds = array<i64: 2, 1024, 128>}, {transform_indices = @transform_2, window_bounds = array<i64: 1024, 128>}, {transform_indices = @transform_3, window_bounds = array<i64: 1024, 128>}, {pipeline_mode = #tpu.pipeline_mode<synchronous>, transform_indices = @transform_4, window_bounds = array<i64: 128, 128>}, {pipeline_mode = #tpu.pipeline_mode<synchronous>, transform_indices = @transform_5, window_bounds = array<i64: 1, 128>}, {pipeline_mode = #tpu.pipeline_mode<synchronous>, transform_indices = @transform_6, window_bounds = array<i64: 128, 128>}, {transform_indices = @transform_7, window_bounds = array<i64: 1024, 128>}, {transform_indices = @transform_8, window_bounds = array<i64: 1024, 128>}]} {
    %get3A = arith.constant 0 : index
    %get3A_0 = arith.constant 0 : index
    %get3A_1 = vector.load %arg1[%get3A, %get3A_0] : memref<1024x1xf32, #tpu.memory_space<vmem>>, vector<1024x1xf32>
    %get3A_2 = arith.constant 0 : index
    %get3A_3 = arith.constant 0 : index
    %get3A_4 = arith.constant 0 : index
    %get3A_5 = vector.load %arg2[%get3A_2, %get3A_3, %get3A_4] : memref<2x1024x128xf32, #tpu.memory_space<vmem>>, vector<1x1024x128xf32>
    %get3A_6 = vector.shape_cast %get3A_5 : vector<1x1024x128xf32> to vector<1024x128xf32>
    %get3A_7 = arith.constant 1 : index
    %get3A_8 = arith.constant 0 : index
    %get3A_9 = arith.constant 0 : index
    %get3A_10 = vector.load %arg2[%get3A_7, %get3A_8, %get3A_9] : memref<2x1024x128xf32, #tpu.memory_space<vmem>>, vector<1x1024x128xf32>
    %get3A_11 = vector.shape_cast %get3A_10 : vector<1x1024x128xf32> to vector<1024x128xf32>
    %add3A = arith.addf %get3A_6, %get3A_11 : vector<1024x128xf32>
    %get3A_12 = arith.constant 0 : index
    %get3A_13 = arith.constant 0 : index
    %get3A_14 = vector.load %arg3[%get3A_12, %get3A_13] : memref<1024x128xf32, #tpu.memory_space<vmem>>, vector<1024x128xf32>
    %add3A_15 = arith.addf %add3A, %get3A_14 : vector<1024x128xf32>
    %mul3A = vector.broadcast %get3A_1 : vector<1024x1xf32> to vector<1024x128xf32>
    %mul3A_16 = arith.mulf %add3A_15, %mul3A : vector<1024x128xf32>
    %get3A_17 = arith.constant 0 : index
    %get3A_18 = arith.constant 0 : index
    %get3A_19 = vector.load %arg5[%get3A_17, %get3A_18] : memref<128x128xf32, #tpu.memory_space<vmem>>, vector<128x128xf32>
    %dot_general3A = arith.constant dense<0.000000e+00> : vector<1024x128xf32>
    %dot_general3A_20 = tpu.matmul %mul3A_16, %get3A_19, %dot_general3A {dimension_numbers = #tpu.dot_dimension_numbers<[1], [0], [0], [1], [0, 0, 1, 1], [], []>, transpose_lhs_hint = false} : vector<1024x128xf32>, vector<128x128xf32>, vector<1024x128xf32> -> vector<1024x128xf32>
    %get3A_21 = arith.constant 0 : index
    %get3A_22 = arith.constant 0 : index
    %get3A_23 = vector.load %arg6[%get3A_21, %get3A_22] : memref<1x128xf32, #tpu.memory_space<vmem>>, vector<1x128xf32>
    %add3A_24 = vector.broadcast %get3A_23 : vector<1x128xf32> to vector<1024x128xf32>
    %add3A_25 = arith.addf %dot_general3A_20, %add3A_24 : vector<1024x128xf32>
    %max3A = arith.constant 0.000000e+00 : f32
    %max3A_26 = vector.broadcast %max3A : f32 to vector<1024x128xf32>
    %max3A_27 = arith.maximumf %add3A_25, %max3A_26 : vector<1024x128xf32>
    %swap3A = arith.constant 0 : index
    %swap3A_28 = arith.constant 0 : index
    %swap3A_29 = vector.load %arg8[%swap3A, %swap3A_28] : memref<1024x128xf32, #tpu.memory_space<vmem>>, vector<1024x128xf32>
    tpu.vector_store %arg8[%swap3A, %swap3A_28], %max3A_27 {strides = array<i32>} : memref<1024x128xf32, #tpu.memory_space<vmem>>, vector<1024x128xf32>,
    %get3A_30 = arith.constant 0 : index
    %get3A_31 = arith.constant 0 : index
    %get3A_32 = vector.load %arg7[%get3A_30, %get3A_31] : memref<128x128xf32, #tpu.memory_space<vmem>>, vector<128x128xf32>
    %dot_general3A_33 = arith.constant dense<0.000000e+00> : vector<1024x128xf32>
    %dot_general3A_34 = tpu.matmul %max3A_27, %get3A_32, %dot_general3A_33 {dimension_numbers = #tpu.dot_dimension_numbers<[1], [0], [0], [1], [0, 0, 1, 1], [], []>, transpose_lhs_hint = false} : vector<1024x128xf32>, vector<128x128xf32>, vector<1024x128xf32> -> vector<1024x128xf32>
    %mul3A_35 = vector.broadcast %get3A_1 : vector<1024x1xf32> to vector<1024x128xf32>
    %mul3A_36 = arith.mulf %dot_general3A_34, %mul3A_35 : vector<1024x128xf32>
    %swap3A_37 = arith.constant 0 : index
    %swap3A_38 = arith.constant 0 : index
    %swap3A_39 = vector.load %arg9[%swap3A_37, %swap3A_38] : memref<1024x128xf32, #tpu.memory_space<vmem>>, vector<1024x128xf32>
    tpu.vector_store %arg9[%swap3A_37, %swap3A_38], %mul3A_36 {strides = array<i32>} : memref<1024x128xf32, #tpu.memory_space<vmem>>, vector<1024x128xf32>,
    return
  }
  func.func @transform_0(%arg0: i32) -> (i32, i32) {
    %c0_i32 = arith.constant 0 : i32
    %c0_i32_0 = arith.constant 0 : i32
    return %arg0, %c0_i32 : i32, i32
  }
  func.func @transform_1(%arg0: i32) -> (i32, i32, i32) {
    %c0_i32 = arith.constant 0 : i32
    %c0_i32_0 = arith.constant 0 : i32
    %c0_i32_1 = arith.constant 0 : i32
    return %c0_i32, %arg0, %c0_i32_0 : i32, i32, i32
  }
  func.func @transform_2(%arg0: i32) -> (i32, i32) {
    %c0_i32 = arith.constant 0 : i32
    %c0_i32_0 = arith.constant 0 : i32
    return %arg0, %c0_i32 : i32, i32
  }
  func.func @transform_3(%arg0: i32) -> (i32, i32) {
    %c0_i32 = arith.constant 0 : i32
    %c0_i32_0 = arith.constant 0 : i32
    return %arg0, %c0_i32 : i32, i32
  }
  func.func @transform_4(%arg0: i32) -> (i32, i32) {
    %c0_i32 = arith.constant 0 : i32
    %c0_i32_0 = arith.constant 0 : i32
    %c0_i32_1 = arith.constant 0 : i32
    return %c0_i32, %c0_i32_0 : i32, i32
  }
  func.func @transform_5(%arg0: i32) -> (i32, i32) {
    %c0_i32 = arith.constant 0 : i32
    %c0_i32_0 = arith.constant 0 : i32
    %c0_i32_1 = arith.constant 0 : i32
    return %c0_i32, %c0_i32_0 : i32, i32
  }
  func.func @transform_6(%arg0: i32) -> (i32, i32) {
    %c0_i32 = arith.constant 0 : i32
    %c0_i32_0 = arith.constant 0 : i32
    %c0_i32_1 = arith.constant 0 : i32
    return %c0_i32, %c0_i32_0 : i32, i32
  }
  func.func @transform_7(%arg0: i32) -> (i32, i32) {
    %c0_i32 = arith.constant 0 : i32
    %c0_i32_0 = arith.constant 0 : i32
    return %arg0, %c0_i32 : i32, i32
  }
  func.func @transform_8(%arg0: i32) -> (i32, i32) {
    %c0_i32 = arith.constant 0 : i32
    %c0_i32_0 = arith.constant 0 : i32
    return %arg0, %c0_i32 : i32, i32
  }
}

module attributes {stable_mosaic.version = 14 : i64} {
  func.func @_mid_body(%arg0: i32, %arg1: memref<1024x1xf32, #tpu.memory_space<vmem>>, %arg2: memref<2x1024x128xf32, #tpu.memory_space<vmem>>, %arg3: memref<1024x128xf32, #tpu.memory_space<vmem>>, %arg4: memref<1024x128xf32, #tpu.memory_space<vmem>>, %arg5: memref<128x128xf32, #tpu.memory_space<vmem>>, %arg6: memref<1x128xf32, #tpu.memory_space<vmem>>, %arg7: memref<128x128xf32, #tpu.memory_space<vmem>>, %arg8: memref<1024x128xf32, #tpu.memory_space<vmem>>, %arg9: memref<1024x128xf32, #tpu.memory_space<vmem>>) attributes {dimension_semantics = [#tpu.dimension_semantics<arbitrary>], iteration_bounds = array<i64: 10>, scalar_prefetch = 0 : i64, scratch_operands = 0 : i64, tpu.core_type = #tpu.core_type<tc>, window_params = [{transform_indices = @transform_0, window_bounds = array<i64: 1024, 1>}, {transform_indices = @transform_1, window_bounds = array<i64: 2, 1024, 128>}, {transform_indices = @transform_2, window_bounds = array<i64: 1024, 128>}, {transform_indices = @transform_3, window_bounds = array<i64: 1024, 128>}, {pipeline_mode = #tpu.pipeline_mode<synchronous>, transform_indices = @transform_4, window_bounds = array<i64: 128, 128>}, {pipeline_mode = #tpu.pipeline_mode<synchronous>, transform_indices = @transform_5, window_bounds = array<i64: 1, 128>}, {pipeline_mode = #tpu.pipeline_mode<synchronous>, transform_indices = @transform_6, window_bounds = array<i64: 128, 128>}, {transform_indices = @transform_7, window_bounds = array<i64: 1024, 128>}, {transform_indices = @transform_8, window_bounds = array<i64: 1024, 128>}]} {
    %get3A = arith.constant 0 : index
    %get3A_0 = arith.constant 0 : index
    %get3A_1 = vector.load %arg1[%get3A, %get3A_0] : memref<1024x1xf32, #tpu.memory_space<vmem>>, vector<1024x1xf32>
    %get3A_2 = arith.constant 0 : index
    %get3A_3 = arith.constant 0 : index
    %get3A_4 = arith.constant 0 : index
    %get3A_5 = vector.load %arg2[%get3A_2, %get3A_3, %get3A_4] : memref<2x1024x128xf32, #tpu.memory_space<vmem>>, vector<1x1024x128xf32>
    %get3A_6 = vector.shape_cast %get3A_5 : vector<1x1024x128xf32> to vector<1024x128xf32>
    %get3A_7 = arith.constant 1 : index
    %get3A_8 = arith.constant 0 : index
    %get3A_9 = arith.constant 0 : index
    %get3A_10 = vector.load %arg2[%get3A_7, %get3A_8, %get3A_9] : memref<2x1024x128xf32, #tpu.memory_space<vmem>>, vector<1x1024x128xf32>
    %get3A_11 = vector.shape_cast %get3A_10 : vector<1x1024x128xf32> to vector<1024x128xf32>
    %add3A = arith.addf %get3A_6, %get3A_11 : vector<1024x128xf32>
    %get3A_12 = arith.constant 0 : index
    %get3A_13 = arith.constant 0 : index
    %get3A_14 = vector.load %arg3[%get3A_12, %get3A_13] : memref<1024x128xf32, #tpu.memory_space<vmem>>, vector<1024x128xf32>
    %add3A_15 = arith.addf %add3A, %get3A_14 : vector<1024x128xf32>
    %mul3A = vector.broadcast %get3A_1 : vector<1024x1xf32> to vector<1024x128xf32>
    %mul3A_16 = arith.mulf %add3A_15, %mul3A : vector<1024x128xf32>
    %get3A_17 = arith.constant 0 : index
    %get3A_18 = arith.constant 0 : index
    %get3A_19 = vector.load %arg4[%get3A_17, %get3A_18] : memref<1024x128xf32, #tpu.memory_space<vmem>>, vector<1024x128xf32>
    %add3A_20 = arith.addf %get3A_19, %mul3A_16 : vector<1024x128xf32>
    %get3A_21 = arith.constant 0 : index
    %get3A_22 = arith.constant 0 : index
    %get3A_23 = vector.load %arg6[%get3A_21, %get3A_22] : memref<1x128xf32, #tpu.memory_space<vmem>>, vector<1x128xf32>
    %add3A_24 = vector.broadcast %get3A_23 : vector<1x128xf32> to vector<1024x128xf32>
    %add3A_25 = arith.addf %add3A_20, %add3A_24 : vector<1024x128xf32>
    %max3A = arith.constant 0.000000e+00 : f32
    %max3A_26 = vector.broadcast %max3A : f32 to vector<1024x128xf32>
    %max3A_27 = arith.maximumf %add3A_25, %max3A_26 : vector<1024x128xf32>
    %swap3A = arith.constant 0 : index
    %swap3A_28 = arith.constant 0 : index
    %swap3A_29 = vector.load %arg8[%swap3A, %swap3A_28] : memref<1024x128xf32, #tpu.memory_space<vmem>>, vector<1024x128xf32>
    tpu.vector_store %arg8[%swap3A, %swap3A_28], %max3A_27 {strides = array<i32>} : memref<1024x128xf32, #tpu.memory_space<vmem>>, vector<1024x128xf32>,
    %get3A_30 = arith.constant 0 : index
    %get3A_31 = arith.constant 0 : index
    %get3A_32 = vector.load %arg7[%get3A_30, %get3A_31] : memref<128x128xf32, #tpu.memory_space<vmem>>, vector<128x128xf32>
    %dot_general3A = arith.constant dense<0.000000e+00> : vector<1024x128xf32>
    %dot_general3A_33 = tpu.matmul %max3A_27, %get3A_32, %dot_general3A {dimension_numbers = #tpu.dot_dimension_numbers<[1], [0], [0], [1], [0, 0, 1, 1], [], []>, transpose_lhs_hint = false} : vector<1024x128xf32>, vector<128x128xf32>, vector<1024x128xf32> -> vector<1024x128xf32>
    %mul3A_34 = vector.broadcast %get3A_1 : vector<1024x1xf32> to vector<1024x128xf32>
    %mul3A_35 = arith.mulf %dot_general3A_33, %mul3A_34 : vector<1024x128xf32>
    %swap3A_36 = arith.constant 0 : index
    %swap3A_37 = arith.constant 0 : index
    %swap3A_38 = vector.load %arg9[%swap3A_36, %swap3A_37] : memref<1024x128xf32, #tpu.memory_space<vmem>>, vector<1024x128xf32>
    tpu.vector_store %arg9[%swap3A_36, %swap3A_37], %mul3A_35 {strides = array<i32>} : memref<1024x128xf32, #tpu.memory_space<vmem>>, vector<1024x128xf32>,
    return
  }
  func.func @transform_0(%arg0: i32) -> (i32, i32) {
    %c0_i32 = arith.constant 0 : i32
    %c0_i32_0 = arith.constant 0 : i32
    return %arg0, %c0_i32 : i32, i32
  }
  func.func @transform_1(%arg0: i32) -> (i32, i32, i32) {
    %c0_i32 = arith.constant 0 : i32
    %c0_i32_0 = arith.constant 0 : i32
    %c0_i32_1 = arith.constant 0 : i32
    return %c0_i32, %arg0, %c0_i32_0 : i32, i32, i32
  }
  func.func @transform_2(%arg0: i32) -> (i32, i32) {
    %c0_i32 = arith.constant 0 : i32
    %c0_i32_0 = arith.constant 0 : i32
    return %arg0, %c0_i32 : i32, i32
  }
  func.func @transform_3(%arg0: i32) -> (i32, i32) {
    %c0_i32 = arith.constant 0 : i32
    %c0_i32_0 = arith.constant 0 : i32
    return %arg0, %c0_i32 : i32, i32
  }
  func.func @transform_4(%arg0: i32) -> (i32, i32) {
    %c0_i32 = arith.constant 0 : i32
    %c0_i32_0 = arith.constant 0 : i32
    %c0_i32_1 = arith.constant 0 : i32
    return %c0_i32, %c0_i32_0 : i32, i32
  }
  func.func @transform_5(%arg0: i32) -> (i32, i32) {
    %c0_i32 = arith.constant 0 : i32
    %c0_i32_0 = arith.constant 0 : i32
    %c0_i32_1 = arith.constant 0 : i32
    return %c0_i32, %c0_i32_0 : i32, i32
  }
  func.func @transform_6(%arg0: i32) -> (i32, i32) {
    %c0_i32 = arith.constant 0 : i32
    %c0_i32_0 = arith.constant 0 : i32
    %c0_i32_1 = arith.constant 0 : i32
    return %c0_i32, %c0_i32_0 : i32, i32
  }
  func.func @transform_7(%arg0: i32) -> (i32, i32) {
    %c0_i32 = arith.constant 0 : i32
    %c0_i32_0 = arith.constant 0 : i32
    return %arg0, %c0_i32 : i32, i32
  }
  func.func @transform_8(%arg0: i32) -> (i32, i32) {
    %c0_i32 = arith.constant 0 : i32
    %c0_i32_0 = arith.constant 0 : i32
    return %arg0, %c0_i32 : i32, i32
  }
}

module attributes {stable_mosaic.version = 14 : i64} {
  func.func @_k7_body(%arg0: i32, %arg1: memref<400x1xf32, #tpu.memory_space<vmem>>, %arg2: memref<2x400x128xf32, #tpu.memory_space<vmem>>, %arg3: memref<400x128xf32, #tpu.memory_space<vmem>>, %arg4: memref<400x128xf32, #tpu.memory_space<vmem>>, %arg5: memref<1x128xf32, #tpu.memory_space<vmem>>, %arg6: memref<128x64xf32, #tpu.memory_space<vmem>>, %arg7: memref<1x64xf32, #tpu.memory_space<vmem>>, %arg8: memref<400x64xf32, #tpu.memory_space<vmem>>) attributes {dimension_semantics = [#tpu.dimension_semantics<arbitrary>], iteration_bounds = array<i64: 25>, scalar_prefetch = 0 : i64, scratch_operands = 0 : i64, tpu.core_type = #tpu.core_type<tc>, window_params = [{transform_indices = @transform_0, window_bounds = array<i64: 400, 1>}, {transform_indices = @transform_1, window_bounds = array<i64: 2, 400, 128>}, {transform_indices = @transform_2, window_bounds = array<i64: 400, 128>}, {transform_indices = @transform_3, window_bounds = array<i64: 400, 128>}, {pipeline_mode = #tpu.pipeline_mode<synchronous>, transform_indices = @transform_4, window_bounds = array<i64: 1, 128>}, {pipeline_mode = #tpu.pipeline_mode<synchronous>, transform_indices = @transform_5, window_bounds = array<i64: 128, 64>}, {pipeline_mode = #tpu.pipeline_mode<synchronous>, transform_indices = @transform_6, window_bounds = array<i64: 1, 64>}, {transform_indices = @transform_7, window_bounds = array<i64: 400, 64>}]} {
    %get3A = arith.constant 0 : index
    %get3A_0 = arith.constant 0 : index
    %get3A_1 = vector.load %arg1[%get3A, %get3A_0] : memref<400x1xf32, #tpu.memory_space<vmem>>, vector<400x1xf32>
    %get3A_2 = arith.constant 0 : index
    %get3A_3 = arith.constant 0 : index
    %get3A_4 = arith.constant 0 : index
    %get3A_5 = vector.load %arg2[%get3A_2, %get3A_3, %get3A_4] : memref<2x400x128xf32, #tpu.memory_space<vmem>>, vector<1x400x128xf32>
    %get3A_6 = vector.shape_cast %get3A_5 : vector<1x400x128xf32> to vector<400x128xf32>
    %get3A_7 = arith.constant 1 : index
    %get3A_8 = arith.constant 0 : index
    %get3A_9 = arith.constant 0 : index
    %get3A_10 = vector.load %arg2[%get3A_7, %get3A_8, %get3A_9] : memref<2x400x128xf32, #tpu.memory_space<vmem>>, vector<1x400x128xf32>
    %get3A_11 = vector.shape_cast %get3A_10 : vector<1x400x128xf32> to vector<400x128xf32>
    %add3A = arith.addf %get3A_6, %get3A_11 : vector<400x128xf32>
    %get3A_12 = arith.constant 0 : index
    %get3A_13 = arith.constant 0 : index
    %get3A_14 = vector.load %arg3[%get3A_12, %get3A_13] : memref<400x128xf32, #tpu.memory_space<vmem>>, vector<400x128xf32>
    %add3A_15 = arith.addf %add3A, %get3A_14 : vector<400x128xf32>
    %mul3A = vector.broadcast %get3A_1 : vector<400x1xf32> to vector<400x128xf32>
    %mul3A_16 = arith.mulf %add3A_15, %mul3A : vector<400x128xf32>
    %get3A_17 = arith.constant 0 : index
    %get3A_18 = arith.constant 0 : index
    %get3A_19 = vector.load %arg4[%get3A_17, %get3A_18] : memref<400x128xf32, #tpu.memory_space<vmem>>, vector<400x128xf32>
    %add3A_20 = arith.addf %get3A_19, %mul3A_16 : vector<400x128xf32>
    %get3A_21 = arith.constant 0 : index
    %get3A_22 = arith.constant 0 : index
    %get3A_23 = vector.load %arg5[%get3A_21, %get3A_22] : memref<1x128xf32, #tpu.memory_space<vmem>>, vector<1x128xf32>
    %add3A_24 = vector.broadcast %get3A_23 : vector<1x128xf32> to vector<400x128xf32>
    %add3A_25 = arith.addf %add3A_20, %add3A_24 : vector<400x128xf32>
    %max3A = arith.constant 0.000000e+00 : f32
    %max3A_26 = vector.broadcast %max3A : f32 to vector<400x128xf32>
    %max3A_27 = arith.maximumf %add3A_25, %max3A_26 : vector<400x128xf32>
    %get3A_28 = arith.constant 0 : index
    %get3A_29 = arith.constant 0 : index
    %get3A_30 = vector.load %arg6[%get3A_28, %get3A_29] : memref<128x64xf32, #tpu.memory_space<vmem>>, vector<128x64xf32>
    %dot_general3A = arith.constant dense<0.000000e+00> : vector<400x64xf32>
    %dot_general3A_31 = tpu.matmul %max3A_27, %get3A_30, %dot_general3A {dimension_numbers = #tpu.dot_dimension_numbers<[1], [0], [0], [1], [0, 0, 1, 1], [], []>, transpose_lhs_hint = false} : vector<400x128xf32>, vector<128x64xf32>, vector<400x64xf32> -> vector<400x64xf32>
    %get3A_32 = arith.constant 0 : index
    %get3A_33 = arith.constant 0 : index
    %get3A_34 = vector.load %arg7[%get3A_32, %get3A_33] : memref<1x64xf32, #tpu.memory_space<vmem>>, vector<1x64xf32>
    %add3A_35 = vector.broadcast %get3A_34 : vector<1x64xf32> to vector<400x64xf32>
    %add3A_36 = arith.addf %dot_general3A_31, %add3A_35 : vector<400x64xf32>
    %reduce_max3A = arith.constant dense<0xFF800000> : vector<400xf32>
    %reduce_max3A_37 = vector.multi_reduction <maximumf>, %add3A_36, %reduce_max3A [1] : vector<400x64xf32> to vector<400xf32>
    %broadcast_in_dim3A = vector.shape_cast %reduce_max3A_37 : vector<400xf32> to vector<400x1xf32>
    %sub3A = vector.broadcast %broadcast_in_dim3A : vector<400x1xf32> to vector<400x64xf32>
    %sub3A_38 = arith.subf %add3A_36, %sub3A : vector<400x64xf32>
    %exp3A = math.exp %sub3A_38 : vector<400x64xf32>
    %reduce_sum3A = arith.constant dense<0.000000e+00> : vector<400xf32>
    %reduce_sum3A_39 = vector.multi_reduction <add>, %exp3A, %reduce_sum3A [1] : vector<400x64xf32> to vector<400xf32>
    %broadcast_in_dim3A_40 = vector.shape_cast %reduce_sum3A_39 : vector<400xf32> to vector<400x1xf32>
    %log3A = math.log %broadcast_in_dim3A_40 : vector<400x1xf32>
    %add3A_41 = arith.addf %log3A, %broadcast_in_dim3A : vector<400x1xf32>
    %sub3A_42 = vector.broadcast %add3A_41 : vector<400x1xf32> to vector<400x64xf32>
    %sub3A_43 = arith.subf %add3A_36, %sub3A_42 : vector<400x64xf32>
    %swap3A = arith.constant 0 : index
    %swap3A_44 = arith.constant 0 : index
    %swap3A_45 = vector.load %arg8[%swap3A, %swap3A_44] : memref<400x64xf32, #tpu.memory_space<vmem>>, vector<400x64xf32>
    tpu.vector_store %arg8[%swap3A, %swap3A_44], %sub3A_43 {strides = array<i32>} : memref<400x64xf32, #tpu.memory_space<vmem>>, vector<400x64xf32>,
    return
  }
  func.func @transform_0(%arg0: i32) -> (i32, i32) {
    %c0_i32 = arith.constant 0 : i32
    %c0_i32_0 = arith.constant 0 : i32
    return %arg0, %c0_i32 : i32, i32
  }
  func.func @transform_1(%arg0: i32) -> (i32, i32, i32) {
    %c0_i32 = arith.constant 0 : i32
    %c0_i32_0 = arith.constant 0 : i32
    %c0_i32_1 = arith.constant 0 : i32
    return %c0_i32, %arg0, %c0_i32_0 : i32, i32, i32
  }
  func.func @transform_2(%arg0: i32) -> (i32, i32) {
    %c0_i32 = arith.constant 0 : i32
    %c0_i32_0 = arith.constant 0 : i32
    return %arg0, %c0_i32 : i32, i32
  }
  func.func @transform_3(%arg0: i32) -> (i32, i32) {
    %c0_i32 = arith.constant 0 : i32
    %c0_i32_0 = arith.constant 0 : i32
    return %arg0, %c0_i32 : i32, i32
  }
  func.func @transform_4(%arg0: i32) -> (i32, i32) {
    %c0_i32 = arith.constant 0 : i32
    %c0_i32_0 = arith.constant 0 : i32
    %c0_i32_1 = arith.constant 0 : i32
    return %c0_i32, %c0_i32_0 : i32, i32
  }
  func.func @transform_5(%arg0: i32) -> (i32, i32) {
    %c0_i32 = arith.constant 0 : i32
    %c0_i32_0 = arith.constant 0 : i32
    %c0_i32_1 = arith.constant 0 : i32
    return %c0_i32, %c0_i32_0 : i32, i32
  }
  func.func @transform_6(%arg0: i32) -> (i32, i32) {
    %c0_i32 = arith.constant 0 : i32
    %c0_i32_0 = arith.constant 0 : i32
    %c0_i32_1 = arith.constant 0 : i32
    return %c0_i32, %c0_i32_0 : i32, i32
  }
  func.func @transform_7(%arg0: i32) -> (i32, i32) {
    %c0_i32 = arith.constant 0 : i32
    %c0_i32_0 = arith.constant 0 : i32
    return %arg0, %c0_i32 : i32, i32
  }
}

</mosaic_0001>

<sc_bundles>
// kernel: kernel.10.cloned.1.call-start
scs
__scs_entry_jumppad:
0x0: {  	(pc) =	sbr.rel $0x88, $3  }
0x1: {  	(tag) =	ssettag $0x0;
	lr =	simm.s32 $0x1  }
0x2: {  	[smem:$0x3F97] =	sst lr;
	_ =	strace $0xD0000000  }
0x3: {  	_ = 	snop  }
0x4: {  	_ = 	snop  }
0x5: {  	_ = 	snop  }
0x6: {  	_ = 	snop  }
0x7: {  	_ = 	snop  }
__scs_overlays_trampoline_lowered:
0x8: {  	[smem:$0x3FA6] =	sst s0  }
0x9: {  	[smem:$0x3FA7] =	sst s1  }
0xa: {  	[smem:$0x3FA8] =	sst s2  }
0xb: {  	[smem:$0x3FA9] =	sst s3  }
0xc: {  	[smem:$0x3FAA] =	sst s4  }
0xd: {  	[smem:$0x3FAB] =	sst s5  }
0xe: {  	[smem:$0x3FAC] =	sst s6  }
0xf: {  	[smem:$0x3FAD] =	sst s7  }
0x10: {  	[smem:$0x3FAE] =	sst s8  }
0x11: {  	[smem:$0x3FAF] =	sst s9;
	s0 =	simm.s32 @!p0 $0x0  }
0x12: {  	s1 =	sld [smem:$0x3F95];
	s0 =	simm.s32 @p0 $0x1  }
0x13: {  	[smem:$0x3FB0] =	sst s0;
	s0 =	simm.s32 @!p1 $0x0  }
0x14: {  	s2 =	sld [smem:$0x3F94];
	s0 =	simm.s32 @p1 $0x1  }
0x15: {  	[smem:$0x3FB1] =	sst s0;
	s0 =	simm.s32 @!p2 $0x0  }
0x16: {  	s3 =	sld [smem:$0x3FDB];
	s0 =	simm.s32 @p2 $0x1  }
0x17: {  	s4 =	simm.s32 $0x1BF5;
	[smem:$0x3FB3] =	sst s0  }
0x18: {  	s0 =	sld [smem:$0x3F96];
	_ =	swait.ge [sflag:s4], $0x0  }
0x19: {  	s7 =	sld [smem:$0x3F97]  }
0x1a: {  	s8 =	sadd.s32 $0xFFFFE003, lr  }
0x1b: {  	s9 =	sadd.s32 $0xFFFFFEF7, lr;
	s5 =	simm.s32 $0xFFFFFFFF;
	p2 =	slt.u32 s8, $0xFFFFF086  }
0x1c: {  	p1 =	slt.u32 s9, $0xF7A;
	s5 =	simm.s32 @!p2 $0x0  }
0x1d: {  	s5 =	simm.s32 @p1 $0x1;
	p0 =	seq.s32 s7, s2  }
0x1e: {  	s7 =	smul.u32 @!p0 $0xF7A, s2;
	p2 =	seq.s32 @!p0 s5, $0x0  }
0x1f: {  	s9 =	smul.u32 $0xF7A, s1;
	s8 =	simm.s32 @!p0 $0x1BF5;
	p2 =	por !p2, p0  }
0x20: {  	[sflag:s8] =	ssyncset.s32 @!p0 $0xFFFFF086;
	s6 =	sadd.s32 @!p0 s3, s7;
	s7 =	simm.s32 @!p0 $0x108  }
0x21: {  	s3 =	sadd.s32 s3, s9;
	s6 =	sadd.s32 @!p0 $0x88, s6;
	s7 =	simm.s32 @p2 $0x1082  }
0x22: {  	[simem:s7], [sflag:s8] =	dma.local @!p0 [hbm:s6], $0xF7A  }
0x23: {  	s9 =	sor.u32 $0xD0000000, s2;
	s6 =	simm.s32 $0x108;
	_ =	swait.ge @!p0 [sflag:s8], $0x0  }
0x24: {  	s3 =	sadd.s32 $0x88, s3;
	s6 =	simm.s32 @!p1 $0x1082;
	[sflag:s4] =	ssyncset.s32 $0xFFFFF086  }
0x25: {  	[simem:s6], [sflag:s4] =	dma.local [hbm:s3], $0xF7A  }
0x26: {  	[smem:$0x3F97] =	sst s1;
	(tag) =	ssettag s2;
	_ =	strace s9  }
0x27: {  	s1 =	sld [smem:$0x3FA7]  }
0x28: {  	s2 =	sld [smem:$0x3FA8]  }
0x29: {  	s4 =	sld [smem:$0x3FAA]  }
0x2a: {  	p0 =	seq.s32 s5, $0x0;
	s5 =	sld [smem:$0x3FAB]  }
0x2b: {  	s6 =	sld [smem:$0x3FAC]  }
0x2c: {  	s7 =	sld [smem:$0x3FAD]  }
0x2d: {  	s3 =	simm.s32 $0x108;
	s8 =	sld [smem:$0x3FAE]  }
0x2e: {  	s3 =	simm.s32 @!p0 $0x1082;
	s9 =	sld [smem:$0x3FAF]  }
0x2f: {  	lr =	sadd.s32 s0, s3;
	s0 =	sld [smem:$0x3FA6]  }
0x30: {  	s3 =	sld [smem:$0x3FA9]  }
0x31: {  	[smem:$0x3FB2] =	sst s10  }
0x32: {  	s10 =	sld [smem:$0x3FB0];
	_ =	sdelay $0x3  }
0x33: {  	p0 =	seq.s32 s10, $0x1;
	s10 =	sld [smem:$0x3FB2];
	_ =	sdelay $0x3  }
0x34: {  	[smem:$0x3FB2] =	sst s10  }
0x35: {  	s10 =	sld [smem:$0x3FB1];
	_ =	sdelay $0x3  }
0x36: {  	p1 =	seq.s32 s10, $0x1;
	s10 =	sld [smem:$0x3FB2];
	_ =	sdelay $0x3  }
0x37: {  	[smem:$0x3FB2] =	sst s10  }
0x38: {  	s10 =	sld [smem:$0x3FB3]  }
0x39: {  	_ = 	snop;
	(pc) =	sbr.ind lr, $3  }
0x3a: {  	_ = 	snop  }
0x3b: {  	_ = 	snop  }
0x3c: {  	p2 =	seq.s32 s10, $0x1;
	s10 =	sld [smem:$0x3FB2]  }
0x3d: {  	_ =	shalt  }
0x3e: {  	_ =	shalt  }
0x3f: {  	_ =	shalt  }
0x40: {  	_ =	shalt  }
0x41: {  	_ =	shalt  }
0x42: {  	_ =	shalt  }
0x43: {  	_ =	shalt  }
0x44: {  	_ =	shalt  }
0x45: {  	_ =	shalt  }
0x46: {  	_ =	shalt  }
0x47: {  	_ =	shalt  }
0x48: {  	_ =	shalt  }
0x49: {  	_ =	shalt  }
0x4a: {  	_ =	shalt  }
0x4b: {  	_ =	shalt  }
0x4c: {  	_ =	shalt  }
0x4d: {  	_ =	shalt  }
0x4e: {  	_ =	shalt  }
0x4f: {  	_ =	shalt  }
0x50: {  	_ =	shalt  }
0x51: {  	_ =	shalt  }
0x52: {  	_ =	shalt  }
0x53: {  	_ =	shalt  }
0x54: {  	_ =	shalt  }
0x55: {  	_ =	shalt  }
0x56: {  	_ =	shalt  }
0x57: {  	_ =	shalt  }
0x58: {  	_ =	shalt  }
0x59: {  	_ =	shalt  }
0x5a: {  	_ =	shalt  }
0x5b: {  	_ =	shalt  }
0x5c: {  	_ =	shalt  }
0x5d: {  	_ =	shalt  }
0x5e: {  	_ =	shalt  }
0x5f: {  	_ =	shalt  }
0x60: {  	_ =	shalt  }
0x61: {  	_ =	shalt  }
0x62: {  	_ =	shalt  }
0x63: {  	_ =	shalt  }
0x64: {  	_ =	shalt  }
0x65: {  	_ =	shalt  }
0x66: {  	_ =	shalt  }
0x67: {  	_ =	shalt  }
0x68: {  	_ =	shalt  }
0x69: {  	_ =	shalt  }
0x6a: {  	_ =	shalt  }
0x6b: {  	_ =	shalt  }
0x6c: {  	_ =	shalt  }
0x6d: {  	_ =	shalt  }
0x6e: {  	_ =	shalt  }
0x6f: {  	_ =	shalt  }
0x70: {  	_ =	shalt  }
0x71: {  	_ =	shalt  }
0x72: {  	_ =	shalt  }
0x73: {  	_ =	shalt  }
0x74: {  	_ =	shalt  }
0x75: {  	_ =	shalt  }
0x76: {  	_ =	shalt  }
0x77: {  	_ =	shalt  }
0x78: {  	_ =	shalt  }
0x79: {  	_ =	shalt  }
0x7a: {  	_ =	shalt  }
0x7b: {  	_ =	shalt  }
0x7c: {  	_ =	shalt  }
0x7d: {  	_ =	shalt  }
0x7e: {  	_ =	shalt  }
0x7f: {  	_ =	shalt  }
0x80: {  	_ =	shalt  }
0x81: {  	_ =	shalt  }
0x82: {  	_ =	shalt  }
0x83: {  	_ =	shalt  }
0x84: {  	_ =	shalt  }
0x85: {  	_ =	shalt  }
0x86: {  	_ =	shalt  }
0x87: {  	_ =	shalt  }
.Lfunc_end0:
.L_simem_size_0:
called_computation_lowered:
.L_overlay_start_0:
0x88: {  	s2 =	sld [smem:$0x3FD9]  }
0x89: {  	s3 =	sld [smem:$0x3FFE];
	_ =	sdelay $0x1  }
0x8a: {  	s1 =	srdreg.scid  }
0x8b: {  	s0 =	sand.u32 $0x1, s1  }
0x8c: {  	s16 =	sshll.u32 s0, $0xA;
	s2 =	sadd.s32 s3, s2  }
0x8d: {  	s2 =	sadd.s32 s2, s16  }
0x8e: {  	[smem:$0x3FBE] =	sst s2  }
0x8f: {  	_ = 	snop  }
0x90: {  	(tm) =	ssettm $0x1  }
0x91: {  	s17 =	sld [smem:$0x3FFB];
	_ =	sdelay $0x3  }
0x92: {  	_ =	strace s17  }
0x93: {  	s2 =	sld [smem:$0x3FFC];
	_ =	sdelay $0x3  }
0x94: {  	_ =	strace s2  }
0x95: {  	s2 =	sld [smem:$0x3FFD];
	_ =	sdelay $0x3  }
0x96: {  	_ =	strace s2  }
0x97: {  	_ =	strace $0x8FFFFFFF  }
0x98: {  	s18 =	sld [smem:$0x3FDB];
	_ =	sdelay $0x1  }
0x99: {  	s19 =	simm.s32 $_scs_section_size  }
0x9a: {  	s4 =	simm.s32 $_size__tile_overlayer_lowered;
	s5 =	simm.s32 $_tile_overlayer_lowered  }
0x9b: {  	s22 =	simm.s32 $0x1BFF;
	s21 =	sshll.u32 s5, $0x1;
	s2 =	sadd.s32 s19, s18  }
0x9c: {  	s6 =	simm.s32 $0x0;
	s20 =	sshll.u32 s4, $0x1;
	s4 =	sadd.s32 s21, s2  }
0x9d: {  	[timem:s6], [sflag:s22] =	dma.local [hbm:s4], s20  }
0x9e: {  	_ =	swait.ge [sflag:s22], s20  }
0x9f: {  	s3 =	ssub.s32 $0x0, s20;
	[sflag:s22] =	ssyncset.done $0x0  }
0xa0: {  	[sflag:s22] =	ssyncadd.s32 s3;
	_ =	sdelay $0x1  }
0xa1: {  	s23 =	simm.s32 $0x1B8B  }
0xa2: {  	_ =	swait.ge [sflag:s23], $0x1  }
0xa3: {  	[sflag:s23] =	ssyncset.done $0x0  }
0xa4: {  	s25 =	simm.s32 $0x1B8E;
	s24 =	sld [smem:$0x3FFE];
	[sflag:s23] =	ssyncadd.s32 $0xFFFFFFFF  }
0xa5: {  	s26 =	simm.s32 $execute0_lowered;
	[smem:$0x3FD2] =	sst s25  }
0xa6: {  	s4 =	sshll.u32 s26, $0x1;
	_ =	strace $0x80000046;
	[dreg:$0x1] =	wrdreg $0xFFFFFFFF  }
0xa7: {  	s28 =	simm.s32 $_size_execute0_lowered;
	s2 =	sadd.s32 s2, s4;
	[dreg:$0x0] =	wrdreg $0x0  }
0xa8: {  	s4 =	sshll.u32 s28, $0x1;
	[dreg:$0x2] =	wrdreg s2  }
0xa9: {  	[dreg:$0x3] =	wrdreg s4  }
0xaa: {  	[dreg:$0x4] =	wrdreg $0xC0  }
0xab: {  	_ =	task [dreg:s6], $0x5FFFF  }
0xac: {  	[dreg:$0x1] =	wrdreg $0xFFFFFFFF  }
0xad: {  	[dreg:$0x0] =	wrdreg $0x60  }
0xae: {  	[dreg:$0x2] =	wrdreg s24  }
0xaf: {  	[dreg:$0x3] =	wrdreg $0x81000  }
0xb0: {  	[dreg:$0x4] =	wrdreg $0x9  }
0xb1: {  	_ =	task.clear_ibuf [dreg:s6], $0x5FFFF;
	_ =	strace $0x90000046  }
0xb2: {  	s29 =	simm.s32 $0x9;
	_ =	strace $0x80000048  }
0xb3: {  	_ =	swait.ge [sflag:s29], $0x1  }
0xb4: {  	[sflag:s29] =	ssyncadd.s32 $0xFFFFFFFF  }
0xb5: {  	_ =	strace $0x90000048  }
0xb6: {  	_ =	sfence  }
0xb7: {  	s30 =	sld [smem:$0x0];
	_ =	sdelay $0x2  }
0xb8: {  	s31 =	sshll.u32 s1, $0xD;
	s1 =	sshrl.u32 s1, $0x2  }
0xb9: {  	s3 =	sand.u32 $0x4000, s31;
	s1 =	sadd.s32 s1, s30  }
0xba: {  	s0 =	sor.u32 s3, s0;
	s1 =	sshll.u32 s1, $0x11  }
0xbb: {  	s0 =	sor.u32 s1, s0  }
0xbc: {  	s0 =	sadd.s32 $0x8F2B, s0  }
0xbd: {  	[sflag:s0] =	ssyncadd.remote.s32 $0x1  }
0xbe: {  	_ =	sfence.sel $0xFFFF  }
0xbf: {  	[dreg:$0x0] =	wrdreg $0xFFFFFFFF;
	(pc) =	sbr.abs _section_cstart, $3  }
0xc0: {  	[dreg:$0x1] =	wrdreg $0xFFFFFFFF  }
0xc1: {  	_ =	task.clear_ibuf [dreg:s6], $0x2FFFF;
	_ =	strace $0x9FFFFFFF  }
0xc2: {  	(tm) =	ssettm $0x7FFFFFFF  }
0xc3: {  	_ =	shalt  }
tec
execute0_lowered:
.L_overlay_start_1:
0x0: {  	(tag) =	ssettag $0x1  }
0x1: {  	s5 =	rddreg [dreg:$0x0]  }
0x2: {  	s1 =	rddreg [dreg:$0x1]  }
0x3: {  	s0 =	rddreg [dreg:$0x2];
	s3 =	srdreg.scid  }
0x4: {  	s2 =	simm.s32 $0x0;
	s16 =	sand.u32 $0x1, s3;
	s3 =	stileid.u32  }
0x5: {  	[smem:$0x7FF] =	sst s2;
	s18 =	sadd.s32 $0x4A00, s5;
	s8 =	smul.u32 $0x50000, s3  }
0x6: {  	s4 =	sadd.s32 $0xEA00, s5;
	s17 =	sadd.s32 $0xFA00, s5;
	s13 =	smul.u32 $0x14000, s3  }
0x7: {  	s5 =	sadd.s32 $0xF200, s5;
	_ =	strace $0x80000047;
	s22 =	smul.u32 $0x140000, s16  }
0x8: {  	s6 =	ssub.s32 $0x2, s16;
	s23 =	sshll.u32 s16, $0x4;
	s26 =	smul.u32 $0x5000, s16  }
0x9: {  	s30 =	smul.u32 $0x500, s3;
	s7 =	sshrl.u32 s6, $0x1;
	s25 =	sor.u32 s3, s23  }
0xa: {  	s23 =	simm.s32 $0x80;
	s19 =	ssub.s32 s6, s7;
	s24 =	sshrl.u32 s8, $0x2  }
0xb: {  	s14 =	sadd.s32 $0x4000, s13;
	s15 =	sadd.s32 $0x8000, s13;
	s9 =	smul.u32 $0x500, s25  }
0xc: {  	s20 =	sadd.s32 $0xC000, s13;
	s21 =	sadd.s32 $0x10000, s13;
	s13 =	sadd.s32 s13, s22  }
0xd: {  	s31 =	sadd.s32 s26, s18;
	s25 =	simm.s32 $0x2;
	s26 =	simm.s32 $0x0  }
0xe: {  	s6 =	sadd.s32 s24, s1;
	s7 =	sadd.s32 s14, s1;
	s8 =	sadd.s32 s15, s1  }
0xf: {  	s10 =	sadd.s32 s20, s1;
	s11 =	sadd.s32 s21, s1;
	s14 =	sadd.s32 s22, s14  }
0x10: {  	s15 =	sadd.s32 s22, s15;
	s13 =	sshrl.u32 s13, $0x3;
	s20 =	sadd.s32 s22, s20  }
0x11: {  	s21 =	sadd.s32 s22, s21;
	s22 =	simm.s32 $0x4100;
	s24 =	simm.s32 $0x1  }
0x12: {  	s9 =	sadd.s32 s18, s9;
	s14 =	sshrl.u32 s14, $0x3;
	s15 =	sshrl.u32 s15, $0x3  }
0x13: {  	s13 =	sadd.s32 s17, s13;
	s28 =	sshrl.u32 s20, $0x3;
	s29 =	sshrl.u32 s21, $0x3  }
0x14: {  	s18 =	smax.u32 s19, $0x1;
	s19 =	sadd.s32 s30, s31;
	s20 =	simm.s32 $0x100  }
0x15: {  	s21 =	simm.s32 $0x3;
	s12 =	sadd.s32 $0x10, s9;
	s14 =	sadd.s32 s17, s14  }
0x16: {  	s15 =	sadd.s32 s17, s15;
	s16 =	sadd.s32 s17, s28;
	s17 =	sadd.s32 s17, s29  }
.LBB2_1:
0x17: {  	[tilespmem:s20], [sflag:$0x3] =	stream.linear.gather [hbm4b:s4+s2], $0x4000, $0x38;
	[tilespmem:$0xA900] =	vst v63  }
0x18: {  	_ =	swait.ge [sflag:s21], $0x4000  }
0x19: {  	[sflag:s21] =	ssyncset.done $0x0  }
0x1a: {  	[sflag:s21] =	ssyncadd.s32 $0xFFFFC000  }
0x1b: {  	[tilespmem:s22], [sflag:$0x3] =	stream.linear.gather [hbm4b:s5+s2], $0x4000, $0x38;
	[tilespmem:$0xA900] =	vst v63  }
0x1c: {  	_ =	swait.ge [sflag:s21], $0x4000  }
0x1d: {  	[sflag:s21] =	ssyncset.done $0x0  }
0x1e: {  	[sflag:s21] =	ssyncadd.s32 $0xFFFFC000  }
0x1f: {  	[spmem:s6] =	stream.linear.scatter [tilespmem:s22], [sflag:$0x3], $0x4000, $0x38;
	[tilespmem:$0xA900] =	vst v63  }
0x20: {  	_ =	swait.ge [sflag:s21], $0x4000  }
0x21: {  	[sflag:s21] =	ssyncset.done $0x0  }
0x22: {  	[sflag:s21] =	ssyncadd.s32 $0xFFFFC000  }
0x23: {  	[spmem:s7] =	stream.linear.scatter [tilespmem:s22], [sflag:$0x3], $0x4000, $0x38;
	[tilespmem:$0xA900] =	vst v63  }
0x24: {  	_ =	swait.ge [sflag:s21], $0x4000  }
0x25: {  	[sflag:s21] =	ssyncset.done $0x0  }
0x26: {  	[sflag:s21] =	ssyncadd.s32 $0xFFFFC000  }
0x27: {  	[spmem:s8] =	stream.linear.scatter [tilespmem:s22], [sflag:$0x3], $0x4000, $0x38;
	[tilespmem:$0xA900] =	vst v63  }
0x28: {  	_ =	swait.ge [sflag:s21], $0x4000  }
0x29: {  	[sflag:s21] =	ssyncset.done $0x0  }
0x2a: {  	[sflag:s21] =	ssyncadd.s32 $0xFFFFC000  }
0x2b: {  	[spmem:s10] =	stream.linear.scatter [tilespmem:s22], [sflag:$0x3], $0x4000, $0x38;
	[tilespmem:$0xA900] =	vst v63  }
0x2c: {  	_ =	swait.ge [sflag:s21], $0x4000  }
0x2d: {  	[sflag:s21] =	ssyncset.done $0x0  }
0x2e: {  	[sflag:s21] =	ssyncadd.s32 $0xFFFFC000  }
0x2f: {  	[spmem:s11] =	stream.linear.scatter [tilespmem:s22], [sflag:$0x3], $0x4000, $0x38;
	[tilespmem:$0xA900] =	vst v63  }
0x30: {  	_ =	swait.ge [sflag:s21], $0x4000  }
0x31: {  	[sflag:s21] =	ssyncset.done $0x0  }
0x32: {  	[sflag:s21] =	ssyncadd.s32 $0xFFFFC000  }
0x33: {  	[tilespmem:s2], [sflag:$0x1] =	stream.linear.gather [hbm4b:s9+s2], $0x80, $0x38;
	[tilespmem:$0xA900] =	vst v63  }
0x34: {  	_ = 	snop  }
0x35: {  	[tilespmem:s23], [sflag:$0x2] =	stream.linear.gather [hbm4b:s12+s2], $0x80, $0x38;
	[tilespmem:$0xA900] =	vst v63  }
0x36: {  	[bflag:$0x0] =	sbarrier.arrive $0xFFFF  }
0x37: {  	_ =	swait.ge [sflag:s24], $0x80  }
0x38: {  	[sflag:s24] =	ssyncset.done $0x0  }
0x39: {  	[sflag:s24] =	ssyncadd.s32 $0xFFFFFF80  }
0x3a: {  	[spmem:s1] =	stream.indirect.scatter.add.f32 [tilespmem:s20], [sflag:$0x3], $0x10, s2, s23, $0xb8;
	[tilespmem:$0xA900] =	vst v63  }
0x3b: {  	_ =	swait.ge [sflag:s21], $0x800  }
0x3c: {  	s29 =	sadd.s32 $0xFFFFFB20, s19;
	[sflag:s21] =	ssyncset.done $0x0  }
0x3d: {  	s28 =	sadd.s32 $0x500, s29;
	[sflag:s21] =	ssyncadd.s32 $0xFFFFF800  }
0x3e: {  	[tilespmem:s2], [sflag:$0x1] =	stream.linear.gather [hbm4b:s28+s2], $0x80, $0x38;
	[tilespmem:$0xA900] =	vst v63  }
0x3f: {  	_ =	swait.ge [sflag:s25], $0x80  }
0x40: {  	[sflag:s25] =	ssyncset.done $0x0  }
0x41: {  	[sflag:s25] =	ssyncadd.s32 $0xFFFFFF80  }
0x42: {  	[spmem:s1] =	stream.indirect.scatter.add.f32 [tilespmem:s20], [sflag:$0x3], $0x10, s23, s23, $0xb8;
	[tilespmem:$0xA900] =	vst v63  }
0x43: {  	_ =	swait.ge [sflag:s21], $0x800  }
0x44: {  	[sflag:s21] =	ssyncset.done $0x0  }
0x45: {  	s29 =	sadd.s32 $0x510, s29;
	s28 =	simm.s32 $0xFFFFFB40;
	[sflag:s21] =	ssyncadd.s32 $0xFFFFF800  }
.LBB2_2:
0x46: {  	[tilespmem:s23], [sflag:$0x2] =	stream.linear.gather [hbm4b:s29+s2], $0x80, $0x38;
	[tilespmem:$0xA900] =	vst v63  }
0x47: {  	s29 =	smov.u32 s28  }
0x48: {  	p0 =	sne.s32 s28, $0xFFFFFFE0;
	s28 =	sadd.s32 $0x20, s28;
	_ =	swait.ge [sflag:s24], $0x80  }
0x49: {  	[sflag:s24] =	ssyncset.done $0x0  }
0x4a: {  	[sflag:s24] =	ssyncadd.s32 $0xFFFFFF80  }
0x4b: {  	[spmem:s1] =	stream.indirect.scatter.add.f32 [tilespmem:s20], [sflag:$0x3], $0x10, s2, s23, $0xb8;
	[tilespmem:$0xA900] =	vst v63  }
0x4c: {  	_ =	swait.ge [sflag:s21], $0x800  }
0x4d: {  	s29 =	sadd.s32 s29, s19;
	[sflag:s21] =	ssyncset.done $0x0  }
0x4e: {  	s30 =	sadd.s32 $0x500, s29;
	[sflag:s21] =	ssyncadd.s32 $0xFFFFF800  }
0x4f: {  	[tilespmem:s2], [sflag:$0x1] =	stream.linear.gather [hbm4b:s30+s2], $0x80, $0x38;
	[tilespmem:$0xA900] =	vst v63  }
0x50: {  	_ =	swait.ge [sflag:s25], $0x80  }
0x51: {  	[sflag:s25] =	ssyncset.done $0x0  }
.Ltmp0:
0x52: {  	[sflag:s25] =	ssyncadd.s32 $0xFFFFFF80;
	(pc) =	sbr.rel @p0 .LBB2_2-.Ltmp0, $4  }
0x53: {  	[spmem:s1] =	stream.indirect.scatter.add.f32 [tilespmem:s20], [sflag:$0x3], $0x10, s23, s23, $0xb8;
	[tilespmem:$0xA900] =	vst v63  }
0x54: {  	_ =	swait.ge [sflag:s21], $0x800  }
0x55: {  	[sflag:s21] =	ssyncset.done $0x0  }
0x56: {  	s29 =	sadd.s32 $0x510, s29;
	[sflag:s21] =	ssyncadd.s32 $0xFFFFF800  }
0x57: {  	[tilespmem:s23], [sflag:$0x2] =	stream.linear.gather [hbm4b:s29+s2], $0x80, $0x38;
	[tilespmem:$0xA900] =	vst v63  }
0x58: {  	_ =	swait.ge [sflag:s24], $0x80  }
0x59: {  	[sflag:s24] =	ssyncset.done $0x0  }
0x5a: {  	[sflag:s24] =	ssyncadd.s32 $0xFFFFFF80  }
0x5b: {  	[spmem:s1] =	stream.indirect.scatter.add.f32 [tilespmem:s20], [sflag:$0x3], $0x10, s2, s23, $0xb8;
	[tilespmem:$0xA900] =	vst v63  }
0x5c: {  	_ =	swait.ge [sflag:s21], $0x800  }
0x5d: {  	[sflag:s21] =	ssyncset.done $0x0  }
0x5e: {  	[sflag:s21] =	ssyncadd.s32 $0xFFFFF800  }
0x5f: {  	_ =	swait.ge [sflag:s25], $0x80  }
0x60: {  	[sflag:s25] =	ssyncset.done $0x0  }
0x61: {  	[sflag:s25] =	ssyncadd.s32 $0xFFFFFF80  }
0x62: {  	[spmem:s1] =	stream.indirect.scatter.add.f32 [tilespmem:s20], [sflag:$0x3], $0x10, s23, s23, $0xb8;
	[tilespmem:$0xA900] =	vst v63  }
0x63: {  	_ =	swait.ge [sflag:s21], $0x800  }
0x64: {  	[sflag:s21] =	ssyncset.done $0x0  }
0x65: {  	[sflag:s21] =	ssyncadd.s32 $0xFFFFF800  }
0x66: {  	[bflag:$0x0] =	sbarrier.arrive $0xFFFF  }
0x67: {  	[tilespmem:s22], [sflag:$0x3] =	stream.linear.gather [spmem:s6], $0x4000, $0x38;
	[tilespmem:$0xA900] =	vst v63  }
0x68: {  	_ =	swait.ge [sflag:s21], $0x4000  }
0x69: {  	[sflag:s21] =	ssyncset.done $0x0  }
0x6a: {  	[sflag:s21] =	ssyncadd.s32 $0xFFFFC000  }
0x6b: {  	[hbm4b:s13+s2] =	stream.linear.scatter [tilespmem:s22], [sflag:$0x3], $0x4000, $0x38;
	[tilespmem:$0xA900] =	vst v63  }
0x6c: {  	_ =	swait.ge [sflag:s21], $0x4000  }
0x6d: {  	[sflag:s21] =	ssyncset.done $0x0  }
0x6e: {  	[sflag:s21] =	ssyncadd.s32 $0xFFFFC000  }
0x6f: {  	[tilespmem:s22], [sflag:$0x3] =	stream.linear.gather [spmem:s7], $0x4000, $0x38;
	[tilespmem:$0xA900] =	vst v63  }
0x70: {  	_ =	swait.ge [sflag:s21], $0x4000  }
0x71: {  	[sflag:s21] =	ssyncset.done $0x0  }
0x72: {  	[sflag:s21] =	ssyncadd.s32 $0xFFFFC000  }
0x73: {  	[hbm4b:s14+s2] =	stream.linear.scatter [tilespmem:s22], [sflag:$0x3], $0x4000, $0x38;
	[tilespmem:$0xA900] =	vst v63  }
0x74: {  	_ =	swait.ge [sflag:s21], $0x4000  }
0x75: {  	[sflag:s21] =	ssyncset.done $0x0  }
0x76: {  	[sflag:s21] =	ssyncadd.s32 $0xFFFFC000  }
0x77: {  	[tilespmem:s22], [sflag:$0x3] =	stream.linear.gather [spmem:s8], $0x4000, $0x38;
	[tilespmem:$0xA900] =	vst v63  }
0x78: {  	_ =	swait.ge [sflag:s21], $0x4000  }
0x79: {  	[sflag:s21] =	ssyncset.done $0x0  }
0x7a: {  	[sflag:s21] =	ssyncadd.s32 $0xFFFFC000  }
0x7b: {  	[hbm4b:s15+s2] =	stream.linear.scatter [tilespmem:s22], [sflag:$0x3], $0x4000, $0x38;
	[tilespmem:$0xA900] =	vst v63  }
0x7c: {  	_ =	swait.ge [sflag:s21], $0x4000  }
0x7d: {  	[sflag:s21] =	ssyncset.done $0x0  }
0x7e: {  	[sflag:s21] =	ssyncadd.s32 $0xFFFFC000  }
0x7f: {  	[tilespmem:s22], [sflag:$0x3] =	stream.linear.gather [spmem:s10], $0x4000, $0x38;
	[tilespmem:$0xA900] =	vst v63  }
0x80: {  	_ =	swait.ge [sflag:s21], $0x4000  }
0x81: {  	[sflag:s21] =	ssyncset.done $0x0  }
0x82: {  	[sflag:s21] =	ssyncadd.s32 $0xFFFFC000  }
0x83: {  	[hbm4b:s16+s2] =	stream.linear.scatter [tilespmem:s22], [sflag:$0x3], $0x4000, $0x38;
	[tilespmem:$0xA900] =	vst v63  }
0x84: {  	_ =	swait.ge [sflag:s21], $0x4000  }
0x85: {  	[sflag:s21] =	ssyncset.done $0x0  }
0x86: {  	[sflag:s21] =	ssyncadd.s32 $0xFFFFC000  }
0x87: {  	[tilespmem:s22], [sflag:$0x3] =	stream.linear.gather [spmem:s11], $0x4000, $0x38;
	[tilespmem:$0xA900] =	vst v63  }
0x88: {  	s26 =	sadd.s32 $0x1, s26;
	_ =	swait.ge [sflag:s21], $0x4000  }
0x89: {  	p0 =	sne.s32 s26, s18;
	[sflag:s21] =	ssyncset.done $0x0  }
.Ltmp1:
0x8a: {  	[sflag:s21] =	ssyncadd.s32 $0xFFFFC000;
	(pc) =	sbr.rel @p0 .LBB2_1-.Ltmp1, $4  }
0x8b: {  	[hbm4b:s17+s2] =	stream.linear.scatter [tilespmem:s22], [sflag:$0x3], $0x4000, $0x38;
	[tilespmem:$0xA900] =	vst v63  }
0x8c: {  	_ =	swait.ge [sflag:s21], $0x4000  }
0x8d: {  	[sflag:s21] =	ssyncset.done $0x0  }
0x8e: {  	[sflag:s21] =	ssyncadd.s32 $0xFFFFC000  }
0x8f: {  	_ =	sfence.sel $0x180000  }
0x90: {  	[bflag:$0x0] =	sbarrier.arrive $0xFFFF  }
0x91: {  	p0 =	sne.s32 s3, $0x0;
	_ =	strace $0x90000047  }
0x92: {  	s0 =	sadd.s32 @!p0 $0x100000, s0;
	[bflag:$0x2] =	sbarrier.arrive $0xFFFF  }
0x93: {  	[sflag:s0] =	ssyncadd.tile.s32 @!p0 $0x1;
	_ =	shalt  }
.Lfunc_end2:
_tile_overlayer_lowered:
.L_overlay_start_2:
0x94: {  	(tag) =	ssettag $0x2  }
0x95: {  	s0 =	rddreg [dreg:$0x0];
	s2 =	stileid.u32  }
0x96: {  	s1 =	rddreg [dreg:$0x1];
	p0 =	sne.s32 s2, $0x0  }
0x97: {  	s3 =	rddreg [dreg:$0x2];
	[bflag:$0x3] =	sbarrier.arrive $0xFFFF;
	s2 =	simm.s32 @!p0 $0x1C03  }
0x98: {  	[timem:s3], [sflag:s2] =	dma.local @!p0 [hbm:s0], s1  }
0x99: {  	s0 =	simm.s32 @!p0 $0x3  }
0x9a: {  	_ =	swait.ge @!p0 [sflag:s0], s1  }
0x9b: {  	s1 =	ssub.s32 @!p0 $0x0, s1;
	[sflag:s0] =	ssyncset.done @!p0 $0x0  }
0x9c: {  	[sflag:s0] =	ssyncadd.s32 @!p0 s1  }
0x9d: {  	[bflag:$0x3] =	sbarrier.arrive $0xFFFF  }
0x9e: {  	_ =	shalt  }

// kernel: kernel.13.cloned.1.call-start
scs
__scs_entry_jumppad:
0x0: {  	(pc) =	sbr.rel $0x88, $3  }
0x1: {  	(tag) =	ssettag $0x0;
	lr =	simm.s32 $0x1  }
0x2: {  	[smem:$0x3F97] =	sst lr;
	_ =	strace $0xD0000000  }
0x3: {  	_ = 	snop  }
0x4: {  	_ = 	snop  }
0x5: {  	_ = 	snop  }
0x6: {  	_ = 	snop  }
0x7: {  	_ = 	snop  }
__scs_overlays_trampoline_lowered:
0x8: {  	[smem:$0x3FA6] =	sst s0  }
0x9: {  	[smem:$0x3FA7] =	sst s1  }
0xa: {  	[smem:$0x3FA8] =	sst s2  }
0xb: {  	[smem:$0x3FA9] =	sst s3  }
0xc: {  	[smem:$0x3FAA] =	sst s4  }
0xd: {  	[smem:$0x3FAB] =	sst s5  }
0xe: {  	[smem:$0x3FAC] =	sst s6  }
0xf: {  	[smem:$0x3FAD] =	sst s7  }
0x10: {  	[smem:$0x3FAE] =	sst s8  }
0x11: {  	[smem:$0x3FAF] =	sst s9;
	s0 =	simm.s32 @!p0 $0x0  }
0x12: {  	s1 =	sld [smem:$0x3F95];
	s0 =	simm.s32 @p0 $0x1  }
0x13: {  	[smem:$0x3FB0] =	sst s0;
	s0 =	simm.s32 @!p1 $0x0  }
0x14: {  	s2 =	sld [smem:$0x3F94];
	s0 =	simm.s32 @p1 $0x1  }
0x15: {  	[smem:$0x3FB1] =	sst s0;
	s0 =	simm.s32 @!p2 $0x0  }
0x16: {  	s3 =	sld [smem:$0x3FDB];
	s0 =	simm.s32 @p2 $0x1  }
0x17: {  	s4 =	simm.s32 $0x1BF5;
	[smem:$0x3FB3] =	sst s0  }
0x18: {  	s0 =	sld [smem:$0x3F96];
	_ =	swait.ge [sflag:s4], $0x0  }
0x19: {  	s7 =	sld [smem:$0x3F97]  }
0x1a: {  	s8 =	sadd.s32 $0xFFFFE003, lr  }
0x1b: {  	s9 =	sadd.s32 $0xFFFFFEF7, lr;
	s5 =	simm.s32 $0xFFFFFFFF;
	p2 =	slt.u32 s8, $0xFFFFF086  }
0x1c: {  	p1 =	slt.u32 s9, $0xF7A;
	s5 =	simm.s32 @!p2 $0x0  }
0x1d: {  	s5 =	simm.s32 @p1 $0x1;
	p0 =	seq.s32 s7, s2  }
0x1e: {  	s7 =	smul.u32 @!p0 $0xF7A, s2;
	p2 =	seq.s32 @!p0 s5, $0x0  }
0x1f: {  	s9 =	smul.u32 $0xF7A, s1;
	s8 =	simm.s32 @!p0 $0x1BF5;
	p2 =	por !p2, p0  }
0x20: {  	[sflag:s8] =	ssyncset.s32 @!p0 $0xFFFFF086;
	s6 =	sadd.s32 @!p0 s3, s7;
	s7 =	simm.s32 @!p0 $0x108  }
0x21: {  	s3 =	sadd.s32 s3, s9;
	s6 =	sadd.s32 @!p0 $0x88, s6;
	s7 =	simm.s32 @p2 $0x1082  }
0x22: {  	[simem:s7], [sflag:s8] =	dma.local @!p0 [hbm:s6], $0xF7A  }
0x23: {  	s9 =	sor.u32 $0xD0000000, s2;
	s6 =	simm.s32 $0x108;
	_ =	swait.ge @!p0 [sflag:s8], $0x0  }
0x24: {  	s3 =	sadd.s32 $0x88, s3;
	s6 =	simm.s32 @!p1 $0x1082;
	[sflag:s4] =	ssyncset.s32 $0xFFFFF086  }
0x25: {  	[simem:s6], [sflag:s4] =	dma.local [hbm:s3], $0xF7A  }
0x26: {  	[smem:$0x3F97] =	sst s1;
	(tag) =	ssettag s2;
	_ =	strace s9  }
0x27: {  	s1 =	sld [smem:$0x3FA7]  }
0x28: {  	s2 =	sld [smem:$0x3FA8]  }
0x29: {  	s4 =	sld [smem:$0x3FAA]  }
0x2a: {  	p0 =	seq.s32 s5, $0x0;
	s5 =	sld [smem:$0x3FAB]  }
0x2b: {  	s6 =	sld [smem:$0x3FAC]  }
0x2c: {  	s7 =	sld [smem:$0x3FAD]  }
0x2d: {  	s3 =	simm.s32 $0x108;
	s8 =	sld [smem:$0x3FAE]  }
0x2e: {  	s3 =	simm.s32 @!p0 $0x1082;
	s9 =	sld [smem:$0x3FAF]  }
0x2f: {  	lr =	sadd.s32 s0, s3;
	s0 =	sld [smem:$0x3FA6]  }
0x30: {  	s3 =	sld [smem:$0x3FA9]  }
0x31: {  	[smem:$0x3FB2] =	sst s10  }
0x32: {  	s10 =	sld [smem:$0x3FB0];
	_ =	sdelay $0x3  }
0x33: {  	p0 =	seq.s32 s10, $0x1;
	s10 =	sld [smem:$0x3FB2];
	_ =	sdelay $0x3  }
0x34: {  	[smem:$0x3FB2] =	sst s10  }
0x35: {  	s10 =	sld [smem:$0x3FB1];
	_ =	sdelay $0x3  }
0x36: {  	p1 =	seq.s32 s10, $0x1;
	s10 =	sld [smem:$0x3FB2];
	_ =	sdelay $0x3  }
0x37: {  	[smem:$0x3FB2] =	sst s10  }
0x38: {  	s10 =	sld [smem:$0x3FB3]  }
0x39: {  	_ = 	snop;
	(pc) =	sbr.ind lr, $3  }
0x3a: {  	_ = 	snop  }
0x3b: {  	_ = 	snop  }
0x3c: {  	p2 =	seq.s32 s10, $0x1;
	s10 =	sld [smem:$0x3FB2]  }
0x3d: {  	_ =	shalt  }
0x3e: {  	_ =	shalt  }
0x3f: {  	_ =	shalt  }
0x40: {  	_ =	shalt  }
0x41: {  	_ =	shalt  }
0x42: {  	_ =	shalt  }
0x43: {  	_ =	shalt  }
0x44: {  	_ =	shalt  }
0x45: {  	_ =	shalt  }
0x46: {  	_ =	shalt  }
0x47: {  	_ =	shalt  }
0x48: {  	_ =	shalt  }
0x49: {  	_ =	shalt  }
0x4a: {  	_ =	shalt  }
0x4b: {  	_ =	shalt  }
0x4c: {  	_ =	shalt  }
0x4d: {  	_ =	shalt  }
0x4e: {  	_ =	shalt  }
0x4f: {  	_ =	shalt  }
0x50: {  	_ =	shalt  }
0x51: {  	_ =	shalt  }
0x52: {  	_ =	shalt  }
0x53: {  	_ =	shalt  }
0x54: {  	_ =	shalt  }
0x55: {  	_ =	shalt  }
0x56: {  	_ =	shalt  }
0x57: {  	_ =	shalt  }
0x58: {  	_ =	shalt  }
0x59: {  	_ =	shalt  }
0x5a: {  	_ =	shalt  }
0x5b: {  	_ =	shalt  }
0x5c: {  	_ =	shalt  }
0x5d: {  	_ =	shalt  }
0x5e: {  	_ =	shalt  }
0x5f: {  	_ =	shalt  }
0x60: {  	_ =	shalt  }
0x61: {  	_ =	shalt  }
0x62: {  	_ =	shalt  }
0x63: {  	_ =	shalt  }
0x64: {  	_ =	shalt  }
0x65: {  	_ =	shalt  }
0x66: {  	_ =	shalt  }
0x67: {  	_ =	shalt  }
0x68: {  	_ =	shalt  }
0x69: {  	_ =	shalt  }
0x6a: {  	_ =	shalt  }
0x6b: {  	_ =	shalt  }
0x6c: {  	_ =	shalt  }
0x6d: {  	_ =	shalt  }
0x6e: {  	_ =	shalt  }
0x6f: {  	_ =	shalt  }
0x70: {  	_ =	shalt  }
0x71: {  	_ =	shalt  }
0x72: {  	_ =	shalt  }
0x73: {  	_ =	shalt  }
0x74: {  	_ =	shalt  }
0x75: {  	_ =	shalt  }
0x76: {  	_ =	shalt  }
0x77: {  	_ =	shalt  }
0x78: {  	_ =	shalt  }
0x79: {  	_ =	shalt  }
0x7a: {  	_ =	shalt  }
0x7b: {  	_ =	shalt  }
0x7c: {  	_ =	shalt  }
0x7d: {  	_ =	shalt  }
0x7e: {  	_ =	shalt  }
0x7f: {  	_ =	shalt  }
0x80: {  	_ =	shalt  }
0x81: {  	_ =	shalt  }
0x82: {  	_ =	shalt  }
0x83: {  	_ =	shalt  }
0x84: {  	_ =	shalt  }
0x85: {  	_ =	shalt  }
0x86: {  	_ =	shalt  }
0x87: {  	_ =	shalt  }
.Lfunc_end0:
.L_simem_size_0:
called_computation.1_lowered:
.L_overlay_start_0:
0x88: {  	s2 =	sld [smem:$0x3FD9]  }
0x89: {  	s3 =	sld [smem:$0x3FFE];
	_ =	sdelay $0x1  }
0x8a: {  	s1 =	srdreg.scid  }
0x8b: {  	s0 =	sand.u32 $0x1, s1  }
0x8c: {  	s17 =	sshll.u32 s0, $0xA;
	s2 =	sadd.s32 s3, s2  }
0x8d: {  	s2 =	sadd.s32 s2, s17  }
0x8e: {  	[smem:$0x3FBE] =	sst s2  }
0x8f: {  	_ = 	snop  }
0x90: {  	s2 =	sld [smem:$0x3FD0];
	(tm) =	ssettm $0x1  }
0x91: {  	s18 =	sld [smem:$0x3FFB];
	_ =	sdelay $0x3  }
0x92: {  	_ =	strace s18  }
0x93: {  	s3 =	sld [smem:$0x3FFC];
	_ =	sdelay $0x3  }
0x94: {  	_ =	strace s3  }
0x95: {  	s3 =	sld [smem:$0x3FFD];
	_ =	sdelay $0x3  }
0x96: {  	_ =	strace s3  }
0x97: {  	_ =	strace $0x8FFFFFFF  }
0x98: {  	s19 =	sld [smem:$0x3FDB];
	_ =	sdelay $0x1  }
0x99: {  	s4 =	simm.s32 $_scs_section_size  }
0x9a: {  	s5 =	simm.s32 $_size__tile_overlayer_lowered;
	s6 =	simm.s32 $_tile_overlayer_lowered  }
0x9b: {  	s22 =	simm.s32 $0x1BFF;
	s21 =	sshll.u32 s6, $0x1;
	s3 =	sadd.s32 s4, s19  }
0x9c: {  	s7 =	simm.s32 $0x0;
	s20 =	sshll.u32 s5, $0x1;
	s5 =	sadd.s32 s21, s3  }
0x9d: {  	[timem:s7], [sflag:s22] =	dma.local [hbm:s5], s20  }
0x9e: {  	_ =	swait.ge [sflag:s22], s20  }
0x9f: {  	s4 =	ssub.s32 $0x0, s20;
	[sflag:s22] =	ssyncset.done $0x0  }
0xa0: {  	[sflag:s22] =	ssyncadd.s32 s4;
	_ =	sdelay $0x1  }
0xa1: {  	s23 =	simm.s32 $0x1B8B  }
0xa2: {  	_ =	swait.ge [sflag:s23], $0x1  }
0xa3: {  	[sflag:s23] =	ssyncset.done $0x0  }
0xa4: {  	s25 =	simm.s32 $0x1B8E;
	s24 =	sld [smem:$0x3FFE];
	[sflag:s23] =	ssyncadd.s32 $0xFFFFFFFF  }
0xa5: {  	s26 =	simm.s32 $execute0_lowered;
	[smem:$0x3FD2] =	sst s25  }
0xa6: {  	s5 =	sshll.u32 s26, $0x1;
	_ =	strace $0x80000049;
	[dreg:$0x1] =	wrdreg $0xFFFFFFFF  }
0xa7: {  	s28 =	simm.s32 $_size_execute0_lowered;
	s3 =	sadd.s32 s3, s5;
	[dreg:$0x0] =	wrdreg $0x0  }
0xa8: {  	s5 =	sshll.u32 s28, $0x1;
	[dreg:$0x2] =	wrdreg s3  }
0xa9: {  	[dreg:$0x3] =	wrdreg s5  }
0xaa: {  	[dreg:$0x4] =	wrdreg $0xC0  }
0xab: {  	_ =	task [dreg:s7], $0x5FFFF  }
0xac: {  	[dreg:$0x1] =	wrdreg $0xFFFFFFFF  }
0xad: {  	[dreg:$0x0] =	wrdreg $0x60  }
0xae: {  	[dreg:$0x2] =	wrdreg s24  }
0xaf: {  	[dreg:$0x3] =	wrdreg s2  }
0xb0: {  	[dreg:$0x4] =	wrdreg $0xA9000  }
0xb1: {  	[dreg:$0x5] =	wrdreg $0x9  }
0xb2: {  	_ =	task.clear_ibuf [dreg:s7], $0x6FFFF;
	_ =	strace $0x90000049  }
0xb3: {  	s29 =	simm.s32 $0x9;
	_ =	strace $0x8000004B  }
0xb4: {  	_ =	swait.ge [sflag:s29], $0x1  }
0xb5: {  	[sflag:s29] =	ssyncadd.s32 $0xFFFFFFFF  }
0xb6: {  	_ =	strace $0x9000004B  }
0xb7: {  	_ =	sfence  }
0xb8: {  	s30 =	sld [smem:$0x0];
	_ =	sdelay $0x2  }
0xb9: {  	s31 =	sshll.u32 s1, $0xD;
	s1 =	sshrl.u32 s1, $0x2  }
0xba: {  	s3 =	sand.u32 $0x4000, s31;
	s1 =	sadd.s32 s1, s30  }
0xbb: {  	s0 =	sor.u32 s3, s0;
	s1 =	sshll.u32 s1, $0x11  }
0xbc: {  	s0 =	sor.u32 s1, s0  }
0xbd: {  	s0 =	sadd.s32 $0x8F2B, s0  }
0xbe: {  	[sflag:s0] =	ssyncadd.remote.s32 $0x1  }
0xbf: {  	_ =	sfence.sel $0xFFFF  }
0xc0: {  	[dreg:$0x0] =	wrdreg $0xFFFFFFFF;
	(pc) =	sbr.abs _section_cstart, $3  }
0xc1: {  	[dreg:$0x1] =	wrdreg $0xFFFFFFFF  }
0xc2: {  	_ =	task.clear_ibuf [dreg:s7], $0x2FFFF;
	_ =	strace $0x9FFFFFFF  }
0xc3: {  	(tm) =	ssettm $0x7FFFFFFF  }
tec
execute0_lowered:
.L_overlay_start_1:
0x0: {  	(tag) =	ssettag $0x1  }
0x1: {  	s1 =	rddreg [dreg:$0x0]  }
0x2: {  	s19 =	rddreg [dreg:$0x1]  }
0x3: {  	s0 =	stileid.u32;
	s2 =	rddreg [dreg:$0x2]  }
0x4: {  	s4 =	srdreg.scid;
	s3 =	simm.s32 $0x0;
	s23 =	simm.s32 $0x80  }
0x5: {  	s24 =	simm.s32 $0x2880;
	s25 =	simm.s32 $0x6900;
	s5 =	smul.u32 $0x50, s0  }
0x6: {  	s28 =	simm.s32 $0x2;
	s29 =	simm.s32 $0x0;
	s7 =	smul.u32 $0x50000, s0  }
0x7: {  	s9 =	sand.u32 $0x1, s4;
	[smem:$0x7FF] =	sst s3;
	s13 =	smul.u32 $0x14000, s0  }
0x8: {  	s4 =	sadd.s32 $0xEA00, s1;
	s30 =	sadd.s32 $0x36A00, s1;
	s22 =	smul.u32 $0x500, s0  }
0x9: {  	p0 =	seq.s32 s9, $0x0;
	_ =	strace $0x8000004A;
	s26 =	ssub.s32 $0x2, s9  }
0xa: {  	[dreg:$0x4] =	wrdreg s30;
	s20 =	smul.u32 $0x140000, s9;
	s11 =	sadd.s32 $0x500, s5  }
0xb: {  	s8 =	sshrl.u32 s26, $0x1;
	s31 =	sshrl.u32 s7, $0x2;
	s14 =	sadd.s32 $0x4000, s13  }
0xc: {  	s15 =	sadd.s32 $0x8000, s13;
	s16 =	sadd.s32 $0xC000, s13;
	s17 =	sadd.s32 $0x10000, s13  }
0xd: {  	s6 =	smov.u32 s11;
	s18 =	ssub.s32 s26, s8;
	s7 =	sadd.s32 s14, s2  }
0xe: {  	s8 =	sadd.s32 s15, s2;
	s9 =	sadd.s32 s16, s2;
	s10 =	sadd.s32 s17, s2  }
0xf: {  	s21 =	sshll.u32 s11, $0x4;
	s13 =	sadd.s32 s13, s20;
	s14 =	sadd.s32 s20, s14  }
0x10: {  	s15 =	sadd.s32 s20, s15;
	s16 =	sadd.s32 s20, s16;
	s17 =	sadd.s32 s20, s17  }
0x11: {  	s20 =	simm.s32 $0x2900;
	s26 =	simm.s32 $0x1;
	s6 =	smov.u32 @p0 s5  }
0x12: {  	s13 =	sshrl.u32 s13, $0x3;
	s14 =	sshrl.u32 s14, $0x3;
	s15 =	sshrl.u32 s15, $0x3  }
0x13: {  	s16 =	sshrl.u32 s16, $0x3;
	s17 =	sshrl.u32 s17, $0x3;
	s21 =	smov.u32 @p0 s22  }
0x14: {  	s18 =	smax.u32 s18, $0x1;
	s22 =	simm.s32 $0x2800;
	s5 =	sshll.u32 s6, $0x4  }
0x15: {  	s6 =	sadd.s32 s31, s2;
	s19 =	sadd.s32 s19, s21;
	s12 =	sadd.s32 s5, s1  }
0x16: {  	s21 =	simm.s32 $0x3;
	s1 =	sadd.s32 $0x37200, s1;
	s11 =	sadd.s32 $0x4A00, s12  }
0x17: {  	s12 =	sadd.s32 $0x4A10, s12;
	s13 =	sadd.s32 s1, s13;
	s14 =	sadd.s32 s1, s14  }
0x18: {  	s15 =	sadd.s32 s1, s15;
	s16 =	sadd.s32 s1, s16;
	s17 =	sadd.s32 s1, s17  }
.LBB2_1:
0x19: {  	s0 =	rddreg [dreg:$0x4]  }
0x1a: {  	[tilespmem:s20], [sflag:$0x3] =	stream.linear.gather [hbm4b:s0+s3], $0x4000, $0x38;
	[tilespmem:$0x1E900] =	vst v63  }
0x1b: {  	_ =	swait.ge [sflag:s21], $0x4000  }
0x1c: {  	[sflag:s21] =	ssyncset.done $0x0  }
0x1d: {  	[sflag:s21] =	ssyncadd.s32 $0xFFFFC000  }
0x1e: {  	[spmem:s6] =	stream.linear.scatter [tilespmem:s20], [sflag:$0x3], $0x4000, $0x38;
	[tilespmem:$0x1E900] =	vst v63  }
0x1f: {  	_ =	swait.ge [sflag:s21], $0x4000  }
0x20: {  	[sflag:s21] =	ssyncset.done $0x0  }
0x21: {  	[sflag:s21] =	ssyncadd.s32 $0xFFFFC000  }
0x22: {  	[spmem:s7] =	stream.linear.scatter [tilespmem:s20], [sflag:$0x3], $0x4000, $0x38;
	[tilespmem:$0x1E900] =	vst v63  }
0x23: {  	_ =	swait.ge [sflag:s21], $0x4000  }
0x24: {  	[sflag:s21] =	ssyncset.done $0x0  }
0x25: {  	[sflag:s21] =	ssyncadd.s32 $0xFFFFC000  }
0x26: {  	[spmem:s8] =	stream.linear.scatter [tilespmem:s20], [sflag:$0x3], $0x4000, $0x38;
	[tilespmem:$0x1E900] =	vst v63  }
0x27: {  	_ =	swait.ge [sflag:s21], $0x4000  }
0x28: {  	[sflag:s21] =	ssyncset.done $0x0  }
0x29: {  	[sflag:s21] =	ssyncadd.s32 $0xFFFFC000  }
0x2a: {  	[spmem:s9] =	stream.linear.scatter [tilespmem:s20], [sflag:$0x3], $0x4000, $0x38;
	[tilespmem:$0x1E900] =	vst v63  }
0x2b: {  	_ =	swait.ge [sflag:s21], $0x4000  }
0x2c: {  	[sflag:s21] =	ssyncset.done $0x0  }
0x2d: {  	[sflag:s21] =	ssyncadd.s32 $0xFFFFC000  }
0x2e: {  	[spmem:s10] =	stream.linear.scatter [tilespmem:s20], [sflag:$0x3], $0x4000, $0x38;
	[tilespmem:$0x1E900] =	vst v63  }
0x2f: {  	_ =	swait.ge [sflag:s21], $0x4000  }
0x30: {  	[sflag:s21] =	ssyncset.done $0x0  }
0x31: {  	[sflag:s21] =	ssyncadd.s32 $0xFFFFC000  }
0x32: {  	[tilespmem:s3], [sflag:$0x3] =	stream.linear.gather [hbm4b:s19+s3], $0x2800, $0x38;
	[tilespmem:$0x1E900] =	vst v63  }
0x33: {  	_ =	swait.ge [sflag:s21], $0x2800  }
0x34: {  	[sflag:s21] =	ssyncset.done $0x0  }
0x35: {  	[sflag:s21] =	ssyncadd.s32 $0xFFFFD800  }
0x36: {  	[tilespmem:s22], [sflag:$0x1] =	stream.linear.gather [hbm4b:s11+s3], $0x80, $0x38;
	[tilespmem:$0x1E900] =	vst v63  }
0x37: {  	_ = 	snop  }
0x38: {  	[tilespmem:s20], [sflag:$0x1] =	stream.indirect.gather [hbm4b:s4+s23], $0x80, s3, s23, $0xb8;
	[tilespmem:$0x1E900] =	vst v63  }
0x39: {  	_ = 	snop  }
0x3a: {  	[tilespmem:s24], [sflag:$0x2] =	stream.linear.gather [hbm4b:s12+s3], $0x80, $0x38;
	[tilespmem:$0x1E900] =	vst v63  }
0x3b: {  	_ = 	snop  }
0x3c: {  	[tilespmem:s25], [sflag:$0x2] =	stream.indirect.gather [hbm4b:s4+s23], $0x80, s23, s23, $0xb8;
	[tilespmem:$0x1E900] =	vst v63  }
0x3d: {  	[bflag:$0x0] =	sbarrier.arrive $0xFFFF  }
0x3e: {  	_ =	swait.ge [sflag:s26], $0x80  }
0x3f: {  	[sflag:s26] =	ssyncset.done $0x0  }
0x40: {  	[sflag:s26] =	ssyncadd.s32 $0xFFFFFF80  }
0x41: {  	_ =	swait.ge [sflag:s26], $0x4000  }
0x42: {  	[sflag:s26] =	ssyncset.done $0x0  }
0x43: {  	[sflag:s26] =	ssyncadd.s32 $0xFFFFC000  }
0x44: {  	[spmem:s2] =	stream.indirect.scatter.add.f32 [tilespmem:s20], [sflag:$0x3], $0x80, s22, s23, $0xb8;
	[tilespmem:$0x1E900] =	vst v63  }
0x45: {  	_ =	swait.ge [sflag:s21], $0x4000  }
0x46: {  	s1 =	sadd.s32 $0xFFFFFB20, s11;
	[sflag:s21] =	ssyncset.done $0x0  }
0x47: {  	s30 =	sadd.s32 $0x500, s1;
	[sflag:s21] =	ssyncadd.s32 $0xFFFFC000  }
0x48: {  	[tilespmem:s22], [sflag:$0x1] =	stream.linear.gather [hbm4b:s30+s3], $0x80, $0x38;
	[tilespmem:$0x1E900] =	vst v63  }
0x49: {  	s30 =	simm.s32 $0x100  }
0x4a: {  	[tilespmem:s20], [sflag:$0x1] =	stream.indirect.gather [hbm4b:s4+s23], $0x80, s30, s23, $0xb8;
	[tilespmem:$0x1E900] =	vst v63  }
0x4b: {  	_ =	swait.ge [sflag:s28], $0x80  }
0x4c: {  	[sflag:s28] =	ssyncset.done $0x0  }
0x4d: {  	[sflag:s28] =	ssyncadd.s32 $0xFFFFFF80  }
0x4e: {  	_ =	swait.ge [sflag:s28], $0x4000  }
0x4f: {  	[sflag:s28] =	ssyncset.done $0x0  }
0x50: {  	[sflag:s28] =	ssyncadd.s32 $0xFFFFC000  }
0x51: {  	[spmem:s2] =	stream.indirect.scatter.add.f32 [tilespmem:s25], [sflag:$0x3], $0x80, s24, s23, $0xb8;
	[tilespmem:$0x1E900] =	vst v63  }
0x52: {  	_ =	swait.ge [sflag:s21], $0x4000  }
0x53: {  	[sflag:s21] =	ssyncset.done $0x0  }
0x54: {  	s1 =	sadd.s32 $0x510, s1;
	[sflag:s21] =	ssyncadd.s32 $0xFFFFC000  }
0x55: {  	[tilespmem:s24], [sflag:$0x2] =	stream.linear.gather [hbm4b:s1+s3], $0x80, $0x38;
	[tilespmem:$0x1E900] =	vst v63  }
0x56: {  	s31 =	simm.s32 $0xFFFFFB40;
	s30 =	simm.s32 $0x180;
	s1 =	simm.s32 $0x280  }
.LBB2_2:
0x57: {  	[tilespmem:s25], [sflag:$0x2] =	stream.indirect.gather [hbm4b:s4+s23], $0x80, s30, s23, $0xb8;
	[tilespmem:$0x1E900] =	vst v63  }
0x58: {  	s0 =	smov.u32 s31;
	s30 =	smov.u32 s1  }
0x59: {  	p0 =	sne.s32 s31, $0xFFFFFFE0;
	s31 =	sadd.s32 $0x20, s31;
	_ =	swait.ge [sflag:s26], $0x80  }
0x5a: {  	[sflag:s26] =	ssyncset.done $0x0  }
0x5b: {  	[sflag:s26] =	ssyncadd.s32 $0xFFFFFF80  }
0x5c: {  	_ =	swait.ge [sflag:s26], $0x4000  }
0x5d: {  	[sflag:s26] =	ssyncset.done $0x0  }
0x5e: {  	[sflag:s26] =	ssyncadd.s32 $0xFFFFC000  }
0x5f: {  	[spmem:s2] =	stream.indirect.scatter.add.f32 [tilespmem:s20], [sflag:$0x3], $0x80, s22, s23, $0xb8;
	[tilespmem:$0x1E900] =	vst v63  }
0x60: {  	_ =	swait.ge [sflag:s21], $0x4000  }
0x61: {  	s0 =	sadd.s32 s0, s11;
	[sflag:s21] =	ssyncset.done $0x0  }
0x62: {  	s5 =	sadd.s32 $0x500, s0;
	[sflag:s21] =	ssyncadd.s32 $0xFFFFC000  }
0x63: {  	[tilespmem:s22], [sflag:$0x1] =	stream.linear.gather [hbm4b:s5+s3], $0x80, $0x38;
	[tilespmem:$0x1E900] =	vst v63  }
0x64: {  	s5 =	sadd.s32 $0xFFFFFF80, s1  }
0x65: {  	[tilespmem:s20], [sflag:$0x1] =	stream.indirect.gather [hbm4b:s4+s23], $0x80, s5, s23, $0xb8;
	[tilespmem:$0x1E900] =	vst v63  }
0x66: {  	_ =	swait.ge [sflag:s28], $0x80  }
0x67: {  	[sflag:s28] =	ssyncset.done $0x0  }
0x68: {  	[sflag:s28] =	ssyncadd.s32 $0xFFFFFF80  }
0x69: {  	_ =	swait.ge [sflag:s28], $0x4000  }
0x6a: {  	[sflag:s28] =	ssyncset.done $0x0  }
0x6b: {  	[sflag:s28] =	ssyncadd.s32 $0xFFFFC000  }
0x6c: {  	[spmem:s2] =	stream.indirect.scatter.add.f32 [tilespmem:s25], [sflag:$0x3], $0x80, s24, s23, $0xb8;
	[tilespmem:$0x1E900] =	vst v63  }
.Ltmp0:
0x6d: {  	_ =	swait.ge [sflag:s21], $0x4000;
	(pc) =	sbr.rel @p0 .LBB2_2-.Ltmp0, $4  }
0x6e: {  	[sflag:s21] =	ssyncset.done $0x0  }
0x6f: {  	s0 =	sadd.s32 $0x510, s0;
	[sflag:s21] =	ssyncadd.s32 $0xFFFFC000  }
0x70: {  	[tilespmem:s24], [sflag:$0x2] =	stream.linear.gather [hbm4b:s0+s3], $0x80, $0x38;
	[tilespmem:$0x1E900] =	vst v63  }
0x71: {  	s1 =	sadd.s32 $0x100, s1  }
0x72: {  	[tilespmem:s25], [sflag:$0x2] =	stream.indirect.gather [hbm4b:s4+s23], $0x80, s30, s23, $0xb8;
	[tilespmem:$0x1E900] =	vst v63  }
0x73: {  	_ =	swait.ge [sflag:s26], $0x80  }
0x74: {  	[sflag:s26] =	ssyncset.done $0x0  }
0x75: {  	[sflag:s26] =	ssyncadd.s32 $0xFFFFFF80  }
0x76: {  	_ =	swait.ge [sflag:s26], $0x4000  }
0x77: {  	[sflag:s26] =	ssyncset.done $0x0  }
0x78: {  	[sflag:s26] =	ssyncadd.s32 $0xFFFFC000  }
0x79: {  	[spmem:s2] =	stream.indirect.scatter.add.f32 [tilespmem:s20], [sflag:$0x3], $0x80, s22, s23, $0xb8;
	[tilespmem:$0x1E900] =	vst v63  }
0x7a: {  	_ =	swait.ge [sflag:s21], $0x4000  }
0x7b: {  	[sflag:s21] =	ssyncset.done $0x0  }
0x7c: {  	[sflag:s21] =	ssyncadd.s32 $0xFFFFC000  }
0x7d: {  	_ =	swait.ge [sflag:s28], $0x80  }
0x7e: {  	[sflag:s28] =	ssyncset.done $0x0  }
0x7f: {  	[sflag:s28] =	ssyncadd.s32 $0xFFFFFF80  }
0x80: {  	_ =	swait.ge [sflag:s28], $0x4000  }
0x81: {  	[sflag:s28] =	ssyncset.done $0x0  }
0x82: {  	[sflag:s28] =	ssyncadd.s32 $0xFFFFC000  }
0x83: {  	[spmem:s2] =	stream.indirect.scatter.add.f32 [tilespmem:s25], [sflag:$0x3], $0x80, s24, s23, $0xb8;
	[tilespmem:$0x1E900] =	vst v63  }
0x84: {  	_ =	swait.ge [sflag:s21], $0x4000  }
0x85: {  	[sflag:s21] =	ssyncset.done $0x0  }
0x86: {  	[sflag:s21] =	ssyncadd.s32 $0xFFFFC000  }
0x87: {  	[bflag:$0x0] =	sbarrier.arrive $0xFFFF  }
0x88: {  	[tilespmem:s20], [sflag:$0x3] =	stream.linear.gather [spmem:s6], $0x4000, $0x38;
	[tilespmem:$0x1E900] =	vst v63  }
0x89: {  	_ =	swait.ge [sflag:s21], $0x4000  }
0x8a: {  	[sflag:s21] =	ssyncset.done $0x0  }
0x8b: {  	[sflag:s21] =	ssyncadd.s32 $0xFFFFC000  }
0x8c: {  	[hbm4b:s13+s3] =	stream.linear.scatter [tilespmem:s20], [sflag:$0x3], $0x4000, $0x38;
	[tilespmem:$0x1E900] =	vst v63  }
0x8d: {  	_ =	swait.ge [sflag:s21], $0x4000  }
0x8e: {  	[sflag:s21] =	ssyncset.done $0x0  }
0x8f: {  	[sflag:s21] =	ssyncadd.s32 $0xFFFFC000  }
0x90: {  	[tilespmem:s20], [sflag:$0x3] =	stream.linear.gather [spmem:s7], $0x4000, $0x38;
	[tilespmem:$0x1E900] =	vst v63  }
0x91: {  	_ =	swait.ge [sflag:s21], $0x4000  }
0x92: {  	[sflag:s21] =	ssyncset.done $0x0  }
0x93: {  	[sflag:s21] =	ssyncadd.s32 $0xFFFFC000  }
0x94: {  	[hbm4b:s14+s3] =	stream.linear.scatter [tilespmem:s20], [sflag:$0x3], $0x4000, $0x38;
	[tilespmem:$0x1E900] =	vst v63  }
0x95: {  	_ =	swait.ge [sflag:s21], $0x4000  }
0x96: {  	[sflag:s21] =	ssyncset.done $0x0  }
0x97: {  	[sflag:s21] =	ssyncadd.s32 $0xFFFFC000  }
0x98: {  	[tilespmem:s20], [sflag:$0x3] =	stream.linear.gather [spmem:s8], $0x4000, $0x38;
	[tilespmem:$0x1E900] =	vst v63  }
0x99: {  	_ =	swait.ge [sflag:s21], $0x4000  }
0x9a: {  	[sflag:s21] =	ssyncset.done $0x0  }
0x9b: {  	[sflag:s21] =	ssyncadd.s32 $0xFFFFC000  }
0x9c: {  	[hbm4b:s15+s3] =	stream.linear.scatter [tilespmem:s20], [sflag:$0x3], $0x4000, $0x38;
	[tilespmem:$0x1E900] =	vst v63  }
0x9d: {  	_ =	swait.ge [sflag:s21], $0x4000  }
0x9e: {  	[sflag:s21] =	ssyncset.done $0x0  }
0x9f: {  	[sflag:s21] =	ssyncadd.s32 $0xFFFFC000  }
0xa0: {  	[tilespmem:s20], [sflag:$0x3] =	stream.linear.gather [spmem:s9], $0x4000, $0x38;
	[tilespmem:$0x1E900] =	vst v63  }
0xa1: {  	_ =	swait.ge [sflag:s21], $0x4000  }
0xa2: {  	[sflag:s21] =	ssyncset.done $0x0  }
0xa3: {  	[sflag:s21] =	ssyncadd.s32 $0xFFFFC000  }
0xa4: {  	[hbm4b:s16+s3] =	stream.linear.scatter [tilespmem:s20], [sflag:$0x3], $0x4000, $0x38;
	[tilespmem:$0x1E900] =	vst v63  }
0xa5: {  	_ =	swait.ge [sflag:s21], $0x4000  }
0xa6: {  	[sflag:s21] =	ssyncset.done $0x0  }
0xa7: {  	[sflag:s21] =	ssyncadd.s32 $0xFFFFC000  }
0xa8: {  	[tilespmem:s20], [sflag:$0x3] =	stream.linear.gather [spmem:s10], $0x4000, $0x38;
	[tilespmem:$0x1E900] =	vst v63  }
0xa9: {  	s29 =	sadd.s32 $0x1, s29;
	_ =	swait.ge [sflag:s21], $0x4000  }
0xaa: {  	p0 =	sne.s32 s29, s18;
	[sflag:s21] =	ssyncset.done $0x0  }
.Ltmp1:
0xab: {  	[sflag:s21] =	ssyncadd.s32 $0xFFFFC000;
	(pc) =	sbr.rel @p0 .LBB2_1-.Ltmp1, $4  }
0xac: {  	[hbm4b:s17+s3] =	stream.linear.scatter [tilespmem:s20], [sflag:$0x3], $0x4000, $0x38;
	[tilespmem:$0x1E900] =	vst v63  }
0xad: {  	_ =	swait.ge [sflag:s21], $0x4000  }
0xae: {  	[sflag:s21] =	ssyncset.done $0x0  }
0xaf: {  	[sflag:s21] =	ssyncadd.s32 $0xFFFFC000  }
0xb0: {  	_ =	sfence.sel $0x180000  }
0xb1: {  	[bflag:$0x0] =	sbarrier.arrive $0xFFFF  }
0xb2: {  	_ =	strace $0x9000004A  }
0xb3: {  	s0 =	stileid.u32;
	[bflag:$0x2] =	sbarrier.arrive $0xFFFF  }
0xb4: {  	p0 =	sne.s32 s0, $0x0;
	s0 =	rddreg [dreg:$0x3]  }
0xb5: {  	s0 =	sadd.s32 @!p0 $0x100000, s0  }
0xb6: {  	[sflag:s0] =	ssyncadd.tile.s32 @!p0 $0x1;
	_ =	shalt  }
.Lfunc_end2:
_tile_overlayer_lowered:
.L_overlay_start_2:
0xb7: {  	(tag) =	ssettag $0x2  }
0xb8: {  	s0 =	rddreg [dreg:$0x0];
	s2 =	stileid.u32  }
0xb9: {  	s1 =	rddreg [dreg:$0x1];
	p0 =	sne.s32 s2, $0x0  }
0xba: {  	s3 =	rddreg [dreg:$0x2];
	[bflag:$0x3] =	sbarrier.arrive $0xFFFF;
	s2 =	simm.s32 @!p0 $0x1C03  }
0xbb: {  	[timem:s3], [sflag:s2] =	dma.local @!p0 [hbm:s0], s1  }
0xbc: {  	s0 =	simm.s32 @!p0 $0x3  }
0xbd: {  	_ =	swait.ge @!p0 [sflag:s0], s1  }
0xbe: {  	s1 =	ssub.s32 @!p0 $0x0, s1;
	[sflag:s0] =	ssyncset.done @!p0 $0x0  }
0xbf: {  	[sflag:s0] =	ssyncadd.s32 @!p0 s1  }
0xc0: {  	[bflag:$0x3] =	sbarrier.arrive $0xFFFF  }
0xc1: {  	_ =	shalt  }

// kernel: kernel.16.cloned.1.call-start
scs
__scs_entry_jumppad:
0x0: {  	(pc) =	sbr.rel $0x88, $3  }
0x1: {  	(tag) =	ssettag $0x0;
	lr =	simm.s32 $0x1  }
0x2: {  	[smem:$0x3F97] =	sst lr;
	_ =	strace $0xD0000000  }
0x3: {  	_ = 	snop  }
0x4: {  	_ = 	snop  }
0x5: {  	_ = 	snop  }
0x6: {  	_ = 	snop  }
0x7: {  	_ = 	snop  }
__scs_overlays_trampoline_lowered:
0x8: {  	[smem:$0x3FA6] =	sst s0  }
0x9: {  	[smem:$0x3FA7] =	sst s1  }
0xa: {  	[smem:$0x3FA8] =	sst s2  }
0xb: {  	[smem:$0x3FA9] =	sst s3  }
0xc: {  	[smem:$0x3FAA] =	sst s4  }
0xd: {  	[smem:$0x3FAB] =	sst s5  }
0xe: {  	[smem:$0x3FAC] =	sst s6  }
0xf: {  	[smem:$0x3FAD] =	sst s7  }
0x10: {  	[smem:$0x3FAE] =	sst s8  }
0x11: {  	[smem:$0x3FAF] =	sst s9;
	s0 =	simm.s32 @!p0 $0x0  }
0x12: {  	s1 =	sld [smem:$0x3F95];
	s0 =	simm.s32 @p0 $0x1  }
0x13: {  	[smem:$0x3FB0] =	sst s0;
	s0 =	simm.s32 @!p1 $0x0  }
0x14: {  	s2 =	sld [smem:$0x3F94];
	s0 =	simm.s32 @p1 $0x1  }
0x15: {  	[smem:$0x3FB1] =	sst s0;
	s0 =	simm.s32 @!p2 $0x0  }
0x16: {  	s3 =	sld [smem:$0x3FDB];
	s0 =	simm.s32 @p2 $0x1  }
0x17: {  	s4 =	simm.s32 $0x1BF5;
	[smem:$0x3FB3] =	sst s0  }
0x18: {  	s0 =	sld [smem:$0x3F96];
	_ =	swait.ge [sflag:s4], $0x0  }
0x19: {  	s7 =	sld [smem:$0x3F97]  }
0x1a: {  	s8 =	sadd.s32 $0xFFFFE003, lr  }
0x1b: {  	s9 =	sadd.s32 $0xFFFFFEF7, lr;
	s5 =	simm.s32 $0xFFFFFFFF;
	p2 =	slt.u32 s8, $0xFFFFF086  }
0x1c: {  	p1 =	slt.u32 s9, $0xF7A;
	s5 =	simm.s32 @!p2 $0x0  }
0x1d: {  	s5 =	simm.s32 @p1 $0x1;
	p0 =	seq.s32 s7, s2  }
0x1e: {  	s7 =	smul.u32 @!p0 $0xF7A, s2;
	p2 =	seq.s32 @!p0 s5, $0x0  }
0x1f: {  	s9 =	smul.u32 $0xF7A, s1;
	s8 =	simm.s32 @!p0 $0x1BF5;
	p2 =	por !p2, p0  }
0x20: {  	[sflag:s8] =	ssyncset.s32 @!p0 $0xFFFFF086;
	s6 =	sadd.s32 @!p0 s3, s7;
	s7 =	simm.s32 @!p0 $0x108  }
0x21: {  	s3 =	sadd.s32 s3, s9;
	s6 =	sadd.s32 @!p0 $0x88, s6;
	s7 =	simm.s32 @p2 $0x1082  }
0x22: {  	[simem:s7], [sflag:s8] =	dma.local @!p0 [hbm:s6], $0xF7A  }
0x23: {  	s9 =	sor.u32 $0xD0000000, s2;
	s6 =	simm.s32 $0x108;
	_ =	swait.ge @!p0 [sflag:s8], $0x0  }
0x24: {  	s3 =	sadd.s32 $0x88, s3;
	s6 =	simm.s32 @!p1 $0x1082;
	[sflag:s4] =	ssyncset.s32 $0xFFFFF086  }
0x25: {  	[simem:s6], [sflag:s4] =	dma.local [hbm:s3], $0xF7A  }
0x26: {  	[smem:$0x3F97] =	sst s1;
	(tag) =	ssettag s2;
	_ =	strace s9  }
0x27: {  	s1 =	sld [smem:$0x3FA7]  }
0x28: {  	s2 =	sld [smem:$0x3FA8]  }
0x29: {  	s4 =	sld [smem:$0x3FAA]  }
0x2a: {  	p0 =	seq.s32 s5, $0x0;
	s5 =	sld [smem:$0x3FAB]  }
0x2b: {  	s6 =	sld [smem:$0x3FAC]  }
0x2c: {  	s7 =	sld [smem:$0x3FAD]  }
0x2d: {  	s3 =	simm.s32 $0x108;
	s8 =	sld [smem:$0x3FAE]  }
0x2e: {  	s3 =	simm.s32 @!p0 $0x1082;
	s9 =	sld [smem:$0x3FAF]  }
0x2f: {  	lr =	sadd.s32 s0, s3;
	s0 =	sld [smem:$0x3FA6]  }
0x30: {  	s3 =	sld [smem:$0x3FA9]  }
0x31: {  	[smem:$0x3FB2] =	sst s10  }
0x32: {  	s10 =	sld [smem:$0x3FB0];
	_ =	sdelay $0x3  }
0x33: {  	p0 =	seq.s32 s10, $0x1;
	s10 =	sld [smem:$0x3FB2];
	_ =	sdelay $0x3  }
0x34: {  	[smem:$0x3FB2] =	sst s10  }
0x35: {  	s10 =	sld [smem:$0x3FB1];
	_ =	sdelay $0x3  }
0x36: {  	p1 =	seq.s32 s10, $0x1;
	s10 =	sld [smem:$0x3FB2];
	_ =	sdelay $0x3  }
0x37: {  	[smem:$0x3FB2] =	sst s10  }
0x38: {  	s10 =	sld [smem:$0x3FB3]  }
0x39: {  	_ = 	snop;
	(pc) =	sbr.ind lr, $3  }
0x3a: {  	_ = 	snop  }
0x3b: {  	_ = 	snop  }
0x3c: {  	p2 =	seq.s32 s10, $0x1;
	s10 =	sld [smem:$0x3FB2]  }
0x3d: {  	_ =	shalt  }
0x3e: {  	_ =	shalt  }
0x3f: {  	_ =	shalt  }
0x40: {  	_ =	shalt  }
0x41: {  	_ =	shalt  }
0x42: {  	_ =	shalt  }
0x43: {  	_ =	shalt  }
0x44: {  	_ =	shalt  }
0x45: {  	_ =	shalt  }
0x46: {  	_ =	shalt  }
0x47: {  	_ =	shalt  }
0x48: {  	_ =	shalt  }
0x49: {  	_ =	shalt  }
0x4a: {  	_ =	shalt  }
0x4b: {  	_ =	shalt  }
0x4c: {  	_ =	shalt  }
0x4d: {  	_ =	shalt  }
0x4e: {  	_ =	shalt  }
0x4f: {  	_ =	shalt  }
0x50: {  	_ =	shalt  }
0x51: {  	_ =	shalt  }
0x52: {  	_ =	shalt  }
0x53: {  	_ =	shalt  }
0x54: {  	_ =	shalt  }
0x55: {  	_ =	shalt  }
0x56: {  	_ =	shalt  }
0x57: {  	_ =	shalt  }
0x58: {  	_ =	shalt  }
0x59: {  	_ =	shalt  }
0x5a: {  	_ =	shalt  }
0x5b: {  	_ =	shalt  }
0x5c: {  	_ =	shalt  }
0x5d: {  	_ =	shalt  }
0x5e: {  	_ =	shalt  }
0x5f: {  	_ =	shalt  }
0x60: {  	_ =	shalt  }
0x61: {  	_ =	shalt  }
0x62: {  	_ =	shalt  }
0x63: {  	_ =	shalt  }
0x64: {  	_ =	shalt  }
0x65: {  	_ =	shalt  }
0x66: {  	_ =	shalt  }
0x67: {  	_ =	shalt  }
0x68: {  	_ =	shalt  }
0x69: {  	_ =	shalt  }
0x6a: {  	_ =	shalt  }
0x6b: {  	_ =	shalt  }
0x6c: {  	_ =	shalt  }
0x6d: {  	_ =	shalt  }
0x6e: {  	_ =	shalt  }
0x6f: {  	_ =	shalt  }
0x70: {  	_ =	shalt  }
0x71: {  	_ =	shalt  }
0x72: {  	_ =	shalt  }
0x73: {  	_ =	shalt  }
0x74: {  	_ =	shalt  }
0x75: {  	_ =	shalt  }
0x76: {  	_ =	shalt  }
0x77: {  	_ =	shalt  }
0x78: {  	_ =	shalt  }
0x79: {  	_ =	shalt  }
0x7a: {  	_ =	shalt  }
0x7b: {  	_ =	shalt  }
0x7c: {  	_ =	shalt  }
0x7d: {  	_ =	shalt  }
0x7e: {  	_ =	shalt  }
0x7f: {  	_ =	shalt  }
0x80: {  	_ =	shalt  }
0x81: {  	_ =	shalt  }
0x82: {  	_ =	shalt  }
0x83: {  	_ =	shalt  }
0x84: {  	_ =	shalt  }
0x85: {  	_ =	shalt  }
0x86: {  	_ =	shalt  }
0x87: {  	_ =	shalt  }
.Lfunc_end0:
.L_simem_size_0:
called_computation.2_lowered:
.L_overlay_start_0:
0x88: {  	s2 =	sld [smem:$0x3FD9]  }
0x89: {  	s3 =	sld [smem:$0x3FFE];
	_ =	sdelay $0x1  }
0x8a: {  	s1 =	srdreg.scid  }
0x8b: {  	s0 =	sand.u32 $0x1, s1  }
0x8c: {  	s17 =	sshll.u32 s0, $0xA;
	s2 =	sadd.s32 s3, s2  }
0x8d: {  	s2 =	sadd.s32 s2, s17  }
0x8e: {  	[smem:$0x3FBE] =	sst s2  }
0x8f: {  	_ = 	snop  }
0x90: {  	s2 =	sld [smem:$0x3FD0];
	(tm) =	ssettm $0x1  }
0x91: {  	s18 =	sld [smem:$0x3FFB];
	_ =	sdelay $0x3  }
0x92: {  	_ =	strace s18  }
0x93: {  	s3 =	sld [smem:$0x3FFC];
	_ =	sdelay $0x3  }
0x94: {  	_ =	strace s3  }
0x95: {  	s3 =	sld [smem:$0x3FFD];
	_ =	sdelay $0x3  }
0x96: {  	_ =	strace s3  }
0x97: {  	_ =	strace $0x8FFFFFFF  }
0x98: {  	s19 =	sld [smem:$0x3FDB];
	_ =	sdelay $0x1  }
0x99: {  	s4 =	simm.s32 $_scs_section_size  }
0x9a: {  	s5 =	simm.s32 $_size__tile_overlayer_lowered;
	s6 =	simm.s32 $_tile_overlayer_lowered  }
0x9b: {  	s22 =	simm.s32 $0x1BFF;
	s21 =	sshll.u32 s6, $0x1;
	s3 =	sadd.s32 s4, s19  }
0x9c: {  	s7 =	simm.s32 $0x0;
	s20 =	sshll.u32 s5, $0x1;
	s5 =	sadd.s32 s21, s3  }
0x9d: {  	[timem:s7], [sflag:s22] =	dma.local [hbm:s5], s20  }
0x9e: {  	_ =	swait.ge [sflag:s22], s20  }
0x9f: {  	s4 =	ssub.s32 $0x0, s20;
	[sflag:s22] =	ssyncset.done $0x0  }
0xa0: {  	[sflag:s22] =	ssyncadd.s32 s4;
	_ =	sdelay $0x1  }
0xa1: {  	s23 =	simm.s32 $0x1B8B  }
0xa2: {  	_ =	swait.ge [sflag:s23], $0x1  }
0xa3: {  	[sflag:s23] =	ssyncset.done $0x0  }
0xa4: {  	s25 =	simm.s32 $0x1B8E;
	s24 =	sld [smem:$0x3FFE];
	[sflag:s23] =	ssyncadd.s32 $0xFFFFFFFF  }
0xa5: {  	s26 =	simm.s32 $execute0_lowered;
	[smem:$0x3FD2] =	sst s25  }
0xa6: {  	s5 =	sshll.u32 s26, $0x1;
	_ =	strace $0x8000004C;
	[dreg:$0x1] =	wrdreg $0xFFFFFFFF  }
0xa7: {  	s28 =	simm.s32 $_size_execute0_lowered;
	s3 =	sadd.s32 s3, s5;
	[dreg:$0x0] =	wrdreg $0x0  }
0xa8: {  	s5 =	sshll.u32 s28, $0x1;
	[dreg:$0x2] =	wrdreg s3  }
0xa9: {  	[dreg:$0x3] =	wrdreg s5  }
0xaa: {  	[dreg:$0x4] =	wrdreg $0xC0  }
0xab: {  	_ =	task [dreg:s7], $0x5FFFF  }
0xac: {  	[dreg:$0x1] =	wrdreg $0xFFFFFFFF  }
0xad: {  	[dreg:$0x0] =	wrdreg $0x60  }
0xae: {  	[dreg:$0x2] =	wrdreg s24  }
0xaf: {  	[dreg:$0x3] =	wrdreg s2  }
0xb0: {  	[dreg:$0x4] =	wrdreg $0xA9000  }
0xb1: {  	[dreg:$0x5] =	wrdreg $0x9  }
0xb2: {  	_ =	task.clear_ibuf [dreg:s7], $0x6FFFF;
	_ =	strace $0x9000004C  }
0xb3: {  	s29 =	simm.s32 $0x9;
	_ =	strace $0x8000004E  }
0xb4: {  	_ =	swait.ge [sflag:s29], $0x1  }
0xb5: {  	[sflag:s29] =	ssyncadd.s32 $0xFFFFFFFF  }
0xb6: {  	_ =	strace $0x9000004E  }
0xb7: {  	_ =	sfence  }
0xb8: {  	s30 =	sld [smem:$0x0];
	_ =	sdelay $0x2  }
0xb9: {  	s31 =	sshll.u32 s1, $0xD;
	s1 =	sshrl.u32 s1, $0x2  }
0xba: {  	s3 =	sand.u32 $0x4000, s31;
	s1 =	sadd.s32 s1, s30  }
0xbb: {  	s0 =	sor.u32 s3, s0;
	s1 =	sshll.u32 s1, $0x11  }
0xbc: {  	s0 =	sor.u32 s1, s0  }
0xbd: {  	s0 =	sadd.s32 $0x8F2B, s0  }
0xbe: {  	[sflag:s0] =	ssyncadd.remote.s32 $0x1  }
0xbf: {  	_ =	sfence.sel $0xFFFF  }
0xc0: {  	[dreg:$0x0] =	wrdreg $0xFFFFFFFF;
	(pc) =	sbr.abs _section_cstart, $3  }
0xc1: {  	[dreg:$0x1] =	wrdreg $0xFFFFFFFF  }
0xc2: {  	_ =	task.clear_ibuf [dreg:s7], $0x2FFFF;
	_ =	strace $0x9FFFFFFF  }
0xc3: {  	(tm) =	ssettm $0x7FFFFFFF  }
tec
execute0_lowered:
.L_overlay_start_1:
0x0: {  	(tag) =	ssettag $0x1  }
0x1: {  	s1 =	rddreg [dreg:$0x0]  }
0x2: {  	s19 =	rddreg [dreg:$0x1]  }
0x3: {  	s0 =	stileid.u32;
	s2 =	rddreg [dreg:$0x2]  }
0x4: {  	s4 =	srdreg.scid;
	s3 =	simm.s32 $0x0;
	s23 =	simm.s32 $0x80  }
0x5: {  	s24 =	simm.s32 $0x2880;
	s25 =	simm.s32 $0x6900;
	s5 =	smul.u32 $0x50, s0  }
0x6: {  	s28 =	simm.s32 $0x2;
	s29 =	simm.s32 $0x0;
	s7 =	smul.u32 $0x50000, s0  }
0x7: {  	s9 =	sand.u32 $0x1, s4;
	[smem:$0x7FF] =	sst s3;
	s13 =	smul.u32 $0x14000, s0  }
0x8: {  	s4 =	sadd.s32 $0xEA00, s1;
	s30 =	sadd.s32 $0x36A00, s1;
	s22 =	smul.u32 $0x500, s0  }
0x9: {  	p0 =	seq.s32 s9, $0x0;
	_ =	strace $0x8000004D;
	s26 =	ssub.s32 $0x2, s9  }
0xa: {  	[dreg:$0x4] =	wrdreg s30;
	s20 =	smul.u32 $0x140000, s9;
	s11 =	sadd.s32 $0x500, s5  }
0xb: {  	s8 =	sshrl.u32 s26, $0x1;
	s31 =	sshrl.u32 s7, $0x2;
	s14 =	sadd.s32 $0x4000, s13  }
0xc: {  	s15 =	sadd.s32 $0x8000, s13;
	s16 =	sadd.s32 $0xC000, s13;
	s17 =	sadd.s32 $0x10000, s13  }
0xd: {  	s6 =	smov.u32 s11;
	s18 =	ssub.s32 s26, s8;
	s7 =	sadd.s32 s14, s2  }
0xe: {  	s8 =	sadd.s32 s15, s2;
	s9 =	sadd.s32 s16, s2;
	s10 =	sadd.s32 s17, s2  }
0xf: {  	s21 =	sshll.u32 s11, $0x4;
	s13 =	sadd.s32 s13, s20;
	s14 =	sadd.s32 s20, s14  }
0x10: {  	s15 =	sadd.s32 s20, s15;
	s16 =	sadd.s32 s20, s16;
	s17 =	sadd.s32 s20, s17  }
0x11: {  	s20 =	simm.s32 $0x2900;
	s26 =	simm.s32 $0x1;
	s6 =	smov.u32 @p0 s5  }
0x12: {  	s13 =	sshrl.u32 s13, $0x3;
	s14 =	sshrl.u32 s14, $0x3;
	s15 =	sshrl.u32 s15, $0x3  }
0x13: {  	s16 =	sshrl.u32 s16, $0x3;
	s17 =	sshrl.u32 s17, $0x3;
	s21 =	smov.u32 @p0 s22  }
0x14: {  	s18 =	smax.u32 s18, $0x1;
	s22 =	simm.s32 $0x2800;
	s5 =	sshll.u32 s6, $0x4  }
0x15: {  	s6 =	sadd.s32 s31, s2;
	s19 =	sadd.s32 s19, s21;
	s12 =	sadd.s32 s5, s1  }
0x16: {  	s21 =	simm.s32 $0x3;
	s1 =	sadd.s32 $0x5F200, s1;
	s11 =	sadd.s32 $0x4A00, s12  }
0x17: {  	s12 =	sadd.s32 $0x4A10, s12;
	s13 =	sadd.s32 s1, s13;
	s14 =	sadd.s32 s1, s14  }
0x18: {  	s15 =	sadd.s32 s1, s15;
	s16 =	sadd.s32 s1, s16;
	s17 =	sadd.s32 s1, s17  }
.LBB2_1:
0x19: {  	s0 =	rddreg [dreg:$0x4]  }
0x1a: {  	[tilespmem:s20], [sflag:$0x3] =	stream.linear.gather [hbm4b:s0+s3], $0x4000, $0x38;
	[tilespmem:$0x1E900] =	vst v63  }
0x1b: {  	_ =	swait.ge [sflag:s21], $0x4000  }
0x1c: {  	[sflag:s21] =	ssyncset.done $0x0  }
0x1d: {  	[sflag:s21] =	ssyncadd.s32 $0xFFFFC000  }
0x1e: {  	[spmem:s6] =	stream.linear.scatter [tilespmem:s20], [sflag:$0x3], $0x4000, $0x38;
	[tilespmem:$0x1E900] =	vst v63  }
0x1f: {  	_ =	swait.ge [sflag:s21], $0x4000  }
0x20: {  	[sflag:s21] =	ssyncset.done $0x0  }
0x21: {  	[sflag:s21] =	ssyncadd.s32 $0xFFFFC000  }
0x22: {  	[spmem:s7] =	stream.linear.scatter [tilespmem:s20], [sflag:$0x3], $0x4000, $0x38;
	[tilespmem:$0x1E900] =	vst v63  }
0x23: {  	_ =	swait.ge [sflag:s21], $0x4000  }
0x24: {  	[sflag:s21] =	ssyncset.done $0x0  }
0x25: {  	[sflag:s21] =	ssyncadd.s32 $0xFFFFC000  }
0x26: {  	[spmem:s8] =	stream.linear.scatter [tilespmem:s20], [sflag:$0x3], $0x4000, $0x38;
	[tilespmem:$0x1E900] =	vst v63  }
0x27: {  	_ =	swait.ge [sflag:s21], $0x4000  }
0x28: {  	[sflag:s21] =	ssyncset.done $0x0  }
0x29: {  	[sflag:s21] =	ssyncadd.s32 $0xFFFFC000  }
0x2a: {  	[spmem:s9] =	stream.linear.scatter [tilespmem:s20], [sflag:$0x3], $0x4000, $0x38;
	[tilespmem:$0x1E900] =	vst v63  }
0x2b: {  	_ =	swait.ge [sflag:s21], $0x4000  }
0x2c: {  	[sflag:s21] =	ssyncset.done $0x0  }
0x2d: {  	[sflag:s21] =	ssyncadd.s32 $0xFFFFC000  }
0x2e: {  	[spmem:s10] =	stream.linear.scatter [tilespmem:s20], [sflag:$0x3], $0x4000, $0x38;
	[tilespmem:$0x1E900] =	vst v63  }
0x2f: {  	_ =	swait.ge [sflag:s21], $0x4000  }
0x30: {  	[sflag:s21] =	ssyncset.done $0x0  }
0x31: {  	[sflag:s21] =	ssyncadd.s32 $0xFFFFC000  }
0x32: {  	[tilespmem:s3], [sflag:$0x3] =	stream.linear.gather [hbm4b:s19+s3], $0x2800, $0x38;
	[tilespmem:$0x1E900] =	vst v63  }
0x33: {  	_ =	swait.ge [sflag:s21], $0x2800  }
0x34: {  	[sflag:s21] =	ssyncset.done $0x0  }
0x35: {  	[sflag:s21] =	ssyncadd.s32 $0xFFFFD800  }
0x36: {  	[tilespmem:s22], [sflag:$0x1] =	stream.linear.gather [hbm4b:s11+s3], $0x80, $0x38;
	[tilespmem:$0x1E900] =	vst v63  }
0x37: {  	_ = 	snop  }
0x38: {  	[tilespmem:s20], [sflag:$0x1] =	stream.indirect.gather [hbm4b:s4+s23], $0x80, s3, s23, $0xb8;
	[tilespmem:$0x1E900] =	vst v63  }
0x39: {  	_ = 	snop  }
0x3a: {  	[tilespmem:s24], [sflag:$0x2] =	stream.linear.gather [hbm4b:s12+s3], $0x80, $0x38;
	[tilespmem:$0x1E900] =	vst v63  }
0x3b: {  	_ = 	snop  }
0x3c: {  	[tilespmem:s25], [sflag:$0x2] =	stream.indirect.gather [hbm4b:s4+s23], $0x80, s23, s23, $0xb8;
	[tilespmem:$0x1E900] =	vst v63  }
0x3d: {  	[bflag:$0x0] =	sbarrier.arrive $0xFFFF  }
0x3e: {  	_ =	swait.ge [sflag:s26], $0x80  }
0x3f: {  	[sflag:s26] =	ssyncset.done $0x0  }
0x40: {  	[sflag:s26] =	ssyncadd.s32 $0xFFFFFF80  }
0x41: {  	_ =	swait.ge [sflag:s26], $0x4000  }
0x42: {  	[sflag:s26] =	ssyncset.done $0x0  }
0x43: {  	[sflag:s26] =	ssyncadd.s32 $0xFFFFC000  }
0x44: {  	[spmem:s2] =	stream.indirect.scatter.add.f32 [tilespmem:s20], [sflag:$0x3], $0x80, s22, s23, $0xb8;
	[tilespmem:$0x1E900] =	vst v63  }
0x45: {  	_ =	swait.ge [sflag:s21], $0x4000  }
0x46: {  	s1 =	sadd.s32 $0xFFFFFB20, s11;
	[sflag:s21] =	ssyncset.done $0x0  }
0x47: {  	s30 =	sadd.s32 $0x500, s1;
	[sflag:s21] =	ssyncadd.s32 $0xFFFFC000  }
0x48: {  	[tilespmem:s22], [sflag:$0x1] =	stream.linear.gather [hbm4b:s30+s3], $0x80, $0x38;
	[tilespmem:$0x1E900] =	vst v63  }
0x49: {  	s30 =	simm.s32 $0x100  }
0x4a: {  	[tilespmem:s20], [sflag:$0x1] =	stream.indirect.gather [hbm4b:s4+s23], $0x80, s30, s23, $0xb8;
	[tilespmem:$0x1E900] =	vst v63  }
0x4b: {  	_ =	swait.ge [sflag:s28], $0x80  }
0x4c: {  	[sflag:s28] =	ssyncset.done $0x0  }
0x4d: {  	[sflag:s28] =	ssyncadd.s32 $0xFFFFFF80  }
0x4e: {  	_ =	swait.ge [sflag:s28], $0x4000  }
0x4f: {  	[sflag:s28] =	ssyncset.done $0x0  }
0x50: {  	[sflag:s28] =	ssyncadd.s32 $0xFFFFC000  }
0x51: {  	[spmem:s2] =	stream.indirect.scatter.add.f32 [tilespmem:s25], [sflag:$0x3], $0x80, s24, s23, $0xb8;
	[tilespmem:$0x1E900] =	vst v63  }
0x52: {  	_ =	swait.ge [sflag:s21], $0x4000  }
0x53: {  	[sflag:s21] =	ssyncset.done $0x0  }
0x54: {  	s1 =	sadd.s32 $0x510, s1;
	[sflag:s21] =	ssyncadd.s32 $0xFFFFC000  }
0x55: {  	[tilespmem:s24], [sflag:$0x2] =	stream.linear.gather [hbm4b:s1+s3], $0x80, $0x38;
	[tilespmem:$0x1E900] =	vst v63  }
0x56: {  	s31 =	simm.s32 $0xFFFFFB40;
	s30 =	simm.s32 $0x180;
	s1 =	simm.s32 $0x280  }
.LBB2_2:
0x57: {  	[tilespmem:s25], [sflag:$0x2] =	stream.indirect.gather [hbm4b:s4+s23], $0x80, s30, s23, $0xb8;
	[tilespmem:$0x1E900] =	vst v63  }
0x58: {  	s0 =	smov.u32 s31;
	s30 =	smov.u32 s1  }
0x59: {  	p0 =	sne.s32 s31, $0xFFFFFFE0;
	s31 =	sadd.s32 $0x20, s31;
	_ =	swait.ge [sflag:s26], $0x80  }
0x5a: {  	[sflag:s26] =	ssyncset.done $0x0  }
0x5b: {  	[sflag:s26] =	ssyncadd.s32 $0xFFFFFF80  }
0x5c: {  	_ =	swait.ge [sflag:s26], $0x4000  }
0x5d: {  	[sflag:s26] =	ssyncset.done $0x0  }
0x5e: {  	[sflag:s26] =	ssyncadd.s32 $0xFFFFC000  }
0x5f: {  	[spmem:s2] =	stream.indirect.scatter.add.f32 [tilespmem:s20], [sflag:$0x3], $0x80, s22, s23, $0xb8;
	[tilespmem:$0x1E900] =	vst v63  }
0x60: {  	_ =	swait.ge [sflag:s21], $0x4000  }
0x61: {  	s0 =	sadd.s32 s0, s11;
	[sflag:s21] =	ssyncset.done $0x0  }
0x62: {  	s5 =	sadd.s32 $0x500, s0;
	[sflag:s21] =	ssyncadd.s32 $0xFFFFC000  }
0x63: {  	[tilespmem:s22], [sflag:$0x1] =	stream.linear.gather [hbm4b:s5+s3], $0x80, $0x38;
	[tilespmem:$0x1E900] =	vst v63  }
0x64: {  	s5 =	sadd.s32 $0xFFFFFF80, s1  }
0x65: {  	[tilespmem:s20], [sflag:$0x1] =	stream.indirect.gather [hbm4b:s4+s23], $0x80, s5, s23, $0xb8;
	[tilespmem:$0x1E900] =	vst v63  }
0x66: {  	_ =	swait.ge [sflag:s28], $0x80  }
0x67: {  	[sflag:s28] =	ssyncset.done $0x0  }
0x68: {  	[sflag:s28] =	ssyncadd.s32 $0xFFFFFF80  }
0x69: {  	_ =	swait.ge [sflag:s28], $0x4000  }
0x6a: {  	[sflag:s28] =	ssyncset.done $0x0  }
0x6b: {  	[sflag:s28] =	ssyncadd.s32 $0xFFFFC000  }
0x6c: {  	[spmem:s2] =	stream.indirect.scatter.add.f32 [tilespmem:s25], [sflag:$0x3], $0x80, s24, s23, $0xb8;
	[tilespmem:$0x1E900] =	vst v63  }
.Ltmp0:
0x6d: {  	_ =	swait.ge [sflag:s21], $0x4000;
	(pc) =	sbr.rel @p0 .LBB2_2-.Ltmp0, $4  }
0x6e: {  	[sflag:s21] =	ssyncset.done $0x0  }
0x6f: {  	s0 =	sadd.s32 $0x510, s0;
	[sflag:s21] =	ssyncadd.s32 $0xFFFFC000  }
0x70: {  	[tilespmem:s24], [sflag:$0x2] =	stream.linear.gather [hbm4b:s0+s3], $0x80, $0x38;
	[tilespmem:$0x1E900] =	vst v63  }
0x71: {  	s1 =	sadd.s32 $0x100, s1  }
0x72: {  	[tilespmem:s25], [sflag:$0x2] =	stream.indirect.gather [hbm4b:s4+s23], $0x80, s30, s23, $0xb8;
	[tilespmem:$0x1E900] =	vst v63  }
0x73: {  	_ =	swait.ge [sflag:s26], $0x80  }
0x74: {  	[sflag:s26] =	ssyncset.done $0x0  }
0x75: {  	[sflag:s26] =	ssyncadd.s32 $0xFFFFFF80  }
0x76: {  	_ =	swait.ge [sflag:s26], $0x4000  }
0x77: {  	[sflag:s26] =	ssyncset.done $0x0  }
0x78: {  	[sflag:s26] =	ssyncadd.s32 $0xFFFFC000  }
0x79: {  	[spmem:s2] =	stream.indirect.scatter.add.f32 [tilespmem:s20], [sflag:$0x3], $0x80, s22, s23, $0xb8;
	[tilespmem:$0x1E900] =	vst v63  }
0x7a: {  	_ =	swait.ge [sflag:s21], $0x4000  }
0x7b: {  	[sflag:s21] =	ssyncset.done $0x0  }
0x7c: {  	[sflag:s21] =	ssyncadd.s32 $0xFFFFC000  }
0x7d: {  	_ =	swait.ge [sflag:s28], $0x80  }
0x7e: {  	[sflag:s28] =	ssyncset.done $0x0  }
0x7f: {  	[sflag:s28] =	ssyncadd.s32 $0xFFFFFF80  }
0x80: {  	_ =	swait.ge [sflag:s28], $0x4000  }
0x81: {  	[sflag:s28] =	ssyncset.done $0x0  }
0x82: {  	[sflag:s28] =	ssyncadd.s32 $0xFFFFC000  }
0x83: {  	[spmem:s2] =	stream.indirect.scatter.add.f32 [tilespmem:s25], [sflag:$0x3], $0x80, s24, s23, $0xb8;
	[tilespmem:$0x1E900] =	vst v63  }
0x84: {  	_ =	swait.ge [sflag:s21], $0x4000  }
0x85: {  	[sflag:s21] =	ssyncset.done $0x0  }
0x86: {  	[sflag:s21] =	ssyncadd.s32 $0xFFFFC000  }
0x87: {  	[bflag:$0x0] =	sbarrier.arrive $0xFFFF  }
0x88: {  	[tilespmem:s20], [sflag:$0x3] =	stream.linear.gather [spmem:s6], $0x4000, $0x38;
	[tilespmem:$0x1E900] =	vst v63  }
0x89: {  	_ =	swait.ge [sflag:s21], $0x4000  }
0x8a: {  	[sflag:s21] =	ssyncset.done $0x0  }
0x8b: {  	[sflag:s21] =	ssyncadd.s32 $0xFFFFC000  }
0x8c: {  	[hbm4b:s13+s3] =	stream.linear.scatter [tilespmem:s20], [sflag:$0x3], $0x4000, $0x38;
	[tilespmem:$0x1E900] =	vst v63  }
0x8d: {  	_ =	swait.ge [sflag:s21], $0x4000  }
0x8e: {  	[sflag:s21] =	ssyncset.done $0x0  }
0x8f: {  	[sflag:s21] =	ssyncadd.s32 $0xFFFFC000  }
0x90: {  	[tilespmem:s20], [sflag:$0x3] =	stream.linear.gather [spmem:s7], $0x4000, $0x38;
	[tilespmem:$0x1E900] =	vst v63  }
0x91: {  	_ =	swait.ge [sflag:s21], $0x4000  }
0x92: {  	[sflag:s21] =	ssyncset.done $0x0  }
0x93: {  	[sflag:s21] =	ssyncadd.s32 $0xFFFFC000  }
0x94: {  	[hbm4b:s14+s3] =	stream.linear.scatter [tilespmem:s20], [sflag:$0x3], $0x4000, $0x38;
	[tilespmem:$0x1E900] =	vst v63  }
0x95: {  	_ =	swait.ge [sflag:s21], $0x4000  }
0x96: {  	[sflag:s21] =	ssyncset.done $0x0  }
0x97: {  	[sflag:s21] =	ssyncadd.s32 $0xFFFFC000  }
0x98: {  	[tilespmem:s20], [sflag:$0x3] =	stream.linear.gather [spmem:s8], $0x4000, $0x38;
	[tilespmem:$0x1E900] =	vst v63  }
0x99: {  	_ =	swait.ge [sflag:s21], $0x4000  }
0x9a: {  	[sflag:s21] =	ssyncset.done $0x0  }
0x9b: {  	[sflag:s21] =	ssyncadd.s32 $0xFFFFC000  }
0x9c: {  	[hbm4b:s15+s3] =	stream.linear.scatter [tilespmem:s20], [sflag:$0x3], $0x4000, $0x38;
	[tilespmem:$0x1E900] =	vst v63  }
0x9d: {  	_ =	swait.ge [sflag:s21], $0x4000  }
0x9e: {  	[sflag:s21] =	ssyncset.done $0x0  }
0x9f: {  	[sflag:s21] =	ssyncadd.s32 $0xFFFFC000  }
0xa0: {  	[tilespmem:s20], [sflag:$0x3] =	stream.linear.gather [spmem:s9], $0x4000, $0x38;
	[tilespmem:$0x1E900] =	vst v63  }
0xa1: {  	_ =	swait.ge [sflag:s21], $0x4000  }
0xa2: {  	[sflag:s21] =	ssyncset.done $0x0  }
0xa3: {  	[sflag:s21] =	ssyncadd.s32 $0xFFFFC000  }
0xa4: {  	[hbm4b:s16+s3] =	stream.linear.scatter [tilespmem:s20], [sflag:$0x3], $0x4000, $0x38;
	[tilespmem:$0x1E900] =	vst v63  }
0xa5: {  	_ =	swait.ge [sflag:s21], $0x4000  }
0xa6: {  	[sflag:s21] =	ssyncset.done $0x0  }
0xa7: {  	[sflag:s21] =	ssyncadd.s32 $0xFFFFC000  }
0xa8: {  	[tilespmem:s20], [sflag:$0x3] =	stream.linear.gather [spmem:s10], $0x4000, $0x38;
	[tilespmem:$0x1E900] =	vst v63  }
0xa9: {  	s29 =	sadd.s32 $0x1, s29;
	_ =	swait.ge [sflag:s21], $0x4000  }
0xaa: {  	p0 =	sne.s32 s29, s18;
	[sflag:s21] =	ssyncset.done $0x0  }
.Ltmp1:
0xab: {  	[sflag:s21] =	ssyncadd.s32 $0xFFFFC000;
	(pc) =	sbr.rel @p0 .LBB2_1-.Ltmp1, $4  }
0xac: {  	[hbm4b:s17+s3] =	stream.linear.scatter [tilespmem:s20], [sflag:$0x3], $0x4000, $0x38;
	[tilespmem:$0x1E900] =	vst v63  }
0xad: {  	_ =	swait.ge [sflag:s21], $0x4000  }
0xae: {  	[sflag:s21] =	ssyncset.done $0x0  }
0xaf: {  	[sflag:s21] =	ssyncadd.s32 $0xFFFFC000  }
0xb0: {  	_ =	sfence.sel $0x180000  }
0xb1: {  	[bflag:$0x0] =	sbarrier.arrive $0xFFFF  }
0xb2: {  	_ =	strace $0x9000004D  }
0xb3: {  	s0 =	stileid.u32;
	[bflag:$0x2] =	sbarrier.arrive $0xFFFF  }
0xb4: {  	p0 =	sne.s32 s0, $0x0;
	s0 =	rddreg [dreg:$0x3]  }
0xb5: {  	s0 =	sadd.s32 @!p0 $0x100000, s0  }
0xb6: {  	[sflag:s0] =	ssyncadd.tile.s32 @!p0 $0x1;
	_ =	shalt  }
.Lfunc_end2:
_tile_overlayer_lowered:
.L_overlay_start_2:
0xb7: {  	(tag) =	ssettag $0x2  }
0xb8: {  	s0 =	rddreg [dreg:$0x0];
	s2 =	stileid.u32  }
0xb9: {  	s1 =	rddreg [dreg:$0x1];
	p0 =	sne.s32 s2, $0x0  }
0xba: {  	s3 =	rddreg [dreg:$0x2];
	[bflag:$0x3] =	sbarrier.arrive $0xFFFF;
	s2 =	simm.s32 @!p0 $0x1C03  }
0xbb: {  	[timem:s3], [sflag:s2] =	dma.local @!p0 [hbm:s0], s1  }
0xbc: {  	s0 =	simm.s32 @!p0 $0x3  }
0xbd: {  	_ =	swait.ge @!p0 [sflag:s0], s1  }
0xbe: {  	s1 =	ssub.s32 @!p0 $0x0, s1;
	[sflag:s0] =	ssyncset.done @!p0 $0x0  }
0xbf: {  	[sflag:s0] =	ssyncadd.s32 @!p0 s1  }
0xc0: {  	[bflag:$0x3] =	sbarrier.arrive $0xFFFF  }
0xc1: {  	_ =	shalt  }

// kernel: kernel.19.cloned.1.call-start
scs
__scs_entry_jumppad:
0x0: {  	(pc) =	sbr.rel $0x88, $3  }
0x1: {  	(tag) =	ssettag $0x0;
	lr =	simm.s32 $0x1  }
0x2: {  	[smem:$0x3F97] =	sst lr;
	_ =	strace $0xD0000000  }
0x3: {  	_ = 	snop  }
0x4: {  	_ = 	snop  }
0x5: {  	_ = 	snop  }
0x6: {  	_ = 	snop  }
0x7: {  	_ = 	snop  }
__scs_overlays_trampoline_lowered:
0x8: {  	[smem:$0x3FA6] =	sst s0  }
0x9: {  	[smem:$0x3FA7] =	sst s1  }
0xa: {  	[smem:$0x3FA8] =	sst s2  }
0xb: {  	[smem:$0x3FA9] =	sst s3  }
0xc: {  	[smem:$0x3FAA] =	sst s4  }
0xd: {  	[smem:$0x3FAB] =	sst s5  }
0xe: {  	[smem:$0x3FAC] =	sst s6  }
0xf: {  	[smem:$0x3FAD] =	sst s7  }
0x10: {  	[smem:$0x3FAE] =	sst s8  }
0x11: {  	[smem:$0x3FAF] =	sst s9;
	s0 =	simm.s32 @!p0 $0x0  }
0x12: {  	s1 =	sld [smem:$0x3F95];
	s0 =	simm.s32 @p0 $0x1  }
0x13: {  	[smem:$0x3FB0] =	sst s0;
	s0 =	simm.s32 @!p1 $0x0  }
0x14: {  	s2 =	sld [smem:$0x3F94];
	s0 =	simm.s32 @p1 $0x1  }
0x15: {  	[smem:$0x3FB1] =	sst s0;
	s0 =	simm.s32 @!p2 $0x0  }
0x16: {  	s3 =	sld [smem:$0x3FDB];
	s0 =	simm.s32 @p2 $0x1  }
0x17: {  	s4 =	simm.s32 $0x1BF5;
	[smem:$0x3FB3] =	sst s0  }
0x18: {  	s0 =	sld [smem:$0x3F96];
	_ =	swait.ge [sflag:s4], $0x0  }
0x19: {  	s7 =	sld [smem:$0x3F97]  }
0x1a: {  	s8 =	sadd.s32 $0xFFFFE003, lr  }
0x1b: {  	s9 =	sadd.s32 $0xFFFFFEF7, lr;
	s5 =	simm.s32 $0xFFFFFFFF;
	p2 =	slt.u32 s8, $0xFFFFF086  }
0x1c: {  	p1 =	slt.u32 s9, $0xF7A;
	s5 =	simm.s32 @!p2 $0x0  }
0x1d: {  	s5 =	simm.s32 @p1 $0x1;
	p0 =	seq.s32 s7, s2  }
0x1e: {  	s7 =	smul.u32 @!p0 $0xF7A, s2;
	p2 =	seq.s32 @!p0 s5, $0x0  }
0x1f: {  	s9 =	smul.u32 $0xF7A, s1;
	s8 =	simm.s32 @!p0 $0x1BF5;
	p2 =	por !p2, p0  }
0x20: {  	[sflag:s8] =	ssyncset.s32 @!p0 $0xFFFFF086;
	s6 =	sadd.s32 @!p0 s3, s7;
	s7 =	simm.s32 @!p0 $0x108  }
0x21: {  	s3 =	sadd.s32 s3, s9;
	s6 =	sadd.s32 @!p0 $0x88, s6;
	s7 =	simm.s32 @p2 $0x1082  }
0x22: {  	[simem:s7], [sflag:s8] =	dma.local @!p0 [hbm:s6], $0xF7A  }
0x23: {  	s9 =	sor.u32 $0xD0000000, s2;
	s6 =	simm.s32 $0x108;
	_ =	swait.ge @!p0 [sflag:s8], $0x0  }
0x24: {  	s3 =	sadd.s32 $0x88, s3;
	s6 =	simm.s32 @!p1 $0x1082;
	[sflag:s4] =	ssyncset.s32 $0xFFFFF086  }
0x25: {  	[simem:s6], [sflag:s4] =	dma.local [hbm:s3], $0xF7A  }
0x26: {  	[smem:$0x3F97] =	sst s1;
	(tag) =	ssettag s2;
	_ =	strace s9  }
0x27: {  	s1 =	sld [smem:$0x3FA7]  }
0x28: {  	s2 =	sld [smem:$0x3FA8]  }
0x29: {  	s4 =	sld [smem:$0x3FAA]  }
0x2a: {  	p0 =	seq.s32 s5, $0x0;
	s5 =	sld [smem:$0x3FAB]  }
0x2b: {  	s6 =	sld [smem:$0x3FAC]  }
0x2c: {  	s7 =	sld [smem:$0x3FAD]  }
0x2d: {  	s3 =	simm.s32 $0x108;
	s8 =	sld [smem:$0x3FAE]  }
0x2e: {  	s3 =	simm.s32 @!p0 $0x1082;
	s9 =	sld [smem:$0x3FAF]  }
0x2f: {  	lr =	sadd.s32 s0, s3;
	s0 =	sld [smem:$0x3FA6]  }
0x30: {  	s3 =	sld [smem:$0x3FA9]  }
0x31: {  	[smem:$0x3FB2] =	sst s10  }
0x32: {  	s10 =	sld [smem:$0x3FB0];
	_ =	sdelay $0x3  }
0x33: {  	p0 =	seq.s32 s10, $0x1;
	s10 =	sld [smem:$0x3FB2];
	_ =	sdelay $0x3  }
0x34: {  	[smem:$0x3FB2] =	sst s10  }
0x35: {  	s10 =	sld [smem:$0x3FB1];
	_ =	sdelay $0x3  }
0x36: {  	p1 =	seq.s32 s10, $0x1;
	s10 =	sld [smem:$0x3FB2];
	_ =	sdelay $0x3  }
0x37: {  	[smem:$0x3FB2] =	sst s10  }
0x38: {  	s10 =	sld [smem:$0x3FB3]  }
0x39: {  	_ = 	snop;
	(pc) =	sbr.ind lr, $3  }
0x3a: {  	_ = 	snop  }
0x3b: {  	_ = 	snop  }
0x3c: {  	p2 =	seq.s32 s10, $0x1;
	s10 =	sld [smem:$0x3FB2]  }
0x3d: {  	_ =	shalt  }
0x3e: {  	_ =	shalt  }
0x3f: {  	_ =	shalt  }
0x40: {  	_ =	shalt  }
0x41: {  	_ =	shalt  }
0x42: {  	_ =	shalt  }
0x43: {  	_ =	shalt  }
0x44: {  	_ =	shalt  }
0x45: {  	_ =	shalt  }
0x46: {  	_ =	shalt  }
0x47: {  	_ =	shalt  }
0x48: {  	_ =	shalt  }
0x49: {  	_ =	shalt  }
0x4a: {  	_ =	shalt  }
0x4b: {  	_ =	shalt  }
0x4c: {  	_ =	shalt  }
0x4d: {  	_ =	shalt  }
0x4e: {  	_ =	shalt  }
0x4f: {  	_ =	shalt  }
0x50: {  	_ =	shalt  }
0x51: {  	_ =	shalt  }
0x52: {  	_ =	shalt  }
0x53: {  	_ =	shalt  }
0x54: {  	_ =	shalt  }
0x55: {  	_ =	shalt  }
0x56: {  	_ =	shalt  }
0x57: {  	_ =	shalt  }
0x58: {  	_ =	shalt  }
0x59: {  	_ =	shalt  }
0x5a: {  	_ =	shalt  }
0x5b: {  	_ =	shalt  }
0x5c: {  	_ =	shalt  }
0x5d: {  	_ =	shalt  }
0x5e: {  	_ =	shalt  }
0x5f: {  	_ =	shalt  }
0x60: {  	_ =	shalt  }
0x61: {  	_ =	shalt  }
0x62: {  	_ =	shalt  }
0x63: {  	_ =	shalt  }
0x64: {  	_ =	shalt  }
0x65: {  	_ =	shalt  }
0x66: {  	_ =	shalt  }
0x67: {  	_ =	shalt  }
0x68: {  	_ =	shalt  }
0x69: {  	_ =	shalt  }
0x6a: {  	_ =	shalt  }
0x6b: {  	_ =	shalt  }
0x6c: {  	_ =	shalt  }
0x6d: {  	_ =	shalt  }
0x6e: {  	_ =	shalt  }
0x6f: {  	_ =	shalt  }
0x70: {  	_ =	shalt  }
0x71: {  	_ =	shalt  }
0x72: {  	_ =	shalt  }
0x73: {  	_ =	shalt  }
0x74: {  	_ =	shalt  }
0x75: {  	_ =	shalt  }
0x76: {  	_ =	shalt  }
0x77: {  	_ =	shalt  }
0x78: {  	_ =	shalt  }
0x79: {  	_ =	shalt  }
0x7a: {  	_ =	shalt  }
0x7b: {  	_ =	shalt  }
0x7c: {  	_ =	shalt  }
0x7d: {  	_ =	shalt  }
0x7e: {  	_ =	shalt  }
0x7f: {  	_ =	shalt  }
0x80: {  	_ =	shalt  }
0x81: {  	_ =	shalt  }
0x82: {  	_ =	shalt  }
0x83: {  	_ =	shalt  }
0x84: {  	_ =	shalt  }
0x85: {  	_ =	shalt  }
0x86: {  	_ =	shalt  }
0x87: {  	_ =	shalt  }
.Lfunc_end0:
.L_simem_size_0:
called_computation.3_lowered:
.L_overlay_start_0:
0x88: {  	s2 =	sld [smem:$0x3FD9]  }
0x89: {  	s3 =	sld [smem:$0x3FFE];
	_ =	sdelay $0x1  }
0x8a: {  	s1 =	srdreg.scid  }
0x8b: {  	s0 =	sand.u32 $0x1, s1  }
0x8c: {  	s17 =	sshll.u32 s0, $0xA;
	s2 =	sadd.s32 s3, s2  }
0x8d: {  	s2 =	sadd.s32 s2, s17  }
0x8e: {  	[smem:$0x3FBE] =	sst s2  }
0x8f: {  	_ = 	snop  }
0x90: {  	s2 =	sld [smem:$0x3FD0];
	(tm) =	ssettm $0x1  }
0x91: {  	s18 =	sld [smem:$0x3FFB];
	_ =	sdelay $0x3  }
0x92: {  	_ =	strace s18  }
0x93: {  	s3 =	sld [smem:$0x3FFC];
	_ =	sdelay $0x3  }
0x94: {  	_ =	strace s3  }
0x95: {  	s3 =	sld [smem:$0x3FFD];
	_ =	sdelay $0x3  }
0x96: {  	_ =	strace s3  }
0x97: {  	_ =	strace $0x8FFFFFFF  }
0x98: {  	s19 =	sld [smem:$0x3FDB];
	_ =	sdelay $0x1  }
0x99: {  	s4 =	simm.s32 $_scs_section_size  }
0x9a: {  	s5 =	simm.s32 $_size__tile_overlayer_lowered;
	s6 =	simm.s32 $_tile_overlayer_lowered  }
0x9b: {  	s22 =	simm.s32 $0x1BFF;
	s21 =	sshll.u32 s6, $0x1;
	s3 =	sadd.s32 s4, s19  }
0x9c: {  	s7 =	simm.s32 $0x0;
	s20 =	sshll.u32 s5, $0x1;
	s5 =	sadd.s32 s21, s3  }
0x9d: {  	[timem:s7], [sflag:s22] =	dma.local [hbm:s5], s20  }
0x9e: {  	_ =	swait.ge [sflag:s22], s20  }
0x9f: {  	s4 =	ssub.s32 $0x0, s20;
	[sflag:s22] =	ssyncset.done $0x0  }
0xa0: {  	[sflag:s22] =	ssyncadd.s32 s4;
	_ =	sdelay $0x1  }
0xa1: {  	s23 =	simm.s32 $0x1B8B  }
0xa2: {  	_ =	swait.ge [sflag:s23], $0x1  }
0xa3: {  	[sflag:s23] =	ssyncset.done $0x0  }
0xa4: {  	s25 =	simm.s32 $0x1B8E;
	s24 =	sld [smem:$0x3FFE];
	[sflag:s23] =	ssyncadd.s32 $0xFFFFFFFF  }
0xa5: {  	s26 =	simm.s32 $execute0_lowered;
	[smem:$0x3FD2] =	sst s25  }
0xa6: {  	s5 =	sshll.u32 s26, $0x1;
	_ =	strace $0x8000004F;
	[dreg:$0x1] =	wrdreg $0xFFFFFFFF  }
0xa7: {  	s28 =	simm.s32 $_size_execute0_lowered;
	s3 =	sadd.s32 s3, s5;
	[dreg:$0x0] =	wrdreg $0x0  }
0xa8: {  	s5 =	sshll.u32 s28, $0x1;
	[dreg:$0x2] =	wrdreg s3  }
0xa9: {  	[dreg:$0x3] =	wrdreg s5  }
0xaa: {  	[dreg:$0x4] =	wrdreg $0xC0  }
0xab: {  	_ =	task [dreg:s7], $0x5FFFF  }
0xac: {  	[dreg:$0x1] =	wrdreg $0xFFFFFFFF  }
0xad: {  	[dreg:$0x0] =	wrdreg $0x60  }
0xae: {  	[dreg:$0x2] =	wrdreg s24  }
0xaf: {  	[dreg:$0x3] =	wrdreg s2  }
0xb0: {  	[dreg:$0x4] =	wrdreg $0xA9000  }
0xb1: {  	[dreg:$0x5] =	wrdreg $0x9  }
0xb2: {  	_ =	task.clear_ibuf [dreg:s7], $0x6FFFF;
	_ =	strace $0x9000004F  }
0xb3: {  	s29 =	simm.s32 $0x9;
	_ =	strace $0x80000051  }
0xb4: {  	_ =	swait.ge [sflag:s29], $0x1  }
0xb5: {  	[sflag:s29] =	ssyncadd.s32 $0xFFFFFFFF  }
0xb6: {  	_ =	strace $0x90000051  }
0xb7: {  	_ =	sfence  }
0xb8: {  	s30 =	sld [smem:$0x0];
	_ =	sdelay $0x2  }
0xb9: {  	s31 =	sshll.u32 s1, $0xD;
	s1 =	sshrl.u32 s1, $0x2  }
0xba: {  	s3 =	sand.u32 $0x4000, s31;
	s1 =	sadd.s32 s1, s30  }
0xbb: {  	s0 =	sor.u32 s3, s0;
	s1 =	sshll.u32 s1, $0x11  }
0xbc: {  	s0 =	sor.u32 s1, s0  }
0xbd: {  	s0 =	sadd.s32 $0x8F2B, s0  }
0xbe: {  	[sflag:s0] =	ssyncadd.remote.s32 $0x1  }
0xbf: {  	_ =	sfence.sel $0xFFFF  }
0xc0: {  	[dreg:$0x0] =	wrdreg $0xFFFFFFFF;
	(pc) =	sbr.abs _section_cstart, $3  }
0xc1: {  	[dreg:$0x1] =	wrdreg $0xFFFFFFFF  }
0xc2: {  	_ =	task.clear_ibuf [dreg:s7], $0x2FFFF;
	_ =	strace $0x9FFFFFFF  }
0xc3: {  	(tm) =	ssettm $0x7FFFFFFF  }
tec
execute0_lowered:
.L_overlay_start_1:
0x0: {  	(tag) =	ssettag $0x1  }
0x1: {  	s1 =	rddreg [dreg:$0x0]  }
0x2: {  	s19 =	rddreg [dreg:$0x1]  }
0x3: {  	s0 =	stileid.u32;
	s2 =	rddreg [dreg:$0x2]  }
0x4: {  	s4 =	srdreg.scid;
	s3 =	simm.s32 $0x0;
	s23 =	simm.s32 $0x80  }
0x5: {  	s24 =	simm.s32 $0x2880;
	s25 =	simm.s32 $0x6900;
	s5 =	smul.u32 $0x50, s0  }
0x6: {  	s28 =	simm.s32 $0x2;
	s29 =	simm.s32 $0x0;
	s7 =	smul.u32 $0x50000, s0  }
0x7: {  	s9 =	sand.u32 $0x1, s4;
	[smem:$0x7FF] =	sst s3;
	s13 =	smul.u32 $0x14000, s0  }
0x8: {  	s4 =	sadd.s32 $0xEA00, s1;
	s30 =	sadd.s32 $0x36A00, s1;
	s22 =	smul.u32 $0x500, s0  }
0x9: {  	p0 =	seq.s32 s9, $0x0;
	_ =	strace $0x80000050;
	s26 =	ssub.s32 $0x2, s9  }
0xa: {  	[dreg:$0x4] =	wrdreg s30;
	s20 =	smul.u32 $0x140000, s9;
	s11 =	sadd.s32 $0x500, s5  }
0xb: {  	s8 =	sshrl.u32 s26, $0x1;
	s31 =	sshrl.u32 s7, $0x2;
	s14 =	sadd.s32 $0x4000, s13  }
0xc: {  	s15 =	sadd.s32 $0x8000, s13;
	s16 =	sadd.s32 $0xC000, s13;
	s17 =	sadd.s32 $0x10000, s13  }
0xd: {  	s6 =	smov.u32 s11;
	s18 =	ssub.s32 s26, s8;
	s7 =	sadd.s32 s14, s2  }
0xe: {  	s8 =	sadd.s32 s15, s2;
	s9 =	sadd.s32 s16, s2;
	s10 =	sadd.s32 s17, s2  }
0xf: {  	s21 =	sshll.u32 s11, $0x4;
	s13 =	sadd.s32 s13, s20;
	s14 =	sadd.s32 s20, s14  }
0x10: {  	s15 =	sadd.s32 s20, s15;
	s16 =	sadd.s32 s20, s16;
	s17 =	sadd.s32 s20, s17  }
0x11: {  	s20 =	simm.s32 $0x2900;
	s26 =	simm.s32 $0x1;
	s6 =	smov.u32 @p0 s5  }
0x12: {  	s13 =	sshrl.u32 s13, $0x3;
	s14 =	sshrl.u32 s14, $0x3;
	s15 =	sshrl.u32 s15, $0x3  }
0x13: {  	s16 =	sshrl.u32 s16, $0x3;
	s17 =	sshrl.u32 s17, $0x3;
	s21 =	smov.u32 @p0 s22  }
0x14: {  	s18 =	smax.u32 s18, $0x1;
	s22 =	simm.s32 $0x2800;
	s5 =	sshll.u32 s6, $0x4  }
0x15: {  	s6 =	sadd.s32 s31, s2;
	s19 =	sadd.s32 s19, s21;
	s12 =	sadd.s32 s5, s1  }
0x16: {  	s21 =	simm.s32 $0x3;
	s1 =	sadd.s32 $0x37200, s1;
	s11 =	sadd.s32 $0x4A00, s12  }
0x17: {  	s12 =	sadd.s32 $0x4A10, s12;
	s13 =	sadd.s32 s1, s13;
	s14 =	sadd.s32 s1, s14  }
0x18: {  	s15 =	sadd.s32 s1, s15;
	s16 =	sadd.s32 s1, s16;
	s17 =	sadd.s32 s1, s17  }
.LBB2_1:
0x19: {  	s0 =	rddreg [dreg:$0x4]  }
0x1a: {  	[tilespmem:s20], [sflag:$0x3] =	stream.linear.gather [hbm4b:s0+s3], $0x4000, $0x38;
	[tilespmem:$0x1E900] =	vst v63  }
0x1b: {  	_ =	swait.ge [sflag:s21], $0x4000  }
0x1c: {  	[sflag:s21] =	ssyncset.done $0x0  }
0x1d: {  	[sflag:s21] =	ssyncadd.s32 $0xFFFFC000  }
0x1e: {  	[spmem:s6] =	stream.linear.scatter [tilespmem:s20], [sflag:$0x3], $0x4000, $0x38;
	[tilespmem:$0x1E900] =	vst v63  }
0x1f: {  	_ =	swait.ge [sflag:s21], $0x4000  }
0x20: {  	[sflag:s21] =	ssyncset.done $0x0  }
0x21: {  	[sflag:s21] =	ssyncadd.s32 $0xFFFFC000  }
0x22: {  	[spmem:s7] =	stream.linear.scatter [tilespmem:s20], [sflag:$0x3], $0x4000, $0x38;
	[tilespmem:$0x1E900] =	vst v63  }
0x23: {  	_ =	swait.ge [sflag:s21], $0x4000  }
0x24: {  	[sflag:s21] =	ssyncset.done $0x0  }
0x25: {  	[sflag:s21] =	ssyncadd.s32 $0xFFFFC000  }
0x26: {  	[spmem:s8] =	stream.linear.scatter [tilespmem:s20], [sflag:$0x3], $0x4000, $0x38;
	[tilespmem:$0x1E900] =	vst v63  }
0x27: {  	_ =	swait.ge [sflag:s21], $0x4000  }
0x28: {  	[sflag:s21] =	ssyncset.done $0x0  }
0x29: {  	[sflag:s21] =	ssyncadd.s32 $0xFFFFC000  }
0x2a: {  	[spmem:s9] =	stream.linear.scatter [tilespmem:s20], [sflag:$0x3], $0x4000, $0x38;
	[tilespmem:$0x1E900] =	vst v63  }
0x2b: {  	_ =	swait.ge [sflag:s21], $0x4000  }
0x2c: {  	[sflag:s21] =	ssyncset.done $0x0  }
0x2d: {  	[sflag:s21] =	ssyncadd.s32 $0xFFFFC000  }
0x2e: {  	[spmem:s10] =	stream.linear.scatter [tilespmem:s20], [sflag:$0x3], $0x4000, $0x38;
	[tilespmem:$0x1E900] =	vst v63  }
0x2f: {  	_ =	swait.ge [sflag:s21], $0x4000  }
0x30: {  	[sflag:s21] =	ssyncset.done $0x0  }
0x31: {  	[sflag:s21] =	ssyncadd.s32 $0xFFFFC000  }
0x32: {  	[tilespmem:s3], [sflag:$0x3] =	stream.linear.gather [hbm4b:s19+s3], $0x2800, $0x38;
	[tilespmem:$0x1E900] =	vst v63  }
0x33: {  	_ =	swait.ge [sflag:s21], $0x2800  }
0x34: {  	[sflag:s21] =	ssyncset.done $0x0  }
0x35: {  	[sflag:s21] =	ssyncadd.s32 $0xFFFFD800  }
0x36: {  	[tilespmem:s22], [sflag:$0x1] =	stream.linear.gather [hbm4b:s11+s3], $0x80, $0x38;
	[tilespmem:$0x1E900] =	vst v63  }
0x37: {  	_ = 	snop  }
0x38: {  	[tilespmem:s20], [sflag:$0x1] =	stream.indirect.gather [hbm4b:s4+s23], $0x80, s3, s23, $0xb8;
	[tilespmem:$0x1E900] =	vst v63  }
0x39: {  	_ = 	snop  }
0x3a: {  	[tilespmem:s24], [sflag:$0x2] =	stream.linear.gather [hbm4b:s12+s3], $0x80, $0x38;
	[tilespmem:$0x1E900] =	vst v63  }
0x3b: {  	_ = 	snop  }
0x3c: {  	[tilespmem:s25], [sflag:$0x2] =	stream.indirect.gather [hbm4b:s4+s23], $0x80, s23, s23, $0xb8;
	[tilespmem:$0x1E900] =	vst v63  }
0x3d: {  	[bflag:$0x0] =	sbarrier.arrive $0xFFFF  }
0x3e: {  	_ =	swait.ge [sflag:s26], $0x80  }
0x3f: {  	[sflag:s26] =	ssyncset.done $0x0  }
0x40: {  	[sflag:s26] =	ssyncadd.s32 $0xFFFFFF80  }
0x41: {  	_ =	swait.ge [sflag:s26], $0x4000  }
0x42: {  	[sflag:s26] =	ssyncset.done $0x0  }
0x43: {  	[sflag:s26] =	ssyncadd.s32 $0xFFFFC000  }
0x44: {  	[spmem:s2] =	stream.indirect.scatter.add.f32 [tilespmem:s20], [sflag:$0x3], $0x80, s22, s23, $0xb8;
	[tilespmem:$0x1E900] =	vst v63  }
0x45: {  	_ =	swait.ge [sflag:s21], $0x4000  }
0x46: {  	s1 =	sadd.s32 $0xFFFFFB20, s11;
	[sflag:s21] =	ssyncset.done $0x0  }
0x47: {  	s30 =	sadd.s32 $0x500, s1;
	[sflag:s21] =	ssyncadd.s32 $0xFFFFC000  }
0x48: {  	[tilespmem:s22], [sflag:$0x1] =	stream.linear.gather [hbm4b:s30+s3], $0x80, $0x38;
	[tilespmem:$0x1E900] =	vst v63  }
0x49: {  	s30 =	simm.s32 $0x100  }
0x4a: {  	[tilespmem:s20], [sflag:$0x1] =	stream.indirect.gather [hbm4b:s4+s23], $0x80, s30, s23, $0xb8;
	[tilespmem:$0x1E900] =	vst v63  }
0x4b: {  	_ =	swait.ge [sflag:s28], $0x80  }
0x4c: {  	[sflag:s28] =	ssyncset.done $0x0  }
0x4d: {  	[sflag:s28] =	ssyncadd.s32 $0xFFFFFF80  }
0x4e: {  	_ =	swait.ge [sflag:s28], $0x4000  }
0x4f: {  	[sflag:s28] =	ssyncset.done $0x0  }
0x50: {  	[sflag:s28] =	ssyncadd.s32 $0xFFFFC000  }
0x51: {  	[spmem:s2] =	stream.indirect.scatter.add.f32 [tilespmem:s25], [sflag:$0x3], $0x80, s24, s23, $0xb8;
	[tilespmem:$0x1E900] =	vst v63  }
0x52: {  	_ =	swait.ge [sflag:s21], $0x4000  }
0x53: {  	[sflag:s21] =	ssyncset.done $0x0  }
0x54: {  	s1 =	sadd.s32 $0x510, s1;
	[sflag:s21] =	ssyncadd.s32 $0xFFFFC000  }
0x55: {  	[tilespmem:s24], [sflag:$0x2] =	stream.linear.gather [hbm4b:s1+s3], $0x80, $0x38;
	[tilespmem:$0x1E900] =	vst v63  }
0x56: {  	s31 =	simm.s32 $0xFFFFFB40;
	s30 =	simm.s32 $0x180;
	s1 =	simm.s32 $0x280  }
.LBB2_2:
0x57: {  	[tilespmem:s25], [sflag:$0x2] =	stream.indirect.gather [hbm4b:s4+s23], $0x80, s30, s23, $0xb8;
	[tilespmem:$0x1E900] =	vst v63  }
0x58: {  	s0 =	smov.u32 s31;
	s30 =	smov.u32 s1  }
0x59: {  	p0 =	sne.s32 s31, $0xFFFFFFE0;
	s31 =	sadd.s32 $0x20, s31;
	_ =	swait.ge [sflag:s26], $0x80  }
0x5a: {  	[sflag:s26] =	ssyncset.done $0x0  }
0x5b: {  	[sflag:s26] =	ssyncadd.s32 $0xFFFFFF80  }
0x5c: {  	_ =	swait.ge [sflag:s26], $0x4000  }
0x5d: {  	[sflag:s26] =	ssyncset.done $0x0  }
0x5e: {  	[sflag:s26] =	ssyncadd.s32 $0xFFFFC000  }
0x5f: {  	[spmem:s2] =	stream.indirect.scatter.add.f32 [tilespmem:s20], [sflag:$0x3], $0x80, s22, s23, $0xb8;
	[tilespmem:$0x1E900] =	vst v63  }
0x60: {  	_ =	swait.ge [sflag:s21], $0x4000  }
0x61: {  	s0 =	sadd.s32 s0, s11;
	[sflag:s21] =	ssyncset.done $0x0  }
0x62: {  	s5 =	sadd.s32 $0x500, s0;
	[sflag:s21] =	ssyncadd.s32 $0xFFFFC000  }
0x63: {  	[tilespmem:s22], [sflag:$0x1] =	stream.linear.gather [hbm4b:s5+s3], $0x80, $0x38;
	[tilespmem:$0x1E900] =	vst v63  }
0x64: {  	s5 =	sadd.s32 $0xFFFFFF80, s1  }
0x65: {  	[tilespmem:s20], [sflag:$0x1] =	stream.indirect.gather [hbm4b:s4+s23], $0x80, s5, s23, $0xb8;
	[tilespmem:$0x1E900] =	vst v63  }
0x66: {  	_ =	swait.ge [sflag:s28], $0x80  }
0x67: {  	[sflag:s28] =	ssyncset.done $0x0  }
0x68: {  	[sflag:s28] =	ssyncadd.s32 $0xFFFFFF80  }
0x69: {  	_ =	swait.ge [sflag:s28], $0x4000  }
0x6a: {  	[sflag:s28] =	ssyncset.done $0x0  }
0x6b: {  	[sflag:s28] =	ssyncadd.s32 $0xFFFFC000  }
0x6c: {  	[spmem:s2] =	stream.indirect.scatter.add.f32 [tilespmem:s25], [sflag:$0x3], $0x80, s24, s23, $0xb8;
	[tilespmem:$0x1E900] =	vst v63  }
.Ltmp0:
0x6d: {  	_ =	swait.ge [sflag:s21], $0x4000;
	(pc) =	sbr.rel @p0 .LBB2_2-.Ltmp0, $4  }
0x6e: {  	[sflag:s21] =	ssyncset.done $0x0  }
0x6f: {  	s0 =	sadd.s32 $0x510, s0;
	[sflag:s21] =	ssyncadd.s32 $0xFFFFC000  }
0x70: {  	[tilespmem:s24], [sflag:$0x2] =	stream.linear.gather [hbm4b:s0+s3], $0x80, $0x38;
	[tilespmem:$0x1E900] =	vst v63  }
0x71: {  	s1 =	sadd.s32 $0x100, s1  }
0x72: {  	[tilespmem:s25], [sflag:$0x2] =	stream.indirect.gather [hbm4b:s4+s23], $0x80, s30, s23, $0xb8;
	[tilespmem:$0x1E900] =	vst v63  }
0x73: {  	_ =	swait.ge [sflag:s26], $0x80  }
0x74: {  	[sflag:s26] =	ssyncset.done $0x0  }
0x75: {  	[sflag:s26] =	ssyncadd.s32 $0xFFFFFF80  }
0x76: {  	_ =	swait.ge [sflag:s26], $0x4000  }
0x77: {  	[sflag:s26] =	ssyncset.done $0x0  }
0x78: {  	[sflag:s26] =	ssyncadd.s32 $0xFFFFC000  }
0x79: {  	[spmem:s2] =	stream.indirect.scatter.add.f32 [tilespmem:s20], [sflag:$0x3], $0x80, s22, s23, $0xb8;
	[tilespmem:$0x1E900] =	vst v63  }
0x7a: {  	_ =	swait.ge [sflag:s21], $0x4000  }
0x7b: {  	[sflag:s21] =	ssyncset.done $0x0  }
0x7c: {  	[sflag:s21] =	ssyncadd.s32 $0xFFFFC000  }
0x7d: {  	_ =	swait.ge [sflag:s28], $0x80  }
0x7e: {  	[sflag:s28] =	ssyncset.done $0x0  }
0x7f: {  	[sflag:s28] =	ssyncadd.s32 $0xFFFFFF80  }
0x80: {  	_ =	swait.ge [sflag:s28], $0x4000  }
0x81: {  	[sflag:s28] =	ssyncset.done $0x0  }
0x82: {  	[sflag:s28] =	ssyncadd.s32 $0xFFFFC000  }
0x83: {  	[spmem:s2] =	stream.indirect.scatter.add.f32 [tilespmem:s25], [sflag:$0x3], $0x80, s24, s23, $0xb8;
	[tilespmem:$0x1E900] =	vst v63  }
0x84: {  	_ =	swait.ge [sflag:s21], $0x4000  }
0x85: {  	[sflag:s21] =	ssyncset.done $0x0  }
0x86: {  	[sflag:s21] =	ssyncadd.s32 $0xFFFFC000  }
0x87: {  	[bflag:$0x0] =	sbarrier.arrive $0xFFFF  }
0x88: {  	[tilespmem:s20], [sflag:$0x3] =	stream.linear.gather [spmem:s6], $0x4000, $0x38;
	[tilespmem:$0x1E900] =	vst v63  }
0x89: {  	_ =	swait.ge [sflag:s21], $0x4000  }
0x8a: {  	[sflag:s21] =	ssyncset.done $0x0  }
0x8b: {  	[sflag:s21] =	ssyncadd.s32 $0xFFFFC000  }
0x8c: {  	[hbm4b:s13+s3] =	stream.linear.scatter [tilespmem:s20], [sflag:$0x3], $0x4000, $0x38;
	[tilespmem:$0x1E900] =	vst v63  }
0x8d: {  	_ =	swait.ge [sflag:s21], $0x4000  }
0x8e: {  	[sflag:s21] =	ssyncset.done $0x0  }
0x8f: {  	[sflag:s21] =	ssyncadd.s32 $0xFFFFC000  }
0x90: {  	[tilespmem:s20], [sflag:$0x3] =	stream.linear.gather [spmem:s7], $0x4000, $0x38;
	[tilespmem:$0x1E900] =	vst v63  }
0x91: {  	_ =	swait.ge [sflag:s21], $0x4000  }
0x92: {  	[sflag:s21] =	ssyncset.done $0x0  }
0x93: {  	[sflag:s21] =	ssyncadd.s32 $0xFFFFC000  }
0x94: {  	[hbm4b:s14+s3] =	stream.linear.scatter [tilespmem:s20], [sflag:$0x3], $0x4000, $0x38;
	[tilespmem:$0x1E900] =	vst v63  }
0x95: {  	_ =	swait.ge [sflag:s21], $0x4000  }
0x96: {  	[sflag:s21] =	ssyncset.done $0x0  }
0x97: {  	[sflag:s21] =	ssyncadd.s32 $0xFFFFC000  }
0x98: {  	[tilespmem:s20], [sflag:$0x3] =	stream.linear.gather [spmem:s8], $0x4000, $0x38;
	[tilespmem:$0x1E900] =	vst v63  }
0x99: {  	_ =	swait.ge [sflag:s21], $0x4000  }
0x9a: {  	[sflag:s21] =	ssyncset.done $0x0  }
0x9b: {  	[sflag:s21] =	ssyncadd.s32 $0xFFFFC000  }
0x9c: {  	[hbm4b:s15+s3] =	stream.linear.scatter [tilespmem:s20], [sflag:$0x3], $0x4000, $0x38;
	[tilespmem:$0x1E900] =	vst v63  }
0x9d: {  	_ =	swait.ge [sflag:s21], $0x4000  }
0x9e: {  	[sflag:s21] =	ssyncset.done $0x0  }
0x9f: {  	[sflag:s21] =	ssyncadd.s32 $0xFFFFC000  }
0xa0: {  	[tilespmem:s20], [sflag:$0x3] =	stream.linear.gather [spmem:s9], $0x4000, $0x38;
	[tilespmem:$0x1E900] =	vst v63  }
0xa1: {  	_ =	swait.ge [sflag:s21], $0x4000  }
0xa2: {  	[sflag:s21] =	ssyncset.done $0x0  }
0xa3: {  	[sflag:s21] =	ssyncadd.s32 $0xFFFFC000  }
0xa4: {  	[hbm4b:s16+s3] =	stream.linear.scatter [tilespmem:s20], [sflag:$0x3], $0x4000, $0x38;
	[tilespmem:$0x1E900] =	vst v63  }
0xa5: {  	_ =	swait.ge [sflag:s21], $0x4000  }
0xa6: {  	[sflag:s21] =	ssyncset.done $0x0  }
0xa7: {  	[sflag:s21] =	ssyncadd.s32 $0xFFFFC000  }
0xa8: {  	[tilespmem:s20], [sflag:$0x3] =	stream.linear.gather [spmem:s10], $0x4000, $0x38;
	[tilespmem:$0x1E900] =	vst v63  }
0xa9: {  	s29 =	sadd.s32 $0x1, s29;
	_ =	swait.ge [sflag:s21], $0x4000  }
0xaa: {  	p0 =	sne.s32 s29, s18;
	[sflag:s21] =	ssyncset.done $0x0  }
.Ltmp1:
0xab: {  	[sflag:s21] =	ssyncadd.s32 $0xFFFFC000;
	(pc) =	sbr.rel @p0 .LBB2_1-.Ltmp1, $4  }
0xac: {  	[hbm4b:s17+s3] =	stream.linear.scatter [tilespmem:s20], [sflag:$0x3], $0x4000, $0x38;
	[tilespmem:$0x1E900] =	vst v63  }
0xad: {  	_ =	swait.ge [sflag:s21], $0x4000  }
0xae: {  	[sflag:s21] =	ssyncset.done $0x0  }
0xaf: {  	[sflag:s21] =	ssyncadd.s32 $0xFFFFC000  }
0xb0: {  	_ =	sfence.sel $0x180000  }
0xb1: {  	[bflag:$0x0] =	sbarrier.arrive $0xFFFF  }
0xb2: {  	_ =	strace $0x90000050  }
0xb3: {  	s0 =	stileid.u32;
	[bflag:$0x2] =	sbarrier.arrive $0xFFFF  }
0xb4: {  	p0 =	sne.s32 s0, $0x0;
	s0 =	rddreg [dreg:$0x3]  }
0xb5: {  	s0 =	sadd.s32 @!p0 $0x100000, s0  }
0xb6: {  	[sflag:s0] =	ssyncadd.tile.s32 @!p0 $0x1;
	_ =	shalt  }
.Lfunc_end2:
_tile_overlayer_lowered:
.L_overlay_start_2:
0xb7: {  	(tag) =	ssettag $0x2  }
0xb8: {  	s0 =	rddreg [dreg:$0x0];
	s2 =	stileid.u32  }
0xb9: {  	s1 =	rddreg [dreg:$0x1];
	p0 =	sne.s32 s2, $0x0  }
0xba: {  	s3 =	rddreg [dreg:$0x2];
	[bflag:$0x3] =	sbarrier.arrive $0xFFFF;
	s2 =	simm.s32 @!p0 $0x1C03  }
0xbb: {  	[timem:s3], [sflag:s2] =	dma.local @!p0 [hbm:s0], s1  }
0xbc: {  	s0 =	simm.s32 @!p0 $0x3  }
0xbd: {  	_ =	swait.ge @!p0 [sflag:s0], s1  }
0xbe: {  	s1 =	ssub.s32 @!p0 $0x0, s1;
	[sflag:s0] =	ssyncset.done @!p0 $0x0  }
0xbf: {  	[sflag:s0] =	ssyncadd.s32 @!p0 s1  }
0xc0: {  	[bflag:$0x3] =	sbarrier.arrive $0xFFFF  }
0xc1: {  	_ =	shalt  }

</sc_bundles>
